<compile_context>
chip_gen: v7x
topology: tpu7x:2x2x1
jax: 0.10.2.dev20260603
libtpu: 0.0.44.dev20260713+nightly
codegen_flags: <defaults>
</compile_context>

<pallas_src>
import functools

import jax
import jax.numpy as jnp
from jax import lax
from jax.experimental import pallas as pl
from jax.experimental.pallas import tpu as pltpu
from jax.experimental.pallas import tpu_sc as plsc

_C = 64
_NX = 512
_NY = 512
_NXY = _NX * _NY
_P = 30000
_PPAD = 32768
_NC = 2
_NS = 16
_NW = _NC * _NS
_COLS_PER_W = _NXY // _NW
_CHUNK = 512
_NCHUNK = _COLS_PER_W // _CHUNK
_L = 16
_SLOT = 1920
_PTOT = _SLOT * _NS


def _sc_scatter(coords, pfpad):
    mesh = plsc.VectorSubcoreMesh(core_axis_name="c", subcore_axis_name="s")

    @functools.partial(
        pl.kernel,
        mesh=mesh,
        compiler_params=pltpu.CompilerParams(
            needs_layout_passes=False, use_tc_tiling_on_sc=False),
        out_type=(
            jax.ShapeDtypeStruct((_NXY, _C), jnp.float32),
            jax.ShapeDtypeStruct((_NC, 2, _PTOT), jnp.int32),
        ),
        scratch_types=[
            pltpu.VMEM((_COLS_PER_W,), jnp.int32),
            pltpu.VMEM((_SLOT * 4,), jnp.int32),
            pltpu.VMEM((_SLOT,), jnp.int32),
            pltpu.VMEM((_SLOT,), jnp.int32),
            pltpu.VMEM((_SLOT,), jnp.int32),
            pltpu.VMEM((_SLOT,), jnp.int32),
            pltpu.VMEM((_CHUNK,), jnp.int32),
            pltpu.VMEM((_CHUNK,), jnp.int32),
            pltpu.VMEM((_CHUNK, _C), jnp.float32),
            pltpu.VMEM((_CHUNK, _C), jnp.float32),
            pltpu.SemaphoreType.DMA,
            pltpu.SemaphoreType.DMA,
            pltpu.SemaphoreType.DMA,
            pltpu.SemaphoreType.DMA,
            pltpu.SemaphoreType.DMA,
            pltpu.SemaphoreType.DMA,
        ],
    )
    def k(coords_hbm, pf_hbm, out_hbm, rt_hbm, win_v, crd_v,
          own0, own1, key0, key1, pl0, pl1, rows0, rows1,
          s0, s1, s2, s3, s4, s5):
        scid = lax.axis_index("c")
        sid = lax.axis_index("s")
        wid = sid * _NC + scid
        lo = wid * _COLS_PER_W
        lane = jnp.arange(_L, dtype=jnp.int32)
        ownb = (own0, own1)
        keyb = (key0, key1)
        plist = (pl0, pl1)
        rows = (rows0, rows1)

        def init_body(i, _):
            win_v[pl.ds(i * _L, _L)] = jnp.full((_L,), -1, jnp.int32)
            return 0

        lax.fori_loop(0, _COLS_PER_W // _L, init_body, 0)

        g0 = sid * _SLOT
        b0 = jnp.minimum(g0, _P - _SLOT)
        pltpu.async_copy(
            coords_hbm.at[pl.ds(b0 * 4, _SLOT * 4)], crd_v, s0).wait()

        def prep_body(vi, _):
            r16 = vi * _L + lane
            c2 = plsc.load_gather(crd_v, [r16 * 4 + 2])
            c3 = plsc.load_gather(crd_v, [r16 * 4 + 3])
            idx = c2 * _NX + c3
            gp = b0 + r16
            valid = gp >= g0
            owner = jnp.where(valid, idx >> 13, -1)
            key = ((idx & (_COLS_PER_W - 1)) << 15) | gp
            own0[pl.ds(vi * _L, _L)] = owner
            key0[pl.ds(vi * _L, _L)] = key
            return 0

        lax.fori_loop(0, _SLOT // _L, prep_body, 0)
        pltpu.sync_copy(own0, rt_hbm.at[scid, 0].at[pl.ds(g0, _SLOT)])
        pltpu.sync_copy(key0, rt_hbm.at[scid, 1].at[pl.ds(g0, _SLOT)])
        plsc.subcore_barrier()

        def stage_rt(ci):
            b = ci % 2
            ha = pltpu.async_copy(
                rt_hbm.at[scid, 0].at[pl.ds(ci * _SLOT, _SLOT)], ownb[b], s0)
            hb = pltpu.async_copy(
                rt_hbm.at[scid, 1].at[pl.ds(ci * _SLOT, _SLOT)], keyb[b], s1)
            return (ha, hb)

        def scan_chunk(ci):
            b = ci % 2

            def vec_body(vi, _):
                ow = ownb[b][pl.ds(vi * _L, _L)]
                key = keyb[b][pl.ds(vi * _L, _L)]
                m = ow == wid
                idxl = key >> 15

                def rmw(_go):
                    cur = plsc.load_gather(win_v, [idxl], mask=m)
                    plsc.store_scatter(win_v, [idxl], jnp.maximum(cur, key),
                                       mask=m)
                    chk = plsc.load_gather(win_v, [idxl], mask=m)
                    return jnp.any(m & (chk < key))

                lax.while_loop(lambda g: g, rmw, jnp.bool_(True))
                return 0

            lax.fori_loop(0, _SLOT // _L, vec_body, 0)

        h = stage_rt(0)
        for ci in range(_NS):
            h[0].wait()
            h[1].wait()
            if ci + 1 < _NS:
                h = stage_rt(ci + 1)
            scan_chunk(ci)

        def build(kk):
            b = kk % 2
            cbase = kk * _CHUNK

            def bbody(vi, _):
                w = win_v[pl.ds(cbase + vi * _L, _L)]
                pwin = w & 32767
                col16 = lo + cbase + vi * _L + lane
                dummy = _P + (col16 & (_PPAD - 1))
                plist[b][pl.ds(vi * _L, _L)] = jnp.where(w >= 0, pwin, dummy)
                return 0

            lax.fori_loop(0, _CHUNK // _L, bbody, 0)

        def fire_gather(kk):
            b = kk % 2
            return pltpu.async_copy(pf_hbm.at[plist[b]], rows[b],
                                    (s2, s3)[b])

        def fire_write(kk):
            b = kk % 2
            return pltpu.async_copy(
                rows[b], out_hbm.at[pl.ds(lo + kk * _CHUNK, _CHUNK)],
                (s4, s5)[b])

        build(0)
        gh = {0: fire_gather(0)}
        wh = {}
        for kk in range(_NCHUNK):
            gh.pop(kk).wait()
            if kk >= 1:
                wh.pop(kk - 1).wait()
            if kk + 1 < _NCHUNK:
                build(kk + 1)
                gh[kk + 1] = fire_gather(kk + 1)
            wh[kk] = fire_write(kk)
        wh.pop(_NCHUNK - 1).wait()

    return k(coords, pfpad)


def kernel(pillar_features, coords):
    pfpad = jnp.concatenate(
        [pillar_features, jnp.zeros((_PPAD, _C), jnp.float32)], axis=0)
    cflat = coords.astype(jnp.int32).reshape(-1)
    out_t, _ = _sc_scatter(cflat, pfpad)
    return out_t.T.reshape(1, _C, _NY, _NX)

# --- scband reference (transcript-rebuilt; emitter-appended) ---
"""Pipeline reference for scband-point-pillar-scatter-41283225649714 (READ-ONLY COPY).

The authoritative reference and input builder live on the scoring server;
editing this copy changes nothing except your own understanding.
"""

import jax, jax.numpy as jnp
import numpy as np

NX, NY, NZ = 512, 512, 1
NUM_BEV_FEATURES = 64
NUM_PILLARS = 30000


def setup_inputs(seed: int = 0) -> dict:
    key = jax.random.key(seed)
    k1, k2 = jax.random.split(key)
    pillar_features = jax.random.normal(k1, (NUM_PILLARS, NUM_BEV_FEATURES), dtype=jnp.float32)
    coords = jax.random.randint(k2, (NUM_PILLARS, 4), 0, 512, dtype=jnp.int64 if jax.config.jax_enable_x64 else jnp.int32)
    return {"pillar_features": pillar_features, "coords": coords}


def reference(pillar_features, coords):
    # Faithful translation of PointPillarScatter.forward
    spatial_feature = jnp.zeros((NUM_BEV_FEATURES, NX * NY), dtype=pillar_features.dtype)
    indices = coords[:, 2] * NX + coords[:, 3]
    indices = indices.astype(jnp.int32)
    pillars_feature = pillar_features.T  # [C, P]
    # scatter-overwrite columns
    spatial_feature = spatial_feature.at[:, indices].set(pillars_feature)
    spatial_feature = spatial_feature.reshape(1, NUM_BEV_FEATURES, NY, NX)
    return spatial_feature

if __name__ == "__main__":
    import jax
    _d = setup_inputs()
    print(jax.jit(kernel)(*tuple(_d.values())))

</pallas_src>

<mosaic_0001>
#map = affine_map<(d0, d1) -> (0)>
#map1 = affine_map<(d0, d1) -> (0, 0)>
#map2 = affine_map<(d0, d1) -> (0, 0, 0)>
module attributes {stable_mosaic.version = 14 : i64} {
  func.func @k(%arg0: i32, %arg1: i32, %arg2: memref<120000xi32, #tpu.memory_space<hbm>>, %arg3: memref<62768x64xf32, #tpu.memory_space<hbm>>, %arg4: memref<262144x64xf32, #tpu.memory_space<hbm>>, %arg5: memref<2x2x30720xi32, #tpu.memory_space<hbm>>, %arg6: memref<8192xi32, #tpu.memory_space<vmem>>, %arg7: memref<7680xi32, #tpu.memory_space<vmem>>, %arg8: memref<1920xi32, #tpu.memory_space<vmem>>, %arg9: memref<1920xi32, #tpu.memory_space<vmem>>, %arg10: memref<1920xi32, #tpu.memory_space<vmem>>, %arg11: memref<1920xi32, #tpu.memory_space<vmem>>, %arg12: memref<512xi32, #tpu.memory_space<vmem>>, %arg13: memref<512xi32, #tpu.memory_space<vmem>>, %arg14: memref<512x64xf32, #tpu.memory_space<vmem>>, %arg15: memref<512x64xf32, #tpu.memory_space<vmem>>, %arg16: memref<!tpu.dma_semaphore, #tpu.memory_space<semaphore_mem>>, %arg17: memref<!tpu.dma_semaphore, #tpu.memory_space<semaphore_mem>>, %arg18: memref<!tpu.dma_semaphore, #tpu.memory_space<semaphore_mem>>, %arg19: memref<!tpu.dma_semaphore, #tpu.memory_space<semaphore_mem>>, %arg20: memref<!tpu.dma_semaphore, #tpu.memory_space<semaphore_mem>>, %arg21: memref<!tpu.dma_semaphore, #tpu.memory_space<semaphore_mem>>) attributes {dimension_semantics = [#tpu.dimension_semantics<core_parallel>, #tpu.dimension_semantics<subcore_parallel>], iteration_bounds = array<i64: 2, 16>, scalar_prefetch = 0 : i64, scratch_operands = 16 : i64, tpu.core_type = #tpu.core_type<sc_vector_subcore>, window_params = [{transform_indices = #map}, {transform_indices = #map1}, {transform_indices = #map1}, {transform_indices = #map2}]} {
    %mul3A = arith.constant 2 : i32
    %mul3A_0 = arith.muli %arg1, %mul3A : i32
    %add3A = arith.addi %mul3A_0, %arg0 : i32
    %mul3A_1 = arith.constant 8192 : i32
    %mul3A_2 = arith.muli %add3A, %mul3A_1 : i32
    %iota3A = tpu.iota {dimensions = array<i32: 0>} : vector<16xi32>
    %scan3A = arith.constant 0 : i32
    %scan3A_3 = arith.constant 0 : i32
    %scan3A_4 = arith.constant 512 : i32
    %scan3A_5 = arith.addi %scan3A_3, %scan3A_4 : i32
    %scan3A_6 = arith.constant 1 : i32
    %scan3A_7 = scf.for %scan3A_1208 = %scan3A_3 to %scan3A_5 step %scan3A_6 iter_args(%scan3A_1209 = %scan3A) -> (i32)  : i32 {
      %broadcast_in_dim3A = arith.constant -1 : i32
      %broadcast_in_dim3A_1210 = vector.broadcast %broadcast_in_dim3A : i32 to vector<16xi32>
      %mul3A_1211 = arith.constant 16 : i32
      %mul3A_1212 = arith.muli %scan3A_1208, %mul3A_1211 : i32
      %swap3A = arith.index_cast %mul3A_1212 : i32 to index
      %swap3A_1213 = tpu.vector_load %arg6[%swap3A] {strides = array<i32>} : memref<8192xi32, #tpu.memory_space<vmem>>, vector<16xi32>,
      tpu.vector_store %arg6[%swap3A], %broadcast_in_dim3A_1210 {strides = array<i32>} : memref<8192xi32, #tpu.memory_space<vmem>>, vector<16xi32>,
      %scan3A_1214 = arith.constant 0 : i32
      scf.yield %scan3A_1214 : i32
    }
    %scan3A_8 = arith.constant 512 : i32
    %mul3A_9 = arith.constant 1920 : i32
    %mul3A_10 = arith.muli %arg1, %mul3A_9 : i32
    %min3A = arith.constant 28080 : i32
    %min3A_11 = arith.minsi %mul3A_10, %min3A : i32
    %mul3A_12 = arith.constant 4 : i32
    %mul3A_13 = arith.muli %min3A_11, %mul3A_12 : i32
    %dma_start3A = tpu.memref_slice %arg2[%mul3A_13] : memref<120000xi32, #tpu.memory_space<hbm>> -> memref<7680xi32, #tpu.memory_space<hbm>>
    %dma_start3A_14 = tpu.memref_slice %arg2[%mul3A_13] : memref<120000xi32, #tpu.memory_space<hbm>> -> memref<7680xi32, #tpu.memory_space<hbm>>
    tpu.enqueue_dma source(%dma_start3A_14 : memref<7680xi32, #tpu.memory_space<hbm>>) target(%arg7 : memref<7680xi32, #tpu.memory_space<vmem>>) target_semaphore(%arg16 : memref<!tpu.dma_semaphore, #tpu.memory_space<semaphore_mem>>)
    %dma_wait3A = tpu.memref_slice %arg2[%mul3A_13] : memref<120000xi32, #tpu.memory_space<hbm>> -> memref<7680xi32, #tpu.memory_space<hbm>>
    %dma_wait3A_15 = tpu.memref_slice %arg2[%mul3A_13] : memref<120000xi32, #tpu.memory_space<hbm>> -> memref<7680xi32, #tpu.memory_space<hbm>>
    tpu.wait_dma2 semaphore(%arg16 : memref<!tpu.dma_semaphore, #tpu.memory_space<semaphore_mem>>) src(%dma_wait3A_15 : memref<7680xi32, #tpu.memory_space<hbm>>) dst(%arg7 : memref<7680xi32, #tpu.memory_space<vmem>>)
    %scan3A_16 = arith.constant 0 : i32
    %scan3A_17 = arith.constant 0 : i32
    %scan3A_18 = arith.constant 120 : i32
    %scan3A_19 = arith.addi %scan3A_17, %scan3A_18 : i32
    %scan3A_20 = arith.constant 1 : i32
    %scan3A_21 = scf.for %scan3A_1208 = %scan3A_17 to %scan3A_19 step %scan3A_20 iter_args(%scan3A_1209 = %scan3A_16) -> (i32)  : i32 {
      %mul3A_1210 = arith.constant 16 : i32
      %mul3A_1211 = arith.muli %scan3A_1208, %mul3A_1210 : i32
      %add3A_1212 = vector.broadcast %mul3A_1211 : i32 to vector<16xi32>
      %add3A_1213 = arith.addi %add3A_1212, %iota3A : vector<16xi32>
      %mul3A_1214 = arith.constant 4 : i32
      %mul3A_1215 = vector.broadcast %mul3A_1214 : i32 to vector<16xi32>
      %mul3A_1216 = arith.muli %add3A_1213, %mul3A_1215 : vector<16xi32>
      %add3A_1217 = arith.constant 2 : i32
      %add3A_1218 = vector.broadcast %add3A_1217 : i32 to vector<16xi32>
      %add3A_1219 = arith.addi %mul3A_1216, %add3A_1218 : vector<16xi32>
      %gather3A = tpu.vector_load_idx %arg7[%add3A_1219] : memref<7680xi32, #tpu.memory_space<vmem>>[vector<16xi32>], vector<16xi32>,
      %mul3A_1220 = arith.constant 4 : i32
      %mul3A_1221 = vector.broadcast %mul3A_1220 : i32 to vector<16xi32>
      %mul3A_1222 = arith.muli %add3A_1213, %mul3A_1221 : vector<16xi32>
      %add3A_1223 = arith.constant 3 : i32
      %add3A_1224 = vector.broadcast %add3A_1223 : i32 to vector<16xi32>
      %add3A_1225 = arith.addi %mul3A_1222, %add3A_1224 : vector<16xi32>
      %gather3A_1226 = tpu.vector_load_idx %arg7[%add3A_1225] : memref<7680xi32, #tpu.memory_space<vmem>>[vector<16xi32>], vector<16xi32>,
      %mul3A_1227 = arith.constant 512 : i32
      %mul3A_1228 = vector.broadcast %mul3A_1227 : i32 to vector<16xi32>
      %mul3A_1229 = arith.muli %gather3A, %mul3A_1228 : vector<16xi32>
      %add3A_1230 = arith.addi %mul3A_1229, %gather3A_1226 : vector<16xi32>
      %add3A_1231 = vector.broadcast %min3A_11 : i32 to vector<16xi32>
      %add3A_1232 = arith.addi %add3A_1231, %add3A_1213 : vector<16xi32>
      %ge3A = vector.broadcast %mul3A_10 : i32 to vector<16xi32>
      %ge3A_1233 = arith.cmpi sge, %add3A_1232, %ge3A : vector<16xi32>
      %shift_right_arithmetic3A = arith.constant 13 : i32
      %shift_right_arithmetic3A_1234 = vector.broadcast %shift_right_arithmetic3A : i32 to vector<16xi32>
      %shift_right_arithmetic3A_1235 = arith.shrsi %add3A_1230, %shift_right_arithmetic3A_1234 : vector<16xi32>
      %jit3A = arith.constant -1 : i32
      %broadcast_in_dim3A = vector.broadcast %jit3A : i32 to vector<16xi32>
      %select_n3A = arith.select %ge3A_1233, %shift_right_arithmetic3A_1235, %broadcast_in_dim3A : vector<16xi1>, vector<16xi32>
      %and3A = arith.constant 8191 : i32
      %and3A_1236 = vector.broadcast %and3A : i32 to vector<16xi32>
      %and3A_1237 = arith.andi %add3A_1230, %and3A_1236 : vector<16xi32>
      %shift_left3A = arith.constant 15 : i32
      %shift_left3A_1238 = vector.broadcast %shift_left3A : i32 to vector<16xi32>
      %shift_left3A_1239 = arith.shli %and3A_1237, %shift_left3A_1238 : vector<16xi32>
      %or3A = arith.ori %shift_left3A_1239, %add3A_1232 : vector<16xi32>
      %mul3A_1240 = arith.constant 16 : i32
      %mul3A_1241 = arith.muli %scan3A_1208, %mul3A_1240 : i32
      %swap3A = arith.index_cast %mul3A_1241 : i32 to index
      %swap3A_1242 = tpu.vector_load %arg8[%swap3A] {strides = array<i32>} : memref<1920xi32, #tpu.memory_space<vmem>>, vector<16xi32>,
      tpu.vector_store %arg8[%swap3A], %select_n3A {strides = array<i32>} : memref<1920xi32, #tpu.memory_space<vmem>>, vector<16xi32>,
      %mul3A_1243 = arith.constant 16 : i32
      %mul3A_1244 = arith.muli %scan3A_1208, %mul3A_1243 : i32
      %swap3A_1245 = arith.index_cast %mul3A_1244 : i32 to index
      %swap3A_1246 = tpu.vector_load %arg10[%swap3A_1245] {strides = array<i32>} : memref<1920xi32, #tpu.memory_space<vmem>>, vector<16xi32>,
      tpu.vector_store %arg10[%swap3A_1245], %or3A {strides = array<i32>} : memref<1920xi32, #tpu.memory_space<vmem>>, vector<16xi32>,
      %scan3A_1247 = arith.constant 0 : i32
      scf.yield %scan3A_1247 : i32
    }
    %scan3A_22 = arith.constant 120 : i32
    %run_scoped3A = arith.constant 0 : i32
    "tpu.region"() ({
      %run_scoped3A_1208 = tpu.sem_alloc : memref<!tpu.dma_semaphore, #tpu.memory_space<semaphore_mem>>
      %dma_start3A_1209 = arith.constant 0 : i32
      %dma_start3A_1210 = tpu.memref_slice %arg5[%arg0, %run_scoped3A, %dma_start3A_1209] : memref<2x2x30720xi32, #tpu.memory_space<hbm>> -> memref<1x1x30720xi32, #tpu.memory_space<hbm>>
      %dma_start3A_1211 = tpu.memref_squeeze %dma_start3A_1210 : memref<1x1x30720xi32, #tpu.memory_space<hbm>> -> memref<30720xi32, #tpu.memory_space<hbm>>
      %dma_start3A_1212 = tpu.memref_slice %dma_start3A_1211[%mul3A_10] : memref<30720xi32, #tpu.memory_space<hbm>> -> memref<1920xi32, #tpu.memory_space<hbm>>
      %dma_start3A_1213 = arith.constant 0 : i32
      %dma_start3A_1214 = tpu.memref_slice %arg5[%arg0, %run_scoped3A, %dma_start3A_1213] : memref<2x2x30720xi32, #tpu.memory_space<hbm>> -> memref<1x1x30720xi32, #tpu.memory_space<hbm>>
      %dma_start3A_1215 = tpu.memref_squeeze %dma_start3A_1214 : memref<1x1x30720xi32, #tpu.memory_space<hbm>> -> memref<30720xi32, #tpu.memory_space<hbm>>
      %dma_start3A_1216 = tpu.memref_slice %dma_start3A_1215[%mul3A_10] : memref<30720xi32, #tpu.memory_space<hbm>> -> memref<1920xi32, #tpu.memory_space<hbm>>
      tpu.enqueue_dma source(%arg8 : memref<1920xi32, #tpu.memory_space<vmem>>) target(%dma_start3A_1216 : memref<1920xi32, #tpu.memory_space<hbm>>) target_semaphore(%run_scoped3A_1208 : memref<!tpu.dma_semaphore, #tpu.memory_space<semaphore_mem>>)
      %dma_wait3A_1217 = arith.constant 0 : i32
      %dma_wait3A_1218 = tpu.memref_slice %arg5[%arg0, %run_scoped3A, %dma_wait3A_1217] : memref<2x2x30720xi32, #tpu.memory_space<hbm>> -> memref<1x1x30720xi32, #tpu.memory_space<hbm>>
      %dma_wait3A_1219 = tpu.memref_squeeze %dma_wait3A_1218 : memref<1x1x30720xi32, #tpu.memory_space<hbm>> -> memref<30720xi32, #tpu.memory_space<hbm>>
      %dma_wait3A_1220 = tpu.memref_slice %dma_wait3A_1219[%mul3A_10] : memref<30720xi32, #tpu.memory_space<hbm>> -> memref<1920xi32, #tpu.memory_space<hbm>>
      %dma_wait3A_1221 = arith.constant 0 : i32
      %dma_wait3A_1222 = tpu.memref_slice %arg5[%arg0, %run_scoped3A, %dma_wait3A_1221] : memref<2x2x30720xi32, #tpu.memory_space<hbm>> -> memref<1x1x30720xi32, #tpu.memory_space<hbm>>
      %dma_wait3A_1223 = tpu.memref_squeeze %dma_wait3A_1222 : memref<1x1x30720xi32, #tpu.memory_space<hbm>> -> memref<30720xi32, #tpu.memory_space<hbm>>
      %dma_wait3A_1224 = tpu.memref_slice %dma_wait3A_1223[%mul3A_10] : memref<30720xi32, #tpu.memory_space<hbm>> -> memref<1920xi32, #tpu.memory_space<hbm>>
      tpu.wait_dma2 semaphore(%run_scoped3A_1208 : memref<!tpu.dma_semaphore, #tpu.memory_space<semaphore_mem>>) src(%arg8 : memref<1920xi32, #tpu.memory_space<vmem>>) dst(%dma_wait3A_1224 : memref<1920xi32, #tpu.memory_space<hbm>>)
      tpu.yield
    }) : () -> ()
    %run_scoped3A_23 = arith.constant 1 : i32
    "tpu.region"() ({
      %run_scoped3A_1208 = tpu.sem_alloc : memref<!tpu.dma_semaphore, #tpu.memory_space<semaphore_mem>>
      %dma_start3A_1209 = arith.constant 0 : i32
      %dma_start3A_1210 = tpu.memref_slice %arg5[%arg0, %run_scoped3A_23, %dma_start3A_1209] : memref<2x2x30720xi32, #tpu.memory_space<hbm>> -> memref<1x1x30720xi32, #tpu.memory_space<hbm>>
      %dma_start3A_1211 = tpu.memref_squeeze %dma_start3A_1210 : memref<1x1x30720xi32, #tpu.memory_space<hbm>> -> memref<30720xi32, #tpu.memory_space<hbm>>
      %dma_start3A_1212 = tpu.memref_slice %dma_start3A_1211[%mul3A_10] : memref<30720xi32, #tpu.memory_space<hbm>> -> memref<1920xi32, #tpu.memory_space<hbm>>
      %dma_start3A_1213 = arith.constant 0 : i32
      %dma_start3A_1214 = tpu.memref_slice %arg5[%arg0, %run_scoped3A_23, %dma_start3A_1213] : memref<2x2x30720xi32, #tpu.memory_space<hbm>> -> memref<1x1x30720xi32, #tpu.memory_space<hbm>>
      %dma_start3A_1215 = tpu.memref_squeeze %dma_start3A_1214 : memref<1x1x30720xi32, #tpu.memory_space<hbm>> -> memref<30720xi32, #tpu.memory_space<hbm>>
      %dma_start3A_1216 = tpu.memref_slice %dma_start3A_1215[%mul3A_10] : memref<30720xi32, #tpu.memory_space<hbm>> -> memref<1920xi32, #tpu.memory_space<hbm>>
      tpu.enqueue_dma source(%arg10 : memref<1920xi32, #tpu.memory_space<vmem>>) target(%dma_start3A_1216 : memref<1920xi32, #tpu.memory_space<hbm>>) target_semaphore(%run_scoped3A_1208 : memref<!tpu.dma_semaphore, #tpu.memory_space<semaphore_mem>>)
      %dma_wait3A_1217 = arith.constant 0 : i32
      %dma_wait3A_1218 = tpu.memref_slice %arg5[%arg0, %run_scoped3A_23, %dma_wait3A_1217] : memref<2x2x30720xi32, #tpu.memory_space<hbm>> -> memref<1x1x30720xi32, #tpu.memory_space<hbm>>
      %dma_wait3A_1219 = tpu.memref_squeeze %dma_wait3A_1218 : memref<1x1x30720xi32, #tpu.memory_space<hbm>> -> memref<30720xi32, #tpu.memory_space<hbm>>
      %dma_wait3A_1220 = tpu.memref_slice %dma_wait3A_1219[%mul3A_10] : memref<30720xi32, #tpu.memory_space<hbm>> -> memref<1920xi32, #tpu.memory_space<hbm>>
      %dma_wait3A_1221 = arith.constant 0 : i32
      %dma_wait3A_1222 = tpu.memref_slice %arg5[%arg0, %run_scoped3A_23, %dma_wait3A_1221] : memref<2x2x30720xi32, #tpu.memory_space<hbm>> -> memref<1x1x30720xi32, #tpu.memory_space<hbm>>
      %dma_wait3A_1223 = tpu.memref_squeeze %dma_wait3A_1222 : memref<1x1x30720xi32, #tpu.memory_space<hbm>> -> memref<30720xi32, #tpu.memory_space<hbm>>
      %dma_wait3A_1224 = tpu.memref_slice %dma_wait3A_1223[%mul3A_10] : memref<30720xi32, #tpu.memory_space<hbm>> -> memref<1920xi32, #tpu.memory_space<hbm>>
      tpu.wait_dma2 semaphore(%run_scoped3A_1208 : memref<!tpu.dma_semaphore, #tpu.memory_space<semaphore_mem>>) src(%arg10 : memref<1920xi32, #tpu.memory_space<vmem>>) dst(%dma_wait3A_1224 : memref<1920xi32, #tpu.memory_space<hbm>>)
      tpu.yield
    }) : () -> ()
    %barrier3A = arith.constant 0 : index
    tpu.barrier barrier_id(%barrier3A)
    %dma_start3A_24 = arith.constant 0 : i32
    %dma_start3A_25 = arith.constant 0 : i32
    %dma_start3A_26 = tpu.memref_slice %arg5[%arg0, %dma_start3A_24, %dma_start3A_25] : memref<2x2x30720xi32, #tpu.memory_space<hbm>> -> memref<1x1x30720xi32, #tpu.memory_space<hbm>>
    %dma_start3A_27 = tpu.memref_squeeze %dma_start3A_26 : memref<1x1x30720xi32, #tpu.memory_space<hbm>> -> memref<30720xi32, #tpu.memory_space<hbm>>
    %dma_start3A_28 = arith.constant 0 : i32
    %dma_start3A_29 = tpu.memref_slice %dma_start3A_27[%dma_start3A_28] : memref<30720xi32, #tpu.memory_space<hbm>> -> memref<1920xi32, #tpu.memory_space<hbm>>
    %dma_start3A_30 = arith.constant 0 : i32
    %dma_start3A_31 = tpu.memref_slice %arg5[%arg0, %dma_start3A_24, %dma_start3A_30] : memref<2x2x30720xi32, #tpu.memory_space<hbm>> -> memref<1x1x30720xi32, #tpu.memory_space<hbm>>
    %dma_start3A_32 = tpu.memref_squeeze %dma_start3A_31 : memref<1x1x30720xi32, #tpu.memory_space<hbm>> -> memref<30720xi32, #tpu.memory_space<hbm>>
    %dma_start3A_33 = arith.constant 0 : i32
    %dma_start3A_34 = tpu.memref_slice %dma_start3A_32[%dma_start3A_33] : memref<30720xi32, #tpu.memory_space<hbm>> -> memref<1920xi32, #tpu.memory_space<hbm>>
    tpu.enqueue_dma source(%dma_start3A_34 : memref<1920xi32, #tpu.memory_space<hbm>>) target(%arg8 : memref<1920xi32, #tpu.memory_space<vmem>>) target_semaphore(%arg16 : memref<!tpu.dma_semaphore, #tpu.memory_space<semaphore_mem>>)
    %dma_start3A_35 = arith.constant 1 : i32
    %dma_start3A_36 = arith.constant 0 : i32
    %dma_start3A_37 = tpu.memref_slice %arg5[%arg0, %dma_start3A_35, %dma_start3A_36] : memref<2x2x30720xi32, #tpu.memory_space<hbm>> -> memref<1x1x30720xi32, #tpu.memory_space<hbm>>
    %dma_start3A_38 = tpu.memref_squeeze %dma_start3A_37 : memref<1x1x30720xi32, #tpu.memory_space<hbm>> -> memref<30720xi32, #tpu.memory_space<hbm>>
    %dma_start3A_39 = arith.constant 0 : i32
    %dma_start3A_40 = tpu.memref_slice %dma_start3A_38[%dma_start3A_39] : memref<30720xi32, #tpu.memory_space<hbm>> -> memref<1920xi32, #tpu.memory_space<hbm>>
    %dma_start3A_41 = arith.constant 0 : i32
    %dma_start3A_42 = tpu.memref_slice %arg5[%arg0, %dma_start3A_35, %dma_start3A_41] : memref<2x2x30720xi32, #tpu.memory_space<hbm>> -> memref<1x1x30720xi32, #tpu.memory_space<hbm>>
    %dma_start3A_43 = tpu.memref_squeeze %dma_start3A_42 : memref<1x1x30720xi32, #tpu.memory_space<hbm>> -> memref<30720xi32, #tpu.memory_space<hbm>>
    %dma_start3A_44 = arith.constant 0 : i32
    %dma_start3A_45 = tpu.memref_slice %dma_start3A_43[%dma_start3A_44] : memref<30720xi32, #tpu.memory_space<hbm>> -> memref<1920xi32, #tpu.memory_space<hbm>>
    tpu.enqueue_dma source(%dma_start3A_45 : memref<1920xi32, #tpu.memory_space<hbm>>) target(%arg10 : memref<1920xi32, #tpu.memory_space<vmem>>) target_semaphore(%arg17 : memref<!tpu.dma_semaphore, #tpu.memory_space<semaphore_mem>>)
    %dma_wait3A_46 = arith.constant 0 : i32
    %dma_wait3A_47 = arith.constant 0 : i32
    %dma_wait3A_48 = tpu.memref_slice %arg5[%arg0, %dma_wait3A_46, %dma_wait3A_47] : memref<2x2x30720xi32, #tpu.memory_space<hbm>> -> memref<1x1x30720xi32, #tpu.memory_space<hbm>>
    %dma_wait3A_49 = tpu.memref_squeeze %dma_wait3A_48 : memref<1x1x30720xi32, #tpu.memory_space<hbm>> -> memref<30720xi32, #tpu.memory_space<hbm>>
    %dma_wait3A_50 = arith.constant 0 : i32
    %dma_wait3A_51 = tpu.memref_slice %dma_wait3A_49[%dma_wait3A_50] : memref<30720xi32, #tpu.memory_space<hbm>> -> memref<1920xi32, #tpu.memory_space<hbm>>
    %dma_wait3A_52 = arith.constant 0 : i32
    %dma_wait3A_53 = tpu.memref_slice %arg5[%arg0, %dma_wait3A_46, %dma_wait3A_52] : memref<2x2x30720xi32, #tpu.memory_space<hbm>> -> memref<1x1x30720xi32, #tpu.memory_space<hbm>>
    %dma_wait3A_54 = tpu.memref_squeeze %dma_wait3A_53 : memref<1x1x30720xi32, #tpu.memory_space<hbm>> -> memref<30720xi32, #tpu.memory_space<hbm>>
    %dma_wait3A_55 = arith.constant 0 : i32
    %dma_wait3A_56 = tpu.memref_slice %dma_wait3A_54[%dma_wait3A_55] : memref<30720xi32, #tpu.memory_space<hbm>> -> memref<1920xi32, #tpu.memory_space<hbm>>
    tpu.wait_dma2 semaphore(%arg16 : memref<!tpu.dma_semaphore, #tpu.memory_space<semaphore_mem>>) src(%dma_wait3A_56 : memref<1920xi32, #tpu.memory_space<hbm>>) dst(%arg8 : memref<1920xi32, #tpu.memory_space<vmem>>)
    %dma_wait3A_57 = arith.constant 1 : i32
    %dma_wait3A_58 = arith.constant 0 : i32
    %dma_wait3A_59 = tpu.memref_slice %arg5[%arg0, %dma_wait3A_57, %dma_wait3A_58] : memref<2x2x30720xi32, #tpu.memory_space<hbm>> -> memref<1x1x30720xi32, #tpu.memory_space<hbm>>
    %dma_wait3A_60 = tpu.memref_squeeze %dma_wait3A_59 : memref<1x1x30720xi32, #tpu.memory_space<hbm>> -> memref<30720xi32, #tpu.memory_space<hbm>>
    %dma_wait3A_61 = arith.constant 0 : i32
    %dma_wait3A_62 = tpu.memref_slice %dma_wait3A_60[%dma_wait3A_61] : memref<30720xi32, #tpu.memory_space<hbm>> -> memref<1920xi32, #tpu.memory_space<hbm>>
    %dma_wait3A_63 = arith.constant 0 : i32
    %dma_wait3A_64 = tpu.memref_slice %arg5[%arg0, %dma_wait3A_57, %dma_wait3A_63] : memref<2x2x30720xi32, #tpu.memory_space<hbm>> -> memref<1x1x30720xi32, #tpu.memory_space<hbm>>
    %dma_wait3A_65 = tpu.memref_squeeze %dma_wait3A_64 : memref<1x1x30720xi32, #tpu.memory_space<hbm>> -> memref<30720xi32, #tpu.memory_space<hbm>>
    %dma_wait3A_66 = arith.constant 0 : i32
    %dma_wait3A_67 = tpu.memref_slice %dma_wait3A_65[%dma_wait3A_66] : memref<30720xi32, #tpu.memory_space<hbm>> -> memref<1920xi32, #tpu.memory_space<hbm>>
    tpu.wait_dma2 semaphore(%arg17 : memref<!tpu.dma_semaphore, #tpu.memory_space<semaphore_mem>>) src(%dma_wait3A_67 : memref<1920xi32, #tpu.memory_space<hbm>>) dst(%arg10 : memref<1920xi32, #tpu.memory_space<vmem>>)
    %dma_start3A_68 = arith.constant 0 : i32
    %dma_start3A_69 = arith.constant 0 : i32
    %dma_start3A_70 = tpu.memref_slice %arg5[%arg0, %dma_start3A_68, %dma_start3A_69] : memref<2x2x30720xi32, #tpu.memory_space<hbm>> -> memref<1x1x30720xi32, #tpu.memory_space<hbm>>
    %dma_start3A_71 = tpu.memref_squeeze %dma_start3A_70 : memref<1x1x30720xi32, #tpu.memory_space<hbm>> -> memref<30720xi32, #tpu.memory_space<hbm>>
    %dma_start3A_72 = arith.constant 1920 : i32
    %dma_start3A_73 = tpu.memref_slice %dma_start3A_71[%dma_start3A_72] : memref<30720xi32, #tpu.memory_space<hbm>> -> memref<1920xi32, #tpu.memory_space<hbm>>
    %dma_start3A_74 = arith.constant 0 : i32
    %dma_start3A_75 = tpu.memref_slice %arg5[%arg0, %dma_start3A_68, %dma_start3A_74] : memref<2x2x30720xi32, #tpu.memory_space<hbm>> -> memref<1x1x30720xi32, #tpu.memory_space<hbm>>
    %dma_start3A_76 = tpu.memref_squeeze %dma_start3A_75 : memref<1x1x30720xi32, #tpu.memory_space<hbm>> -> memref<30720xi32, #tpu.memory_space<hbm>>
    %dma_start3A_77 = arith.constant 1920 : i32
    %dma_start3A_78 = tpu.memref_slice %dma_start3A_76[%dma_start3A_77] : memref<30720xi32, #tpu.memory_space<hbm>> -> memref<1920xi32, #tpu.memory_space<hbm>>
    tpu.enqueue_dma source(%dma_start3A_78 : memref<1920xi32, #tpu.memory_space<hbm>>) target(%arg9 : memref<1920xi32, #tpu.memory_space<vmem>>) target_semaphore(%arg16 : memref<!tpu.dma_semaphore, #tpu.memory_space<semaphore_mem>>)
    %dma_start3A_79 = arith.constant 1 : i32
    %dma_start3A_80 = arith.constant 0 : i32
    %dma_start3A_81 = tpu.memref_slice %arg5[%arg0, %dma_start3A_79, %dma_start3A_80] : memref<2x2x30720xi32, #tpu.memory_space<hbm>> -> memref<1x1x30720xi32, #tpu.memory_space<hbm>>
    %dma_start3A_82 = tpu.memref_squeeze %dma_start3A_81 : memref<1x1x30720xi32, #tpu.memory_space<hbm>> -> memref<30720xi32, #tpu.memory_space<hbm>>
    %dma_start3A_83 = arith.constant 1920 : i32
    %dma_start3A_84 = tpu.memref_slice %dma_start3A_82[%dma_start3A_83] : memref<30720xi32, #tpu.memory_space<hbm>> -> memref<1920xi32, #tpu.memory_space<hbm>>
    %dma_start3A_85 = arith.constant 0 : i32
    %dma_start3A_86 = tpu.memref_slice %arg5[%arg0, %dma_start3A_79, %dma_start3A_85] : memref<2x2x30720xi32, #tpu.memory_space<hbm>> -> memref<1x1x30720xi32, #tpu.memory_space<hbm>>
    %dma_start3A_87 = tpu.memref_squeeze %dma_start3A_86 : memref<1x1x30720xi32, #tpu.memory_space<hbm>> -> memref<30720xi32, #tpu.memory_space<hbm>>
    %dma_start3A_88 = arith.constant 1920 : i32
    %dma_start3A_89 = tpu.memref_slice %dma_start3A_87[%dma_start3A_88] : memref<30720xi32, #tpu.memory_space<hbm>> -> memref<1920xi32, #tpu.memory_space<hbm>>
    tpu.enqueue_dma source(%dma_start3A_89 : memref<1920xi32, #tpu.memory_space<hbm>>) target(%arg11 : memref<1920xi32, #tpu.memory_space<vmem>>) target_semaphore(%arg17 : memref<!tpu.dma_semaphore, #tpu.memory_space<semaphore_mem>>)
    %scan3A_90 = arith.constant 0 : i32
    %scan3A_91 = arith.constant 0 : i32
    %scan3A_92 = arith.constant 120 : i32
    %scan3A_93 = arith.addi %scan3A_91, %scan3A_92 : i32
    %scan3A_94 = arith.constant 1 : i32
    %scan3A_95 = scf.for %scan3A_1208 = %scan3A_91 to %scan3A_93 step %scan3A_94 iter_args(%scan3A_1209 = %scan3A_90) -> (i32)  : i32 {
      %mul3A_1210 = arith.constant 16 : i32
      %mul3A_1211 = arith.muli %scan3A_1208, %mul3A_1210 : i32
      %get3A = arith.index_cast %mul3A_1211 : i32 to index
      %get3A_1212 = tpu.vector_load %arg8[%get3A] {strides = array<i32>} : memref<1920xi32, #tpu.memory_space<vmem>>, vector<16xi32>,
      %mul3A_1213 = arith.constant 16 : i32
      %mul3A_1214 = arith.muli %scan3A_1208, %mul3A_1213 : i32
      %get3A_1215 = arith.index_cast %mul3A_1214 : i32 to index
      %get3A_1216 = tpu.vector_load %arg10[%get3A_1215] {strides = array<i32>} : memref<1920xi32, #tpu.memory_space<vmem>>, vector<16xi32>,
      %eq3A = vector.broadcast %add3A : i32 to vector<16xi32>
      %eq3A_1217 = arith.cmpi eq, %get3A_1212, %eq3A : vector<16xi32>
      %shift_right_arithmetic3A = arith.constant 15 : i32
      %shift_right_arithmetic3A_1218 = vector.broadcast %shift_right_arithmetic3A : i32 to vector<16xi32>
      %shift_right_arithmetic3A_1219 = arith.shrsi %get3A_1216, %shift_right_arithmetic3A_1218 : vector<16xi32>
      %while3A = arith.constant true
      %while3A_1220 = scf.while (%while3A_1222 = %while3A) : (i1) -> i1 {
        scf.condition(%while3A_1222) %while3A_1222 : i1
      } do {
      ^bb0(%while3A_1222: i1):
        %gather3A = tpu.vector_load_idx %arg6[%shift_right_arithmetic3A_1219] masked %eq3A_1217 : memref<8192xi32, #tpu.memory_space<vmem>>[vector<16xi32>], vector<16xi32>, vector<16xi1>
        %max3A = arith.maxsi %gather3A, %get3A_1216 : vector<16xi32>
        tpu.vector_store_idx %arg6[%shift_right_arithmetic3A_1219], %max3A masked %eq3A_1217 : memref<8192xi32, #tpu.memory_space<vmem>>[vector<16xi32>], vector<16xi32>, vector<16xi1>
        %gather3A_1223 = tpu.vector_load_idx %arg6[%shift_right_arithmetic3A_1219] masked %eq3A_1217 : memref<8192xi32, #tpu.memory_space<vmem>>[vector<16xi32>], vector<16xi32>, vector<16xi1>
        %lt3A = arith.cmpi slt, %gather3A_1223, %get3A_1216 : vector<16xi32>
        %and3A = arith.andi %eq3A_1217, %lt3A : vector<16xi1>
        %reduce_or3A = arith.constant 1.000000e+00 : f32
        %reduce_or3A_1224 = arith.constant 0.000000e+00 : f32
        %reduce_or3A_1225 = vector.broadcast %reduce_or3A : f32 to vector<16xf32>
        %reduce_or3A_1226 = vector.broadcast %reduce_or3A_1224 : f32 to vector<16xf32>
        %reduce_or3A_1227 = arith.select %and3A, %reduce_or3A_1225, %reduce_or3A_1226 : vector<16xi1>, vector<16xf32>
        %reduce_or3A_1228 = arith.constant true
        %reduce_or3A_1229 = vector.broadcast %reduce_or3A_1228 : i1 to vector<16xi1>
        %reduce_or3A_1230 = tpu.scan <max>, %reduce_or3A_1227 masked %reduce_or3A_1229 : vector<16xf32>, vector<16xi1> -> vector<16xf32>
        %reduce_or3A_1231 = vector.extract %reduce_or3A_1230[15] : f32 from vector<16xf32>
        %reduce_or3A_1232 = arith.constant 0.000000e+00 : f32
        %reduce_or3A_1233 = arith.cmpf ogt, %reduce_or3A_1231, %reduce_or3A_1232 : f32
        scf.yield %reduce_or3A_1233 : i1
      }
      %scan3A_1221 = arith.constant 0 : i32
      scf.yield %scan3A_1221 : i32
    }
    %scan3A_96 = arith.constant 120 : i32
    %dma_wait3A_97 = arith.constant 0 : i32
    %dma_wait3A_98 = arith.constant 0 : i32
    %dma_wait3A_99 = tpu.memref_slice %arg5[%arg0, %dma_wait3A_97, %dma_wait3A_98] : memref<2x2x30720xi32, #tpu.memory_space<hbm>> -> memref<1x1x30720xi32, #tpu.memory_space<hbm>>
    %dma_wait3A_100 = tpu.memref_squeeze %dma_wait3A_99 : memref<1x1x30720xi32, #tpu.memory_space<hbm>> -> memref<30720xi32, #tpu.memory_space<hbm>>
    %dma_wait3A_101 = arith.constant 1920 : i32
    %dma_wait3A_102 = tpu.memref_slice %dma_wait3A_100[%dma_wait3A_101] : memref<30720xi32, #tpu.memory_space<hbm>> -> memref<1920xi32, #tpu.memory_space<hbm>>
    %dma_wait3A_103 = arith.constant 0 : i32
    %dma_wait3A_104 = tpu.memref_slice %arg5[%arg0, %dma_wait3A_97, %dma_wait3A_103] : memref<2x2x30720xi32, #tpu.memory_space<hbm>> -> memref<1x1x30720xi32, #tpu.memory_space<hbm>>
    %dma_wait3A_105 = tpu.memref_squeeze %dma_wait3A_104 : memref<1x1x30720xi32, #tpu.memory_space<hbm>> -> memref<30720xi32, #tpu.memory_space<hbm>>
    %dma_wait3A_106 = arith.constant 1920 : i32
    %dma_wait3A_107 = tpu.memref_slice %dma_wait3A_105[%dma_wait3A_106] : memref<30720xi32, #tpu.memory_space<hbm>> -> memref<1920xi32, #tpu.memory_space<hbm>>
    tpu.wait_dma2 semaphore(%arg16 : memref<!tpu.dma_semaphore, #tpu.memory_space<semaphore_mem>>) src(%dma_wait3A_107 : memref<1920xi32, #tpu.memory_space<hbm>>) dst(%arg9 : memref<1920xi32, #tpu.memory_space<vmem>>)
    %dma_wait3A_108 = arith.constant 1 : i32
    %dma_wait3A_109 = arith.constant 0 : i32
    %dma_wait3A_110 = tpu.memref_slice %arg5[%arg0, %dma_wait3A_108, %dma_wait3A_109] : memref<2x2x30720xi32, #tpu.memory_space<hbm>> -> memref<1x1x30720xi32, #tpu.memory_space<hbm>>
    %dma_wait3A_111 = tpu.memref_squeeze %dma_wait3A_110 : memref<1x1x30720xi32, #tpu.memory_space<hbm>> -> memref<30720xi32, #tpu.memory_space<hbm>>
    %dma_wait3A_112 = arith.constant 1920 : i32
    %dma_wait3A_113 = tpu.memref_slice %dma_wait3A_111[%dma_wait3A_112] : memref<30720xi32, #tpu.memory_space<hbm>> -> memref<1920xi32, #tpu.memory_space<hbm>>
    %dma_wait3A_114 = arith.constant 0 : i32
    %dma_wait3A_115 = tpu.memref_slice %arg5[%arg0, %dma_wait3A_108, %dma_wait3A_114] : memref<2x2x30720xi32, #tpu.memory_space<hbm>> -> memref<1x1x30720xi32, #tpu.memory_space<hbm>>
    %dma_wait3A_116 = tpu.memref_squeeze %dma_wait3A_115 : memref<1x1x30720xi32, #tpu.memory_space<hbm>> -> memref<30720xi32, #tpu.memory_space<hbm>>
    %dma_wait3A_117 = arith.constant 1920 : i32
    %dma_wait3A_118 = tpu.memref_slice %dma_wait3A_116[%dma_wait3A_117] : memref<30720xi32, #tpu.memory_space<hbm>> -> memref<1920xi32, #tpu.memory_space<hbm>>
    tpu.wait_dma2 semaphore(%arg17 : memref<!tpu.dma_semaphore, #tpu.memory_space<semaphore_mem>>) src(%dma_wait3A_118 : memref<1920xi32, #tpu.memory_space<hbm>>) dst(%arg11 : memref<1920xi32, #tpu.memory_space<vmem>>)
    %dma_start3A_119 = arith.constant 0 : i32
    %dma_start3A_120 = arith.constant 0 : i32
    %dma_start3A_121 = tpu.memref_slice %arg5[%arg0, %dma_start3A_119, %dma_start3A_120] : memref<2x2x30720xi32, #tpu.memory_space<hbm>> -> memref<1x1x30720xi32, #tpu.memory_space<hbm>>
    %dma_start3A_122 = tpu.memref_squeeze %dma_start3A_121 : memref<1x1x30720xi32, #tpu.memory_space<hbm>> -> memref<30720xi32, #tpu.memory_space<hbm>>
    %dma_start3A_123 = arith.constant 3840 : i32
    %dma_start3A_124 = tpu.memref_slice %dma_start3A_122[%dma_start3A_123] : memref<30720xi32, #tpu.memory_space<hbm>> -> memref<1920xi32, #tpu.memory_space<hbm>>
    %dma_start3A_125 = arith.constant 0 : i32
    %dma_start3A_126 = tpu.memref_slice %arg5[%arg0, %dma_start3A_119, %dma_start3A_125] : memref<2x2x30720xi32, #tpu.memory_space<hbm>> -> memref<1x1x30720xi32, #tpu.memory_space<hbm>>
    %dma_start3A_127 = tpu.memref_squeeze %dma_start3A_126 : memref<1x1x30720xi32, #tpu.memory_space<hbm>> -> memref<30720xi32, #tpu.memory_space<hbm>>
    %dma_start3A_128 = arith.constant 3840 : i32
    %dma_start3A_129 = tpu.memref_slice %dma_start3A_127[%dma_start3A_128] : memref<30720xi32, #tpu.memory_space<hbm>> -> memref<1920xi32, #tpu.memory_space<hbm>>
    tpu.enqueue_dma source(%dma_start3A_129 : memref<1920xi32, #tpu.memory_space<hbm>>) target(%arg8 : memref<1920xi32, #tpu.memory_space<vmem>>) target_semaphore(%arg16 : memref<!tpu.dma_semaphore, #tpu.memory_space<semaphore_mem>>)
    %dma_start3A_130 = arith.constant 1 : i32
    %dma_start3A_131 = arith.constant 0 : i32
    %dma_start3A_132 = tpu.memref_slice %arg5[%arg0, %dma_start3A_130, %dma_start3A_131] : memref<2x2x30720xi32, #tpu.memory_space<hbm>> -> memref<1x1x30720xi32, #tpu.memory_space<hbm>>
    %dma_start3A_133 = tpu.memref_squeeze %dma_start3A_132 : memref<1x1x30720xi32, #tpu.memory_space<hbm>> -> memref<30720xi32, #tpu.memory_space<hbm>>
    %dma_start3A_134 = arith.constant 3840 : i32
    %dma_start3A_135 = tpu.memref_slice %dma_start3A_133[%dma_start3A_134] : memref<30720xi32, #tpu.memory_space<hbm>> -> memref<1920xi32, #tpu.memory_space<hbm>>
    %dma_start3A_136 = arith.constant 0 : i32
    %dma_start3A_137 = tpu.memref_slice %arg5[%arg0, %dma_start3A_130, %dma_start3A_136] : memref<2x2x30720xi32, #tpu.memory_space<hbm>> -> memref<1x1x30720xi32, #tpu.memory_space<hbm>>
    %dma_start3A_138 = tpu.memref_squeeze %dma_start3A_137 : memref<1x1x30720xi32, #tpu.memory_space<hbm>> -> memref<30720xi32, #tpu.memory_space<hbm>>
    %dma_start3A_139 = arith.constant 3840 : i32
    %dma_start3A_140 = tpu.memref_slice %dma_start3A_138[%dma_start3A_139] : memref<30720xi32, #tpu.memory_space<hbm>> -> memref<1920xi32, #tpu.memory_space<hbm>>
    tpu.enqueue_dma source(%dma_start3A_140 : memref<1920xi32, #tpu.memory_space<hbm>>) target(%arg10 : memref<1920xi32, #tpu.memory_space<vmem>>) target_semaphore(%arg17 : memref<!tpu.dma_semaphore, #tpu.memory_space<semaphore_mem>>)
    %scan3A_141 = arith.constant 0 : i32
    %scan3A_142 = arith.constant 0 : i32
    %scan3A_143 = arith.constant 120 : i32
    %scan3A_144 = arith.addi %scan3A_142, %scan3A_143 : i32
    %scan3A_145 = arith.constant 1 : i32
    %scan3A_146 = scf.for %scan3A_1208 = %scan3A_142 to %scan3A_144 step %scan3A_145 iter_args(%scan3A_1209 = %scan3A_141) -> (i32)  : i32 {
      %mul3A_1210 = arith.constant 16 : i32
      %mul3A_1211 = arith.muli %scan3A_1208, %mul3A_1210 : i32
      %get3A = arith.index_cast %mul3A_1211 : i32 to index
      %get3A_1212 = tpu.vector_load %arg9[%get3A] {strides = array<i32>} : memref<1920xi32, #tpu.memory_space<vmem>>, vector<16xi32>,
      %mul3A_1213 = arith.constant 16 : i32
      %mul3A_1214 = arith.muli %scan3A_1208, %mul3A_1213 : i32
      %get3A_1215 = arith.index_cast %mul3A_1214 : i32 to index
      %get3A_1216 = tpu.vector_load %arg11[%get3A_1215] {strides = array<i32>} : memref<1920xi32, #tpu.memory_space<vmem>>, vector<16xi32>,
      %eq3A = vector.broadcast %add3A : i32 to vector<16xi32>
      %eq3A_1217 = arith.cmpi eq, %get3A_1212, %eq3A : vector<16xi32>
      %shift_right_arithmetic3A = arith.constant 15 : i32
      %shift_right_arithmetic3A_1218 = vector.broadcast %shift_right_arithmetic3A : i32 to vector<16xi32>
      %shift_right_arithmetic3A_1219 = arith.shrsi %get3A_1216, %shift_right_arithmetic3A_1218 : vector<16xi32>
      %while3A = arith.constant true
      %while3A_1220 = scf.while (%while3A_1222 = %while3A) : (i1) -> i1 {
        scf.condition(%while3A_1222) %while3A_1222 : i1
      } do {
      ^bb0(%while3A_1222: i1):
        %gather3A = tpu.vector_load_idx %arg6[%shift_right_arithmetic3A_1219] masked %eq3A_1217 : memref<8192xi32, #tpu.memory_space<vmem>>[vector<16xi32>], vector<16xi32>, vector<16xi1>
        %max3A = arith.maxsi %gather3A, %get3A_1216 : vector<16xi32>
        tpu.vector_store_idx %arg6[%shift_right_arithmetic3A_1219], %max3A masked %eq3A_1217 : memref<8192xi32, #tpu.memory_space<vmem>>[vector<16xi32>], vector<16xi32>, vector<16xi1>
        %gather3A_1223 = tpu.vector_load_idx %arg6[%shift_right_arithmetic3A_1219] masked %eq3A_1217 : memref<8192xi32, #tpu.memory_space<vmem>>[vector<16xi32>], vector<16xi32>, vector<16xi1>
        %lt3A = arith.cmpi slt, %gather3A_1223, %get3A_1216 : vector<16xi32>
        %and3A = arith.andi %eq3A_1217, %lt3A : vector<16xi1>
        %reduce_or3A = arith.constant 1.000000e+00 : f32
        %reduce_or3A_1224 = arith.constant 0.000000e+00 : f32
        %reduce_or3A_1225 = vector.broadcast %reduce_or3A : f32 to vector<16xf32>
        %reduce_or3A_1226 = vector.broadcast %reduce_or3A_1224 : f32 to vector<16xf32>
        %reduce_or3A_1227 = arith.select %and3A, %reduce_or3A_1225, %reduce_or3A_1226 : vector<16xi1>, vector<16xf32>
        %reduce_or3A_1228 = arith.constant true
        %reduce_or3A_1229 = vector.broadcast %reduce_or3A_1228 : i1 to vector<16xi1>
        %reduce_or3A_1230 = tpu.scan <max>, %reduce_or3A_1227 masked %reduce_or3A_1229 : vector<16xf32>, vector<16xi1> -> vector<16xf32>
        %reduce_or3A_1231 = vector.extract %reduce_or3A_1230[15] : f32 from vector<16xf32>
        %reduce_or3A_1232 = arith.constant 0.000000e+00 : f32
        %reduce_or3A_1233 = arith.cmpf ogt, %reduce_or3A_1231, %reduce_or3A_1232 : f32
        scf.yield %reduce_or3A_1233 : i1
      }
      %scan3A_1221 = arith.constant 0 : i32
      scf.yield %scan3A_1221 : i32
    }
    %scan3A_147 = arith.constant 120 : i32
    %dma_wait3A_148 = arith.constant 0 : i32
    %dma_wait3A_149 = arith.constant 0 : i32
    %dma_wait3A_150 = tpu.memref_slice %arg5[%arg0, %dma_wait3A_148, %dma_wait3A_149] : memref<2x2x30720xi32, #tpu.memory_space<hbm>> -> memref<1x1x30720xi32, #tpu.memory_space<hbm>>
    %dma_wait3A_151 = tpu.memref_squeeze %dma_wait3A_150 : memref<1x1x30720xi32, #tpu.memory_space<hbm>> -> memref<30720xi32, #tpu.memory_space<hbm>>
    %dma_wait3A_152 = arith.constant 3840 : i32
    %dma_wait3A_153 = tpu.memref_slice %dma_wait3A_151[%dma_wait3A_152] : memref<30720xi32, #tpu.memory_space<hbm>> -> memref<1920xi32, #tpu.memory_space<hbm>>
    %dma_wait3A_154 = arith.constant 0 : i32
    %dma_wait3A_155 = tpu.memref_slice %arg5[%arg0, %dma_wait3A_148, %dma_wait3A_154] : memref<2x2x30720xi32, #tpu.memory_space<hbm>> -> memref<1x1x30720xi32, #tpu.memory_space<hbm>>
    %dma_wait3A_156 = tpu.memref_squeeze %dma_wait3A_155 : memref<1x1x30720xi32, #tpu.memory_space<hbm>> -> memref<30720xi32, #tpu.memory_space<hbm>>
    %dma_wait3A_157 = arith.constant 3840 : i32
    %dma_wait3A_158 = tpu.memref_slice %dma_wait3A_156[%dma_wait3A_157] : memref<30720xi32, #tpu.memory_space<hbm>> -> memref<1920xi32, #tpu.memory_space<hbm>>
    tpu.wait_dma2 semaphore(%arg16 : memref<!tpu.dma_semaphore, #tpu.memory_space<semaphore_mem>>) src(%dma_wait3A_158 : memref<1920xi32, #tpu.memory_space<hbm>>) dst(%arg8 : memref<1920xi32, #tpu.memory_space<vmem>>)
    %dma_wait3A_159 = arith.constant 1 : i32
    %dma_wait3A_160 = arith.constant 0 : i32
    %dma_wait3A_161 = tpu.memref_slice %arg5[%arg0, %dma_wait3A_159, %dma_wait3A_160] : memref<2x2x30720xi32, #tpu.memory_space<hbm>> -> memref<1x1x30720xi32, #tpu.memory_space<hbm>>
    %dma_wait3A_162 = tpu.memref_squeeze %dma_wait3A_161 : memref<1x1x30720xi32, #tpu.memory_space<hbm>> -> memref<30720xi32, #tpu.memory_space<hbm>>
    %dma_wait3A_163 = arith.constant 3840 : i32
    %dma_wait3A_164 = tpu.memref_slice %dma_wait3A_162[%dma_wait3A_163] : memref<30720xi32, #tpu.memory_space<hbm>> -> memref<1920xi32, #tpu.memory_space<hbm>>
    %dma_wait3A_165 = arith.constant 0 : i32
    %dma_wait3A_166 = tpu.memref_slice %arg5[%arg0, %dma_wait3A_159, %dma_wait3A_165] : memref<2x2x30720xi32, #tpu.memory_space<hbm>> -> memref<1x1x30720xi32, #tpu.memory_space<hbm>>
    %dma_wait3A_167 = tpu.memref_squeeze %dma_wait3A_166 : memref<1x1x30720xi32, #tpu.memory_space<hbm>> -> memref<30720xi32, #tpu.memory_space<hbm>>
    %dma_wait3A_168 = arith.constant 3840 : i32
    %dma_wait3A_169 = tpu.memref_slice %dma_wait3A_167[%dma_wait3A_168] : memref<30720xi32, #tpu.memory_space<hbm>> -> memref<1920xi32, #tpu.memory_space<hbm>>
    tpu.wait_dma2 semaphore(%arg17 : memref<!tpu.dma_semaphore, #tpu.memory_space<semaphore_mem>>) src(%dma_wait3A_169 : memref<1920xi32, #tpu.memory_space<hbm>>) dst(%arg10 : memref<1920xi32, #tpu.memory_space<vmem>>)
    %dma_start3A_170 = arith.constant 0 : i32
    %dma_start3A_171 = arith.constant 0 : i32
    %dma_start3A_172 = tpu.memref_slice %arg5[%arg0, %dma_start3A_170, %dma_start3A_171] : memref<2x2x30720xi32, #tpu.memory_space<hbm>> -> memref<1x1x30720xi32, #tpu.memory_space<hbm>>
    %dma_start3A_173 = tpu.memref_squeeze %dma_start3A_172 : memref<1x1x30720xi32, #tpu.memory_space<hbm>> -> memref<30720xi32, #tpu.memory_space<hbm>>
    %dma_start3A_174 = arith.constant 5760 : i32
    %dma_start3A_175 = tpu.memref_slice %dma_start3A_173[%dma_start3A_174] : memref<30720xi32, #tpu.memory_space<hbm>> -> memref<1920xi32, #tpu.memory_space<hbm>>
    %dma_start3A_176 = arith.constant 0 : i32
    %dma_start3A_177 = tpu.memref_slice %arg5[%arg0, %dma_start3A_170, %dma_start3A_176] : memref<2x2x30720xi32, #tpu.memory_space<hbm>> -> memref<1x1x30720xi32, #tpu.memory_space<hbm>>
    %dma_start3A_178 = tpu.memref_squeeze %dma_start3A_177 : memref<1x1x30720xi32, #tpu.memory_space<hbm>> -> memref<30720xi32, #tpu.memory_space<hbm>>
    %dma_start3A_179 = arith.constant 5760 : i32
    %dma_start3A_180 = tpu.memref_slice %dma_start3A_178[%dma_start3A_179] : memref<30720xi32, #tpu.memory_space<hbm>> -> memref<1920xi32, #tpu.memory_space<hbm>>
    tpu.enqueue_dma source(%dma_start3A_180 : memref<1920xi32, #tpu.memory_space<hbm>>) target(%arg9 : memref<1920xi32, #tpu.memory_space<vmem>>) target_semaphore(%arg16 : memref<!tpu.dma_semaphore, #tpu.memory_space<semaphore_mem>>)
    %dma_start3A_181 = arith.constant 1 : i32
    %dma_start3A_182 = arith.constant 0 : i32
    %dma_start3A_183 = tpu.memref_slice %arg5[%arg0, %dma_start3A_181, %dma_start3A_182] : memref<2x2x30720xi32, #tpu.memory_space<hbm>> -> memref<1x1x30720xi32, #tpu.memory_space<hbm>>
    %dma_start3A_184 = tpu.memref_squeeze %dma_start3A_183 : memref<1x1x30720xi32, #tpu.memory_space<hbm>> -> memref<30720xi32, #tpu.memory_space<hbm>>
    %dma_start3A_185 = arith.constant 5760 : i32
    %dma_start3A_186 = tpu.memref_slice %dma_start3A_184[%dma_start3A_185] : memref<30720xi32, #tpu.memory_space<hbm>> -> memref<1920xi32, #tpu.memory_space<hbm>>
    %dma_start3A_187 = arith.constant 0 : i32
    %dma_start3A_188 = tpu.memref_slice %arg5[%arg0, %dma_start3A_181, %dma_start3A_187] : memref<2x2x30720xi32, #tpu.memory_space<hbm>> -> memref<1x1x30720xi32, #tpu.memory_space<hbm>>
    %dma_start3A_189 = tpu.memref_squeeze %dma_start3A_188 : memref<1x1x30720xi32, #tpu.memory_space<hbm>> -> memref<30720xi32, #tpu.memory_space<hbm>>
    %dma_start3A_190 = arith.constant 5760 : i32
    %dma_start3A_191 = tpu.memref_slice %dma_start3A_189[%dma_start3A_190] : memref<30720xi32, #tpu.memory_space<hbm>> -> memref<1920xi32, #tpu.memory_space<hbm>>
    tpu.enqueue_dma source(%dma_start3A_191 : memref<1920xi32, #tpu.memory_space<hbm>>) target(%arg11 : memref<1920xi32, #tpu.memory_space<vmem>>) target_semaphore(%arg17 : memref<!tpu.dma_semaphore, #tpu.memory_space<semaphore_mem>>)
    %scan3A_192 = arith.constant 0 : i32
    %scan3A_193 = arith.constant 0 : i32
    %scan3A_194 = arith.constant 120 : i32
    %scan3A_195 = arith.addi %scan3A_193, %scan3A_194 : i32
    %scan3A_196 = arith.constant 1 : i32
    %scan3A_197 = scf.for %scan3A_1208 = %scan3A_193 to %scan3A_195 step %scan3A_196 iter_args(%scan3A_1209 = %scan3A_192) -> (i32)  : i32 {
      %mul3A_1210 = arith.constant 16 : i32
      %mul3A_1211 = arith.muli %scan3A_1208, %mul3A_1210 : i32
      %get3A = arith.index_cast %mul3A_1211 : i32 to index
      %get3A_1212 = tpu.vector_load %arg8[%get3A] {strides = array<i32>} : memref<1920xi32, #tpu.memory_space<vmem>>, vector<16xi32>,
      %mul3A_1213 = arith.constant 16 : i32
      %mul3A_1214 = arith.muli %scan3A_1208, %mul3A_1213 : i32
      %get3A_1215 = arith.index_cast %mul3A_1214 : i32 to index
      %get3A_1216 = tpu.vector_load %arg10[%get3A_1215] {strides = array<i32>} : memref<1920xi32, #tpu.memory_space<vmem>>, vector<16xi32>,
      %eq3A = vector.broadcast %add3A : i32 to vector<16xi32>
      %eq3A_1217 = arith.cmpi eq, %get3A_1212, %eq3A : vector<16xi32>
      %shift_right_arithmetic3A = arith.constant 15 : i32
      %shift_right_arithmetic3A_1218 = vector.broadcast %shift_right_arithmetic3A : i32 to vector<16xi32>
      %shift_right_arithmetic3A_1219 = arith.shrsi %get3A_1216, %shift_right_arithmetic3A_1218 : vector<16xi32>
      %while3A = arith.constant true
      %while3A_1220 = scf.while (%while3A_1222 = %while3A) : (i1) -> i1 {
        scf.condition(%while3A_1222) %while3A_1222 : i1
      } do {
      ^bb0(%while3A_1222: i1):
        %gather3A = tpu.vector_load_idx %arg6[%shift_right_arithmetic3A_1219] masked %eq3A_1217 : memref<8192xi32, #tpu.memory_space<vmem>>[vector<16xi32>], vector<16xi32>, vector<16xi1>
        %max3A = arith.maxsi %gather3A, %get3A_1216 : vector<16xi32>
        tpu.vector_store_idx %arg6[%shift_right_arithmetic3A_1219], %max3A masked %eq3A_1217 : memref<8192xi32, #tpu.memory_space<vmem>>[vector<16xi32>], vector<16xi32>, vector<16xi1>
        %gather3A_1223 = tpu.vector_load_idx %arg6[%shift_right_arithmetic3A_1219] masked %eq3A_1217 : memref<8192xi32, #tpu.memory_space<vmem>>[vector<16xi32>], vector<16xi32>, vector<16xi1>
        %lt3A = arith.cmpi slt, %gather3A_1223, %get3A_1216 : vector<16xi32>
        %and3A = arith.andi %eq3A_1217, %lt3A : vector<16xi1>
        %reduce_or3A = arith.constant 1.000000e+00 : f32
        %reduce_or3A_1224 = arith.constant 0.000000e+00 : f32
        %reduce_or3A_1225 = vector.broadcast %reduce_or3A : f32 to vector<16xf32>
        %reduce_or3A_1226 = vector.broadcast %reduce_or3A_1224 : f32 to vector<16xf32>
        %reduce_or3A_1227 = arith.select %and3A, %reduce_or3A_1225, %reduce_or3A_1226 : vector<16xi1>, vector<16xf32>
        %reduce_or3A_1228 = arith.constant true
        %reduce_or3A_1229 = vector.broadcast %reduce_or3A_1228 : i1 to vector<16xi1>
        %reduce_or3A_1230 = tpu.scan <max>, %reduce_or3A_1227 masked %reduce_or3A_1229 : vector<16xf32>, vector<16xi1> -> vector<16xf32>
        %reduce_or3A_1231 = vector.extract %reduce_or3A_1230[15] : f32 from vector<16xf32>
        %reduce_or3A_1232 = arith.constant 0.000000e+00 : f32
        %reduce_or3A_1233 = arith.cmpf ogt, %reduce_or3A_1231, %reduce_or3A_1232 : f32
        scf.yield %reduce_or3A_1233 : i1
      }
      %scan3A_1221 = arith.constant 0 : i32
      scf.yield %scan3A_1221 : i32
    }
    %scan3A_198 = arith.constant 120 : i32
    %dma_wait3A_199 = arith.constant 0 : i32
    %dma_wait3A_200 = arith.constant 0 : i32
    %dma_wait3A_201 = tpu.memref_slice %arg5[%arg0, %dma_wait3A_199, %dma_wait3A_200] : memref<2x2x30720xi32, #tpu.memory_space<hbm>> -> memref<1x1x30720xi32, #tpu.memory_space<hbm>>
    %dma_wait3A_202 = tpu.memref_squeeze %dma_wait3A_201 : memref<1x1x30720xi32, #tpu.memory_space<hbm>> -> memref<30720xi32, #tpu.memory_space<hbm>>
    %dma_wait3A_203 = arith.constant 5760 : i32
    %dma_wait3A_204 = tpu.memref_slice %dma_wait3A_202[%dma_wait3A_203] : memref<30720xi32, #tpu.memory_space<hbm>> -> memref<1920xi32, #tpu.memory_space<hbm>>
    %dma_wait3A_205 = arith.constant 0 : i32
    %dma_wait3A_206 = tpu.memref_slice %arg5[%arg0, %dma_wait3A_199, %dma_wait3A_205] : memref<2x2x30720xi32, #tpu.memory_space<hbm>> -> memref<1x1x30720xi32, #tpu.memory_space<hbm>>
    %dma_wait3A_207 = tpu.memref_squeeze %dma_wait3A_206 : memref<1x1x30720xi32, #tpu.memory_space<hbm>> -> memref<30720xi32, #tpu.memory_space<hbm>>
    %dma_wait3A_208 = arith.constant 5760 : i32
    %dma_wait3A_209 = tpu.memref_slice %dma_wait3A_207[%dma_wait3A_208] : memref<30720xi32, #tpu.memory_space<hbm>> -> memref<1920xi32, #tpu.memory_space<hbm>>
    tpu.wait_dma2 semaphore(%arg16 : memref<!tpu.dma_semaphore, #tpu.memory_space<semaphore_mem>>) src(%dma_wait3A_209 : memref<1920xi32, #tpu.memory_space<hbm>>) dst(%arg9 : memref<1920xi32, #tpu.memory_space<vmem>>)
    %dma_wait3A_210 = arith.constant 1 : i32
    %dma_wait3A_211 = arith.constant 0 : i32
    %dma_wait3A_212 = tpu.memref_slice %arg5[%arg0, %dma_wait3A_210, %dma_wait3A_211] : memref<2x2x30720xi32, #tpu.memory_space<hbm>> -> memref<1x1x30720xi32, #tpu.memory_space<hbm>>
    %dma_wait3A_213 = tpu.memref_squeeze %dma_wait3A_212 : memref<1x1x30720xi32, #tpu.memory_space<hbm>> -> memref<30720xi32, #tpu.memory_space<hbm>>
    %dma_wait3A_214 = arith.constant 5760 : i32
    %dma_wait3A_215 = tpu.memref_slice %dma_wait3A_213[%dma_wait3A_214] : memref<30720xi32, #tpu.memory_space<hbm>> -> memref<1920xi32, #tpu.memory_space<hbm>>
    %dma_wait3A_216 = arith.constant 0 : i32
    %dma_wait3A_217 = tpu.memref_slice %arg5[%arg0, %dma_wait3A_210, %dma_wait3A_216] : memref<2x2x30720xi32, #tpu.memory_space<hbm>> -> memref<1x1x30720xi32, #tpu.memory_space<hbm>>
    %dma_wait3A_218 = tpu.memref_squeeze %dma_wait3A_217 : memref<1x1x30720xi32, #tpu.memory_space<hbm>> -> memref<30720xi32, #tpu.memory_space<hbm>>
    %dma_wait3A_219 = arith.constant 5760 : i32
    %dma_wait3A_220 = tpu.memref_slice %dma_wait3A_218[%dma_wait3A_219] : memref<30720xi32, #tpu.memory_space<hbm>> -> memref<1920xi32, #tpu.memory_space<hbm>>
    tpu.wait_dma2 semaphore(%arg17 : memref<!tpu.dma_semaphore, #tpu.memory_space<semaphore_mem>>) src(%dma_wait3A_220 : memref<1920xi32, #tpu.memory_space<hbm>>) dst(%arg11 : memref<1920xi32, #tpu.memory_space<vmem>>)
    %dma_start3A_221 = arith.constant 0 : i32
    %dma_start3A_222 = arith.constant 0 : i32
    %dma_start3A_223 = tpu.memref_slice %arg5[%arg0, %dma_start3A_221, %dma_start3A_222] : memref<2x2x30720xi32, #tpu.memory_space<hbm>> -> memref<1x1x30720xi32, #tpu.memory_space<hbm>>
    %dma_start3A_224 = tpu.memref_squeeze %dma_start3A_223 : memref<1x1x30720xi32, #tpu.memory_space<hbm>> -> memref<30720xi32, #tpu.memory_space<hbm>>
    %dma_start3A_225 = arith.constant 7680 : i32
    %dma_start3A_226 = tpu.memref_slice %dma_start3A_224[%dma_start3A_225] : memref<30720xi32, #tpu.memory_space<hbm>> -> memref<1920xi32, #tpu.memory_space<hbm>>
    %dma_start3A_227 = arith.constant 0 : i32
    %dma_start3A_228 = tpu.memref_slice %arg5[%arg0, %dma_start3A_221, %dma_start3A_227] : memref<2x2x30720xi32, #tpu.memory_space<hbm>> -> memref<1x1x30720xi32, #tpu.memory_space<hbm>>
    %dma_start3A_229 = tpu.memref_squeeze %dma_start3A_228 : memref<1x1x30720xi32, #tpu.memory_space<hbm>> -> memref<30720xi32, #tpu.memory_space<hbm>>
    %dma_start3A_230 = arith.constant 7680 : i32
    %dma_start3A_231 = tpu.memref_slice %dma_start3A_229[%dma_start3A_230] : memref<30720xi32, #tpu.memory_space<hbm>> -> memref<1920xi32, #tpu.memory_space<hbm>>
    tpu.enqueue_dma source(%dma_start3A_231 : memref<1920xi32, #tpu.memory_space<hbm>>) target(%arg8 : memref<1920xi32, #tpu.memory_space<vmem>>) target_semaphore(%arg16 : memref<!tpu.dma_semaphore, #tpu.memory_space<semaphore_mem>>)
    %dma_start3A_232 = arith.constant 1 : i32
    %dma_start3A_233 = arith.constant 0 : i32
    %dma_start3A_234 = tpu.memref_slice %arg5[%arg0, %dma_start3A_232, %dma_start3A_233] : memref<2x2x30720xi32, #tpu.memory_space<hbm>> -> memref<1x1x30720xi32, #tpu.memory_space<hbm>>
    %dma_start3A_235 = tpu.memref_squeeze %dma_start3A_234 : memref<1x1x30720xi32, #tpu.memory_space<hbm>> -> memref<30720xi32, #tpu.memory_space<hbm>>
    %dma_start3A_236 = arith.constant 7680 : i32
    %dma_start3A_237 = tpu.memref_slice %dma_start3A_235[%dma_start3A_236] : memref<30720xi32, #tpu.memory_space<hbm>> -> memref<1920xi32, #tpu.memory_space<hbm>>
    %dma_start3A_238 = arith.constant 0 : i32
    %dma_start3A_239 = tpu.memref_slice %arg5[%arg0, %dma_start3A_232, %dma_start3A_238] : memref<2x2x30720xi32, #tpu.memory_space<hbm>> -> memref<1x1x30720xi32, #tpu.memory_space<hbm>>
    %dma_start3A_240 = tpu.memref_squeeze %dma_start3A_239 : memref<1x1x30720xi32, #tpu.memory_space<hbm>> -> memref<30720xi32, #tpu.memory_space<hbm>>
    %dma_start3A_241 = arith.constant 7680 : i32
    %dma_start3A_242 = tpu.memref_slice %dma_start3A_240[%dma_start3A_241] : memref<30720xi32, #tpu.memory_space<hbm>> -> memref<1920xi32, #tpu.memory_space<hbm>>
    tpu.enqueue_dma source(%dma_start3A_242 : memref<1920xi32, #tpu.memory_space<hbm>>) target(%arg10 : memref<1920xi32, #tpu.memory_space<vmem>>) target_semaphore(%arg17 : memref<!tpu.dma_semaphore, #tpu.memory_space<semaphore_mem>>)
    %scan3A_243 = arith.constant 0 : i32
    %scan3A_244 = arith.constant 0 : i32
    %scan3A_245 = arith.constant 120 : i32
    %scan3A_246 = arith.addi %scan3A_244, %scan3A_245 : i32
    %scan3A_247 = arith.constant 1 : i32
    %scan3A_248 = scf.for %scan3A_1208 = %scan3A_244 to %scan3A_246 step %scan3A_247 iter_args(%scan3A_1209 = %scan3A_243) -> (i32)  : i32 {
      %mul3A_1210 = arith.constant 16 : i32
      %mul3A_1211 = arith.muli %scan3A_1208, %mul3A_1210 : i32
      %get3A = arith.index_cast %mul3A_1211 : i32 to index
      %get3A_1212 = tpu.vector_load %arg9[%get3A] {strides = array<i32>} : memref<1920xi32, #tpu.memory_space<vmem>>, vector<16xi32>,
      %mul3A_1213 = arith.constant 16 : i32
      %mul3A_1214 = arith.muli %scan3A_1208, %mul3A_1213 : i32
      %get3A_1215 = arith.index_cast %mul3A_1214 : i32 to index
      %get3A_1216 = tpu.vector_load %arg11[%get3A_1215] {strides = array<i32>} : memref<1920xi32, #tpu.memory_space<vmem>>, vector<16xi32>,
      %eq3A = vector.broadcast %add3A : i32 to vector<16xi32>
      %eq3A_1217 = arith.cmpi eq, %get3A_1212, %eq3A : vector<16xi32>
      %shift_right_arithmetic3A = arith.constant 15 : i32
      %shift_right_arithmetic3A_1218 = vector.broadcast %shift_right_arithmetic3A : i32 to vector<16xi32>
      %shift_right_arithmetic3A_1219 = arith.shrsi %get3A_1216, %shift_right_arithmetic3A_1218 : vector<16xi32>
      %while3A = arith.constant true
      %while3A_1220 = scf.while (%while3A_1222 = %while3A) : (i1) -> i1 {
        scf.condition(%while3A_1222) %while3A_1222 : i1
      } do {
      ^bb0(%while3A_1222: i1):
        %gather3A = tpu.vector_load_idx %arg6[%shift_right_arithmetic3A_1219] masked %eq3A_1217 : memref<8192xi32, #tpu.memory_space<vmem>>[vector<16xi32>], vector<16xi32>, vector<16xi1>
        %max3A = arith.maxsi %gather3A, %get3A_1216 : vector<16xi32>
        tpu.vector_store_idx %arg6[%shift_right_arithmetic3A_1219], %max3A masked %eq3A_1217 : memref<8192xi32, #tpu.memory_space<vmem>>[vector<16xi32>], vector<16xi32>, vector<16xi1>
        %gather3A_1223 = tpu.vector_load_idx %arg6[%shift_right_arithmetic3A_1219] masked %eq3A_1217 : memref<8192xi32, #tpu.memory_space<vmem>>[vector<16xi32>], vector<16xi32>, vector<16xi1>
        %lt3A = arith.cmpi slt, %gather3A_1223, %get3A_1216 : vector<16xi32>
        %and3A = arith.andi %eq3A_1217, %lt3A : vector<16xi1>
        %reduce_or3A = arith.constant 1.000000e+00 : f32
        %reduce_or3A_1224 = arith.constant 0.000000e+00 : f32
        %reduce_or3A_1225 = vector.broadcast %reduce_or3A : f32 to vector<16xf32>
        %reduce_or3A_1226 = vector.broadcast %reduce_or3A_1224 : f32 to vector<16xf32>
        %reduce_or3A_1227 = arith.select %and3A, %reduce_or3A_1225, %reduce_or3A_1226 : vector<16xi1>, vector<16xf32>
        %reduce_or3A_1228 = arith.constant true
        %reduce_or3A_1229 = vector.broadcast %reduce_or3A_1228 : i1 to vector<16xi1>
        %reduce_or3A_1230 = tpu.scan <max>, %reduce_or3A_1227 masked %reduce_or3A_1229 : vector<16xf32>, vector<16xi1> -> vector<16xf32>
        %reduce_or3A_1231 = vector.extract %reduce_or3A_1230[15] : f32 from vector<16xf32>
        %reduce_or3A_1232 = arith.constant 0.000000e+00 : f32
        %reduce_or3A_1233 = arith.cmpf ogt, %reduce_or3A_1231, %reduce_or3A_1232 : f32
        scf.yield %reduce_or3A_1233 : i1
      }
      %scan3A_1221 = arith.constant 0 : i32
      scf.yield %scan3A_1221 : i32
    }
    %scan3A_249 = arith.constant 120 : i32
    %dma_wait3A_250 = arith.constant 0 : i32
    %dma_wait3A_251 = arith.constant 0 : i32
    %dma_wait3A_252 = tpu.memref_slice %arg5[%arg0, %dma_wait3A_250, %dma_wait3A_251] : memref<2x2x30720xi32, #tpu.memory_space<hbm>> -> memref<1x1x30720xi32, #tpu.memory_space<hbm>>
    %dma_wait3A_253 = tpu.memref_squeeze %dma_wait3A_252 : memref<1x1x30720xi32, #tpu.memory_space<hbm>> -> memref<30720xi32, #tpu.memory_space<hbm>>
    %dma_wait3A_254 = arith.constant 7680 : i32
    %dma_wait3A_255 = tpu.memref_slice %dma_wait3A_253[%dma_wait3A_254] : memref<30720xi32, #tpu.memory_space<hbm>> -> memref<1920xi32, #tpu.memory_space<hbm>>
    %dma_wait3A_256 = arith.constant 0 : i32
    %dma_wait3A_257 = tpu.memref_slice %arg5[%arg0, %dma_wait3A_250, %dma_wait3A_256] : memref<2x2x30720xi32, #tpu.memory_space<hbm>> -> memref<1x1x30720xi32, #tpu.memory_space<hbm>>
    %dma_wait3A_258 = tpu.memref_squeeze %dma_wait3A_257 : memref<1x1x30720xi32, #tpu.memory_space<hbm>> -> memref<30720xi32, #tpu.memory_space<hbm>>
    %dma_wait3A_259 = arith.constant 7680 : i32
    %dma_wait3A_260 = tpu.memref_slice %dma_wait3A_258[%dma_wait3A_259] : memref<30720xi32, #tpu.memory_space<hbm>> -> memref<1920xi32, #tpu.memory_space<hbm>>
    tpu.wait_dma2 semaphore(%arg16 : memref<!tpu.dma_semaphore, #tpu.memory_space<semaphore_mem>>) src(%dma_wait3A_260 : memref<1920xi32, #tpu.memory_space<hbm>>) dst(%arg8 : memref<1920xi32, #tpu.memory_space<vmem>>)
    %dma_wait3A_261 = arith.constant 1 : i32
    %dma_wait3A_262 = arith.constant 0 : i32
    %dma_wait3A_263 = tpu.memref_slice %arg5[%arg0, %dma_wait3A_261, %dma_wait3A_262] : memref<2x2x30720xi32, #tpu.memory_space<hbm>> -> memref<1x1x30720xi32, #tpu.memory_space<hbm>>
    %dma_wait3A_264 = tpu.memref_squeeze %dma_wait3A_263 : memref<1x1x30720xi32, #tpu.memory_space<hbm>> -> memref<30720xi32, #tpu.memory_space<hbm>>
    %dma_wait3A_265 = arith.constant 7680 : i32
    %dma_wait3A_266 = tpu.memref_slice %dma_wait3A_264[%dma_wait3A_265] : memref<30720xi32, #tpu.memory_space<hbm>> -> memref<1920xi32, #tpu.memory_space<hbm>>
    %dma_wait3A_267 = arith.constant 0 : i32
    %dma_wait3A_268 = tpu.memref_slice %arg5[%arg0, %dma_wait3A_261, %dma_wait3A_267] : memref<2x2x30720xi32, #tpu.memory_space<hbm>> -> memref<1x1x30720xi32, #tpu.memory_space<hbm>>
    %dma_wait3A_269 = tpu.memref_squeeze %dma_wait3A_268 : memref<1x1x30720xi32, #tpu.memory_space<hbm>> -> memref<30720xi32, #tpu.memory_space<hbm>>
    %dma_wait3A_270 = arith.constant 7680 : i32
    %dma_wait3A_271 = tpu.memref_slice %dma_wait3A_269[%dma_wait3A_270] : memref<30720xi32, #tpu.memory_space<hbm>> -> memref<1920xi32, #tpu.memory_space<hbm>>
    tpu.wait_dma2 semaphore(%arg17 : memref<!tpu.dma_semaphore, #tpu.memory_space<semaphore_mem>>) src(%dma_wait3A_271 : memref<1920xi32, #tpu.memory_space<hbm>>) dst(%arg10 : memref<1920xi32, #tpu.memory_space<vmem>>)
    %dma_start3A_272 = arith.constant 0 : i32
    %dma_start3A_273 = arith.constant 0 : i32
    %dma_start3A_274 = tpu.memref_slice %arg5[%arg0, %dma_start3A_272, %dma_start3A_273] : memref<2x2x30720xi32, #tpu.memory_space<hbm>> -> memref<1x1x30720xi32, #tpu.memory_space<hbm>>
    %dma_start3A_275 = tpu.memref_squeeze %dma_start3A_274 : memref<1x1x30720xi32, #tpu.memory_space<hbm>> -> memref<30720xi32, #tpu.memory_space<hbm>>
    %dma_start3A_276 = arith.constant 9600 : i32
    %dma_start3A_277 = tpu.memref_slice %dma_start3A_275[%dma_start3A_276] : memref<30720xi32, #tpu.memory_space<hbm>> -> memref<1920xi32, #tpu.memory_space<hbm>>
    %dma_start3A_278 = arith.constant 0 : i32
    %dma_start3A_279 = tpu.memref_slice %arg5[%arg0, %dma_start3A_272, %dma_start3A_278] : memref<2x2x30720xi32, #tpu.memory_space<hbm>> -> memref<1x1x30720xi32, #tpu.memory_space<hbm>>
    %dma_start3A_280 = tpu.memref_squeeze %dma_start3A_279 : memref<1x1x30720xi32, #tpu.memory_space<hbm>> -> memref<30720xi32, #tpu.memory_space<hbm>>
    %dma_start3A_281 = arith.constant 9600 : i32
    %dma_start3A_282 = tpu.memref_slice %dma_start3A_280[%dma_start3A_281] : memref<30720xi32, #tpu.memory_space<hbm>> -> memref<1920xi32, #tpu.memory_space<hbm>>
    tpu.enqueue_dma source(%dma_start3A_282 : memref<1920xi32, #tpu.memory_space<hbm>>) target(%arg9 : memref<1920xi32, #tpu.memory_space<vmem>>) target_semaphore(%arg16 : memref<!tpu.dma_semaphore, #tpu.memory_space<semaphore_mem>>)
    %dma_start3A_283 = arith.constant 1 : i32
    %dma_start3A_284 = arith.constant 0 : i32
    %dma_start3A_285 = tpu.memref_slice %arg5[%arg0, %dma_start3A_283, %dma_start3A_284] : memref<2x2x30720xi32, #tpu.memory_space<hbm>> -> memref<1x1x30720xi32, #tpu.memory_space<hbm>>
    %dma_start3A_286 = tpu.memref_squeeze %dma_start3A_285 : memref<1x1x30720xi32, #tpu.memory_space<hbm>> -> memref<30720xi32, #tpu.memory_space<hbm>>
    %dma_start3A_287 = arith.constant 9600 : i32
    %dma_start3A_288 = tpu.memref_slice %dma_start3A_286[%dma_start3A_287] : memref<30720xi32, #tpu.memory_space<hbm>> -> memref<1920xi32, #tpu.memory_space<hbm>>
    %dma_start3A_289 = arith.constant 0 : i32
    %dma_start3A_290 = tpu.memref_slice %arg5[%arg0, %dma_start3A_283, %dma_start3A_289] : memref<2x2x30720xi32, #tpu.memory_space<hbm>> -> memref<1x1x30720xi32, #tpu.memory_space<hbm>>
    %dma_start3A_291 = tpu.memref_squeeze %dma_start3A_290 : memref<1x1x30720xi32, #tpu.memory_space<hbm>> -> memref<30720xi32, #tpu.memory_space<hbm>>
    %dma_start3A_292 = arith.constant 9600 : i32
    %dma_start3A_293 = tpu.memref_slice %dma_start3A_291[%dma_start3A_292] : memref<30720xi32, #tpu.memory_space<hbm>> -> memref<1920xi32, #tpu.memory_space<hbm>>
    tpu.enqueue_dma source(%dma_start3A_293 : memref<1920xi32, #tpu.memory_space<hbm>>) target(%arg11 : memref<1920xi32, #tpu.memory_space<vmem>>) target_semaphore(%arg17 : memref<!tpu.dma_semaphore, #tpu.memory_space<semaphore_mem>>)
    %scan3A_294 = arith.constant 0 : i32
    %scan3A_295 = arith.constant 0 : i32
    %scan3A_296 = arith.constant 120 : i32
    %scan3A_297 = arith.addi %scan3A_295, %scan3A_296 : i32
    %scan3A_298 = arith.constant 1 : i32
    %scan3A_299 = scf.for %scan3A_1208 = %scan3A_295 to %scan3A_297 step %scan3A_298 iter_args(%scan3A_1209 = %scan3A_294) -> (i32)  : i32 {
      %mul3A_1210 = arith.constant 16 : i32
      %mul3A_1211 = arith.muli %scan3A_1208, %mul3A_1210 : i32
      %get3A = arith.index_cast %mul3A_1211 : i32 to index
      %get3A_1212 = tpu.vector_load %arg8[%get3A] {strides = array<i32>} : memref<1920xi32, #tpu.memory_space<vmem>>, vector<16xi32>,
      %mul3A_1213 = arith.constant 16 : i32
      %mul3A_1214 = arith.muli %scan3A_1208, %mul3A_1213 : i32
      %get3A_1215 = arith.index_cast %mul3A_1214 : i32 to index
      %get3A_1216 = tpu.vector_load %arg10[%get3A_1215] {strides = array<i32>} : memref<1920xi32, #tpu.memory_space<vmem>>, vector<16xi32>,
      %eq3A = vector.broadcast %add3A : i32 to vector<16xi32>
      %eq3A_1217 = arith.cmpi eq, %get3A_1212, %eq3A : vector<16xi32>
      %shift_right_arithmetic3A = arith.constant 15 : i32
      %shift_right_arithmetic3A_1218 = vector.broadcast %shift_right_arithmetic3A : i32 to vector<16xi32>
      %shift_right_arithmetic3A_1219 = arith.shrsi %get3A_1216, %shift_right_arithmetic3A_1218 : vector<16xi32>
      %while3A = arith.constant true
      %while3A_1220 = scf.while (%while3A_1222 = %while3A) : (i1) -> i1 {
        scf.condition(%while3A_1222) %while3A_1222 : i1
      } do {
      ^bb0(%while3A_1222: i1):
        %gather3A = tpu.vector_load_idx %arg6[%shift_right_arithmetic3A_1219] masked %eq3A_1217 : memref<8192xi32, #tpu.memory_space<vmem>>[vector<16xi32>], vector<16xi32>, vector<16xi1>
        %max3A = arith.maxsi %gather3A, %get3A_1216 : vector<16xi32>
        tpu.vector_store_idx %arg6[%shift_right_arithmetic3A_1219], %max3A masked %eq3A_1217 : memref<8192xi32, #tpu.memory_space<vmem>>[vector<16xi32>], vector<16xi32>, vector<16xi1>
        %gather3A_1223 = tpu.vector_load_idx %arg6[%shift_right_arithmetic3A_1219] masked %eq3A_1217 : memref<8192xi32, #tpu.memory_space<vmem>>[vector<16xi32>], vector<16xi32>, vector<16xi1>
        %lt3A = arith.cmpi slt, %gather3A_1223, %get3A_1216 : vector<16xi32>
        %and3A = arith.andi %eq3A_1217, %lt3A : vector<16xi1>
        %reduce_or3A = arith.constant 1.000000e+00 : f32
        %reduce_or3A_1224 = arith.constant 0.000000e+00 : f32
        %reduce_or3A_1225 = vector.broadcast %reduce_or3A : f32 to vector<16xf32>
        %reduce_or3A_1226 = vector.broadcast %reduce_or3A_1224 : f32 to vector<16xf32>
        %reduce_or3A_1227 = arith.select %and3A, %reduce_or3A_1225, %reduce_or3A_1226 : vector<16xi1>, vector<16xf32>
        %reduce_or3A_1228 = arith.constant true
        %reduce_or3A_1229 = vector.broadcast %reduce_or3A_1228 : i1 to vector<16xi1>
        %reduce_or3A_1230 = tpu.scan <max>, %reduce_or3A_1227 masked %reduce_or3A_1229 : vector<16xf32>, vector<16xi1> -> vector<16xf32>
        %reduce_or3A_1231 = vector.extract %reduce_or3A_1230[15] : f32 from vector<16xf32>
        %reduce_or3A_1232 = arith.constant 0.000000e+00 : f32
        %reduce_or3A_1233 = arith.cmpf ogt, %reduce_or3A_1231, %reduce_or3A_1232 : f32
        scf.yield %reduce_or3A_1233 : i1
      }
      %scan3A_1221 = arith.constant 0 : i32
      scf.yield %scan3A_1221 : i32
    }
    %scan3A_300 = arith.constant 120 : i32
    %dma_wait3A_301 = arith.constant 0 : i32
    %dma_wait3A_302 = arith.constant 0 : i32
    %dma_wait3A_303 = tpu.memref_slice %arg5[%arg0, %dma_wait3A_301, %dma_wait3A_302] : memref<2x2x30720xi32, #tpu.memory_space<hbm>> -> memref<1x1x30720xi32, #tpu.memory_space<hbm>>
    %dma_wait3A_304 = tpu.memref_squeeze %dma_wait3A_303 : memref<1x1x30720xi32, #tpu.memory_space<hbm>> -> memref<30720xi32, #tpu.memory_space<hbm>>
    %dma_wait3A_305 = arith.constant 9600 : i32
    %dma_wait3A_306 = tpu.memref_slice %dma_wait3A_304[%dma_wait3A_305] : memref<30720xi32, #tpu.memory_space<hbm>> -> memref<1920xi32, #tpu.memory_space<hbm>>
    %dma_wait3A_307 = arith.constant 0 : i32
    %dma_wait3A_308 = tpu.memref_slice %arg5[%arg0, %dma_wait3A_301, %dma_wait3A_307] : memref<2x2x30720xi32, #tpu.memory_space<hbm>> -> memref<1x1x30720xi32, #tpu.memory_space<hbm>>
    %dma_wait3A_309 = tpu.memref_squeeze %dma_wait3A_308 : memref<1x1x30720xi32, #tpu.memory_space<hbm>> -> memref<30720xi32, #tpu.memory_space<hbm>>
    %dma_wait3A_310 = arith.constant 9600 : i32
    %dma_wait3A_311 = tpu.memref_slice %dma_wait3A_309[%dma_wait3A_310] : memref<30720xi32, #tpu.memory_space<hbm>> -> memref<1920xi32, #tpu.memory_space<hbm>>
    tpu.wait_dma2 semaphore(%arg16 : memref<!tpu.dma_semaphore, #tpu.memory_space<semaphore_mem>>) src(%dma_wait3A_311 : memref<1920xi32, #tpu.memory_space<hbm>>) dst(%arg9 : memref<1920xi32, #tpu.memory_space<vmem>>)
    %dma_wait3A_312 = arith.constant 1 : i32
    %dma_wait3A_313 = arith.constant 0 : i32
    %dma_wait3A_314 = tpu.memref_slice %arg5[%arg0, %dma_wait3A_312, %dma_wait3A_313] : memref<2x2x30720xi32, #tpu.memory_space<hbm>> -> memref<1x1x30720xi32, #tpu.memory_space<hbm>>
    %dma_wait3A_315 = tpu.memref_squeeze %dma_wait3A_314 : memref<1x1x30720xi32, #tpu.memory_space<hbm>> -> memref<30720xi32, #tpu.memory_space<hbm>>
    %dma_wait3A_316 = arith.constant 9600 : i32
    %dma_wait3A_317 = tpu.memref_slice %dma_wait3A_315[%dma_wait3A_316] : memref<30720xi32, #tpu.memory_space<hbm>> -> memref<1920xi32, #tpu.memory_space<hbm>>
    %dma_wait3A_318 = arith.constant 0 : i32
    %dma_wait3A_319 = tpu.memref_slice %arg5[%arg0, %dma_wait3A_312, %dma_wait3A_318] : memref<2x2x30720xi32, #tpu.memory_space<hbm>> -> memref<1x1x30720xi32, #tpu.memory_space<hbm>>
    %dma_wait3A_320 = tpu.memref_squeeze %dma_wait3A_319 : memref<1x1x30720xi32, #tpu.memory_space<hbm>> -> memref<30720xi32, #tpu.memory_space<hbm>>
    %dma_wait3A_321 = arith.constant 9600 : i32
    %dma_wait3A_322 = tpu.memref_slice %dma_wait3A_320[%dma_wait3A_321] : memref<30720xi32, #tpu.memory_space<hbm>> -> memref<1920xi32, #tpu.memory_space<hbm>>
    tpu.wait_dma2 semaphore(%arg17 : memref<!tpu.dma_semaphore, #tpu.memory_space<semaphore_mem>>) src(%dma_wait3A_322 : memref<1920xi32, #tpu.memory_space<hbm>>) dst(%arg11 : memref<1920xi32, #tpu.memory_space<vmem>>)
    %dma_start3A_323 = arith.constant 0 : i32
    %dma_start3A_324 = arith.constant 0 : i32
    %dma_start3A_325 = tpu.memref_slice %arg5[%arg0, %dma_start3A_323, %dma_start3A_324] : memref<2x2x30720xi32, #tpu.memory_space<hbm>> -> memref<1x1x30720xi32, #tpu.memory_space<hbm>>
    %dma_start3A_326 = tpu.memref_squeeze %dma_start3A_325 : memref<1x1x30720xi32, #tpu.memory_space<hbm>> -> memref<30720xi32, #tpu.memory_space<hbm>>
    %dma_start3A_327 = arith.constant 11520 : i32
    %dma_start3A_328 = tpu.memref_slice %dma_start3A_326[%dma_start3A_327] : memref<30720xi32, #tpu.memory_space<hbm>> -> memref<1920xi32, #tpu.memory_space<hbm>>
    %dma_start3A_329 = arith.constant 0 : i32
    %dma_start3A_330 = tpu.memref_slice %arg5[%arg0, %dma_start3A_323, %dma_start3A_329] : memref<2x2x30720xi32, #tpu.memory_space<hbm>> -> memref<1x1x30720xi32, #tpu.memory_space<hbm>>
    %dma_start3A_331 = tpu.memref_squeeze %dma_start3A_330 : memref<1x1x30720xi32, #tpu.memory_space<hbm>> -> memref<30720xi32, #tpu.memory_space<hbm>>
    %dma_start3A_332 = arith.constant 11520 : i32
    %dma_start3A_333 = tpu.memref_slice %dma_start3A_331[%dma_start3A_332] : memref<30720xi32, #tpu.memory_space<hbm>> -> memref<1920xi32, #tpu.memory_space<hbm>>
    tpu.enqueue_dma source(%dma_start3A_333 : memref<1920xi32, #tpu.memory_space<hbm>>) target(%arg8 : memref<1920xi32, #tpu.memory_space<vmem>>) target_semaphore(%arg16 : memref<!tpu.dma_semaphore, #tpu.memory_space<semaphore_mem>>)
    %dma_start3A_334 = arith.constant 1 : i32
    %dma_start3A_335 = arith.constant 0 : i32
    %dma_start3A_336 = tpu.memref_slice %arg5[%arg0, %dma_start3A_334, %dma_start3A_335] : memref<2x2x30720xi32, #tpu.memory_space<hbm>> -> memref<1x1x30720xi32, #tpu.memory_space<hbm>>
    %dma_start3A_337 = tpu.memref_squeeze %dma_start3A_336 : memref<1x1x30720xi32, #tpu.memory_space<hbm>> -> memref<30720xi32, #tpu.memory_space<hbm>>
    %dma_start3A_338 = arith.constant 11520 : i32
    %dma_start3A_339 = tpu.memref_slice %dma_start3A_337[%dma_start3A_338] : memref<30720xi32, #tpu.memory_space<hbm>> -> memref<1920xi32, #tpu.memory_space<hbm>>
    %dma_start3A_340 = arith.constant 0 : i32
    %dma_start3A_341 = tpu.memref_slice %arg5[%arg0, %dma_start3A_334, %dma_start3A_340] : memref<2x2x30720xi32, #tpu.memory_space<hbm>> -> memref<1x1x30720xi32, #tpu.memory_space<hbm>>
    %dma_start3A_342 = tpu.memref_squeeze %dma_start3A_341 : memref<1x1x30720xi32, #tpu.memory_space<hbm>> -> memref<30720xi32, #tpu.memory_space<hbm>>
    %dma_start3A_343 = arith.constant 11520 : i32
    %dma_start3A_344 = tpu.memref_slice %dma_start3A_342[%dma_start3A_343] : memref<30720xi32, #tpu.memory_space<hbm>> -> memref<1920xi32, #tpu.memory_space<hbm>>
    tpu.enqueue_dma source(%dma_start3A_344 : memref<1920xi32, #tpu.memory_space<hbm>>) target(%arg10 : memref<1920xi32, #tpu.memory_space<vmem>>) target_semaphore(%arg17 : memref<!tpu.dma_semaphore, #tpu.memory_space<semaphore_mem>>)
    %scan3A_345 = arith.constant 0 : i32
    %scan3A_346 = arith.constant 0 : i32
    %scan3A_347 = arith.constant 120 : i32
    %scan3A_348 = arith.addi %scan3A_346, %scan3A_347 : i32
    %scan3A_349 = arith.constant 1 : i32
    %scan3A_350 = scf.for %scan3A_1208 = %scan3A_346 to %scan3A_348 step %scan3A_349 iter_args(%scan3A_1209 = %scan3A_345) -> (i32)  : i32 {
      %mul3A_1210 = arith.constant 16 : i32
      %mul3A_1211 = arith.muli %scan3A_1208, %mul3A_1210 : i32
      %get3A = arith.index_cast %mul3A_1211 : i32 to index
      %get3A_1212 = tpu.vector_load %arg9[%get3A] {strides = array<i32>} : memref<1920xi32, #tpu.memory_space<vmem>>, vector<16xi32>,
      %mul3A_1213 = arith.constant 16 : i32
      %mul3A_1214 = arith.muli %scan3A_1208, %mul3A_1213 : i32
      %get3A_1215 = arith.index_cast %mul3A_1214 : i32 to index
      %get3A_1216 = tpu.vector_load %arg11[%get3A_1215] {strides = array<i32>} : memref<1920xi32, #tpu.memory_space<vmem>>, vector<16xi32>,
      %eq3A = vector.broadcast %add3A : i32 to vector<16xi32>
      %eq3A_1217 = arith.cmpi eq, %get3A_1212, %eq3A : vector<16xi32>
      %shift_right_arithmetic3A = arith.constant 15 : i32
      %shift_right_arithmetic3A_1218 = vector.broadcast %shift_right_arithmetic3A : i32 to vector<16xi32>
      %shift_right_arithmetic3A_1219 = arith.shrsi %get3A_1216, %shift_right_arithmetic3A_1218 : vector<16xi32>
      %while3A = arith.constant true
      %while3A_1220 = scf.while (%while3A_1222 = %while3A) : (i1) -> i1 {
        scf.condition(%while3A_1222) %while3A_1222 : i1
      } do {
      ^bb0(%while3A_1222: i1):
        %gather3A = tpu.vector_load_idx %arg6[%shift_right_arithmetic3A_1219] masked %eq3A_1217 : memref<8192xi32, #tpu.memory_space<vmem>>[vector<16xi32>], vector<16xi32>, vector<16xi1>
        %max3A = arith.maxsi %gather3A, %get3A_1216 : vector<16xi32>
        tpu.vector_store_idx %arg6[%shift_right_arithmetic3A_1219], %max3A masked %eq3A_1217 : memref<8192xi32, #tpu.memory_space<vmem>>[vector<16xi32>], vector<16xi32>, vector<16xi1>
        %gather3A_1223 = tpu.vector_load_idx %arg6[%shift_right_arithmetic3A_1219] masked %eq3A_1217 : memref<8192xi32, #tpu.memory_space<vmem>>[vector<16xi32>], vector<16xi32>, vector<16xi1>
        %lt3A = arith.cmpi slt, %gather3A_1223, %get3A_1216 : vector<16xi32>
        %and3A = arith.andi %eq3A_1217, %lt3A : vector<16xi1>
        %reduce_or3A = arith.constant 1.000000e+00 : f32
        %reduce_or3A_1224 = arith.constant 0.000000e+00 : f32
        %reduce_or3A_1225 = vector.broadcast %reduce_or3A : f32 to vector<16xf32>
        %reduce_or3A_1226 = vector.broadcast %reduce_or3A_1224 : f32 to vector<16xf32>
        %reduce_or3A_1227 = arith.select %and3A, %reduce_or3A_1225, %reduce_or3A_1226 : vector<16xi1>, vector<16xf32>
        %reduce_or3A_1228 = arith.constant true
        %reduce_or3A_1229 = vector.broadcast %reduce_or3A_1228 : i1 to vector<16xi1>
        %reduce_or3A_1230 = tpu.scan <max>, %reduce_or3A_1227 masked %reduce_or3A_1229 : vector<16xf32>, vector<16xi1> -> vector<16xf32>
        %reduce_or3A_1231 = vector.extract %reduce_or3A_1230[15] : f32 from vector<16xf32>
        %reduce_or3A_1232 = arith.constant 0.000000e+00 : f32
        %reduce_or3A_1233 = arith.cmpf ogt, %reduce_or3A_1231, %reduce_or3A_1232 : f32
        scf.yield %reduce_or3A_1233 : i1
      }
      %scan3A_1221 = arith.constant 0 : i32
      scf.yield %scan3A_1221 : i32
    }
    %scan3A_351 = arith.constant 120 : i32
    %dma_wait3A_352 = arith.constant 0 : i32
    %dma_wait3A_353 = arith.constant 0 : i32
    %dma_wait3A_354 = tpu.memref_slice %arg5[%arg0, %dma_wait3A_352, %dma_wait3A_353] : memref<2x2x30720xi32, #tpu.memory_space<hbm>> -> memref<1x1x30720xi32, #tpu.memory_space<hbm>>
    %dma_wait3A_355 = tpu.memref_squeeze %dma_wait3A_354 : memref<1x1x30720xi32, #tpu.memory_space<hbm>> -> memref<30720xi32, #tpu.memory_space<hbm>>
    %dma_wait3A_356 = arith.constant 11520 : i32
    %dma_wait3A_357 = tpu.memref_slice %dma_wait3A_355[%dma_wait3A_356] : memref<30720xi32, #tpu.memory_space<hbm>> -> memref<1920xi32, #tpu.memory_space<hbm>>
    %dma_wait3A_358 = arith.constant 0 : i32
    %dma_wait3A_359 = tpu.memref_slice %arg5[%arg0, %dma_wait3A_352, %dma_wait3A_358] : memref<2x2x30720xi32, #tpu.memory_space<hbm>> -> memref<1x1x30720xi32, #tpu.memory_space<hbm>>
    %dma_wait3A_360 = tpu.memref_squeeze %dma_wait3A_359 : memref<1x1x30720xi32, #tpu.memory_space<hbm>> -> memref<30720xi32, #tpu.memory_space<hbm>>
    %dma_wait3A_361 = arith.constant 11520 : i32
    %dma_wait3A_362 = tpu.memref_slice %dma_wait3A_360[%dma_wait3A_361] : memref<30720xi32, #tpu.memory_space<hbm>> -> memref<1920xi32, #tpu.memory_space<hbm>>
    tpu.wait_dma2 semaphore(%arg16 : memref<!tpu.dma_semaphore, #tpu.memory_space<semaphore_mem>>) src(%dma_wait3A_362 : memref<1920xi32, #tpu.memory_space<hbm>>) dst(%arg8 : memref<1920xi32, #tpu.memory_space<vmem>>)
    %dma_wait3A_363 = arith.constant 1 : i32
    %dma_wait3A_364 = arith.constant 0 : i32
    %dma_wait3A_365 = tpu.memref_slice %arg5[%arg0, %dma_wait3A_363, %dma_wait3A_364] : memref<2x2x30720xi32, #tpu.memory_space<hbm>> -> memref<1x1x30720xi32, #tpu.memory_space<hbm>>
    %dma_wait3A_366 = tpu.memref_squeeze %dma_wait3A_365 : memref<1x1x30720xi32, #tpu.memory_space<hbm>> -> memref<30720xi32, #tpu.memory_space<hbm>>
    %dma_wait3A_367 = arith.constant 11520 : i32
    %dma_wait3A_368 = tpu.memref_slice %dma_wait3A_366[%dma_wait3A_367] : memref<30720xi32, #tpu.memory_space<hbm>> -> memref<1920xi32, #tpu.memory_space<hbm>>
    %dma_wait3A_369 = arith.constant 0 : i32
    %dma_wait3A_370 = tpu.memref_slice %arg5[%arg0, %dma_wait3A_363, %dma_wait3A_369] : memref<2x2x30720xi32, #tpu.memory_space<hbm>> -> memref<1x1x30720xi32, #tpu.memory_space<hbm>>
    %dma_wait3A_371 = tpu.memref_squeeze %dma_wait3A_370 : memref<1x1x30720xi32, #tpu.memory_space<hbm>> -> memref<30720xi32, #tpu.memory_space<hbm>>
    %dma_wait3A_372 = arith.constant 11520 : i32
    %dma_wait3A_373 = tpu.memref_slice %dma_wait3A_371[%dma_wait3A_372] : memref<30720xi32, #tpu.memory_space<hbm>> -> memref<1920xi32, #tpu.memory_space<hbm>>
    tpu.wait_dma2 semaphore(%arg17 : memref<!tpu.dma_semaphore, #tpu.memory_space<semaphore_mem>>) src(%dma_wait3A_373 : memref<1920xi32, #tpu.memory_space<hbm>>) dst(%arg10 : memref<1920xi32, #tpu.memory_space<vmem>>)
    %dma_start3A_374 = arith.constant 0 : i32
    %dma_start3A_375 = arith.constant 0 : i32
    %dma_start3A_376 = tpu.memref_slice %arg5[%arg0, %dma_start3A_374, %dma_start3A_375] : memref<2x2x30720xi32, #tpu.memory_space<hbm>> -> memref<1x1x30720xi32, #tpu.memory_space<hbm>>
    %dma_start3A_377 = tpu.memref_squeeze %dma_start3A_376 : memref<1x1x30720xi32, #tpu.memory_space<hbm>> -> memref<30720xi32, #tpu.memory_space<hbm>>
    %dma_start3A_378 = arith.constant 13440 : i32
    %dma_start3A_379 = tpu.memref_slice %dma_start3A_377[%dma_start3A_378] : memref<30720xi32, #tpu.memory_space<hbm>> -> memref<1920xi32, #tpu.memory_space<hbm>>
    %dma_start3A_380 = arith.constant 0 : i32
    %dma_start3A_381 = tpu.memref_slice %arg5[%arg0, %dma_start3A_374, %dma_start3A_380] : memref<2x2x30720xi32, #tpu.memory_space<hbm>> -> memref<1x1x30720xi32, #tpu.memory_space<hbm>>
    %dma_start3A_382 = tpu.memref_squeeze %dma_start3A_381 : memref<1x1x30720xi32, #tpu.memory_space<hbm>> -> memref<30720xi32, #tpu.memory_space<hbm>>
    %dma_start3A_383 = arith.constant 13440 : i32
    %dma_start3A_384 = tpu.memref_slice %dma_start3A_382[%dma_start3A_383] : memref<30720xi32, #tpu.memory_space<hbm>> -> memref<1920xi32, #tpu.memory_space<hbm>>
    tpu.enqueue_dma source(%dma_start3A_384 : memref<1920xi32, #tpu.memory_space<hbm>>) target(%arg9 : memref<1920xi32, #tpu.memory_space<vmem>>) target_semaphore(%arg16 : memref<!tpu.dma_semaphore, #tpu.memory_space<semaphore_mem>>)
    %dma_start3A_385 = arith.constant 1 : i32
    %dma_start3A_386 = arith.constant 0 : i32
    %dma_start3A_387 = tpu.memref_slice %arg5[%arg0, %dma_start3A_385, %dma_start3A_386] : memref<2x2x30720xi32, #tpu.memory_space<hbm>> -> memref<1x1x30720xi32, #tpu.memory_space<hbm>>
    %dma_start3A_388 = tpu.memref_squeeze %dma_start3A_387 : memref<1x1x30720xi32, #tpu.memory_space<hbm>> -> memref<30720xi32, #tpu.memory_space<hbm>>
    %dma_start3A_389 = arith.constant 13440 : i32
    %dma_start3A_390 = tpu.memref_slice %dma_start3A_388[%dma_start3A_389] : memref<30720xi32, #tpu.memory_space<hbm>> -> memref<1920xi32, #tpu.memory_space<hbm>>
    %dma_start3A_391 = arith.constant 0 : i32
    %dma_start3A_392 = tpu.memref_slice %arg5[%arg0, %dma_start3A_385, %dma_start3A_391] : memref<2x2x30720xi32, #tpu.memory_space<hbm>> -> memref<1x1x30720xi32, #tpu.memory_space<hbm>>
    %dma_start3A_393 = tpu.memref_squeeze %dma_start3A_392 : memref<1x1x30720xi32, #tpu.memory_space<hbm>> -> memref<30720xi32, #tpu.memory_space<hbm>>
    %dma_start3A_394 = arith.constant 13440 : i32
    %dma_start3A_395 = tpu.memref_slice %dma_start3A_393[%dma_start3A_394] : memref<30720xi32, #tpu.memory_space<hbm>> -> memref<1920xi32, #tpu.memory_space<hbm>>
    tpu.enqueue_dma source(%dma_start3A_395 : memref<1920xi32, #tpu.memory_space<hbm>>) target(%arg11 : memref<1920xi32, #tpu.memory_space<vmem>>) target_semaphore(%arg17 : memref<!tpu.dma_semaphore, #tpu.memory_space<semaphore_mem>>)
    %scan3A_396 = arith.constant 0 : i32
    %scan3A_397 = arith.constant 0 : i32
    %scan3A_398 = arith.constant 120 : i32
    %scan3A_399 = arith.addi %scan3A_397, %scan3A_398 : i32
    %scan3A_400 = arith.constant 1 : i32
    %scan3A_401 = scf.for %scan3A_1208 = %scan3A_397 to %scan3A_399 step %scan3A_400 iter_args(%scan3A_1209 = %scan3A_396) -> (i32)  : i32 {
      %mul3A_1210 = arith.constant 16 : i32
      %mul3A_1211 = arith.muli %scan3A_1208, %mul3A_1210 : i32
      %get3A = arith.index_cast %mul3A_1211 : i32 to index
      %get3A_1212 = tpu.vector_load %arg8[%get3A] {strides = array<i32>} : memref<1920xi32, #tpu.memory_space<vmem>>, vector<16xi32>,
      %mul3A_1213 = arith.constant 16 : i32
      %mul3A_1214 = arith.muli %scan3A_1208, %mul3A_1213 : i32
      %get3A_1215 = arith.index_cast %mul3A_1214 : i32 to index
      %get3A_1216 = tpu.vector_load %arg10[%get3A_1215] {strides = array<i32>} : memref<1920xi32, #tpu.memory_space<vmem>>, vector<16xi32>,
      %eq3A = vector.broadcast %add3A : i32 to vector<16xi32>
      %eq3A_1217 = arith.cmpi eq, %get3A_1212, %eq3A : vector<16xi32>
      %shift_right_arithmetic3A = arith.constant 15 : i32
      %shift_right_arithmetic3A_1218 = vector.broadcast %shift_right_arithmetic3A : i32 to vector<16xi32>
      %shift_right_arithmetic3A_1219 = arith.shrsi %get3A_1216, %shift_right_arithmetic3A_1218 : vector<16xi32>
      %while3A = arith.constant true
      %while3A_1220 = scf.while (%while3A_1222 = %while3A) : (i1) -> i1 {
        scf.condition(%while3A_1222) %while3A_1222 : i1
      } do {
      ^bb0(%while3A_1222: i1):
        %gather3A = tpu.vector_load_idx %arg6[%shift_right_arithmetic3A_1219] masked %eq3A_1217 : memref<8192xi32, #tpu.memory_space<vmem>>[vector<16xi32>], vector<16xi32>, vector<16xi1>
        %max3A = arith.maxsi %gather3A, %get3A_1216 : vector<16xi32>
        tpu.vector_store_idx %arg6[%shift_right_arithmetic3A_1219], %max3A masked %eq3A_1217 : memref<8192xi32, #tpu.memory_space<vmem>>[vector<16xi32>], vector<16xi32>, vector<16xi1>
        %gather3A_1223 = tpu.vector_load_idx %arg6[%shift_right_arithmetic3A_1219] masked %eq3A_1217 : memref<8192xi32, #tpu.memory_space<vmem>>[vector<16xi32>], vector<16xi32>, vector<16xi1>
        %lt3A = arith.cmpi slt, %gather3A_1223, %get3A_1216 : vector<16xi32>
        %and3A = arith.andi %eq3A_1217, %lt3A : vector<16xi1>
        %reduce_or3A = arith.constant 1.000000e+00 : f32
        %reduce_or3A_1224 = arith.constant 0.000000e+00 : f32
        %reduce_or3A_1225 = vector.broadcast %reduce_or3A : f32 to vector<16xf32>
        %reduce_or3A_1226 = vector.broadcast %reduce_or3A_1224 : f32 to vector<16xf32>
        %reduce_or3A_1227 = arith.select %and3A, %reduce_or3A_1225, %reduce_or3A_1226 : vector<16xi1>, vector<16xf32>
        %reduce_or3A_1228 = arith.constant true
        %reduce_or3A_1229 = vector.broadcast %reduce_or3A_1228 : i1 to vector<16xi1>
        %reduce_or3A_1230 = tpu.scan <max>, %reduce_or3A_1227 masked %reduce_or3A_1229 : vector<16xf32>, vector<16xi1> -> vector<16xf32>
        %reduce_or3A_1231 = vector.extract %reduce_or3A_1230[15] : f32 from vector<16xf32>
        %reduce_or3A_1232 = arith.constant 0.000000e+00 : f32
        %reduce_or3A_1233 = arith.cmpf ogt, %reduce_or3A_1231, %reduce_or3A_1232 : f32
        scf.yield %reduce_or3A_1233 : i1
      }
      %scan3A_1221 = arith.constant 0 : i32
      scf.yield %scan3A_1221 : i32
    }
    %scan3A_402 = arith.constant 120 : i32
    %dma_wait3A_403 = arith.constant 0 : i32
    %dma_wait3A_404 = arith.constant 0 : i32
    %dma_wait3A_405 = tpu.memref_slice %arg5[%arg0, %dma_wait3A_403, %dma_wait3A_404] : memref<2x2x30720xi32, #tpu.memory_space<hbm>> -> memref<1x1x30720xi32, #tpu.memory_space<hbm>>
    %dma_wait3A_406 = tpu.memref_squeeze %dma_wait3A_405 : memref<1x1x30720xi32, #tpu.memory_space<hbm>> -> memref<30720xi32, #tpu.memory_space<hbm>>
    %dma_wait3A_407 = arith.constant 13440 : i32
    %dma_wait3A_408 = tpu.memref_slice %dma_wait3A_406[%dma_wait3A_407] : memref<30720xi32, #tpu.memory_space<hbm>> -> memref<1920xi32, #tpu.memory_space<hbm>>
    %dma_wait3A_409 = arith.constant 0 : i32
    %dma_wait3A_410 = tpu.memref_slice %arg5[%arg0, %dma_wait3A_403, %dma_wait3A_409] : memref<2x2x30720xi32, #tpu.memory_space<hbm>> -> memref<1x1x30720xi32, #tpu.memory_space<hbm>>
    %dma_wait3A_411 = tpu.memref_squeeze %dma_wait3A_410 : memref<1x1x30720xi32, #tpu.memory_space<hbm>> -> memref<30720xi32, #tpu.memory_space<hbm>>
    %dma_wait3A_412 = arith.constant 13440 : i32
    %dma_wait3A_413 = tpu.memref_slice %dma_wait3A_411[%dma_wait3A_412] : memref<30720xi32, #tpu.memory_space<hbm>> -> memref<1920xi32, #tpu.memory_space<hbm>>
    tpu.wait_dma2 semaphore(%arg16 : memref<!tpu.dma_semaphore, #tpu.memory_space<semaphore_mem>>) src(%dma_wait3A_413 : memref<1920xi32, #tpu.memory_space<hbm>>) dst(%arg9 : memref<1920xi32, #tpu.memory_space<vmem>>)
    %dma_wait3A_414 = arith.constant 1 : i32
    %dma_wait3A_415 = arith.constant 0 : i32
    %dma_wait3A_416 = tpu.memref_slice %arg5[%arg0, %dma_wait3A_414, %dma_wait3A_415] : memref<2x2x30720xi32, #tpu.memory_space<hbm>> -> memref<1x1x30720xi32, #tpu.memory_space<hbm>>
    %dma_wait3A_417 = tpu.memref_squeeze %dma_wait3A_416 : memref<1x1x30720xi32, #tpu.memory_space<hbm>> -> memref<30720xi32, #tpu.memory_space<hbm>>
    %dma_wait3A_418 = arith.constant 13440 : i32
    %dma_wait3A_419 = tpu.memref_slice %dma_wait3A_417[%dma_wait3A_418] : memref<30720xi32, #tpu.memory_space<hbm>> -> memref<1920xi32, #tpu.memory_space<hbm>>
    %dma_wait3A_420 = arith.constant 0 : i32
    %dma_wait3A_421 = tpu.memref_slice %arg5[%arg0, %dma_wait3A_414, %dma_wait3A_420] : memref<2x2x30720xi32, #tpu.memory_space<hbm>> -> memref<1x1x30720xi32, #tpu.memory_space<hbm>>
    %dma_wait3A_422 = tpu.memref_squeeze %dma_wait3A_421 : memref<1x1x30720xi32, #tpu.memory_space<hbm>> -> memref<30720xi32, #tpu.memory_space<hbm>>
    %dma_wait3A_423 = arith.constant 13440 : i32
    %dma_wait3A_424 = tpu.memref_slice %dma_wait3A_422[%dma_wait3A_423] : memref<30720xi32, #tpu.memory_space<hbm>> -> memref<1920xi32, #tpu.memory_space<hbm>>
    tpu.wait_dma2 semaphore(%arg17 : memref<!tpu.dma_semaphore, #tpu.memory_space<semaphore_mem>>) src(%dma_wait3A_424 : memref<1920xi32, #tpu.memory_space<hbm>>) dst(%arg11 : memref<1920xi32, #tpu.memory_space<vmem>>)
    %dma_start3A_425 = arith.constant 0 : i32
    %dma_start3A_426 = arith.constant 0 : i32
    %dma_start3A_427 = tpu.memref_slice %arg5[%arg0, %dma_start3A_425, %dma_start3A_426] : memref<2x2x30720xi32, #tpu.memory_space<hbm>> -> memref<1x1x30720xi32, #tpu.memory_space<hbm>>
    %dma_start3A_428 = tpu.memref_squeeze %dma_start3A_427 : memref<1x1x30720xi32, #tpu.memory_space<hbm>> -> memref<30720xi32, #tpu.memory_space<hbm>>
    %dma_start3A_429 = arith.constant 15360 : i32
    %dma_start3A_430 = tpu.memref_slice %dma_start3A_428[%dma_start3A_429] : memref<30720xi32, #tpu.memory_space<hbm>> -> memref<1920xi32, #tpu.memory_space<hbm>>
    %dma_start3A_431 = arith.constant 0 : i32
    %dma_start3A_432 = tpu.memref_slice %arg5[%arg0, %dma_start3A_425, %dma_start3A_431] : memref<2x2x30720xi32, #tpu.memory_space<hbm>> -> memref<1x1x30720xi32, #tpu.memory_space<hbm>>
    %dma_start3A_433 = tpu.memref_squeeze %dma_start3A_432 : memref<1x1x30720xi32, #tpu.memory_space<hbm>> -> memref<30720xi32, #tpu.memory_space<hbm>>
    %dma_start3A_434 = arith.constant 15360 : i32
    %dma_start3A_435 = tpu.memref_slice %dma_start3A_433[%dma_start3A_434] : memref<30720xi32, #tpu.memory_space<hbm>> -> memref<1920xi32, #tpu.memory_space<hbm>>
    tpu.enqueue_dma source(%dma_start3A_435 : memref<1920xi32, #tpu.memory_space<hbm>>) target(%arg8 : memref<1920xi32, #tpu.memory_space<vmem>>) target_semaphore(%arg16 : memref<!tpu.dma_semaphore, #tpu.memory_space<semaphore_mem>>)
    %dma_start3A_436 = arith.constant 1 : i32
    %dma_start3A_437 = arith.constant 0 : i32
    %dma_start3A_438 = tpu.memref_slice %arg5[%arg0, %dma_start3A_436, %dma_start3A_437] : memref<2x2x30720xi32, #tpu.memory_space<hbm>> -> memref<1x1x30720xi32, #tpu.memory_space<hbm>>
    %dma_start3A_439 = tpu.memref_squeeze %dma_start3A_438 : memref<1x1x30720xi32, #tpu.memory_space<hbm>> -> memref<30720xi32, #tpu.memory_space<hbm>>
    %dma_start3A_440 = arith.constant 15360 : i32
    %dma_start3A_441 = tpu.memref_slice %dma_start3A_439[%dma_start3A_440] : memref<30720xi32, #tpu.memory_space<hbm>> -> memref<1920xi32, #tpu.memory_space<hbm>>
    %dma_start3A_442 = arith.constant 0 : i32
    %dma_start3A_443 = tpu.memref_slice %arg5[%arg0, %dma_start3A_436, %dma_start3A_442] : memref<2x2x30720xi32, #tpu.memory_space<hbm>> -> memref<1x1x30720xi32, #tpu.memory_space<hbm>>
    %dma_start3A_444 = tpu.memref_squeeze %dma_start3A_443 : memref<1x1x30720xi32, #tpu.memory_space<hbm>> -> memref<30720xi32, #tpu.memory_space<hbm>>
    %dma_start3A_445 = arith.constant 15360 : i32
    %dma_start3A_446 = tpu.memref_slice %dma_start3A_444[%dma_start3A_445] : memref<30720xi32, #tpu.memory_space<hbm>> -> memref<1920xi32, #tpu.memory_space<hbm>>
    tpu.enqueue_dma source(%dma_start3A_446 : memref<1920xi32, #tpu.memory_space<hbm>>) target(%arg10 : memref<1920xi32, #tpu.memory_space<vmem>>) target_semaphore(%arg17 : memref<!tpu.dma_semaphore, #tpu.memory_space<semaphore_mem>>)
    %scan3A_447 = arith.constant 0 : i32
    %scan3A_448 = arith.constant 0 : i32
    %scan3A_449 = arith.constant 120 : i32
    %scan3A_450 = arith.addi %scan3A_448, %scan3A_449 : i32
    %scan3A_451 = arith.constant 1 : i32
    %scan3A_452 = scf.for %scan3A_1208 = %scan3A_448 to %scan3A_450 step %scan3A_451 iter_args(%scan3A_1209 = %scan3A_447) -> (i32)  : i32 {
      %mul3A_1210 = arith.constant 16 : i32
      %mul3A_1211 = arith.muli %scan3A_1208, %mul3A_1210 : i32
      %get3A = arith.index_cast %mul3A_1211 : i32 to index
      %get3A_1212 = tpu.vector_load %arg9[%get3A] {strides = array<i32>} : memref<1920xi32, #tpu.memory_space<vmem>>, vector<16xi32>,
      %mul3A_1213 = arith.constant 16 : i32
      %mul3A_1214 = arith.muli %scan3A_1208, %mul3A_1213 : i32
      %get3A_1215 = arith.index_cast %mul3A_1214 : i32 to index
      %get3A_1216 = tpu.vector_load %arg11[%get3A_1215] {strides = array<i32>} : memref<1920xi32, #tpu.memory_space<vmem>>, vector<16xi32>,
      %eq3A = vector.broadcast %add3A : i32 to vector<16xi32>
      %eq3A_1217 = arith.cmpi eq, %get3A_1212, %eq3A : vector<16xi32>
      %shift_right_arithmetic3A = arith.constant 15 : i32
      %shift_right_arithmetic3A_1218 = vector.broadcast %shift_right_arithmetic3A : i32 to vector<16xi32>
      %shift_right_arithmetic3A_1219 = arith.shrsi %get3A_1216, %shift_right_arithmetic3A_1218 : vector<16xi32>
      %while3A = arith.constant true
      %while3A_1220 = scf.while (%while3A_1222 = %while3A) : (i1) -> i1 {
        scf.condition(%while3A_1222) %while3A_1222 : i1
      } do {
      ^bb0(%while3A_1222: i1):
        %gather3A = tpu.vector_load_idx %arg6[%shift_right_arithmetic3A_1219] masked %eq3A_1217 : memref<8192xi32, #tpu.memory_space<vmem>>[vector<16xi32>], vector<16xi32>, vector<16xi1>
        %max3A = arith.maxsi %gather3A, %get3A_1216 : vector<16xi32>
        tpu.vector_store_idx %arg6[%shift_right_arithmetic3A_1219], %max3A masked %eq3A_1217 : memref<8192xi32, #tpu.memory_space<vmem>>[vector<16xi32>], vector<16xi32>, vector<16xi1>
        %gather3A_1223 = tpu.vector_load_idx %arg6[%shift_right_arithmetic3A_1219] masked %eq3A_1217 : memref<8192xi32, #tpu.memory_space<vmem>>[vector<16xi32>], vector<16xi32>, vector<16xi1>
        %lt3A = arith.cmpi slt, %gather3A_1223, %get3A_1216 : vector<16xi32>
        %and3A = arith.andi %eq3A_1217, %lt3A : vector<16xi1>
        %reduce_or3A = arith.constant 1.000000e+00 : f32
        %reduce_or3A_1224 = arith.constant 0.000000e+00 : f32
        %reduce_or3A_1225 = vector.broadcast %reduce_or3A : f32 to vector<16xf32>
        %reduce_or3A_1226 = vector.broadcast %reduce_or3A_1224 : f32 to vector<16xf32>
        %reduce_or3A_1227 = arith.select %and3A, %reduce_or3A_1225, %reduce_or3A_1226 : vector<16xi1>, vector<16xf32>
        %reduce_or3A_1228 = arith.constant true
        %reduce_or3A_1229 = vector.broadcast %reduce_or3A_1228 : i1 to vector<16xi1>
        %reduce_or3A_1230 = tpu.scan <max>, %reduce_or3A_1227 masked %reduce_or3A_1229 : vector<16xf32>, vector<16xi1> -> vector<16xf32>
        %reduce_or3A_1231 = vector.extract %reduce_or3A_1230[15] : f32 from vector<16xf32>
        %reduce_or3A_1232 = arith.constant 0.000000e+00 : f32
        %reduce_or3A_1233 = arith.cmpf ogt, %reduce_or3A_1231, %reduce_or3A_1232 : f32
        scf.yield %reduce_or3A_1233 : i1
      }
      %scan3A_1221 = arith.constant 0 : i32
      scf.yield %scan3A_1221 : i32
    }
    %scan3A_453 = arith.constant 120 : i32
    %dma_wait3A_454 = arith.constant 0 : i32
    %dma_wait3A_455 = arith.constant 0 : i32
    %dma_wait3A_456 = tpu.memref_slice %arg5[%arg0, %dma_wait3A_454, %dma_wait3A_455] : memref<2x2x30720xi32, #tpu.memory_space<hbm>> -> memref<1x1x30720xi32, #tpu.memory_space<hbm>>
    %dma_wait3A_457 = tpu.memref_squeeze %dma_wait3A_456 : memref<1x1x30720xi32, #tpu.memory_space<hbm>> -> memref<30720xi32, #tpu.memory_space<hbm>>
    %dma_wait3A_458 = arith.constant 15360 : i32
    %dma_wait3A_459 = tpu.memref_slice %dma_wait3A_457[%dma_wait3A_458] : memref<30720xi32, #tpu.memory_space<hbm>> -> memref<1920xi32, #tpu.memory_space<hbm>>
    %dma_wait3A_460 = arith.constant 0 : i32
    %dma_wait3A_461 = tpu.memref_slice %arg5[%arg0, %dma_wait3A_454, %dma_wait3A_460] : memref<2x2x30720xi32, #tpu.memory_space<hbm>> -> memref<1x1x30720xi32, #tpu.memory_space<hbm>>
    %dma_wait3A_462 = tpu.memref_squeeze %dma_wait3A_461 : memref<1x1x30720xi32, #tpu.memory_space<hbm>> -> memref<30720xi32, #tpu.memory_space<hbm>>
    %dma_wait3A_463 = arith.constant 15360 : i32
    %dma_wait3A_464 = tpu.memref_slice %dma_wait3A_462[%dma_wait3A_463] : memref<30720xi32, #tpu.memory_space<hbm>> -> memref<1920xi32, #tpu.memory_space<hbm>>
    tpu.wait_dma2 semaphore(%arg16 : memref<!tpu.dma_semaphore, #tpu.memory_space<semaphore_mem>>) src(%dma_wait3A_464 : memref<1920xi32, #tpu.memory_space<hbm>>) dst(%arg8 : memref<1920xi32, #tpu.memory_space<vmem>>)
    %dma_wait3A_465 = arith.constant 1 : i32
    %dma_wait3A_466 = arith.constant 0 : i32
    %dma_wait3A_467 = tpu.memref_slice %arg5[%arg0, %dma_wait3A_465, %dma_wait3A_466] : memref<2x2x30720xi32, #tpu.memory_space<hbm>> -> memref<1x1x30720xi32, #tpu.memory_space<hbm>>
    %dma_wait3A_468 = tpu.memref_squeeze %dma_wait3A_467 : memref<1x1x30720xi32, #tpu.memory_space<hbm>> -> memref<30720xi32, #tpu.memory_space<hbm>>
    %dma_wait3A_469 = arith.constant 15360 : i32
    %dma_wait3A_470 = tpu.memref_slice %dma_wait3A_468[%dma_wait3A_469] : memref<30720xi32, #tpu.memory_space<hbm>> -> memref<1920xi32, #tpu.memory_space<hbm>>
    %dma_wait3A_471 = arith.constant 0 : i32
    %dma_wait3A_472 = tpu.memref_slice %arg5[%arg0, %dma_wait3A_465, %dma_wait3A_471] : memref<2x2x30720xi32, #tpu.memory_space<hbm>> -> memref<1x1x30720xi32, #tpu.memory_space<hbm>>
    %dma_wait3A_473 = tpu.memref_squeeze %dma_wait3A_472 : memref<1x1x30720xi32, #tpu.memory_space<hbm>> -> memref<30720xi32, #tpu.memory_space<hbm>>
    %dma_wait3A_474 = arith.constant 15360 : i32
    %dma_wait3A_475 = tpu.memref_slice %dma_wait3A_473[%dma_wait3A_474] : memref<30720xi32, #tpu.memory_space<hbm>> -> memref<1920xi32, #tpu.memory_space<hbm>>
    tpu.wait_dma2 semaphore(%arg17 : memref<!tpu.dma_semaphore, #tpu.memory_space<semaphore_mem>>) src(%dma_wait3A_475 : memref<1920xi32, #tpu.memory_space<hbm>>) dst(%arg10 : memref<1920xi32, #tpu.memory_space<vmem>>)
    %dma_start3A_476 = arith.constant 0 : i32
    %dma_start3A_477 = arith.constant 0 : i32
    %dma_start3A_478 = tpu.memref_slice %arg5[%arg0, %dma_start3A_476, %dma_start3A_477] : memref<2x2x30720xi32, #tpu.memory_space<hbm>> -> memref<1x1x30720xi32, #tpu.memory_space<hbm>>
    %dma_start3A_479 = tpu.memref_squeeze %dma_start3A_478 : memref<1x1x30720xi32, #tpu.memory_space<hbm>> -> memref<30720xi32, #tpu.memory_space<hbm>>
    %dma_start3A_480 = arith.constant 17280 : i32
    %dma_start3A_481 = tpu.memref_slice %dma_start3A_479[%dma_start3A_480] : memref<30720xi32, #tpu.memory_space<hbm>> -> memref<1920xi32, #tpu.memory_space<hbm>>
    %dma_start3A_482 = arith.constant 0 : i32
    %dma_start3A_483 = tpu.memref_slice %arg5[%arg0, %dma_start3A_476, %dma_start3A_482] : memref<2x2x30720xi32, #tpu.memory_space<hbm>> -> memref<1x1x30720xi32, #tpu.memory_space<hbm>>
    %dma_start3A_484 = tpu.memref_squeeze %dma_start3A_483 : memref<1x1x30720xi32, #tpu.memory_space<hbm>> -> memref<30720xi32, #tpu.memory_space<hbm>>
    %dma_start3A_485 = arith.constant 17280 : i32
    %dma_start3A_486 = tpu.memref_slice %dma_start3A_484[%dma_start3A_485] : memref<30720xi32, #tpu.memory_space<hbm>> -> memref<1920xi32, #tpu.memory_space<hbm>>
    tpu.enqueue_dma source(%dma_start3A_486 : memref<1920xi32, #tpu.memory_space<hbm>>) target(%arg9 : memref<1920xi32, #tpu.memory_space<vmem>>) target_semaphore(%arg16 : memref<!tpu.dma_semaphore, #tpu.memory_space<semaphore_mem>>)
    %dma_start3A_487 = arith.constant 1 : i32
    %dma_start3A_488 = arith.constant 0 : i32
    %dma_start3A_489 = tpu.memref_slice %arg5[%arg0, %dma_start3A_487, %dma_start3A_488] : memref<2x2x30720xi32, #tpu.memory_space<hbm>> -> memref<1x1x30720xi32, #tpu.memory_space<hbm>>
    %dma_start3A_490 = tpu.memref_squeeze %dma_start3A_489 : memref<1x1x30720xi32, #tpu.memory_space<hbm>> -> memref<30720xi32, #tpu.memory_space<hbm>>
    %dma_start3A_491 = arith.constant 17280 : i32
    %dma_start3A_492 = tpu.memref_slice %dma_start3A_490[%dma_start3A_491] : memref<30720xi32, #tpu.memory_space<hbm>> -> memref<1920xi32, #tpu.memory_space<hbm>>
    %dma_start3A_493 = arith.constant 0 : i32
    %dma_start3A_494 = tpu.memref_slice %arg5[%arg0, %dma_start3A_487, %dma_start3A_493] : memref<2x2x30720xi32, #tpu.memory_space<hbm>> -> memref<1x1x30720xi32, #tpu.memory_space<hbm>>
    %dma_start3A_495 = tpu.memref_squeeze %dma_start3A_494 : memref<1x1x30720xi32, #tpu.memory_space<hbm>> -> memref<30720xi32, #tpu.memory_space<hbm>>
    %dma_start3A_496 = arith.constant 17280 : i32
    %dma_start3A_497 = tpu.memref_slice %dma_start3A_495[%dma_start3A_496] : memref<30720xi32, #tpu.memory_space<hbm>> -> memref<1920xi32, #tpu.memory_space<hbm>>
    tpu.enqueue_dma source(%dma_start3A_497 : memref<1920xi32, #tpu.memory_space<hbm>>) target(%arg11 : memref<1920xi32, #tpu.memory_space<vmem>>) target_semaphore(%arg17 : memref<!tpu.dma_semaphore, #tpu.memory_space<semaphore_mem>>)
    %scan3A_498 = arith.constant 0 : i32
    %scan3A_499 = arith.constant 0 : i32
    %scan3A_500 = arith.constant 120 : i32
    %scan3A_501 = arith.addi %scan3A_499, %scan3A_500 : i32
    %scan3A_502 = arith.constant 1 : i32
    %scan3A_503 = scf.for %scan3A_1208 = %scan3A_499 to %scan3A_501 step %scan3A_502 iter_args(%scan3A_1209 = %scan3A_498) -> (i32)  : i32 {
      %mul3A_1210 = arith.constant 16 : i32
      %mul3A_1211 = arith.muli %scan3A_1208, %mul3A_1210 : i32
      %get3A = arith.index_cast %mul3A_1211 : i32 to index
      %get3A_1212 = tpu.vector_load %arg8[%get3A] {strides = array<i32>} : memref<1920xi32, #tpu.memory_space<vmem>>, vector<16xi32>,
      %mul3A_1213 = arith.constant 16 : i32
      %mul3A_1214 = arith.muli %scan3A_1208, %mul3A_1213 : i32
      %get3A_1215 = arith.index_cast %mul3A_1214 : i32 to index
      %get3A_1216 = tpu.vector_load %arg10[%get3A_1215] {strides = array<i32>} : memref<1920xi32, #tpu.memory_space<vmem>>, vector<16xi32>,
      %eq3A = vector.broadcast %add3A : i32 to vector<16xi32>
      %eq3A_1217 = arith.cmpi eq, %get3A_1212, %eq3A : vector<16xi32>
      %shift_right_arithmetic3A = arith.constant 15 : i32
      %shift_right_arithmetic3A_1218 = vector.broadcast %shift_right_arithmetic3A : i32 to vector<16xi32>
      %shift_right_arithmetic3A_1219 = arith.shrsi %get3A_1216, %shift_right_arithmetic3A_1218 : vector<16xi32>
      %while3A = arith.constant true
      %while3A_1220 = scf.while (%while3A_1222 = %while3A) : (i1) -> i1 {
        scf.condition(%while3A_1222) %while3A_1222 : i1
      } do {
      ^bb0(%while3A_1222: i1):
        %gather3A = tpu.vector_load_idx %arg6[%shift_right_arithmetic3A_1219] masked %eq3A_1217 : memref<8192xi32, #tpu.memory_space<vmem>>[vector<16xi32>], vector<16xi32>, vector<16xi1>
        %max3A = arith.maxsi %gather3A, %get3A_1216 : vector<16xi32>
        tpu.vector_store_idx %arg6[%shift_right_arithmetic3A_1219], %max3A masked %eq3A_1217 : memref<8192xi32, #tpu.memory_space<vmem>>[vector<16xi32>], vector<16xi32>, vector<16xi1>
        %gather3A_1223 = tpu.vector_load_idx %arg6[%shift_right_arithmetic3A_1219] masked %eq3A_1217 : memref<8192xi32, #tpu.memory_space<vmem>>[vector<16xi32>], vector<16xi32>, vector<16xi1>
        %lt3A = arith.cmpi slt, %gather3A_1223, %get3A_1216 : vector<16xi32>
        %and3A = arith.andi %eq3A_1217, %lt3A : vector<16xi1>
        %reduce_or3A = arith.constant 1.000000e+00 : f32
        %reduce_or3A_1224 = arith.constant 0.000000e+00 : f32
        %reduce_or3A_1225 = vector.broadcast %reduce_or3A : f32 to vector<16xf32>
        %reduce_or3A_1226 = vector.broadcast %reduce_or3A_1224 : f32 to vector<16xf32>
        %reduce_or3A_1227 = arith.select %and3A, %reduce_or3A_1225, %reduce_or3A_1226 : vector<16xi1>, vector<16xf32>
        %reduce_or3A_1228 = arith.constant true
        %reduce_or3A_1229 = vector.broadcast %reduce_or3A_1228 : i1 to vector<16xi1>
        %reduce_or3A_1230 = tpu.scan <max>, %reduce_or3A_1227 masked %reduce_or3A_1229 : vector<16xf32>, vector<16xi1> -> vector<16xf32>
        %reduce_or3A_1231 = vector.extract %reduce_or3A_1230[15] : f32 from vector<16xf32>
        %reduce_or3A_1232 = arith.constant 0.000000e+00 : f32
        %reduce_or3A_1233 = arith.cmpf ogt, %reduce_or3A_1231, %reduce_or3A_1232 : f32
        scf.yield %reduce_or3A_1233 : i1
      }
      %scan3A_1221 = arith.constant 0 : i32
      scf.yield %scan3A_1221 : i32
    }
    %scan3A_504 = arith.constant 120 : i32
    %dma_wait3A_505 = arith.constant 0 : i32
    %dma_wait3A_506 = arith.constant 0 : i32
    %dma_wait3A_507 = tpu.memref_slice %arg5[%arg0, %dma_wait3A_505, %dma_wait3A_506] : memref<2x2x30720xi32, #tpu.memory_space<hbm>> -> memref<1x1x30720xi32, #tpu.memory_space<hbm>>
    %dma_wait3A_508 = tpu.memref_squeeze %dma_wait3A_507 : memref<1x1x30720xi32, #tpu.memory_space<hbm>> -> memref<30720xi32, #tpu.memory_space<hbm>>
    %dma_wait3A_509 = arith.constant 17280 : i32
    %dma_wait3A_510 = tpu.memref_slice %dma_wait3A_508[%dma_wait3A_509] : memref<30720xi32, #tpu.memory_space<hbm>> -> memref<1920xi32, #tpu.memory_space<hbm>>
    %dma_wait3A_511 = arith.constant 0 : i32
    %dma_wait3A_512 = tpu.memref_slice %arg5[%arg0, %dma_wait3A_505, %dma_wait3A_511] : memref<2x2x30720xi32, #tpu.memory_space<hbm>> -> memref<1x1x30720xi32, #tpu.memory_space<hbm>>
    %dma_wait3A_513 = tpu.memref_squeeze %dma_wait3A_512 : memref<1x1x30720xi32, #tpu.memory_space<hbm>> -> memref<30720xi32, #tpu.memory_space<hbm>>
    %dma_wait3A_514 = arith.constant 17280 : i32
    %dma_wait3A_515 = tpu.memref_slice %dma_wait3A_513[%dma_wait3A_514] : memref<30720xi32, #tpu.memory_space<hbm>> -> memref<1920xi32, #tpu.memory_space<hbm>>
    tpu.wait_dma2 semaphore(%arg16 : memref<!tpu.dma_semaphore, #tpu.memory_space<semaphore_mem>>) src(%dma_wait3A_515 : memref<1920xi32, #tpu.memory_space<hbm>>) dst(%arg9 : memref<1920xi32, #tpu.memory_space<vmem>>)
    %dma_wait3A_516 = arith.constant 1 : i32
    %dma_wait3A_517 = arith.constant 0 : i32
    %dma_wait3A_518 = tpu.memref_slice %arg5[%arg0, %dma_wait3A_516, %dma_wait3A_517] : memref<2x2x30720xi32, #tpu.memory_space<hbm>> -> memref<1x1x30720xi32, #tpu.memory_space<hbm>>
    %dma_wait3A_519 = tpu.memref_squeeze %dma_wait3A_518 : memref<1x1x30720xi32, #tpu.memory_space<hbm>> -> memref<30720xi32, #tpu.memory_space<hbm>>
    %dma_wait3A_520 = arith.constant 17280 : i32
    %dma_wait3A_521 = tpu.memref_slice %dma_wait3A_519[%dma_wait3A_520] : memref<30720xi32, #tpu.memory_space<hbm>> -> memref<1920xi32, #tpu.memory_space<hbm>>
    %dma_wait3A_522 = arith.constant 0 : i32
    %dma_wait3A_523 = tpu.memref_slice %arg5[%arg0, %dma_wait3A_516, %dma_wait3A_522] : memref<2x2x30720xi32, #tpu.memory_space<hbm>> -> memref<1x1x30720xi32, #tpu.memory_space<hbm>>
    %dma_wait3A_524 = tpu.memref_squeeze %dma_wait3A_523 : memref<1x1x30720xi32, #tpu.memory_space<hbm>> -> memref<30720xi32, #tpu.memory_space<hbm>>
    %dma_wait3A_525 = arith.constant 17280 : i32
    %dma_wait3A_526 = tpu.memref_slice %dma_wait3A_524[%dma_wait3A_525] : memref<30720xi32, #tpu.memory_space<hbm>> -> memref<1920xi32, #tpu.memory_space<hbm>>
    tpu.wait_dma2 semaphore(%arg17 : memref<!tpu.dma_semaphore, #tpu.memory_space<semaphore_mem>>) src(%dma_wait3A_526 : memref<1920xi32, #tpu.memory_space<hbm>>) dst(%arg11 : memref<1920xi32, #tpu.memory_space<vmem>>)
    %dma_start3A_527 = arith.constant 0 : i32
    %dma_start3A_528 = arith.constant 0 : i32
    %dma_start3A_529 = tpu.memref_slice %arg5[%arg0, %dma_start3A_527, %dma_start3A_528] : memref<2x2x30720xi32, #tpu.memory_space<hbm>> -> memref<1x1x30720xi32, #tpu.memory_space<hbm>>
    %dma_start3A_530 = tpu.memref_squeeze %dma_start3A_529 : memref<1x1x30720xi32, #tpu.memory_space<hbm>> -> memref<30720xi32, #tpu.memory_space<hbm>>
    %dma_start3A_531 = arith.constant 19200 : i32
    %dma_start3A_532 = tpu.memref_slice %dma_start3A_530[%dma_start3A_531] : memref<30720xi32, #tpu.memory_space<hbm>> -> memref<1920xi32, #tpu.memory_space<hbm>>
    %dma_start3A_533 = arith.constant 0 : i32
    %dma_start3A_534 = tpu.memref_slice %arg5[%arg0, %dma_start3A_527, %dma_start3A_533] : memref<2x2x30720xi32, #tpu.memory_space<hbm>> -> memref<1x1x30720xi32, #tpu.memory_space<hbm>>
    %dma_start3A_535 = tpu.memref_squeeze %dma_start3A_534 : memref<1x1x30720xi32, #tpu.memory_space<hbm>> -> memref<30720xi32, #tpu.memory_space<hbm>>
    %dma_start3A_536 = arith.constant 19200 : i32
    %dma_start3A_537 = tpu.memref_slice %dma_start3A_535[%dma_start3A_536] : memref<30720xi32, #tpu.memory_space<hbm>> -> memref<1920xi32, #tpu.memory_space<hbm>>
    tpu.enqueue_dma source(%dma_start3A_537 : memref<1920xi32, #tpu.memory_space<hbm>>) target(%arg8 : memref<1920xi32, #tpu.memory_space<vmem>>) target_semaphore(%arg16 : memref<!tpu.dma_semaphore, #tpu.memory_space<semaphore_mem>>)
    %dma_start3A_538 = arith.constant 1 : i32
    %dma_start3A_539 = arith.constant 0 : i32
    %dma_start3A_540 = tpu.memref_slice %arg5[%arg0, %dma_start3A_538, %dma_start3A_539] : memref<2x2x30720xi32, #tpu.memory_space<hbm>> -> memref<1x1x30720xi32, #tpu.memory_space<hbm>>
    %dma_start3A_541 = tpu.memref_squeeze %dma_start3A_540 : memref<1x1x30720xi32, #tpu.memory_space<hbm>> -> memref<30720xi32, #tpu.memory_space<hbm>>
    %dma_start3A_542 = arith.constant 19200 : i32
    %dma_start3A_543 = tpu.memref_slice %dma_start3A_541[%dma_start3A_542] : memref<30720xi32, #tpu.memory_space<hbm>> -> memref<1920xi32, #tpu.memory_space<hbm>>
    %dma_start3A_544 = arith.constant 0 : i32
    %dma_start3A_545 = tpu.memref_slice %arg5[%arg0, %dma_start3A_538, %dma_start3A_544] : memref<2x2x30720xi32, #tpu.memory_space<hbm>> -> memref<1x1x30720xi32, #tpu.memory_space<hbm>>
    %dma_start3A_546 = tpu.memref_squeeze %dma_start3A_545 : memref<1x1x30720xi32, #tpu.memory_space<hbm>> -> memref<30720xi32, #tpu.memory_space<hbm>>
    %dma_start3A_547 = arith.constant 19200 : i32
    %dma_start3A_548 = tpu.memref_slice %dma_start3A_546[%dma_start3A_547] : memref<30720xi32, #tpu.memory_space<hbm>> -> memref<1920xi32, #tpu.memory_space<hbm>>
    tpu.enqueue_dma source(%dma_start3A_548 : memref<1920xi32, #tpu.memory_space<hbm>>) target(%arg10 : memref<1920xi32, #tpu.memory_space<vmem>>) target_semaphore(%arg17 : memref<!tpu.dma_semaphore, #tpu.memory_space<semaphore_mem>>)
    %scan3A_549 = arith.constant 0 : i32
    %scan3A_550 = arith.constant 0 : i32
    %scan3A_551 = arith.constant 120 : i32
    %scan3A_552 = arith.addi %scan3A_550, %scan3A_551 : i32
    %scan3A_553 = arith.constant 1 : i32
    %scan3A_554 = scf.for %scan3A_1208 = %scan3A_550 to %scan3A_552 step %scan3A_553 iter_args(%scan3A_1209 = %scan3A_549) -> (i32)  : i32 {
      %mul3A_1210 = arith.constant 16 : i32
      %mul3A_1211 = arith.muli %scan3A_1208, %mul3A_1210 : i32
      %get3A = arith.index_cast %mul3A_1211 : i32 to index
      %get3A_1212 = tpu.vector_load %arg9[%get3A] {strides = array<i32>} : memref<1920xi32, #tpu.memory_space<vmem>>, vector<16xi32>,
      %mul3A_1213 = arith.constant 16 : i32
      %mul3A_1214 = arith.muli %scan3A_1208, %mul3A_1213 : i32
      %get3A_1215 = arith.index_cast %mul3A_1214 : i32 to index
      %get3A_1216 = tpu.vector_load %arg11[%get3A_1215] {strides = array<i32>} : memref<1920xi32, #tpu.memory_space<vmem>>, vector<16xi32>,
      %eq3A = vector.broadcast %add3A : i32 to vector<16xi32>
      %eq3A_1217 = arith.cmpi eq, %get3A_1212, %eq3A : vector<16xi32>
      %shift_right_arithmetic3A = arith.constant 15 : i32
      %shift_right_arithmetic3A_1218 = vector.broadcast %shift_right_arithmetic3A : i32 to vector<16xi32>
      %shift_right_arithmetic3A_1219 = arith.shrsi %get3A_1216, %shift_right_arithmetic3A_1218 : vector<16xi32>
      %while3A = arith.constant true
      %while3A_1220 = scf.while (%while3A_1222 = %while3A) : (i1) -> i1 {
        scf.condition(%while3A_1222) %while3A_1222 : i1
      } do {
      ^bb0(%while3A_1222: i1):
        %gather3A = tpu.vector_load_idx %arg6[%shift_right_arithmetic3A_1219] masked %eq3A_1217 : memref<8192xi32, #tpu.memory_space<vmem>>[vector<16xi32>], vector<16xi32>, vector<16xi1>
        %max3A = arith.maxsi %gather3A, %get3A_1216 : vector<16xi32>
        tpu.vector_store_idx %arg6[%shift_right_arithmetic3A_1219], %max3A masked %eq3A_1217 : memref<8192xi32, #tpu.memory_space<vmem>>[vector<16xi32>], vector<16xi32>, vector<16xi1>
        %gather3A_1223 = tpu.vector_load_idx %arg6[%shift_right_arithmetic3A_1219] masked %eq3A_1217 : memref<8192xi32, #tpu.memory_space<vmem>>[vector<16xi32>], vector<16xi32>, vector<16xi1>
        %lt3A = arith.cmpi slt, %gather3A_1223, %get3A_1216 : vector<16xi32>
        %and3A = arith.andi %eq3A_1217, %lt3A : vector<16xi1>
        %reduce_or3A = arith.constant 1.000000e+00 : f32
        %reduce_or3A_1224 = arith.constant 0.000000e+00 : f32
        %reduce_or3A_1225 = vector.broadcast %reduce_or3A : f32 to vector<16xf32>
        %reduce_or3A_1226 = vector.broadcast %reduce_or3A_1224 : f32 to vector<16xf32>
        %reduce_or3A_1227 = arith.select %and3A, %reduce_or3A_1225, %reduce_or3A_1226 : vector<16xi1>, vector<16xf32>
        %reduce_or3A_1228 = arith.constant true
        %reduce_or3A_1229 = vector.broadcast %reduce_or3A_1228 : i1 to vector<16xi1>
        %reduce_or3A_1230 = tpu.scan <max>, %reduce_or3A_1227 masked %reduce_or3A_1229 : vector<16xf32>, vector<16xi1> -> vector<16xf32>
        %reduce_or3A_1231 = vector.extract %reduce_or3A_1230[15] : f32 from vector<16xf32>
        %reduce_or3A_1232 = arith.constant 0.000000e+00 : f32
        %reduce_or3A_1233 = arith.cmpf ogt, %reduce_or3A_1231, %reduce_or3A_1232 : f32
        scf.yield %reduce_or3A_1233 : i1
      }
      %scan3A_1221 = arith.constant 0 : i32
      scf.yield %scan3A_1221 : i32
    }
    %scan3A_555 = arith.constant 120 : i32
    %dma_wait3A_556 = arith.constant 0 : i32
    %dma_wait3A_557 = arith.constant 0 : i32
    %dma_wait3A_558 = tpu.memref_slice %arg5[%arg0, %dma_wait3A_556, %dma_wait3A_557] : memref<2x2x30720xi32, #tpu.memory_space<hbm>> -> memref<1x1x30720xi32, #tpu.memory_space<hbm>>
    %dma_wait3A_559 = tpu.memref_squeeze %dma_wait3A_558 : memref<1x1x30720xi32, #tpu.memory_space<hbm>> -> memref<30720xi32, #tpu.memory_space<hbm>>
    %dma_wait3A_560 = arith.constant 19200 : i32
    %dma_wait3A_561 = tpu.memref_slice %dma_wait3A_559[%dma_wait3A_560] : memref<30720xi32, #tpu.memory_space<hbm>> -> memref<1920xi32, #tpu.memory_space<hbm>>
    %dma_wait3A_562 = arith.constant 0 : i32
    %dma_wait3A_563 = tpu.memref_slice %arg5[%arg0, %dma_wait3A_556, %dma_wait3A_562] : memref<2x2x30720xi32, #tpu.memory_space<hbm>> -> memref<1x1x30720xi32, #tpu.memory_space<hbm>>
    %dma_wait3A_564 = tpu.memref_squeeze %dma_wait3A_563 : memref<1x1x30720xi32, #tpu.memory_space<hbm>> -> memref<30720xi32, #tpu.memory_space<hbm>>
    %dma_wait3A_565 = arith.constant 19200 : i32
    %dma_wait3A_566 = tpu.memref_slice %dma_wait3A_564[%dma_wait3A_565] : memref<30720xi32, #tpu.memory_space<hbm>> -> memref<1920xi32, #tpu.memory_space<hbm>>
    tpu.wait_dma2 semaphore(%arg16 : memref<!tpu.dma_semaphore, #tpu.memory_space<semaphore_mem>>) src(%dma_wait3A_566 : memref<1920xi32, #tpu.memory_space<hbm>>) dst(%arg8 : memref<1920xi32, #tpu.memory_space<vmem>>)
    %dma_wait3A_567 = arith.constant 1 : i32
    %dma_wait3A_568 = arith.constant 0 : i32
    %dma_wait3A_569 = tpu.memref_slice %arg5[%arg0, %dma_wait3A_567, %dma_wait3A_568] : memref<2x2x30720xi32, #tpu.memory_space<hbm>> -> memref<1x1x30720xi32, #tpu.memory_space<hbm>>
    %dma_wait3A_570 = tpu.memref_squeeze %dma_wait3A_569 : memref<1x1x30720xi32, #tpu.memory_space<hbm>> -> memref<30720xi32, #tpu.memory_space<hbm>>
    %dma_wait3A_571 = arith.constant 19200 : i32
    %dma_wait3A_572 = tpu.memref_slice %dma_wait3A_570[%dma_wait3A_571] : memref<30720xi32, #tpu.memory_space<hbm>> -> memref<1920xi32, #tpu.memory_space<hbm>>
    %dma_wait3A_573 = arith.constant 0 : i32
    %dma_wait3A_574 = tpu.memref_slice %arg5[%arg0, %dma_wait3A_567, %dma_wait3A_573] : memref<2x2x30720xi32, #tpu.memory_space<hbm>> -> memref<1x1x30720xi32, #tpu.memory_space<hbm>>
    %dma_wait3A_575 = tpu.memref_squeeze %dma_wait3A_574 : memref<1x1x30720xi32, #tpu.memory_space<hbm>> -> memref<30720xi32, #tpu.memory_space<hbm>>
    %dma_wait3A_576 = arith.constant 19200 : i32
    %dma_wait3A_577 = tpu.memref_slice %dma_wait3A_575[%dma_wait3A_576] : memref<30720xi32, #tpu.memory_space<hbm>> -> memref<1920xi32, #tpu.memory_space<hbm>>
    tpu.wait_dma2 semaphore(%arg17 : memref<!tpu.dma_semaphore, #tpu.memory_space<semaphore_mem>>) src(%dma_wait3A_577 : memref<1920xi32, #tpu.memory_space<hbm>>) dst(%arg10 : memref<1920xi32, #tpu.memory_space<vmem>>)
    %dma_start3A_578 = arith.constant 0 : i32
    %dma_start3A_579 = arith.constant 0 : i32
    %dma_start3A_580 = tpu.memref_slice %arg5[%arg0, %dma_start3A_578, %dma_start3A_579] : memref<2x2x30720xi32, #tpu.memory_space<hbm>> -> memref<1x1x30720xi32, #tpu.memory_space<hbm>>
    %dma_start3A_581 = tpu.memref_squeeze %dma_start3A_580 : memref<1x1x30720xi32, #tpu.memory_space<hbm>> -> memref<30720xi32, #tpu.memory_space<hbm>>
    %dma_start3A_582 = arith.constant 21120 : i32
    %dma_start3A_583 = tpu.memref_slice %dma_start3A_581[%dma_start3A_582] : memref<30720xi32, #tpu.memory_space<hbm>> -> memref<1920xi32, #tpu.memory_space<hbm>>
    %dma_start3A_584 = arith.constant 0 : i32
    %dma_start3A_585 = tpu.memref_slice %arg5[%arg0, %dma_start3A_578, %dma_start3A_584] : memref<2x2x30720xi32, #tpu.memory_space<hbm>> -> memref<1x1x30720xi32, #tpu.memory_space<hbm>>
    %dma_start3A_586 = tpu.memref_squeeze %dma_start3A_585 : memref<1x1x30720xi32, #tpu.memory_space<hbm>> -> memref<30720xi32, #tpu.memory_space<hbm>>
    %dma_start3A_587 = arith.constant 21120 : i32
    %dma_start3A_588 = tpu.memref_slice %dma_start3A_586[%dma_start3A_587] : memref<30720xi32, #tpu.memory_space<hbm>> -> memref<1920xi32, #tpu.memory_space<hbm>>
    tpu.enqueue_dma source(%dma_start3A_588 : memref<1920xi32, #tpu.memory_space<hbm>>) target(%arg9 : memref<1920xi32, #tpu.memory_space<vmem>>) target_semaphore(%arg16 : memref<!tpu.dma_semaphore, #tpu.memory_space<semaphore_mem>>)
    %dma_start3A_589 = arith.constant 1 : i32
    %dma_start3A_590 = arith.constant 0 : i32
    %dma_start3A_591 = tpu.memref_slice %arg5[%arg0, %dma_start3A_589, %dma_start3A_590] : memref<2x2x30720xi32, #tpu.memory_space<hbm>> -> memref<1x1x30720xi32, #tpu.memory_space<hbm>>
    %dma_start3A_592 = tpu.memref_squeeze %dma_start3A_591 : memref<1x1x30720xi32, #tpu.memory_space<hbm>> -> memref<30720xi32, #tpu.memory_space<hbm>>
    %dma_start3A_593 = arith.constant 21120 : i32
    %dma_start3A_594 = tpu.memref_slice %dma_start3A_592[%dma_start3A_593] : memref<30720xi32, #tpu.memory_space<hbm>> -> memref<1920xi32, #tpu.memory_space<hbm>>
    %dma_start3A_595 = arith.constant 0 : i32
    %dma_start3A_596 = tpu.memref_slice %arg5[%arg0, %dma_start3A_589, %dma_start3A_595] : memref<2x2x30720xi32, #tpu.memory_space<hbm>> -> memref<1x1x30720xi32, #tpu.memory_space<hbm>>
    %dma_start3A_597 = tpu.memref_squeeze %dma_start3A_596 : memref<1x1x30720xi32, #tpu.memory_space<hbm>> -> memref<30720xi32, #tpu.memory_space<hbm>>
    %dma_start3A_598 = arith.constant 21120 : i32
    %dma_start3A_599 = tpu.memref_slice %dma_start3A_597[%dma_start3A_598] : memref<30720xi32, #tpu.memory_space<hbm>> -> memref<1920xi32, #tpu.memory_space<hbm>>
    tpu.enqueue_dma source(%dma_start3A_599 : memref<1920xi32, #tpu.memory_space<hbm>>) target(%arg11 : memref<1920xi32, #tpu.memory_space<vmem>>) target_semaphore(%arg17 : memref<!tpu.dma_semaphore, #tpu.memory_space<semaphore_mem>>)
    %scan3A_600 = arith.constant 0 : i32
    %scan3A_601 = arith.constant 0 : i32
    %scan3A_602 = arith.constant 120 : i32
    %scan3A_603 = arith.addi %scan3A_601, %scan3A_602 : i32
    %scan3A_604 = arith.constant 1 : i32
    %scan3A_605 = scf.for %scan3A_1208 = %scan3A_601 to %scan3A_603 step %scan3A_604 iter_args(%scan3A_1209 = %scan3A_600) -> (i32)  : i32 {
      %mul3A_1210 = arith.constant 16 : i32
      %mul3A_1211 = arith.muli %scan3A_1208, %mul3A_1210 : i32
      %get3A = arith.index_cast %mul3A_1211 : i32 to index
      %get3A_1212 = tpu.vector_load %arg8[%get3A] {strides = array<i32>} : memref<1920xi32, #tpu.memory_space<vmem>>, vector<16xi32>,
      %mul3A_1213 = arith.constant 16 : i32
      %mul3A_1214 = arith.muli %scan3A_1208, %mul3A_1213 : i32
      %get3A_1215 = arith.index_cast %mul3A_1214 : i32 to index
      %get3A_1216 = tpu.vector_load %arg10[%get3A_1215] {strides = array<i32>} : memref<1920xi32, #tpu.memory_space<vmem>>, vector<16xi32>,
      %eq3A = vector.broadcast %add3A : i32 to vector<16xi32>
      %eq3A_1217 = arith.cmpi eq, %get3A_1212, %eq3A : vector<16xi32>
      %shift_right_arithmetic3A = arith.constant 15 : i32
      %shift_right_arithmetic3A_1218 = vector.broadcast %shift_right_arithmetic3A : i32 to vector<16xi32>
      %shift_right_arithmetic3A_1219 = arith.shrsi %get3A_1216, %shift_right_arithmetic3A_1218 : vector<16xi32>
      %while3A = arith.constant true
      %while3A_1220 = scf.while (%while3A_1222 = %while3A) : (i1) -> i1 {
        scf.condition(%while3A_1222) %while3A_1222 : i1
      } do {
      ^bb0(%while3A_1222: i1):
        %gather3A = tpu.vector_load_idx %arg6[%shift_right_arithmetic3A_1219] masked %eq3A_1217 : memref<8192xi32, #tpu.memory_space<vmem>>[vector<16xi32>], vector<16xi32>, vector<16xi1>
        %max3A = arith.maxsi %gather3A, %get3A_1216 : vector<16xi32>
        tpu.vector_store_idx %arg6[%shift_right_arithmetic3A_1219], %max3A masked %eq3A_1217 : memref<8192xi32, #tpu.memory_space<vmem>>[vector<16xi32>], vector<16xi32>, vector<16xi1>
        %gather3A_1223 = tpu.vector_load_idx %arg6[%shift_right_arithmetic3A_1219] masked %eq3A_1217 : memref<8192xi32, #tpu.memory_space<vmem>>[vector<16xi32>], vector<16xi32>, vector<16xi1>
        %lt3A = arith.cmpi slt, %gather3A_1223, %get3A_1216 : vector<16xi32>
        %and3A = arith.andi %eq3A_1217, %lt3A : vector<16xi1>
        %reduce_or3A = arith.constant 1.000000e+00 : f32
        %reduce_or3A_1224 = arith.constant 0.000000e+00 : f32
        %reduce_or3A_1225 = vector.broadcast %reduce_or3A : f32 to vector<16xf32>
        %reduce_or3A_1226 = vector.broadcast %reduce_or3A_1224 : f32 to vector<16xf32>
        %reduce_or3A_1227 = arith.select %and3A, %reduce_or3A_1225, %reduce_or3A_1226 : vector<16xi1>, vector<16xf32>
        %reduce_or3A_1228 = arith.constant true
        %reduce_or3A_1229 = vector.broadcast %reduce_or3A_1228 : i1 to vector<16xi1>
        %reduce_or3A_1230 = tpu.scan <max>, %reduce_or3A_1227 masked %reduce_or3A_1229 : vector<16xf32>, vector<16xi1> -> vector<16xf32>
        %reduce_or3A_1231 = vector.extract %reduce_or3A_1230[15] : f32 from vector<16xf32>
        %reduce_or3A_1232 = arith.constant 0.000000e+00 : f32
        %reduce_or3A_1233 = arith.cmpf ogt, %reduce_or3A_1231, %reduce_or3A_1232 : f32
        scf.yield %reduce_or3A_1233 : i1
      }
      %scan3A_1221 = arith.constant 0 : i32
      scf.yield %scan3A_1221 : i32
    }
    %scan3A_606 = arith.constant 120 : i32
    %dma_wait3A_607 = arith.constant 0 : i32
    %dma_wait3A_608 = arith.constant 0 : i32
    %dma_wait3A_609 = tpu.memref_slice %arg5[%arg0, %dma_wait3A_607, %dma_wait3A_608] : memref<2x2x30720xi32, #tpu.memory_space<hbm>> -> memref<1x1x30720xi32, #tpu.memory_space<hbm>>
    %dma_wait3A_610 = tpu.memref_squeeze %dma_wait3A_609 : memref<1x1x30720xi32, #tpu.memory_space<hbm>> -> memref<30720xi32, #tpu.memory_space<hbm>>
    %dma_wait3A_611 = arith.constant 21120 : i32
    %dma_wait3A_612 = tpu.memref_slice %dma_wait3A_610[%dma_wait3A_611] : memref<30720xi32, #tpu.memory_space<hbm>> -> memref<1920xi32, #tpu.memory_space<hbm>>
    %dma_wait3A_613 = arith.constant 0 : i32
    %dma_wait3A_614 = tpu.memref_slice %arg5[%arg0, %dma_wait3A_607, %dma_wait3A_613] : memref<2x2x30720xi32, #tpu.memory_space<hbm>> -> memref<1x1x30720xi32, #tpu.memory_space<hbm>>
    %dma_wait3A_615 = tpu.memref_squeeze %dma_wait3A_614 : memref<1x1x30720xi32, #tpu.memory_space<hbm>> -> memref<30720xi32, #tpu.memory_space<hbm>>
    %dma_wait3A_616 = arith.constant 21120 : i32
    %dma_wait3A_617 = tpu.memref_slice %dma_wait3A_615[%dma_wait3A_616] : memref<30720xi32, #tpu.memory_space<hbm>> -> memref<1920xi32, #tpu.memory_space<hbm>>
    tpu.wait_dma2 semaphore(%arg16 : memref<!tpu.dma_semaphore, #tpu.memory_space<semaphore_mem>>) src(%dma_wait3A_617 : memref<1920xi32, #tpu.memory_space<hbm>>) dst(%arg9 : memref<1920xi32, #tpu.memory_space<vmem>>)
    %dma_wait3A_618 = arith.constant 1 : i32
    %dma_wait3A_619 = arith.constant 0 : i32
    %dma_wait3A_620 = tpu.memref_slice %arg5[%arg0, %dma_wait3A_618, %dma_wait3A_619] : memref<2x2x30720xi32, #tpu.memory_space<hbm>> -> memref<1x1x30720xi32, #tpu.memory_space<hbm>>
    %dma_wait3A_621 = tpu.memref_squeeze %dma_wait3A_620 : memref<1x1x30720xi32, #tpu.memory_space<hbm>> -> memref<30720xi32, #tpu.memory_space<hbm>>
    %dma_wait3A_622 = arith.constant 21120 : i32
    %dma_wait3A_623 = tpu.memref_slice %dma_wait3A_621[%dma_wait3A_622] : memref<30720xi32, #tpu.memory_space<hbm>> -> memref<1920xi32, #tpu.memory_space<hbm>>
    %dma_wait3A_624 = arith.constant 0 : i32
    %dma_wait3A_625 = tpu.memref_slice %arg5[%arg0, %dma_wait3A_618, %dma_wait3A_624] : memref<2x2x30720xi32, #tpu.memory_space<hbm>> -> memref<1x1x30720xi32, #tpu.memory_space<hbm>>
    %dma_wait3A_626 = tpu.memref_squeeze %dma_wait3A_625 : memref<1x1x30720xi32, #tpu.memory_space<hbm>> -> memref<30720xi32, #tpu.memory_space<hbm>>
    %dma_wait3A_627 = arith.constant 21120 : i32
    %dma_wait3A_628 = tpu.memref_slice %dma_wait3A_626[%dma_wait3A_627] : memref<30720xi32, #tpu.memory_space<hbm>> -> memref<1920xi32, #tpu.memory_space<hbm>>
    tpu.wait_dma2 semaphore(%arg17 : memref<!tpu.dma_semaphore, #tpu.memory_space<semaphore_mem>>) src(%dma_wait3A_628 : memref<1920xi32, #tpu.memory_space<hbm>>) dst(%arg11 : memref<1920xi32, #tpu.memory_space<vmem>>)
    %dma_start3A_629 = arith.constant 0 : i32
    %dma_start3A_630 = arith.constant 0 : i32
    %dma_start3A_631 = tpu.memref_slice %arg5[%arg0, %dma_start3A_629, %dma_start3A_630] : memref<2x2x30720xi32, #tpu.memory_space<hbm>> -> memref<1x1x30720xi32, #tpu.memory_space<hbm>>
    %dma_start3A_632 = tpu.memref_squeeze %dma_start3A_631 : memref<1x1x30720xi32, #tpu.memory_space<hbm>> -> memref<30720xi32, #tpu.memory_space<hbm>>
    %dma_start3A_633 = arith.constant 23040 : i32
    %dma_start3A_634 = tpu.memref_slice %dma_start3A_632[%dma_start3A_633] : memref<30720xi32, #tpu.memory_space<hbm>> -> memref<1920xi32, #tpu.memory_space<hbm>>
    %dma_start3A_635 = arith.constant 0 : i32
    %dma_start3A_636 = tpu.memref_slice %arg5[%arg0, %dma_start3A_629, %dma_start3A_635] : memref<2x2x30720xi32, #tpu.memory_space<hbm>> -> memref<1x1x30720xi32, #tpu.memory_space<hbm>>
    %dma_start3A_637 = tpu.memref_squeeze %dma_start3A_636 : memref<1x1x30720xi32, #tpu.memory_space<hbm>> -> memref<30720xi32, #tpu.memory_space<hbm>>
    %dma_start3A_638 = arith.constant 23040 : i32
    %dma_start3A_639 = tpu.memref_slice %dma_start3A_637[%dma_start3A_638] : memref<30720xi32, #tpu.memory_space<hbm>> -> memref<1920xi32, #tpu.memory_space<hbm>>
    tpu.enqueue_dma source(%dma_start3A_639 : memref<1920xi32, #tpu.memory_space<hbm>>) target(%arg8 : memref<1920xi32, #tpu.memory_space<vmem>>) target_semaphore(%arg16 : memref<!tpu.dma_semaphore, #tpu.memory_space<semaphore_mem>>)
    %dma_start3A_640 = arith.constant 1 : i32
    %dma_start3A_641 = arith.constant 0 : i32
    %dma_start3A_642 = tpu.memref_slice %arg5[%arg0, %dma_start3A_640, %dma_start3A_641] : memref<2x2x30720xi32, #tpu.memory_space<hbm>> -> memref<1x1x30720xi32, #tpu.memory_space<hbm>>
    %dma_start3A_643 = tpu.memref_squeeze %dma_start3A_642 : memref<1x1x30720xi32, #tpu.memory_space<hbm>> -> memref<30720xi32, #tpu.memory_space<hbm>>
    %dma_start3A_644 = arith.constant 23040 : i32
    %dma_start3A_645 = tpu.memref_slice %dma_start3A_643[%dma_start3A_644] : memref<30720xi32, #tpu.memory_space<hbm>> -> memref<1920xi32, #tpu.memory_space<hbm>>
    %dma_start3A_646 = arith.constant 0 : i32
    %dma_start3A_647 = tpu.memref_slice %arg5[%arg0, %dma_start3A_640, %dma_start3A_646] : memref<2x2x30720xi32, #tpu.memory_space<hbm>> -> memref<1x1x30720xi32, #tpu.memory_space<hbm>>
    %dma_start3A_648 = tpu.memref_squeeze %dma_start3A_647 : memref<1x1x30720xi32, #tpu.memory_space<hbm>> -> memref<30720xi32, #tpu.memory_space<hbm>>
    %dma_start3A_649 = arith.constant 23040 : i32
    %dma_start3A_650 = tpu.memref_slice %dma_start3A_648[%dma_start3A_649] : memref<30720xi32, #tpu.memory_space<hbm>> -> memref<1920xi32, #tpu.memory_space<hbm>>
    tpu.enqueue_dma source(%dma_start3A_650 : memref<1920xi32, #tpu.memory_space<hbm>>) target(%arg10 : memref<1920xi32, #tpu.memory_space<vmem>>) target_semaphore(%arg17 : memref<!tpu.dma_semaphore, #tpu.memory_space<semaphore_mem>>)
    %scan3A_651 = arith.constant 0 : i32
    %scan3A_652 = arith.constant 0 : i32
    %scan3A_653 = arith.constant 120 : i32
    %scan3A_654 = arith.addi %scan3A_652, %scan3A_653 : i32
    %scan3A_655 = arith.constant 1 : i32
    %scan3A_656 = scf.for %scan3A_1208 = %scan3A_652 to %scan3A_654 step %scan3A_655 iter_args(%scan3A_1209 = %scan3A_651) -> (i32)  : i32 {
      %mul3A_1210 = arith.constant 16 : i32
      %mul3A_1211 = arith.muli %scan3A_1208, %mul3A_1210 : i32
      %get3A = arith.index_cast %mul3A_1211 : i32 to index
      %get3A_1212 = tpu.vector_load %arg9[%get3A] {strides = array<i32>} : memref<1920xi32, #tpu.memory_space<vmem>>, vector<16xi32>,
      %mul3A_1213 = arith.constant 16 : i32
      %mul3A_1214 = arith.muli %scan3A_1208, %mul3A_1213 : i32
      %get3A_1215 = arith.index_cast %mul3A_1214 : i32 to index
      %get3A_1216 = tpu.vector_load %arg11[%get3A_1215] {strides = array<i32>} : memref<1920xi32, #tpu.memory_space<vmem>>, vector<16xi32>,
      %eq3A = vector.broadcast %add3A : i32 to vector<16xi32>
      %eq3A_1217 = arith.cmpi eq, %get3A_1212, %eq3A : vector<16xi32>
      %shift_right_arithmetic3A = arith.constant 15 : i32
      %shift_right_arithmetic3A_1218 = vector.broadcast %shift_right_arithmetic3A : i32 to vector<16xi32>
      %shift_right_arithmetic3A_1219 = arith.shrsi %get3A_1216, %shift_right_arithmetic3A_1218 : vector<16xi32>
      %while3A = arith.constant true
      %while3A_1220 = scf.while (%while3A_1222 = %while3A) : (i1) -> i1 {
        scf.condition(%while3A_1222) %while3A_1222 : i1
      } do {
      ^bb0(%while3A_1222: i1):
        %gather3A = tpu.vector_load_idx %arg6[%shift_right_arithmetic3A_1219] masked %eq3A_1217 : memref<8192xi32, #tpu.memory_space<vmem>>[vector<16xi32>], vector<16xi32>, vector<16xi1>
        %max3A = arith.maxsi %gather3A, %get3A_1216 : vector<16xi32>
        tpu.vector_store_idx %arg6[%shift_right_arithmetic3A_1219], %max3A masked %eq3A_1217 : memref<8192xi32, #tpu.memory_space<vmem>>[vector<16xi32>], vector<16xi32>, vector<16xi1>
        %gather3A_1223 = tpu.vector_load_idx %arg6[%shift_right_arithmetic3A_1219] masked %eq3A_1217 : memref<8192xi32, #tpu.memory_space<vmem>>[vector<16xi32>], vector<16xi32>, vector<16xi1>
        %lt3A = arith.cmpi slt, %gather3A_1223, %get3A_1216 : vector<16xi32>
        %and3A = arith.andi %eq3A_1217, %lt3A : vector<16xi1>
        %reduce_or3A = arith.constant 1.000000e+00 : f32
        %reduce_or3A_1224 = arith.constant 0.000000e+00 : f32
        %reduce_or3A_1225 = vector.broadcast %reduce_or3A : f32 to vector<16xf32>
        %reduce_or3A_1226 = vector.broadcast %reduce_or3A_1224 : f32 to vector<16xf32>
        %reduce_or3A_1227 = arith.select %and3A, %reduce_or3A_1225, %reduce_or3A_1226 : vector<16xi1>, vector<16xf32>
        %reduce_or3A_1228 = arith.constant true
        %reduce_or3A_1229 = vector.broadcast %reduce_or3A_1228 : i1 to vector<16xi1>
        %reduce_or3A_1230 = tpu.scan <max>, %reduce_or3A_1227 masked %reduce_or3A_1229 : vector<16xf32>, vector<16xi1> -> vector<16xf32>
        %reduce_or3A_1231 = vector.extract %reduce_or3A_1230[15] : f32 from vector<16xf32>
        %reduce_or3A_1232 = arith.constant 0.000000e+00 : f32
        %reduce_or3A_1233 = arith.cmpf ogt, %reduce_or3A_1231, %reduce_or3A_1232 : f32
        scf.yield %reduce_or3A_1233 : i1
      }
      %scan3A_1221 = arith.constant 0 : i32
      scf.yield %scan3A_1221 : i32
    }
    %scan3A_657 = arith.constant 120 : i32
    %dma_wait3A_658 = arith.constant 0 : i32
    %dma_wait3A_659 = arith.constant 0 : i32
    %dma_wait3A_660 = tpu.memref_slice %arg5[%arg0, %dma_wait3A_658, %dma_wait3A_659] : memref<2x2x30720xi32, #tpu.memory_space<hbm>> -> memref<1x1x30720xi32, #tpu.memory_space<hbm>>
    %dma_wait3A_661 = tpu.memref_squeeze %dma_wait3A_660 : memref<1x1x30720xi32, #tpu.memory_space<hbm>> -> memref<30720xi32, #tpu.memory_space<hbm>>
    %dma_wait3A_662 = arith.constant 23040 : i32
    %dma_wait3A_663 = tpu.memref_slice %dma_wait3A_661[%dma_wait3A_662] : memref<30720xi32, #tpu.memory_space<hbm>> -> memref<1920xi32, #tpu.memory_space<hbm>>
    %dma_wait3A_664 = arith.constant 0 : i32
    %dma_wait3A_665 = tpu.memref_slice %arg5[%arg0, %dma_wait3A_658, %dma_wait3A_664] : memref<2x2x30720xi32, #tpu.memory_space<hbm>> -> memref<1x1x30720xi32, #tpu.memory_space<hbm>>
    %dma_wait3A_666 = tpu.memref_squeeze %dma_wait3A_665 : memref<1x1x30720xi32, #tpu.memory_space<hbm>> -> memref<30720xi32, #tpu.memory_space<hbm>>
    %dma_wait3A_667 = arith.constant 23040 : i32
    %dma_wait3A_668 = tpu.memref_slice %dma_wait3A_666[%dma_wait3A_667] : memref<30720xi32, #tpu.memory_space<hbm>> -> memref<1920xi32, #tpu.memory_space<hbm>>
    tpu.wait_dma2 semaphore(%arg16 : memref<!tpu.dma_semaphore, #tpu.memory_space<semaphore_mem>>) src(%dma_wait3A_668 : memref<1920xi32, #tpu.memory_space<hbm>>) dst(%arg8 : memref<1920xi32, #tpu.memory_space<vmem>>)
    %dma_wait3A_669 = arith.constant 1 : i32
    %dma_wait3A_670 = arith.constant 0 : i32
    %dma_wait3A_671 = tpu.memref_slice %arg5[%arg0, %dma_wait3A_669, %dma_wait3A_670] : memref<2x2x30720xi32, #tpu.memory_space<hbm>> -> memref<1x1x30720xi32, #tpu.memory_space<hbm>>
    %dma_wait3A_672 = tpu.memref_squeeze %dma_wait3A_671 : memref<1x1x30720xi32, #tpu.memory_space<hbm>> -> memref<30720xi32, #tpu.memory_space<hbm>>
    %dma_wait3A_673 = arith.constant 23040 : i32
    %dma_wait3A_674 = tpu.memref_slice %dma_wait3A_672[%dma_wait3A_673] : memref<30720xi32, #tpu.memory_space<hbm>> -> memref<1920xi32, #tpu.memory_space<hbm>>
    %dma_wait3A_675 = arith.constant 0 : i32
    %dma_wait3A_676 = tpu.memref_slice %arg5[%arg0, %dma_wait3A_669, %dma_wait3A_675] : memref<2x2x30720xi32, #tpu.memory_space<hbm>> -> memref<1x1x30720xi32, #tpu.memory_space<hbm>>
    %dma_wait3A_677 = tpu.memref_squeeze %dma_wait3A_676 : memref<1x1x30720xi32, #tpu.memory_space<hbm>> -> memref<30720xi32, #tpu.memory_space<hbm>>
    %dma_wait3A_678 = arith.constant 23040 : i32
    %dma_wait3A_679 = tpu.memref_slice %dma_wait3A_677[%dma_wait3A_678] : memref<30720xi32, #tpu.memory_space<hbm>> -> memref<1920xi32, #tpu.memory_space<hbm>>
    tpu.wait_dma2 semaphore(%arg17 : memref<!tpu.dma_semaphore, #tpu.memory_space<semaphore_mem>>) src(%dma_wait3A_679 : memref<1920xi32, #tpu.memory_space<hbm>>) dst(%arg10 : memref<1920xi32, #tpu.memory_space<vmem>>)
    %dma_start3A_680 = arith.constant 0 : i32
    %dma_start3A_681 = arith.constant 0 : i32
    %dma_start3A_682 = tpu.memref_slice %arg5[%arg0, %dma_start3A_680, %dma_start3A_681] : memref<2x2x30720xi32, #tpu.memory_space<hbm>> -> memref<1x1x30720xi32, #tpu.memory_space<hbm>>
    %dma_start3A_683 = tpu.memref_squeeze %dma_start3A_682 : memref<1x1x30720xi32, #tpu.memory_space<hbm>> -> memref<30720xi32, #tpu.memory_space<hbm>>
    %dma_start3A_684 = arith.constant 24960 : i32
    %dma_start3A_685 = tpu.memref_slice %dma_start3A_683[%dma_start3A_684] : memref<30720xi32, #tpu.memory_space<hbm>> -> memref<1920xi32, #tpu.memory_space<hbm>>
    %dma_start3A_686 = arith.constant 0 : i32
    %dma_start3A_687 = tpu.memref_slice %arg5[%arg0, %dma_start3A_680, %dma_start3A_686] : memref<2x2x30720xi32, #tpu.memory_space<hbm>> -> memref<1x1x30720xi32, #tpu.memory_space<hbm>>
    %dma_start3A_688 = tpu.memref_squeeze %dma_start3A_687 : memref<1x1x30720xi32, #tpu.memory_space<hbm>> -> memref<30720xi32, #tpu.memory_space<hbm>>
    %dma_start3A_689 = arith.constant 24960 : i32
    %dma_start3A_690 = tpu.memref_slice %dma_start3A_688[%dma_start3A_689] : memref<30720xi32, #tpu.memory_space<hbm>> -> memref<1920xi32, #tpu.memory_space<hbm>>
    tpu.enqueue_dma source(%dma_start3A_690 : memref<1920xi32, #tpu.memory_space<hbm>>) target(%arg9 : memref<1920xi32, #tpu.memory_space<vmem>>) target_semaphore(%arg16 : memref<!tpu.dma_semaphore, #tpu.memory_space<semaphore_mem>>)
    %dma_start3A_691 = arith.constant 1 : i32
    %dma_start3A_692 = arith.constant 0 : i32
    %dma_start3A_693 = tpu.memref_slice %arg5[%arg0, %dma_start3A_691, %dma_start3A_692] : memref<2x2x30720xi32, #tpu.memory_space<hbm>> -> memref<1x1x30720xi32, #tpu.memory_space<hbm>>
    %dma_start3A_694 = tpu.memref_squeeze %dma_start3A_693 : memref<1x1x30720xi32, #tpu.memory_space<hbm>> -> memref<30720xi32, #tpu.memory_space<hbm>>
    %dma_start3A_695 = arith.constant 24960 : i32
    %dma_start3A_696 = tpu.memref_slice %dma_start3A_694[%dma_start3A_695] : memref<30720xi32, #tpu.memory_space<hbm>> -> memref<1920xi32, #tpu.memory_space<hbm>>
    %dma_start3A_697 = arith.constant 0 : i32
    %dma_start3A_698 = tpu.memref_slice %arg5[%arg0, %dma_start3A_691, %dma_start3A_697] : memref<2x2x30720xi32, #tpu.memory_space<hbm>> -> memref<1x1x30720xi32, #tpu.memory_space<hbm>>
    %dma_start3A_699 = tpu.memref_squeeze %dma_start3A_698 : memref<1x1x30720xi32, #tpu.memory_space<hbm>> -> memref<30720xi32, #tpu.memory_space<hbm>>
    %dma_start3A_700 = arith.constant 24960 : i32
    %dma_start3A_701 = tpu.memref_slice %dma_start3A_699[%dma_start3A_700] : memref<30720xi32, #tpu.memory_space<hbm>> -> memref<1920xi32, #tpu.memory_space<hbm>>
    tpu.enqueue_dma source(%dma_start3A_701 : memref<1920xi32, #tpu.memory_space<hbm>>) target(%arg11 : memref<1920xi32, #tpu.memory_space<vmem>>) target_semaphore(%arg17 : memref<!tpu.dma_semaphore, #tpu.memory_space<semaphore_mem>>)
    %scan3A_702 = arith.constant 0 : i32
    %scan3A_703 = arith.constant 0 : i32
    %scan3A_704 = arith.constant 120 : i32
    %scan3A_705 = arith.addi %scan3A_703, %scan3A_704 : i32
    %scan3A_706 = arith.constant 1 : i32
    %scan3A_707 = scf.for %scan3A_1208 = %scan3A_703 to %scan3A_705 step %scan3A_706 iter_args(%scan3A_1209 = %scan3A_702) -> (i32)  : i32 {
      %mul3A_1210 = arith.constant 16 : i32
      %mul3A_1211 = arith.muli %scan3A_1208, %mul3A_1210 : i32
      %get3A = arith.index_cast %mul3A_1211 : i32 to index
      %get3A_1212 = tpu.vector_load %arg8[%get3A] {strides = array<i32>} : memref<1920xi32, #tpu.memory_space<vmem>>, vector<16xi32>,
      %mul3A_1213 = arith.constant 16 : i32
      %mul3A_1214 = arith.muli %scan3A_1208, %mul3A_1213 : i32
      %get3A_1215 = arith.index_cast %mul3A_1214 : i32 to index
      %get3A_1216 = tpu.vector_load %arg10[%get3A_1215] {strides = array<i32>} : memref<1920xi32, #tpu.memory_space<vmem>>, vector<16xi32>,
      %eq3A = vector.broadcast %add3A : i32 to vector<16xi32>
      %eq3A_1217 = arith.cmpi eq, %get3A_1212, %eq3A : vector<16xi32>
      %shift_right_arithmetic3A = arith.constant 15 : i32
      %shift_right_arithmetic3A_1218 = vector.broadcast %shift_right_arithmetic3A : i32 to vector<16xi32>
      %shift_right_arithmetic3A_1219 = arith.shrsi %get3A_1216, %shift_right_arithmetic3A_1218 : vector<16xi32>
      %while3A = arith.constant true
      %while3A_1220 = scf.while (%while3A_1222 = %while3A) : (i1) -> i1 {
        scf.condition(%while3A_1222) %while3A_1222 : i1
      } do {
      ^bb0(%while3A_1222: i1):
        %gather3A = tpu.vector_load_idx %arg6[%shift_right_arithmetic3A_1219] masked %eq3A_1217 : memref<8192xi32, #tpu.memory_space<vmem>>[vector<16xi32>], vector<16xi32>, vector<16xi1>
        %max3A = arith.maxsi %gather3A, %get3A_1216 : vector<16xi32>
        tpu.vector_store_idx %arg6[%shift_right_arithmetic3A_1219], %max3A masked %eq3A_1217 : memref<8192xi32, #tpu.memory_space<vmem>>[vector<16xi32>], vector<16xi32>, vector<16xi1>
        %gather3A_1223 = tpu.vector_load_idx %arg6[%shift_right_arithmetic3A_1219] masked %eq3A_1217 : memref<8192xi32, #tpu.memory_space<vmem>>[vector<16xi32>], vector<16xi32>, vector<16xi1>
        %lt3A = arith.cmpi slt, %gather3A_1223, %get3A_1216 : vector<16xi32>
        %and3A = arith.andi %eq3A_1217, %lt3A : vector<16xi1>
        %reduce_or3A = arith.constant 1.000000e+00 : f32
        %reduce_or3A_1224 = arith.constant 0.000000e+00 : f32
        %reduce_or3A_1225 = vector.broadcast %reduce_or3A : f32 to vector<16xf32>
        %reduce_or3A_1226 = vector.broadcast %reduce_or3A_1224 : f32 to vector<16xf32>
        %reduce_or3A_1227 = arith.select %and3A, %reduce_or3A_1225, %reduce_or3A_1226 : vector<16xi1>, vector<16xf32>
        %reduce_or3A_1228 = arith.constant true
        %reduce_or3A_1229 = vector.broadcast %reduce_or3A_1228 : i1 to vector<16xi1>
        %reduce_or3A_1230 = tpu.scan <max>, %reduce_or3A_1227 masked %reduce_or3A_1229 : vector<16xf32>, vector<16xi1> -> vector<16xf32>
        %reduce_or3A_1231 = vector.extract %reduce_or3A_1230[15] : f32 from vector<16xf32>
        %reduce_or3A_1232 = arith.constant 0.000000e+00 : f32
        %reduce_or3A_1233 = arith.cmpf ogt, %reduce_or3A_1231, %reduce_or3A_1232 : f32
        scf.yield %reduce_or3A_1233 : i1
      }
      %scan3A_1221 = arith.constant 0 : i32
      scf.yield %scan3A_1221 : i32
    }
    %scan3A_708 = arith.constant 120 : i32
    %dma_wait3A_709 = arith.constant 0 : i32
    %dma_wait3A_710 = arith.constant 0 : i32
    %dma_wait3A_711 = tpu.memref_slice %arg5[%arg0, %dma_wait3A_709, %dma_wait3A_710] : memref<2x2x30720xi32, #tpu.memory_space<hbm>> -> memref<1x1x30720xi32, #tpu.memory_space<hbm>>
    %dma_wait3A_712 = tpu.memref_squeeze %dma_wait3A_711 : memref<1x1x30720xi32, #tpu.memory_space<hbm>> -> memref<30720xi32, #tpu.memory_space<hbm>>
    %dma_wait3A_713 = arith.constant 24960 : i32
    %dma_wait3A_714 = tpu.memref_slice %dma_wait3A_712[%dma_wait3A_713] : memref<30720xi32, #tpu.memory_space<hbm>> -> memref<1920xi32, #tpu.memory_space<hbm>>
    %dma_wait3A_715 = arith.constant 0 : i32
    %dma_wait3A_716 = tpu.memref_slice %arg5[%arg0, %dma_wait3A_709, %dma_wait3A_715] : memref<2x2x30720xi32, #tpu.memory_space<hbm>> -> memref<1x1x30720xi32, #tpu.memory_space<hbm>>
    %dma_wait3A_717 = tpu.memref_squeeze %dma_wait3A_716 : memref<1x1x30720xi32, #tpu.memory_space<hbm>> -> memref<30720xi32, #tpu.memory_space<hbm>>
    %dma_wait3A_718 = arith.constant 24960 : i32
    %dma_wait3A_719 = tpu.memref_slice %dma_wait3A_717[%dma_wait3A_718] : memref<30720xi32, #tpu.memory_space<hbm>> -> memref<1920xi32, #tpu.memory_space<hbm>>
    tpu.wait_dma2 semaphore(%arg16 : memref<!tpu.dma_semaphore, #tpu.memory_space<semaphore_mem>>) src(%dma_wait3A_719 : memref<1920xi32, #tpu.memory_space<hbm>>) dst(%arg9 : memref<1920xi32, #tpu.memory_space<vmem>>)
    %dma_wait3A_720 = arith.constant 1 : i32
    %dma_wait3A_721 = arith.constant 0 : i32
    %dma_wait3A_722 = tpu.memref_slice %arg5[%arg0, %dma_wait3A_720, %dma_wait3A_721] : memref<2x2x30720xi32, #tpu.memory_space<hbm>> -> memref<1x1x30720xi32, #tpu.memory_space<hbm>>
    %dma_wait3A_723 = tpu.memref_squeeze %dma_wait3A_722 : memref<1x1x30720xi32, #tpu.memory_space<hbm>> -> memref<30720xi32, #tpu.memory_space<hbm>>
    %dma_wait3A_724 = arith.constant 24960 : i32
    %dma_wait3A_725 = tpu.memref_slice %dma_wait3A_723[%dma_wait3A_724] : memref<30720xi32, #tpu.memory_space<hbm>> -> memref<1920xi32, #tpu.memory_space<hbm>>
    %dma_wait3A_726 = arith.constant 0 : i32
    %dma_wait3A_727 = tpu.memref_slice %arg5[%arg0, %dma_wait3A_720, %dma_wait3A_726] : memref<2x2x30720xi32, #tpu.memory_space<hbm>> -> memref<1x1x30720xi32, #tpu.memory_space<hbm>>
    %dma_wait3A_728 = tpu.memref_squeeze %dma_wait3A_727 : memref<1x1x30720xi32, #tpu.memory_space<hbm>> -> memref<30720xi32, #tpu.memory_space<hbm>>
    %dma_wait3A_729 = arith.constant 24960 : i32
    %dma_wait3A_730 = tpu.memref_slice %dma_wait3A_728[%dma_wait3A_729] : memref<30720xi32, #tpu.memory_space<hbm>> -> memref<1920xi32, #tpu.memory_space<hbm>>
    tpu.wait_dma2 semaphore(%arg17 : memref<!tpu.dma_semaphore, #tpu.memory_space<semaphore_mem>>) src(%dma_wait3A_730 : memref<1920xi32, #tpu.memory_space<hbm>>) dst(%arg11 : memref<1920xi32, #tpu.memory_space<vmem>>)
    %dma_start3A_731 = arith.constant 0 : i32
    %dma_start3A_732 = arith.constant 0 : i32
    %dma_start3A_733 = tpu.memref_slice %arg5[%arg0, %dma_start3A_731, %dma_start3A_732] : memref<2x2x30720xi32, #tpu.memory_space<hbm>> -> memref<1x1x30720xi32, #tpu.memory_space<hbm>>
    %dma_start3A_734 = tpu.memref_squeeze %dma_start3A_733 : memref<1x1x30720xi32, #tpu.memory_space<hbm>> -> memref<30720xi32, #tpu.memory_space<hbm>>
    %dma_start3A_735 = arith.constant 26880 : i32
    %dma_start3A_736 = tpu.memref_slice %dma_start3A_734[%dma_start3A_735] : memref<30720xi32, #tpu.memory_space<hbm>> -> memref<1920xi32, #tpu.memory_space<hbm>>
    %dma_start3A_737 = arith.constant 0 : i32
    %dma_start3A_738 = tpu.memref_slice %arg5[%arg0, %dma_start3A_731, %dma_start3A_737] : memref<2x2x30720xi32, #tpu.memory_space<hbm>> -> memref<1x1x30720xi32, #tpu.memory_space<hbm>>
    %dma_start3A_739 = tpu.memref_squeeze %dma_start3A_738 : memref<1x1x30720xi32, #tpu.memory_space<hbm>> -> memref<30720xi32, #tpu.memory_space<hbm>>
    %dma_start3A_740 = arith.constant 26880 : i32
    %dma_start3A_741 = tpu.memref_slice %dma_start3A_739[%dma_start3A_740] : memref<30720xi32, #tpu.memory_space<hbm>> -> memref<1920xi32, #tpu.memory_space<hbm>>
    tpu.enqueue_dma source(%dma_start3A_741 : memref<1920xi32, #tpu.memory_space<hbm>>) target(%arg8 : memref<1920xi32, #tpu.memory_space<vmem>>) target_semaphore(%arg16 : memref<!tpu.dma_semaphore, #tpu.memory_space<semaphore_mem>>)
    %dma_start3A_742 = arith.constant 1 : i32
    %dma_start3A_743 = arith.constant 0 : i32
    %dma_start3A_744 = tpu.memref_slice %arg5[%arg0, %dma_start3A_742, %dma_start3A_743] : memref<2x2x30720xi32, #tpu.memory_space<hbm>> -> memref<1x1x30720xi32, #tpu.memory_space<hbm>>
    %dma_start3A_745 = tpu.memref_squeeze %dma_start3A_744 : memref<1x1x30720xi32, #tpu.memory_space<hbm>> -> memref<30720xi32, #tpu.memory_space<hbm>>
    %dma_start3A_746 = arith.constant 26880 : i32
    %dma_start3A_747 = tpu.memref_slice %dma_start3A_745[%dma_start3A_746] : memref<30720xi32, #tpu.memory_space<hbm>> -> memref<1920xi32, #tpu.memory_space<hbm>>
    %dma_start3A_748 = arith.constant 0 : i32
    %dma_start3A_749 = tpu.memref_slice %arg5[%arg0, %dma_start3A_742, %dma_start3A_748] : memref<2x2x30720xi32, #tpu.memory_space<hbm>> -> memref<1x1x30720xi32, #tpu.memory_space<hbm>>
    %dma_start3A_750 = tpu.memref_squeeze %dma_start3A_749 : memref<1x1x30720xi32, #tpu.memory_space<hbm>> -> memref<30720xi32, #tpu.memory_space<hbm>>
    %dma_start3A_751 = arith.constant 26880 : i32
    %dma_start3A_752 = tpu.memref_slice %dma_start3A_750[%dma_start3A_751] : memref<30720xi32, #tpu.memory_space<hbm>> -> memref<1920xi32, #tpu.memory_space<hbm>>
    tpu.enqueue_dma source(%dma_start3A_752 : memref<1920xi32, #tpu.memory_space<hbm>>) target(%arg10 : memref<1920xi32, #tpu.memory_space<vmem>>) target_semaphore(%arg17 : memref<!tpu.dma_semaphore, #tpu.memory_space<semaphore_mem>>)
    %scan3A_753 = arith.constant 0 : i32
    %scan3A_754 = arith.constant 0 : i32
    %scan3A_755 = arith.constant 120 : i32
    %scan3A_756 = arith.addi %scan3A_754, %scan3A_755 : i32
    %scan3A_757 = arith.constant 1 : i32
    %scan3A_758 = scf.for %scan3A_1208 = %scan3A_754 to %scan3A_756 step %scan3A_757 iter_args(%scan3A_1209 = %scan3A_753) -> (i32)  : i32 {
      %mul3A_1210 = arith.constant 16 : i32
      %mul3A_1211 = arith.muli %scan3A_1208, %mul3A_1210 : i32
      %get3A = arith.index_cast %mul3A_1211 : i32 to index
      %get3A_1212 = tpu.vector_load %arg9[%get3A] {strides = array<i32>} : memref<1920xi32, #tpu.memory_space<vmem>>, vector<16xi32>,
      %mul3A_1213 = arith.constant 16 : i32
      %mul3A_1214 = arith.muli %scan3A_1208, %mul3A_1213 : i32
      %get3A_1215 = arith.index_cast %mul3A_1214 : i32 to index
      %get3A_1216 = tpu.vector_load %arg11[%get3A_1215] {strides = array<i32>} : memref<1920xi32, #tpu.memory_space<vmem>>, vector<16xi32>,
      %eq3A = vector.broadcast %add3A : i32 to vector<16xi32>
      %eq3A_1217 = arith.cmpi eq, %get3A_1212, %eq3A : vector<16xi32>
      %shift_right_arithmetic3A = arith.constant 15 : i32
      %shift_right_arithmetic3A_1218 = vector.broadcast %shift_right_arithmetic3A : i32 to vector<16xi32>
      %shift_right_arithmetic3A_1219 = arith.shrsi %get3A_1216, %shift_right_arithmetic3A_1218 : vector<16xi32>
      %while3A = arith.constant true
      %while3A_1220 = scf.while (%while3A_1222 = %while3A) : (i1) -> i1 {
        scf.condition(%while3A_1222) %while3A_1222 : i1
      } do {
      ^bb0(%while3A_1222: i1):
        %gather3A = tpu.vector_load_idx %arg6[%shift_right_arithmetic3A_1219] masked %eq3A_1217 : memref<8192xi32, #tpu.memory_space<vmem>>[vector<16xi32>], vector<16xi32>, vector<16xi1>
        %max3A = arith.maxsi %gather3A, %get3A_1216 : vector<16xi32>
        tpu.vector_store_idx %arg6[%shift_right_arithmetic3A_1219], %max3A masked %eq3A_1217 : memref<8192xi32, #tpu.memory_space<vmem>>[vector<16xi32>], vector<16xi32>, vector<16xi1>
        %gather3A_1223 = tpu.vector_load_idx %arg6[%shift_right_arithmetic3A_1219] masked %eq3A_1217 : memref<8192xi32, #tpu.memory_space<vmem>>[vector<16xi32>], vector<16xi32>, vector<16xi1>
        %lt3A = arith.cmpi slt, %gather3A_1223, %get3A_1216 : vector<16xi32>
        %and3A = arith.andi %eq3A_1217, %lt3A : vector<16xi1>
        %reduce_or3A = arith.constant 1.000000e+00 : f32
        %reduce_or3A_1224 = arith.constant 0.000000e+00 : f32
        %reduce_or3A_1225 = vector.broadcast %reduce_or3A : f32 to vector<16xf32>
        %reduce_or3A_1226 = vector.broadcast %reduce_or3A_1224 : f32 to vector<16xf32>
        %reduce_or3A_1227 = arith.select %and3A, %reduce_or3A_1225, %reduce_or3A_1226 : vector<16xi1>, vector<16xf32>
        %reduce_or3A_1228 = arith.constant true
        %reduce_or3A_1229 = vector.broadcast %reduce_or3A_1228 : i1 to vector<16xi1>
        %reduce_or3A_1230 = tpu.scan <max>, %reduce_or3A_1227 masked %reduce_or3A_1229 : vector<16xf32>, vector<16xi1> -> vector<16xf32>
        %reduce_or3A_1231 = vector.extract %reduce_or3A_1230[15] : f32 from vector<16xf32>
        %reduce_or3A_1232 = arith.constant 0.000000e+00 : f32
        %reduce_or3A_1233 = arith.cmpf ogt, %reduce_or3A_1231, %reduce_or3A_1232 : f32
        scf.yield %reduce_or3A_1233 : i1
      }
      %scan3A_1221 = arith.constant 0 : i32
      scf.yield %scan3A_1221 : i32
    }
    %scan3A_759 = arith.constant 120 : i32
    %dma_wait3A_760 = arith.constant 0 : i32
    %dma_wait3A_761 = arith.constant 0 : i32
    %dma_wait3A_762 = tpu.memref_slice %arg5[%arg0, %dma_wait3A_760, %dma_wait3A_761] : memref<2x2x30720xi32, #tpu.memory_space<hbm>> -> memref<1x1x30720xi32, #tpu.memory_space<hbm>>
    %dma_wait3A_763 = tpu.memref_squeeze %dma_wait3A_762 : memref<1x1x30720xi32, #tpu.memory_space<hbm>> -> memref<30720xi32, #tpu.memory_space<hbm>>
    %dma_wait3A_764 = arith.constant 26880 : i32
    %dma_wait3A_765 = tpu.memref_slice %dma_wait3A_763[%dma_wait3A_764] : memref<30720xi32, #tpu.memory_space<hbm>> -> memref<1920xi32, #tpu.memory_space<hbm>>
    %dma_wait3A_766 = arith.constant 0 : i32
    %dma_wait3A_767 = tpu.memref_slice %arg5[%arg0, %dma_wait3A_760, %dma_wait3A_766] : memref<2x2x30720xi32, #tpu.memory_space<hbm>> -> memref<1x1x30720xi32, #tpu.memory_space<hbm>>
    %dma_wait3A_768 = tpu.memref_squeeze %dma_wait3A_767 : memref<1x1x30720xi32, #tpu.memory_space<hbm>> -> memref<30720xi32, #tpu.memory_space<hbm>>
    %dma_wait3A_769 = arith.constant 26880 : i32
    %dma_wait3A_770 = tpu.memref_slice %dma_wait3A_768[%dma_wait3A_769] : memref<30720xi32, #tpu.memory_space<hbm>> -> memref<1920xi32, #tpu.memory_space<hbm>>
    tpu.wait_dma2 semaphore(%arg16 : memref<!tpu.dma_semaphore, #tpu.memory_space<semaphore_mem>>) src(%dma_wait3A_770 : memref<1920xi32, #tpu.memory_space<hbm>>) dst(%arg8 : memref<1920xi32, #tpu.memory_space<vmem>>)
    %dma_wait3A_771 = arith.constant 1 : i32
    %dma_wait3A_772 = arith.constant 0 : i32
    %dma_wait3A_773 = tpu.memref_slice %arg5[%arg0, %dma_wait3A_771, %dma_wait3A_772] : memref<2x2x30720xi32, #tpu.memory_space<hbm>> -> memref<1x1x30720xi32, #tpu.memory_space<hbm>>
    %dma_wait3A_774 = tpu.memref_squeeze %dma_wait3A_773 : memref<1x1x30720xi32, #tpu.memory_space<hbm>> -> memref<30720xi32, #tpu.memory_space<hbm>>
    %dma_wait3A_775 = arith.constant 26880 : i32
    %dma_wait3A_776 = tpu.memref_slice %dma_wait3A_774[%dma_wait3A_775] : memref<30720xi32, #tpu.memory_space<hbm>> -> memref<1920xi32, #tpu.memory_space<hbm>>
    %dma_wait3A_777 = arith.constant 0 : i32
    %dma_wait3A_778 = tpu.memref_slice %arg5[%arg0, %dma_wait3A_771, %dma_wait3A_777] : memref<2x2x30720xi32, #tpu.memory_space<hbm>> -> memref<1x1x30720xi32, #tpu.memory_space<hbm>>
    %dma_wait3A_779 = tpu.memref_squeeze %dma_wait3A_778 : memref<1x1x30720xi32, #tpu.memory_space<hbm>> -> memref<30720xi32, #tpu.memory_space<hbm>>
    %dma_wait3A_780 = arith.constant 26880 : i32
    %dma_wait3A_781 = tpu.memref_slice %dma_wait3A_779[%dma_wait3A_780] : memref<30720xi32, #tpu.memory_space<hbm>> -> memref<1920xi32, #tpu.memory_space<hbm>>
    tpu.wait_dma2 semaphore(%arg17 : memref<!tpu.dma_semaphore, #tpu.memory_space<semaphore_mem>>) src(%dma_wait3A_781 : memref<1920xi32, #tpu.memory_space<hbm>>) dst(%arg10 : memref<1920xi32, #tpu.memory_space<vmem>>)
    %dma_start3A_782 = arith.constant 0 : i32
    %dma_start3A_783 = arith.constant 0 : i32
    %dma_start3A_784 = tpu.memref_slice %arg5[%arg0, %dma_start3A_782, %dma_start3A_783] : memref<2x2x30720xi32, #tpu.memory_space<hbm>> -> memref<1x1x30720xi32, #tpu.memory_space<hbm>>
    %dma_start3A_785 = tpu.memref_squeeze %dma_start3A_784 : memref<1x1x30720xi32, #tpu.memory_space<hbm>> -> memref<30720xi32, #tpu.memory_space<hbm>>
    %dma_start3A_786 = arith.constant 28800 : i32
    %dma_start3A_787 = tpu.memref_slice %dma_start3A_785[%dma_start3A_786] : memref<30720xi32, #tpu.memory_space<hbm>> -> memref<1920xi32, #tpu.memory_space<hbm>>
    %dma_start3A_788 = arith.constant 0 : i32
    %dma_start3A_789 = tpu.memref_slice %arg5[%arg0, %dma_start3A_782, %dma_start3A_788] : memref<2x2x30720xi32, #tpu.memory_space<hbm>> -> memref<1x1x30720xi32, #tpu.memory_space<hbm>>
    %dma_start3A_790 = tpu.memref_squeeze %dma_start3A_789 : memref<1x1x30720xi32, #tpu.memory_space<hbm>> -> memref<30720xi32, #tpu.memory_space<hbm>>
    %dma_start3A_791 = arith.constant 28800 : i32
    %dma_start3A_792 = tpu.memref_slice %dma_start3A_790[%dma_start3A_791] : memref<30720xi32, #tpu.memory_space<hbm>> -> memref<1920xi32, #tpu.memory_space<hbm>>
    tpu.enqueue_dma source(%dma_start3A_792 : memref<1920xi32, #tpu.memory_space<hbm>>) target(%arg9 : memref<1920xi32, #tpu.memory_space<vmem>>) target_semaphore(%arg16 : memref<!tpu.dma_semaphore, #tpu.memory_space<semaphore_mem>>)
    %dma_start3A_793 = arith.constant 1 : i32
    %dma_start3A_794 = arith.constant 0 : i32
    %dma_start3A_795 = tpu.memref_slice %arg5[%arg0, %dma_start3A_793, %dma_start3A_794] : memref<2x2x30720xi32, #tpu.memory_space<hbm>> -> memref<1x1x30720xi32, #tpu.memory_space<hbm>>
    %dma_start3A_796 = tpu.memref_squeeze %dma_start3A_795 : memref<1x1x30720xi32, #tpu.memory_space<hbm>> -> memref<30720xi32, #tpu.memory_space<hbm>>
    %dma_start3A_797 = arith.constant 28800 : i32
    %dma_start3A_798 = tpu.memref_slice %dma_start3A_796[%dma_start3A_797] : memref<30720xi32, #tpu.memory_space<hbm>> -> memref<1920xi32, #tpu.memory_space<hbm>>
    %dma_start3A_799 = arith.constant 0 : i32
    %dma_start3A_800 = tpu.memref_slice %arg5[%arg0, %dma_start3A_793, %dma_start3A_799] : memref<2x2x30720xi32, #tpu.memory_space<hbm>> -> memref<1x1x30720xi32, #tpu.memory_space<hbm>>
    %dma_start3A_801 = tpu.memref_squeeze %dma_start3A_800 : memref<1x1x30720xi32, #tpu.memory_space<hbm>> -> memref<30720xi32, #tpu.memory_space<hbm>>
    %dma_start3A_802 = arith.constant 28800 : i32
    %dma_start3A_803 = tpu.memref_slice %dma_start3A_801[%dma_start3A_802] : memref<30720xi32, #tpu.memory_space<hbm>> -> memref<1920xi32, #tpu.memory_space<hbm>>
    tpu.enqueue_dma source(%dma_start3A_803 : memref<1920xi32, #tpu.memory_space<hbm>>) target(%arg11 : memref<1920xi32, #tpu.memory_space<vmem>>) target_semaphore(%arg17 : memref<!tpu.dma_semaphore, #tpu.memory_space<semaphore_mem>>)
    %scan3A_804 = arith.constant 0 : i32
    %scan3A_805 = arith.constant 0 : i32
    %scan3A_806 = arith.constant 120 : i32
    %scan3A_807 = arith.addi %scan3A_805, %scan3A_806 : i32
    %scan3A_808 = arith.constant 1 : i32
    %scan3A_809 = scf.for %scan3A_1208 = %scan3A_805 to %scan3A_807 step %scan3A_808 iter_args(%scan3A_1209 = %scan3A_804) -> (i32)  : i32 {
      %mul3A_1210 = arith.constant 16 : i32
      %mul3A_1211 = arith.muli %scan3A_1208, %mul3A_1210 : i32
      %get3A = arith.index_cast %mul3A_1211 : i32 to index
      %get3A_1212 = tpu.vector_load %arg8[%get3A] {strides = array<i32>} : memref<1920xi32, #tpu.memory_space<vmem>>, vector<16xi32>,
      %mul3A_1213 = arith.constant 16 : i32
      %mul3A_1214 = arith.muli %scan3A_1208, %mul3A_1213 : i32
      %get3A_1215 = arith.index_cast %mul3A_1214 : i32 to index
      %get3A_1216 = tpu.vector_load %arg10[%get3A_1215] {strides = array<i32>} : memref<1920xi32, #tpu.memory_space<vmem>>, vector<16xi32>,
      %eq3A = vector.broadcast %add3A : i32 to vector<16xi32>
      %eq3A_1217 = arith.cmpi eq, %get3A_1212, %eq3A : vector<16xi32>
      %shift_right_arithmetic3A = arith.constant 15 : i32
      %shift_right_arithmetic3A_1218 = vector.broadcast %shift_right_arithmetic3A : i32 to vector<16xi32>
      %shift_right_arithmetic3A_1219 = arith.shrsi %get3A_1216, %shift_right_arithmetic3A_1218 : vector<16xi32>
      %while3A = arith.constant true
      %while3A_1220 = scf.while (%while3A_1222 = %while3A) : (i1) -> i1 {
        scf.condition(%while3A_1222) %while3A_1222 : i1
      } do {
      ^bb0(%while3A_1222: i1):
        %gather3A = tpu.vector_load_idx %arg6[%shift_right_arithmetic3A_1219] masked %eq3A_1217 : memref<8192xi32, #tpu.memory_space<vmem>>[vector<16xi32>], vector<16xi32>, vector<16xi1>
        %max3A = arith.maxsi %gather3A, %get3A_1216 : vector<16xi32>
        tpu.vector_store_idx %arg6[%shift_right_arithmetic3A_1219], %max3A masked %eq3A_1217 : memref<8192xi32, #tpu.memory_space<vmem>>[vector<16xi32>], vector<16xi32>, vector<16xi1>
        %gather3A_1223 = tpu.vector_load_idx %arg6[%shift_right_arithmetic3A_1219] masked %eq3A_1217 : memref<8192xi32, #tpu.memory_space<vmem>>[vector<16xi32>], vector<16xi32>, vector<16xi1>
        %lt3A = arith.cmpi slt, %gather3A_1223, %get3A_1216 : vector<16xi32>
        %and3A = arith.andi %eq3A_1217, %lt3A : vector<16xi1>
        %reduce_or3A = arith.constant 1.000000e+00 : f32
        %reduce_or3A_1224 = arith.constant 0.000000e+00 : f32
        %reduce_or3A_1225 = vector.broadcast %reduce_or3A : f32 to vector<16xf32>
        %reduce_or3A_1226 = vector.broadcast %reduce_or3A_1224 : f32 to vector<16xf32>
        %reduce_or3A_1227 = arith.select %and3A, %reduce_or3A_1225, %reduce_or3A_1226 : vector<16xi1>, vector<16xf32>
        %reduce_or3A_1228 = arith.constant true
        %reduce_or3A_1229 = vector.broadcast %reduce_or3A_1228 : i1 to vector<16xi1>
        %reduce_or3A_1230 = tpu.scan <max>, %reduce_or3A_1227 masked %reduce_or3A_1229 : vector<16xf32>, vector<16xi1> -> vector<16xf32>
        %reduce_or3A_1231 = vector.extract %reduce_or3A_1230[15] : f32 from vector<16xf32>
        %reduce_or3A_1232 = arith.constant 0.000000e+00 : f32
        %reduce_or3A_1233 = arith.cmpf ogt, %reduce_or3A_1231, %reduce_or3A_1232 : f32
        scf.yield %reduce_or3A_1233 : i1
      }
      %scan3A_1221 = arith.constant 0 : i32
      scf.yield %scan3A_1221 : i32
    }
    %scan3A_810 = arith.constant 120 : i32
    %dma_wait3A_811 = arith.constant 0 : i32
    %dma_wait3A_812 = arith.constant 0 : i32
    %dma_wait3A_813 = tpu.memref_slice %arg5[%arg0, %dma_wait3A_811, %dma_wait3A_812] : memref<2x2x30720xi32, #tpu.memory_space<hbm>> -> memref<1x1x30720xi32, #tpu.memory_space<hbm>>
    %dma_wait3A_814 = tpu.memref_squeeze %dma_wait3A_813 : memref<1x1x30720xi32, #tpu.memory_space<hbm>> -> memref<30720xi32, #tpu.memory_space<hbm>>
    %dma_wait3A_815 = arith.constant 28800 : i32
    %dma_wait3A_816 = tpu.memref_slice %dma_wait3A_814[%dma_wait3A_815] : memref<30720xi32, #tpu.memory_space<hbm>> -> memref<1920xi32, #tpu.memory_space<hbm>>
    %dma_wait3A_817 = arith.constant 0 : i32
    %dma_wait3A_818 = tpu.memref_slice %arg5[%arg0, %dma_wait3A_811, %dma_wait3A_817] : memref<2x2x30720xi32, #tpu.memory_space<hbm>> -> memref<1x1x30720xi32, #tpu.memory_space<hbm>>
    %dma_wait3A_819 = tpu.memref_squeeze %dma_wait3A_818 : memref<1x1x30720xi32, #tpu.memory_space<hbm>> -> memref<30720xi32, #tpu.memory_space<hbm>>
    %dma_wait3A_820 = arith.constant 28800 : i32
    %dma_wait3A_821 = tpu.memref_slice %dma_wait3A_819[%dma_wait3A_820] : memref<30720xi32, #tpu.memory_space<hbm>> -> memref<1920xi32, #tpu.memory_space<hbm>>
    tpu.wait_dma2 semaphore(%arg16 : memref<!tpu.dma_semaphore, #tpu.memory_space<semaphore_mem>>) src(%dma_wait3A_821 : memref<1920xi32, #tpu.memory_space<hbm>>) dst(%arg9 : memref<1920xi32, #tpu.memory_space<vmem>>)
    %dma_wait3A_822 = arith.constant 1 : i32
    %dma_wait3A_823 = arith.constant 0 : i32
    %dma_wait3A_824 = tpu.memref_slice %arg5[%arg0, %dma_wait3A_822, %dma_wait3A_823] : memref<2x2x30720xi32, #tpu.memory_space<hbm>> -> memref<1x1x30720xi32, #tpu.memory_space<hbm>>
    %dma_wait3A_825 = tpu.memref_squeeze %dma_wait3A_824 : memref<1x1x30720xi32, #tpu.memory_space<hbm>> -> memref<30720xi32, #tpu.memory_space<hbm>>
    %dma_wait3A_826 = arith.constant 28800 : i32
    %dma_wait3A_827 = tpu.memref_slice %dma_wait3A_825[%dma_wait3A_826] : memref<30720xi32, #tpu.memory_space<hbm>> -> memref<1920xi32, #tpu.memory_space<hbm>>
    %dma_wait3A_828 = arith.constant 0 : i32
    %dma_wait3A_829 = tpu.memref_slice %arg5[%arg0, %dma_wait3A_822, %dma_wait3A_828] : memref<2x2x30720xi32, #tpu.memory_space<hbm>> -> memref<1x1x30720xi32, #tpu.memory_space<hbm>>
    %dma_wait3A_830 = tpu.memref_squeeze %dma_wait3A_829 : memref<1x1x30720xi32, #tpu.memory_space<hbm>> -> memref<30720xi32, #tpu.memory_space<hbm>>
    %dma_wait3A_831 = arith.constant 28800 : i32
    %dma_wait3A_832 = tpu.memref_slice %dma_wait3A_830[%dma_wait3A_831] : memref<30720xi32, #tpu.memory_space<hbm>> -> memref<1920xi32, #tpu.memory_space<hbm>>
    tpu.wait_dma2 semaphore(%arg17 : memref<!tpu.dma_semaphore, #tpu.memory_space<semaphore_mem>>) src(%dma_wait3A_832 : memref<1920xi32, #tpu.memory_space<hbm>>) dst(%arg11 : memref<1920xi32, #tpu.memory_space<vmem>>)
    %scan3A_833 = arith.constant 0 : i32
    %scan3A_834 = arith.constant 0 : i32
    %scan3A_835 = arith.constant 120 : i32
    %scan3A_836 = arith.addi %scan3A_834, %scan3A_835 : i32
    %scan3A_837 = arith.constant 1 : i32
    %scan3A_838 = scf.for %scan3A_1208 = %scan3A_834 to %scan3A_836 step %scan3A_837 iter_args(%scan3A_1209 = %scan3A_833) -> (i32)  : i32 {
      %mul3A_1210 = arith.constant 16 : i32
      %mul3A_1211 = arith.muli %scan3A_1208, %mul3A_1210 : i32
      %get3A = arith.index_cast %mul3A_1211 : i32 to index
      %get3A_1212 = tpu.vector_load %arg9[%get3A] {strides = array<i32>} : memref<1920xi32, #tpu.memory_space<vmem>>, vector<16xi32>,
      %mul3A_1213 = arith.constant 16 : i32
      %mul3A_1214 = arith.muli %scan3A_1208, %mul3A_1213 : i32
      %get3A_1215 = arith.index_cast %mul3A_1214 : i32 to index
      %get3A_1216 = tpu.vector_load %arg11[%get3A_1215] {strides = array<i32>} : memref<1920xi32, #tpu.memory_space<vmem>>, vector<16xi32>,
      %eq3A = vector.broadcast %add3A : i32 to vector<16xi32>
      %eq3A_1217 = arith.cmpi eq, %get3A_1212, %eq3A : vector<16xi32>
      %shift_right_arithmetic3A = arith.constant 15 : i32
      %shift_right_arithmetic3A_1218 = vector.broadcast %shift_right_arithmetic3A : i32 to vector<16xi32>
      %shift_right_arithmetic3A_1219 = arith.shrsi %get3A_1216, %shift_right_arithmetic3A_1218 : vector<16xi32>
      %while3A = arith.constant true
      %while3A_1220 = scf.while (%while3A_1222 = %while3A) : (i1) -> i1 {
        scf.condition(%while3A_1222) %while3A_1222 : i1
      } do {
      ^bb0(%while3A_1222: i1):
        %gather3A = tpu.vector_load_idx %arg6[%shift_right_arithmetic3A_1219] masked %eq3A_1217 : memref<8192xi32, #tpu.memory_space<vmem>>[vector<16xi32>], vector<16xi32>, vector<16xi1>
        %max3A = arith.maxsi %gather3A, %get3A_1216 : vector<16xi32>
        tpu.vector_store_idx %arg6[%shift_right_arithmetic3A_1219], %max3A masked %eq3A_1217 : memref<8192xi32, #tpu.memory_space<vmem>>[vector<16xi32>], vector<16xi32>, vector<16xi1>
        %gather3A_1223 = tpu.vector_load_idx %arg6[%shift_right_arithmetic3A_1219] masked %eq3A_1217 : memref<8192xi32, #tpu.memory_space<vmem>>[vector<16xi32>], vector<16xi32>, vector<16xi1>
        %lt3A = arith.cmpi slt, %gather3A_1223, %get3A_1216 : vector<16xi32>
        %and3A = arith.andi %eq3A_1217, %lt3A : vector<16xi1>
        %reduce_or3A = arith.constant 1.000000e+00 : f32
        %reduce_or3A_1224 = arith.constant 0.000000e+00 : f32
        %reduce_or3A_1225 = vector.broadcast %reduce_or3A : f32 to vector<16xf32>
        %reduce_or3A_1226 = vector.broadcast %reduce_or3A_1224 : f32 to vector<16xf32>
        %reduce_or3A_1227 = arith.select %and3A, %reduce_or3A_1225, %reduce_or3A_1226 : vector<16xi1>, vector<16xf32>
        %reduce_or3A_1228 = arith.constant true
        %reduce_or3A_1229 = vector.broadcast %reduce_or3A_1228 : i1 to vector<16xi1>
        %reduce_or3A_1230 = tpu.scan <max>, %reduce_or3A_1227 masked %reduce_or3A_1229 : vector<16xf32>, vector<16xi1> -> vector<16xf32>
        %reduce_or3A_1231 = vector.extract %reduce_or3A_1230[15] : f32 from vector<16xf32>
        %reduce_or3A_1232 = arith.constant 0.000000e+00 : f32
        %reduce_or3A_1233 = arith.cmpf ogt, %reduce_or3A_1231, %reduce_or3A_1232 : f32
        scf.yield %reduce_or3A_1233 : i1
      }
      %scan3A_1221 = arith.constant 0 : i32
      scf.yield %scan3A_1221 : i32
    }
    %scan3A_839 = arith.constant 120 : i32
    %scan3A_840 = arith.constant 0 : i32
    %scan3A_841 = arith.constant 0 : i32
    %scan3A_842 = arith.constant 32 : i32
    %scan3A_843 = arith.addi %scan3A_841, %scan3A_842 : i32
    %scan3A_844 = arith.constant 1 : i32
    %scan3A_845 = scf.for %scan3A_1208 = %scan3A_841 to %scan3A_843 step %scan3A_844 iter_args(%scan3A_1209 = %scan3A_840) -> (i32)  : i32 {
      %mul3A_1210 = arith.constant 16 : i32
      %mul3A_1211 = arith.muli %scan3A_1208, %mul3A_1210 : i32
      %add3A_1212 = arith.constant 0 : i32
      %add3A_1213 = arith.addi %add3A_1212, %mul3A_1211 : i32
      %get3A = arith.index_cast %add3A_1213 : i32 to index
      %get3A_1214 = tpu.vector_load %arg6[%get3A] {strides = array<i32>} : memref<8192xi32, #tpu.memory_space<vmem>>, vector<16xi32>,
      %and3A = arith.constant 32767 : i32
      %and3A_1215 = vector.broadcast %and3A : i32 to vector<16xi32>
      %and3A_1216 = arith.andi %get3A_1214, %and3A_1215 : vector<16xi32>
      %add3A_1217 = arith.constant 0 : i32
      %add3A_1218 = arith.addi %mul3A_2, %add3A_1217 : i32
      %mul3A_1219 = arith.constant 16 : i32
      %mul3A_1220 = arith.muli %scan3A_1208, %mul3A_1219 : i32
      %add3A_1221 = arith.addi %add3A_1218, %mul3A_1220 : i32
      %add3A_1222 = vector.broadcast %add3A_1221 : i32 to vector<16xi32>
      %add3A_1223 = arith.addi %add3A_1222, %iota3A : vector<16xi32>
      %and3A_1224 = arith.constant 32767 : i32
      %and3A_1225 = vector.broadcast %and3A_1224 : i32 to vector<16xi32>
      %and3A_1226 = arith.andi %add3A_1223, %and3A_1225 : vector<16xi32>
      %add3A_1227 = arith.constant 30000 : i32
      %add3A_1228 = vector.broadcast %add3A_1227 : i32 to vector<16xi32>
      %add3A_1229 = arith.addi %add3A_1228, %and3A_1226 : vector<16xi32>
      %ge3A = arith.constant 0 : i32
      %ge3A_1230 = vector.broadcast %ge3A : i32 to vector<16xi32>
      %ge3A_1231 = arith.cmpi sge, %get3A_1214, %ge3A_1230 : vector<16xi32>
      %select_n3A = arith.select %ge3A_1231, %and3A_1216, %add3A_1229 : vector<16xi1>, vector<16xi32>
      %mul3A_1232 = arith.constant 16 : i32
      %mul3A_1233 = arith.muli %scan3A_1208, %mul3A_1232 : i32
      %swap3A = arith.index_cast %mul3A_1233 : i32 to index
      %swap3A_1234 = tpu.vector_load %arg12[%swap3A] {strides = array<i32>} : memref<512xi32, #tpu.memory_space<vmem>>, vector<16xi32>,
      tpu.vector_store %arg12[%swap3A], %select_n3A {strides = array<i32>} : memref<512xi32, #tpu.memory_space<vmem>>, vector<16xi32>,
      %scan3A_1235 = arith.constant 0 : i32
      scf.yield %scan3A_1235 : i32
    }
    %scan3A_846 = arith.constant 32 : i32
    %dma_start3A_847 = arith.constant 0 : i32
    %dma_start3A_848 = arith.constant 0 : i32
    %dma_start3A_849 = tpu.memref_slice %arg3[%dma_start3A_847, %dma_start3A_848] : memref<62768x64xf32, #tpu.memory_space<hbm>> -> memref<62768x64xf32, #tpu.memory_space<hbm>>
    tpu.enqueue_indirect_dma source(%dma_start3A_849 : memref<62768x64xf32, #tpu.memory_space<hbm>>) target(%arg14 : memref<512x64xf32, #tpu.memory_space<vmem>>) offsets(%arg12 : memref<512xi32, #tpu.memory_space<vmem>>) semaphore(%arg18 : memref<!tpu.dma_semaphore, #tpu.memory_space<semaphore_mem>>)
    %dma_wait3A_850 = arith.constant 0 : i32
    %dma_wait3A_851 = arith.constant 0 : i32
    %dma_wait3A_852 = tpu.memref_slice %arg3[%dma_wait3A_850, %dma_wait3A_851] : memref<62768x64xf32, #tpu.memory_space<hbm>> -> memref<62768x64xf32, #tpu.memory_space<hbm>>
    tpu.wait_indirect_dma semaphore(%arg18 : memref<!tpu.dma_semaphore, #tpu.memory_space<semaphore_mem>>) src(%dma_wait3A_852 : memref<62768x64xf32, #tpu.memory_space<hbm>>) dst(%arg14 : memref<512x64xf32, #tpu.memory_space<vmem>>)
    %scan3A_853 = arith.constant 0 : i32
    %scan3A_854 = arith.constant 0 : i32
    %scan3A_855 = arith.constant 32 : i32
    %scan3A_856 = arith.addi %scan3A_854, %scan3A_855 : i32
    %scan3A_857 = arith.constant 1 : i32
    %scan3A_858 = scf.for %scan3A_1208 = %scan3A_854 to %scan3A_856 step %scan3A_857 iter_args(%scan3A_1209 = %scan3A_853) -> (i32)  : i32 {
      %mul3A_1210 = arith.constant 16 : i32
      %mul3A_1211 = arith.muli %scan3A_1208, %mul3A_1210 : i32
      %add3A_1212 = arith.constant 512 : i32
      %add3A_1213 = arith.addi %add3A_1212, %mul3A_1211 : i32
      %get3A = arith.index_cast %add3A_1213 : i32 to index
      %get3A_1214 = tpu.vector_load %arg6[%get3A] {strides = array<i32>} : memref<8192xi32, #tpu.memory_space<vmem>>, vector<16xi32>,
      %and3A = arith.constant 32767 : i32
      %and3A_1215 = vector.broadcast %and3A : i32 to vector<16xi32>
      %and3A_1216 = arith.andi %get3A_1214, %and3A_1215 : vector<16xi32>
      %add3A_1217 = arith.constant 512 : i32
      %add3A_1218 = arith.addi %mul3A_2, %add3A_1217 : i32
      %mul3A_1219 = arith.constant 16 : i32
      %mul3A_1220 = arith.muli %scan3A_1208, %mul3A_1219 : i32
      %add3A_1221 = arith.addi %add3A_1218, %mul3A_1220 : i32
      %add3A_1222 = vector.broadcast %add3A_1221 : i32 to vector<16xi32>
      %add3A_1223 = arith.addi %add3A_1222, %iota3A : vector<16xi32>
      %and3A_1224 = arith.constant 32767 : i32
      %and3A_1225 = vector.broadcast %and3A_1224 : i32 to vector<16xi32>
      %and3A_1226 = arith.andi %add3A_1223, %and3A_1225 : vector<16xi32>
      %add3A_1227 = arith.constant 30000 : i32
      %add3A_1228 = vector.broadcast %add3A_1227 : i32 to vector<16xi32>
      %add3A_1229 = arith.addi %add3A_1228, %and3A_1226 : vector<16xi32>
      %ge3A = arith.constant 0 : i32
      %ge3A_1230 = vector.broadcast %ge3A : i32 to vector<16xi32>
      %ge3A_1231 = arith.cmpi sge, %get3A_1214, %ge3A_1230 : vector<16xi32>
      %select_n3A = arith.select %ge3A_1231, %and3A_1216, %add3A_1229 : vector<16xi1>, vector<16xi32>
      %mul3A_1232 = arith.constant 16 : i32
      %mul3A_1233 = arith.muli %scan3A_1208, %mul3A_1232 : i32
      %swap3A = arith.index_cast %mul3A_1233 : i32 to index
      %swap3A_1234 = tpu.vector_load %arg13[%swap3A] {strides = array<i32>} : memref<512xi32, #tpu.memory_space<vmem>>, vector<16xi32>,
      tpu.vector_store %arg13[%swap3A], %select_n3A {strides = array<i32>} : memref<512xi32, #tpu.memory_space<vmem>>, vector<16xi32>,
      %scan3A_1235 = arith.constant 0 : i32
      scf.yield %scan3A_1235 : i32
    }
    %scan3A_859 = arith.constant 32 : i32
    %dma_start3A_860 = arith.constant 0 : i32
    %dma_start3A_861 = arith.constant 0 : i32
    %dma_start3A_862 = tpu.memref_slice %arg3[%dma_start3A_860, %dma_start3A_861] : memref<62768x64xf32, #tpu.memory_space<hbm>> -> memref<62768x64xf32, #tpu.memory_space<hbm>>
    tpu.enqueue_indirect_dma source(%dma_start3A_862 : memref<62768x64xf32, #tpu.memory_space<hbm>>) target(%arg15 : memref<512x64xf32, #tpu.memory_space<vmem>>) offsets(%arg13 : memref<512xi32, #tpu.memory_space<vmem>>) semaphore(%arg19 : memref<!tpu.dma_semaphore, #tpu.memory_space<semaphore_mem>>)
    %add3A_863 = arith.constant 0 : i32
    %add3A_864 = arith.addi %mul3A_2, %add3A_863 : i32
    %dma_start3A_865 = arith.constant 0 : i32
    %dma_start3A_866 = tpu.memref_slice %arg4[%add3A_864, %dma_start3A_865] : memref<262144x64xf32, #tpu.memory_space<hbm>> -> memref<512x64xf32, #tpu.memory_space<hbm>>
    %dma_start3A_867 = arith.constant 0 : i32
    %dma_start3A_868 = tpu.memref_slice %arg4[%add3A_864, %dma_start3A_867] : memref<262144x64xf32, #tpu.memory_space<hbm>> -> memref<512x64xf32, #tpu.memory_space<hbm>>
    tpu.enqueue_dma source(%arg14 : memref<512x64xf32, #tpu.memory_space<vmem>>) target(%dma_start3A_868 : memref<512x64xf32, #tpu.memory_space<hbm>>) target_semaphore(%arg20 : memref<!tpu.dma_semaphore, #tpu.memory_space<semaphore_mem>>)
    %dma_wait3A_869 = arith.constant 0 : i32
    %dma_wait3A_870 = arith.constant 0 : i32
    %dma_wait3A_871 = tpu.memref_slice %arg3[%dma_wait3A_869, %dma_wait3A_870] : memref<62768x64xf32, #tpu.memory_space<hbm>> -> memref<62768x64xf32, #tpu.memory_space<hbm>>
    tpu.wait_indirect_dma semaphore(%arg19 : memref<!tpu.dma_semaphore, #tpu.memory_space<semaphore_mem>>) src(%dma_wait3A_871 : memref<62768x64xf32, #tpu.memory_space<hbm>>) dst(%arg15 : memref<512x64xf32, #tpu.memory_space<vmem>>)
    %dma_wait3A_872 = arith.constant 0 : i32
    %dma_wait3A_873 = tpu.memref_slice %arg4[%add3A_864, %dma_wait3A_872] : memref<262144x64xf32, #tpu.memory_space<hbm>> -> memref<512x64xf32, #tpu.memory_space<hbm>>
    %dma_wait3A_874 = arith.constant 0 : i32
    %dma_wait3A_875 = tpu.memref_slice %arg4[%add3A_864, %dma_wait3A_874] : memref<262144x64xf32, #tpu.memory_space<hbm>> -> memref<512x64xf32, #tpu.memory_space<hbm>>
    tpu.wait_dma2 semaphore(%arg20 : memref<!tpu.dma_semaphore, #tpu.memory_space<semaphore_mem>>) src(%arg14 : memref<512x64xf32, #tpu.memory_space<vmem>>) dst(%dma_wait3A_875 : memref<512x64xf32, #tpu.memory_space<hbm>>)
    %scan3A_876 = arith.constant 0 : i32
    %scan3A_877 = arith.constant 0 : i32
    %scan3A_878 = arith.constant 32 : i32
    %scan3A_879 = arith.addi %scan3A_877, %scan3A_878 : i32
    %scan3A_880 = arith.constant 1 : i32
    %scan3A_881 = scf.for %scan3A_1208 = %scan3A_877 to %scan3A_879 step %scan3A_880 iter_args(%scan3A_1209 = %scan3A_876) -> (i32)  : i32 {
      %mul3A_1210 = arith.constant 16 : i32
      %mul3A_1211 = arith.muli %scan3A_1208, %mul3A_1210 : i32
      %add3A_1212 = arith.constant 1024 : i32
      %add3A_1213 = arith.addi %add3A_1212, %mul3A_1211 : i32
      %get3A = arith.index_cast %add3A_1213 : i32 to index
      %get3A_1214 = tpu.vector_load %arg6[%get3A] {strides = array<i32>} : memref<8192xi32, #tpu.memory_space<vmem>>, vector<16xi32>,
      %and3A = arith.constant 32767 : i32
      %and3A_1215 = vector.broadcast %and3A : i32 to vector<16xi32>
      %and3A_1216 = arith.andi %get3A_1214, %and3A_1215 : vector<16xi32>
      %add3A_1217 = arith.constant 1024 : i32
      %add3A_1218 = arith.addi %mul3A_2, %add3A_1217 : i32
      %mul3A_1219 = arith.constant 16 : i32
      %mul3A_1220 = arith.muli %scan3A_1208, %mul3A_1219 : i32
      %add3A_1221 = arith.addi %add3A_1218, %mul3A_1220 : i32
      %add3A_1222 = vector.broadcast %add3A_1221 : i32 to vector<16xi32>
      %add3A_1223 = arith.addi %add3A_1222, %iota3A : vector<16xi32>
      %and3A_1224 = arith.constant 32767 : i32
      %and3A_1225 = vector.broadcast %and3A_1224 : i32 to vector<16xi32>
      %and3A_1226 = arith.andi %add3A_1223, %and3A_1225 : vector<16xi32>
      %add3A_1227 = arith.constant 30000 : i32
      %add3A_1228 = vector.broadcast %add3A_1227 : i32 to vector<16xi32>
      %add3A_1229 = arith.addi %add3A_1228, %and3A_1226 : vector<16xi32>
      %ge3A = arith.constant 0 : i32
      %ge3A_1230 = vector.broadcast %ge3A : i32 to vector<16xi32>
      %ge3A_1231 = arith.cmpi sge, %get3A_1214, %ge3A_1230 : vector<16xi32>
      %select_n3A = arith.select %ge3A_1231, %and3A_1216, %add3A_1229 : vector<16xi1>, vector<16xi32>
      %mul3A_1232 = arith.constant 16 : i32
      %mul3A_1233 = arith.muli %scan3A_1208, %mul3A_1232 : i32
      %swap3A = arith.index_cast %mul3A_1233 : i32 to index
      %swap3A_1234 = tpu.vector_load %arg12[%swap3A] {strides = array<i32>} : memref<512xi32, #tpu.memory_space<vmem>>, vector<16xi32>,
      tpu.vector_store %arg12[%swap3A], %select_n3A {strides = array<i32>} : memref<512xi32, #tpu.memory_space<vmem>>, vector<16xi32>,
      %scan3A_1235 = arith.constant 0 : i32
      scf.yield %scan3A_1235 : i32
    }
    %scan3A_882 = arith.constant 32 : i32
    %dma_start3A_883 = arith.constant 0 : i32
    %dma_start3A_884 = arith.constant 0 : i32
    %dma_start3A_885 = tpu.memref_slice %arg3[%dma_start3A_883, %dma_start3A_884] : memref<62768x64xf32, #tpu.memory_space<hbm>> -> memref<62768x64xf32, #tpu.memory_space<hbm>>
    tpu.enqueue_indirect_dma source(%dma_start3A_885 : memref<62768x64xf32, #tpu.memory_space<hbm>>) target(%arg14 : memref<512x64xf32, #tpu.memory_space<vmem>>) offsets(%arg12 : memref<512xi32, #tpu.memory_space<vmem>>) semaphore(%arg18 : memref<!tpu.dma_semaphore, #tpu.memory_space<semaphore_mem>>)
    %add3A_886 = arith.constant 512 : i32
    %add3A_887 = arith.addi %mul3A_2, %add3A_886 : i32
    %dma_start3A_888 = arith.constant 0 : i32
    %dma_start3A_889 = tpu.memref_slice %arg4[%add3A_887, %dma_start3A_888] : memref<262144x64xf32, #tpu.memory_space<hbm>> -> memref<512x64xf32, #tpu.memory_space<hbm>>
    %dma_start3A_890 = arith.constant 0 : i32
    %dma_start3A_891 = tpu.memref_slice %arg4[%add3A_887, %dma_start3A_890] : memref<262144x64xf32, #tpu.memory_space<hbm>> -> memref<512x64xf32, #tpu.memory_space<hbm>>
    tpu.enqueue_dma source(%arg15 : memref<512x64xf32, #tpu.memory_space<vmem>>) target(%dma_start3A_891 : memref<512x64xf32, #tpu.memory_space<hbm>>) target_semaphore(%arg21 : memref<!tpu.dma_semaphore, #tpu.memory_space<semaphore_mem>>)
    %dma_wait3A_892 = arith.constant 0 : i32
    %dma_wait3A_893 = arith.constant 0 : i32
    %dma_wait3A_894 = tpu.memref_slice %arg3[%dma_wait3A_892, %dma_wait3A_893] : memref<62768x64xf32, #tpu.memory_space<hbm>> -> memref<62768x64xf32, #tpu.memory_space<hbm>>
    tpu.wait_indirect_dma semaphore(%arg18 : memref<!tpu.dma_semaphore, #tpu.memory_space<semaphore_mem>>) src(%dma_wait3A_894 : memref<62768x64xf32, #tpu.memory_space<hbm>>) dst(%arg14 : memref<512x64xf32, #tpu.memory_space<vmem>>)
    %dma_wait3A_895 = arith.constant 0 : i32
    %dma_wait3A_896 = tpu.memref_slice %arg4[%add3A_887, %dma_wait3A_895] : memref<262144x64xf32, #tpu.memory_space<hbm>> -> memref<512x64xf32, #tpu.memory_space<hbm>>
    %dma_wait3A_897 = arith.constant 0 : i32
    %dma_wait3A_898 = tpu.memref_slice %arg4[%add3A_887, %dma_wait3A_897] : memref<262144x64xf32, #tpu.memory_space<hbm>> -> memref<512x64xf32, #tpu.memory_space<hbm>>
    tpu.wait_dma2 semaphore(%arg21 : memref<!tpu.dma_semaphore, #tpu.memory_space<semaphore_mem>>) src(%arg15 : memref<512x64xf32, #tpu.memory_space<vmem>>) dst(%dma_wait3A_898 : memref<512x64xf32, #tpu.memory_space<hbm>>)
    %scan3A_899 = arith.constant 0 : i32
    %scan3A_900 = arith.constant 0 : i32
    %scan3A_901 = arith.constant 32 : i32
    %scan3A_902 = arith.addi %scan3A_900, %scan3A_901 : i32
    %scan3A_903 = arith.constant 1 : i32
    %scan3A_904 = scf.for %scan3A_1208 = %scan3A_900 to %scan3A_902 step %scan3A_903 iter_args(%scan3A_1209 = %scan3A_899) -> (i32)  : i32 {
      %mul3A_1210 = arith.constant 16 : i32
      %mul3A_1211 = arith.muli %scan3A_1208, %mul3A_1210 : i32
      %add3A_1212 = arith.constant 1536 : i32
      %add3A_1213 = arith.addi %add3A_1212, %mul3A_1211 : i32
      %get3A = arith.index_cast %add3A_1213 : i32 to index
      %get3A_1214 = tpu.vector_load %arg6[%get3A] {strides = array<i32>} : memref<8192xi32, #tpu.memory_space<vmem>>, vector<16xi32>,
      %and3A = arith.constant 32767 : i32
      %and3A_1215 = vector.broadcast %and3A : i32 to vector<16xi32>
      %and3A_1216 = arith.andi %get3A_1214, %and3A_1215 : vector<16xi32>
      %add3A_1217 = arith.constant 1536 : i32
      %add3A_1218 = arith.addi %mul3A_2, %add3A_1217 : i32
      %mul3A_1219 = arith.constant 16 : i32
      %mul3A_1220 = arith.muli %scan3A_1208, %mul3A_1219 : i32
      %add3A_1221 = arith.addi %add3A_1218, %mul3A_1220 : i32
      %add3A_1222 = vector.broadcast %add3A_1221 : i32 to vector<16xi32>
      %add3A_1223 = arith.addi %add3A_1222, %iota3A : vector<16xi32>
      %and3A_1224 = arith.constant 32767 : i32
      %and3A_1225 = vector.broadcast %and3A_1224 : i32 to vector<16xi32>
      %and3A_1226 = arith.andi %add3A_1223, %and3A_1225 : vector<16xi32>
      %add3A_1227 = arith.constant 30000 : i32
      %add3A_1228 = vector.broadcast %add3A_1227 : i32 to vector<16xi32>
      %add3A_1229 = arith.addi %add3A_1228, %and3A_1226 : vector<16xi32>
      %ge3A = arith.constant 0 : i32
      %ge3A_1230 = vector.broadcast %ge3A : i32 to vector<16xi32>
      %ge3A_1231 = arith.cmpi sge, %get3A_1214, %ge3A_1230 : vector<16xi32>
      %select_n3A = arith.select %ge3A_1231, %and3A_1216, %add3A_1229 : vector<16xi1>, vector<16xi32>
      %mul3A_1232 = arith.constant 16 : i32
      %mul3A_1233 = arith.muli %scan3A_1208, %mul3A_1232 : i32
      %swap3A = arith.index_cast %mul3A_1233 : i32 to index
      %swap3A_1234 = tpu.vector_load %arg13[%swap3A] {strides = array<i32>} : memref<512xi32, #tpu.memory_space<vmem>>, vector<16xi32>,
      tpu.vector_store %arg13[%swap3A], %select_n3A {strides = array<i32>} : memref<512xi32, #tpu.memory_space<vmem>>, vector<16xi32>,
      %scan3A_1235 = arith.constant 0 : i32
      scf.yield %scan3A_1235 : i32
    }
    %scan3A_905 = arith.constant 32 : i32
    %dma_start3A_906 = arith.constant 0 : i32
    %dma_start3A_907 = arith.constant 0 : i32
    %dma_start3A_908 = tpu.memref_slice %arg3[%dma_start3A_906, %dma_start3A_907] : memref<62768x64xf32, #tpu.memory_space<hbm>> -> memref<62768x64xf32, #tpu.memory_space<hbm>>
    tpu.enqueue_indirect_dma source(%dma_start3A_908 : memref<62768x64xf32, #tpu.memory_space<hbm>>) target(%arg15 : memref<512x64xf32, #tpu.memory_space<vmem>>) offsets(%arg13 : memref<512xi32, #tpu.memory_space<vmem>>) semaphore(%arg19 : memref<!tpu.dma_semaphore, #tpu.memory_space<semaphore_mem>>)
    %add3A_909 = arith.constant 1024 : i32
    %add3A_910 = arith.addi %mul3A_2, %add3A_909 : i32
    %dma_start3A_911 = arith.constant 0 : i32
    %dma_start3A_912 = tpu.memref_slice %arg4[%add3A_910, %dma_start3A_911] : memref<262144x64xf32, #tpu.memory_space<hbm>> -> memref<512x64xf32, #tpu.memory_space<hbm>>
    %dma_start3A_913 = arith.constant 0 : i32
    %dma_start3A_914 = tpu.memref_slice %arg4[%add3A_910, %dma_start3A_913] : memref<262144x64xf32, #tpu.memory_space<hbm>> -> memref<512x64xf32, #tpu.memory_space<hbm>>
    tpu.enqueue_dma source(%arg14 : memref<512x64xf32, #tpu.memory_space<vmem>>) target(%dma_start3A_914 : memref<512x64xf32, #tpu.memory_space<hbm>>) target_semaphore(%arg20 : memref<!tpu.dma_semaphore, #tpu.memory_space<semaphore_mem>>)
    %dma_wait3A_915 = arith.constant 0 : i32
    %dma_wait3A_916 = arith.constant 0 : i32
    %dma_wait3A_917 = tpu.memref_slice %arg3[%dma_wait3A_915, %dma_wait3A_916] : memref<62768x64xf32, #tpu.memory_space<hbm>> -> memref<62768x64xf32, #tpu.memory_space<hbm>>
    tpu.wait_indirect_dma semaphore(%arg19 : memref<!tpu.dma_semaphore, #tpu.memory_space<semaphore_mem>>) src(%dma_wait3A_917 : memref<62768x64xf32, #tpu.memory_space<hbm>>) dst(%arg15 : memref<512x64xf32, #tpu.memory_space<vmem>>)
    %dma_wait3A_918 = arith.constant 0 : i32
    %dma_wait3A_919 = tpu.memref_slice %arg4[%add3A_910, %dma_wait3A_918] : memref<262144x64xf32, #tpu.memory_space<hbm>> -> memref<512x64xf32, #tpu.memory_space<hbm>>
    %dma_wait3A_920 = arith.constant 0 : i32
    %dma_wait3A_921 = tpu.memref_slice %arg4[%add3A_910, %dma_wait3A_920] : memref<262144x64xf32, #tpu.memory_space<hbm>> -> memref<512x64xf32, #tpu.memory_space<hbm>>
    tpu.wait_dma2 semaphore(%arg20 : memref<!tpu.dma_semaphore, #tpu.memory_space<semaphore_mem>>) src(%arg14 : memref<512x64xf32, #tpu.memory_space<vmem>>) dst(%dma_wait3A_921 : memref<512x64xf32, #tpu.memory_space<hbm>>)
    %scan3A_922 = arith.constant 0 : i32
    %scan3A_923 = arith.constant 0 : i32
    %scan3A_924 = arith.constant 32 : i32
    %scan3A_925 = arith.addi %scan3A_923, %scan3A_924 : i32
    %scan3A_926 = arith.constant 1 : i32
    %scan3A_927 = scf.for %scan3A_1208 = %scan3A_923 to %scan3A_925 step %scan3A_926 iter_args(%scan3A_1209 = %scan3A_922) -> (i32)  : i32 {
      %mul3A_1210 = arith.constant 16 : i32
      %mul3A_1211 = arith.muli %scan3A_1208, %mul3A_1210 : i32
      %add3A_1212 = arith.constant 2048 : i32
      %add3A_1213 = arith.addi %add3A_1212, %mul3A_1211 : i32
      %get3A = arith.index_cast %add3A_1213 : i32 to index
      %get3A_1214 = tpu.vector_load %arg6[%get3A] {strides = array<i32>} : memref<8192xi32, #tpu.memory_space<vmem>>, vector<16xi32>,
      %and3A = arith.constant 32767 : i32
      %and3A_1215 = vector.broadcast %and3A : i32 to vector<16xi32>
      %and3A_1216 = arith.andi %get3A_1214, %and3A_1215 : vector<16xi32>
      %add3A_1217 = arith.constant 2048 : i32
      %add3A_1218 = arith.addi %mul3A_2, %add3A_1217 : i32
      %mul3A_1219 = arith.constant 16 : i32
      %mul3A_1220 = arith.muli %scan3A_1208, %mul3A_1219 : i32
      %add3A_1221 = arith.addi %add3A_1218, %mul3A_1220 : i32
      %add3A_1222 = vector.broadcast %add3A_1221 : i32 to vector<16xi32>
      %add3A_1223 = arith.addi %add3A_1222, %iota3A : vector<16xi32>
      %and3A_1224 = arith.constant 32767 : i32
      %and3A_1225 = vector.broadcast %and3A_1224 : i32 to vector<16xi32>
      %and3A_1226 = arith.andi %add3A_1223, %and3A_1225 : vector<16xi32>
      %add3A_1227 = arith.constant 30000 : i32
      %add3A_1228 = vector.broadcast %add3A_1227 : i32 to vector<16xi32>
      %add3A_1229 = arith.addi %add3A_1228, %and3A_1226 : vector<16xi32>
      %ge3A = arith.constant 0 : i32
      %ge3A_1230 = vector.broadcast %ge3A : i32 to vector<16xi32>
      %ge3A_1231 = arith.cmpi sge, %get3A_1214, %ge3A_1230 : vector<16xi32>
      %select_n3A = arith.select %ge3A_1231, %and3A_1216, %add3A_1229 : vector<16xi1>, vector<16xi32>
      %mul3A_1232 = arith.constant 16 : i32
      %mul3A_1233 = arith.muli %scan3A_1208, %mul3A_1232 : i32
      %swap3A = arith.index_cast %mul3A_1233 : i32 to index
      %swap3A_1234 = tpu.vector_load %arg12[%swap3A] {strides = array<i32>} : memref<512xi32, #tpu.memory_space<vmem>>, vector<16xi32>,
      tpu.vector_store %arg12[%swap3A], %select_n3A {strides = array<i32>} : memref<512xi32, #tpu.memory_space<vmem>>, vector<16xi32>,
      %scan3A_1235 = arith.constant 0 : i32
      scf.yield %scan3A_1235 : i32
    }
    %scan3A_928 = arith.constant 32 : i32
    %dma_start3A_929 = arith.constant 0 : i32
    %dma_start3A_930 = arith.constant 0 : i32
    %dma_start3A_931 = tpu.memref_slice %arg3[%dma_start3A_929, %dma_start3A_930] : memref<62768x64xf32, #tpu.memory_space<hbm>> -> memref<62768x64xf32, #tpu.memory_space<hbm>>
    tpu.enqueue_indirect_dma source(%dma_start3A_931 : memref<62768x64xf32, #tpu.memory_space<hbm>>) target(%arg14 : memref<512x64xf32, #tpu.memory_space<vmem>>) offsets(%arg12 : memref<512xi32, #tpu.memory_space<vmem>>) semaphore(%arg18 : memref<!tpu.dma_semaphore, #tpu.memory_space<semaphore_mem>>)
    %add3A_932 = arith.constant 1536 : i32
    %add3A_933 = arith.addi %mul3A_2, %add3A_932 : i32
    %dma_start3A_934 = arith.constant 0 : i32
    %dma_start3A_935 = tpu.memref_slice %arg4[%add3A_933, %dma_start3A_934] : memref<262144x64xf32, #tpu.memory_space<hbm>> -> memref<512x64xf32, #tpu.memory_space<hbm>>
    %dma_start3A_936 = arith.constant 0 : i32
    %dma_start3A_937 = tpu.memref_slice %arg4[%add3A_933, %dma_start3A_936] : memref<262144x64xf32, #tpu.memory_space<hbm>> -> memref<512x64xf32, #tpu.memory_space<hbm>>
    tpu.enqueue_dma source(%arg15 : memref<512x64xf32, #tpu.memory_space<vmem>>) target(%dma_start3A_937 : memref<512x64xf32, #tpu.memory_space<hbm>>) target_semaphore(%arg21 : memref<!tpu.dma_semaphore, #tpu.memory_space<semaphore_mem>>)
    %dma_wait3A_938 = arith.constant 0 : i32
    %dma_wait3A_939 = arith.constant 0 : i32
    %dma_wait3A_940 = tpu.memref_slice %arg3[%dma_wait3A_938, %dma_wait3A_939] : memref<62768x64xf32, #tpu.memory_space<hbm>> -> memref<62768x64xf32, #tpu.memory_space<hbm>>
    tpu.wait_indirect_dma semaphore(%arg18 : memref<!tpu.dma_semaphore, #tpu.memory_space<semaphore_mem>>) src(%dma_wait3A_940 : memref<62768x64xf32, #tpu.memory_space<hbm>>) dst(%arg14 : memref<512x64xf32, #tpu.memory_space<vmem>>)
    %dma_wait3A_941 = arith.constant 0 : i32
    %dma_wait3A_942 = tpu.memref_slice %arg4[%add3A_933, %dma_wait3A_941] : memref<262144x64xf32, #tpu.memory_space<hbm>> -> memref<512x64xf32, #tpu.memory_space<hbm>>
    %dma_wait3A_943 = arith.constant 0 : i32
    %dma_wait3A_944 = tpu.memref_slice %arg4[%add3A_933, %dma_wait3A_943] : memref<262144x64xf32, #tpu.memory_space<hbm>> -> memref<512x64xf32, #tpu.memory_space<hbm>>
    tpu.wait_dma2 semaphore(%arg21 : memref<!tpu.dma_semaphore, #tpu.memory_space<semaphore_mem>>) src(%arg15 : memref<512x64xf32, #tpu.memory_space<vmem>>) dst(%dma_wait3A_944 : memref<512x64xf32, #tpu.memory_space<hbm>>)
    %scan3A_945 = arith.constant 0 : i32
    %scan3A_946 = arith.constant 0 : i32
    %scan3A_947 = arith.constant 32 : i32
    %scan3A_948 = arith.addi %scan3A_946, %scan3A_947 : i32
    %scan3A_949 = arith.constant 1 : i32
    %scan3A_950 = scf.for %scan3A_1208 = %scan3A_946 to %scan3A_948 step %scan3A_949 iter_args(%scan3A_1209 = %scan3A_945) -> (i32)  : i32 {
      %mul3A_1210 = arith.constant 16 : i32
      %mul3A_1211 = arith.muli %scan3A_1208, %mul3A_1210 : i32
      %add3A_1212 = arith.constant 2560 : i32
      %add3A_1213 = arith.addi %add3A_1212, %mul3A_1211 : i32
      %get3A = arith.index_cast %add3A_1213 : i32 to index
      %get3A_1214 = tpu.vector_load %arg6[%get3A] {strides = array<i32>} : memref<8192xi32, #tpu.memory_space<vmem>>, vector<16xi32>,
      %and3A = arith.constant 32767 : i32
      %and3A_1215 = vector.broadcast %and3A : i32 to vector<16xi32>
      %and3A_1216 = arith.andi %get3A_1214, %and3A_1215 : vector<16xi32>
      %add3A_1217 = arith.constant 2560 : i32
      %add3A_1218 = arith.addi %mul3A_2, %add3A_1217 : i32
      %mul3A_1219 = arith.constant 16 : i32
      %mul3A_1220 = arith.muli %scan3A_1208, %mul3A_1219 : i32
      %add3A_1221 = arith.addi %add3A_1218, %mul3A_1220 : i32
      %add3A_1222 = vector.broadcast %add3A_1221 : i32 to vector<16xi32>
      %add3A_1223 = arith.addi %add3A_1222, %iota3A : vector<16xi32>
      %and3A_1224 = arith.constant 32767 : i32
      %and3A_1225 = vector.broadcast %and3A_1224 : i32 to vector<16xi32>
      %and3A_1226 = arith.andi %add3A_1223, %and3A_1225 : vector<16xi32>
      %add3A_1227 = arith.constant 30000 : i32
      %add3A_1228 = vector.broadcast %add3A_1227 : i32 to vector<16xi32>
      %add3A_1229 = arith.addi %add3A_1228, %and3A_1226 : vector<16xi32>
      %ge3A = arith.constant 0 : i32
      %ge3A_1230 = vector.broadcast %ge3A : i32 to vector<16xi32>
      %ge3A_1231 = arith.cmpi sge, %get3A_1214, %ge3A_1230 : vector<16xi32>
      %select_n3A = arith.select %ge3A_1231, %and3A_1216, %add3A_1229 : vector<16xi1>, vector<16xi32>
      %mul3A_1232 = arith.constant 16 : i32
      %mul3A_1233 = arith.muli %scan3A_1208, %mul3A_1232 : i32
      %swap3A = arith.index_cast %mul3A_1233 : i32 to index
      %swap3A_1234 = tpu.vector_load %arg13[%swap3A] {strides = array<i32>} : memref<512xi32, #tpu.memory_space<vmem>>, vector<16xi32>,
      tpu.vector_store %arg13[%swap3A], %select_n3A {strides = array<i32>} : memref<512xi32, #tpu.memory_space<vmem>>, vector<16xi32>,
      %scan3A_1235 = arith.constant 0 : i32
      scf.yield %scan3A_1235 : i32
    }
    %scan3A_951 = arith.constant 32 : i32
    %dma_start3A_952 = arith.constant 0 : i32
    %dma_start3A_953 = arith.constant 0 : i32
    %dma_start3A_954 = tpu.memref_slice %arg3[%dma_start3A_952, %dma_start3A_953] : memref<62768x64xf32, #tpu.memory_space<hbm>> -> memref<62768x64xf32, #tpu.memory_space<hbm>>
    tpu.enqueue_indirect_dma source(%dma_start3A_954 : memref<62768x64xf32, #tpu.memory_space<hbm>>) target(%arg15 : memref<512x64xf32, #tpu.memory_space<vmem>>) offsets(%arg13 : memref<512xi32, #tpu.memory_space<vmem>>) semaphore(%arg19 : memref<!tpu.dma_semaphore, #tpu.memory_space<semaphore_mem>>)
    %add3A_955 = arith.constant 2048 : i32
    %add3A_956 = arith.addi %mul3A_2, %add3A_955 : i32
    %dma_start3A_957 = arith.constant 0 : i32
    %dma_start3A_958 = tpu.memref_slice %arg4[%add3A_956, %dma_start3A_957] : memref<262144x64xf32, #tpu.memory_space<hbm>> -> memref<512x64xf32, #tpu.memory_space<hbm>>
    %dma_start3A_959 = arith.constant 0 : i32
    %dma_start3A_960 = tpu.memref_slice %arg4[%add3A_956, %dma_start3A_959] : memref<262144x64xf32, #tpu.memory_space<hbm>> -> memref<512x64xf32, #tpu.memory_space<hbm>>
    tpu.enqueue_dma source(%arg14 : memref<512x64xf32, #tpu.memory_space<vmem>>) target(%dma_start3A_960 : memref<512x64xf32, #tpu.memory_space<hbm>>) target_semaphore(%arg20 : memref<!tpu.dma_semaphore, #tpu.memory_space<semaphore_mem>>)
    %dma_wait3A_961 = arith.constant 0 : i32
    %dma_wait3A_962 = arith.constant 0 : i32
    %dma_wait3A_963 = tpu.memref_slice %arg3[%dma_wait3A_961, %dma_wait3A_962] : memref<62768x64xf32, #tpu.memory_space<hbm>> -> memref<62768x64xf32, #tpu.memory_space<hbm>>
    tpu.wait_indirect_dma semaphore(%arg19 : memref<!tpu.dma_semaphore, #tpu.memory_space<semaphore_mem>>) src(%dma_wait3A_963 : memref<62768x64xf32, #tpu.memory_space<hbm>>) dst(%arg15 : memref<512x64xf32, #tpu.memory_space<vmem>>)
    %dma_wait3A_964 = arith.constant 0 : i32
    %dma_wait3A_965 = tpu.memref_slice %arg4[%add3A_956, %dma_wait3A_964] : memref<262144x64xf32, #tpu.memory_space<hbm>> -> memref<512x64xf32, #tpu.memory_space<hbm>>
    %dma_wait3A_966 = arith.constant 0 : i32
    %dma_wait3A_967 = tpu.memref_slice %arg4[%add3A_956, %dma_wait3A_966] : memref<262144x64xf32, #tpu.memory_space<hbm>> -> memref<512x64xf32, #tpu.memory_space<hbm>>
    tpu.wait_dma2 semaphore(%arg20 : memref<!tpu.dma_semaphore, #tpu.memory_space<semaphore_mem>>) src(%arg14 : memref<512x64xf32, #tpu.memory_space<vmem>>) dst(%dma_wait3A_967 : memref<512x64xf32, #tpu.memory_space<hbm>>)
    %scan3A_968 = arith.constant 0 : i32
    %scan3A_969 = arith.constant 0 : i32
    %scan3A_970 = arith.constant 32 : i32
    %scan3A_971 = arith.addi %scan3A_969, %scan3A_970 : i32
    %scan3A_972 = arith.constant 1 : i32
    %scan3A_973 = scf.for %scan3A_1208 = %scan3A_969 to %scan3A_971 step %scan3A_972 iter_args(%scan3A_1209 = %scan3A_968) -> (i32)  : i32 {
      %mul3A_1210 = arith.constant 16 : i32
      %mul3A_1211 = arith.muli %scan3A_1208, %mul3A_1210 : i32
      %add3A_1212 = arith.constant 3072 : i32
      %add3A_1213 = arith.addi %add3A_1212, %mul3A_1211 : i32
      %get3A = arith.index_cast %add3A_1213 : i32 to index
      %get3A_1214 = tpu.vector_load %arg6[%get3A] {strides = array<i32>} : memref<8192xi32, #tpu.memory_space<vmem>>, vector<16xi32>,
      %and3A = arith.constant 32767 : i32
      %and3A_1215 = vector.broadcast %and3A : i32 to vector<16xi32>
      %and3A_1216 = arith.andi %get3A_1214, %and3A_1215 : vector<16xi32>
      %add3A_1217 = arith.constant 3072 : i32
      %add3A_1218 = arith.addi %mul3A_2, %add3A_1217 : i32
      %mul3A_1219 = arith.constant 16 : i32
      %mul3A_1220 = arith.muli %scan3A_1208, %mul3A_1219 : i32
      %add3A_1221 = arith.addi %add3A_1218, %mul3A_1220 : i32
      %add3A_1222 = vector.broadcast %add3A_1221 : i32 to vector<16xi32>
      %add3A_1223 = arith.addi %add3A_1222, %iota3A : vector<16xi32>
      %and3A_1224 = arith.constant 32767 : i32
      %and3A_1225 = vector.broadcast %and3A_1224 : i32 to vector<16xi32>
      %and3A_1226 = arith.andi %add3A_1223, %and3A_1225 : vector<16xi32>
      %add3A_1227 = arith.constant 30000 : i32
      %add3A_1228 = vector.broadcast %add3A_1227 : i32 to vector<16xi32>
      %add3A_1229 = arith.addi %add3A_1228, %and3A_1226 : vector<16xi32>
      %ge3A = arith.constant 0 : i32
      %ge3A_1230 = vector.broadcast %ge3A : i32 to vector<16xi32>
      %ge3A_1231 = arith.cmpi sge, %get3A_1214, %ge3A_1230 : vector<16xi32>
      %select_n3A = arith.select %ge3A_1231, %and3A_1216, %add3A_1229 : vector<16xi1>, vector<16xi32>
      %mul3A_1232 = arith.constant 16 : i32
      %mul3A_1233 = arith.muli %scan3A_1208, %mul3A_1232 : i32
      %swap3A = arith.index_cast %mul3A_1233 : i32 to index
      %swap3A_1234 = tpu.vector_load %arg12[%swap3A] {strides = array<i32>} : memref<512xi32, #tpu.memory_space<vmem>>, vector<16xi32>,
      tpu.vector_store %arg12[%swap3A], %select_n3A {strides = array<i32>} : memref<512xi32, #tpu.memory_space<vmem>>, vector<16xi32>,
      %scan3A_1235 = arith.constant 0 : i32
      scf.yield %scan3A_1235 : i32
    }
    %scan3A_974 = arith.constant 32 : i32
    %dma_start3A_975 = arith.constant 0 : i32
    %dma_start3A_976 = arith.constant 0 : i32
    %dma_start3A_977 = tpu.memref_slice %arg3[%dma_start3A_975, %dma_start3A_976] : memref<62768x64xf32, #tpu.memory_space<hbm>> -> memref<62768x64xf32, #tpu.memory_space<hbm>>
    tpu.enqueue_indirect_dma source(%dma_start3A_977 : memref<62768x64xf32, #tpu.memory_space<hbm>>) target(%arg14 : memref<512x64xf32, #tpu.memory_space<vmem>>) offsets(%arg12 : memref<512xi32, #tpu.memory_space<vmem>>) semaphore(%arg18 : memref<!tpu.dma_semaphore, #tpu.memory_space<semaphore_mem>>)
    %add3A_978 = arith.constant 2560 : i32
    %add3A_979 = arith.addi %mul3A_2, %add3A_978 : i32
    %dma_start3A_980 = arith.constant 0 : i32
    %dma_start3A_981 = tpu.memref_slice %arg4[%add3A_979, %dma_start3A_980] : memref<262144x64xf32, #tpu.memory_space<hbm>> -> memref<512x64xf32, #tpu.memory_space<hbm>>
    %dma_start3A_982 = arith.constant 0 : i32
    %dma_start3A_983 = tpu.memref_slice %arg4[%add3A_979, %dma_start3A_982] : memref<262144x64xf32, #tpu.memory_space<hbm>> -> memref<512x64xf32, #tpu.memory_space<hbm>>
    tpu.enqueue_dma source(%arg15 : memref<512x64xf32, #tpu.memory_space<vmem>>) target(%dma_start3A_983 : memref<512x64xf32, #tpu.memory_space<hbm>>) target_semaphore(%arg21 : memref<!tpu.dma_semaphore, #tpu.memory_space<semaphore_mem>>)
    %dma_wait3A_984 = arith.constant 0 : i32
    %dma_wait3A_985 = arith.constant 0 : i32
    %dma_wait3A_986 = tpu.memref_slice %arg3[%dma_wait3A_984, %dma_wait3A_985] : memref<62768x64xf32, #tpu.memory_space<hbm>> -> memref<62768x64xf32, #tpu.memory_space<hbm>>
    tpu.wait_indirect_dma semaphore(%arg18 : memref<!tpu.dma_semaphore, #tpu.memory_space<semaphore_mem>>) src(%dma_wait3A_986 : memref<62768x64xf32, #tpu.memory_space<hbm>>) dst(%arg14 : memref<512x64xf32, #tpu.memory_space<vmem>>)
    %dma_wait3A_987 = arith.constant 0 : i32
    %dma_wait3A_988 = tpu.memref_slice %arg4[%add3A_979, %dma_wait3A_987] : memref<262144x64xf32, #tpu.memory_space<hbm>> -> memref<512x64xf32, #tpu.memory_space<hbm>>
    %dma_wait3A_989 = arith.constant 0 : i32
    %dma_wait3A_990 = tpu.memref_slice %arg4[%add3A_979, %dma_wait3A_989] : memref<262144x64xf32, #tpu.memory_space<hbm>> -> memref<512x64xf32, #tpu.memory_space<hbm>>
    tpu.wait_dma2 semaphore(%arg21 : memref<!tpu.dma_semaphore, #tpu.memory_space<semaphore_mem>>) src(%arg15 : memref<512x64xf32, #tpu.memory_space<vmem>>) dst(%dma_wait3A_990 : memref<512x64xf32, #tpu.memory_space<hbm>>)
    %scan3A_991 = arith.constant 0 : i32
    %scan3A_992 = arith.constant 0 : i32
    %scan3A_993 = arith.constant 32 : i32
    %scan3A_994 = arith.addi %scan3A_992, %scan3A_993 : i32
    %scan3A_995 = arith.constant 1 : i32
    %scan3A_996 = scf.for %scan3A_1208 = %scan3A_992 to %scan3A_994 step %scan3A_995 iter_args(%scan3A_1209 = %scan3A_991) -> (i32)  : i32 {
      %mul3A_1210 = arith.constant 16 : i32
      %mul3A_1211 = arith.muli %scan3A_1208, %mul3A_1210 : i32
      %add3A_1212 = arith.constant 3584 : i32
      %add3A_1213 = arith.addi %add3A_1212, %mul3A_1211 : i32
      %get3A = arith.index_cast %add3A_1213 : i32 to index
      %get3A_1214 = tpu.vector_load %arg6[%get3A] {strides = array<i32>} : memref<8192xi32, #tpu.memory_space<vmem>>, vector<16xi32>,
      %and3A = arith.constant 32767 : i32
      %and3A_1215 = vector.broadcast %and3A : i32 to vector<16xi32>
      %and3A_1216 = arith.andi %get3A_1214, %and3A_1215 : vector<16xi32>
      %add3A_1217 = arith.constant 3584 : i32
      %add3A_1218 = arith.addi %mul3A_2, %add3A_1217 : i32
      %mul3A_1219 = arith.constant 16 : i32
      %mul3A_1220 = arith.muli %scan3A_1208, %mul3A_1219 : i32
      %add3A_1221 = arith.addi %add3A_1218, %mul3A_1220 : i32
      %add3A_1222 = vector.broadcast %add3A_1221 : i32 to vector<16xi32>
      %add3A_1223 = arith.addi %add3A_1222, %iota3A : vector<16xi32>
      %and3A_1224 = arith.constant 32767 : i32
      %and3A_1225 = vector.broadcast %and3A_1224 : i32 to vector<16xi32>
      %and3A_1226 = arith.andi %add3A_1223, %and3A_1225 : vector<16xi32>
      %add3A_1227 = arith.constant 30000 : i32
      %add3A_1228 = vector.broadcast %add3A_1227 : i32 to vector<16xi32>
      %add3A_1229 = arith.addi %add3A_1228, %and3A_1226 : vector<16xi32>
      %ge3A = arith.constant 0 : i32
      %ge3A_1230 = vector.broadcast %ge3A : i32 to vector<16xi32>
      %ge3A_1231 = arith.cmpi sge, %get3A_1214, %ge3A_1230 : vector<16xi32>
      %select_n3A = arith.select %ge3A_1231, %and3A_1216, %add3A_1229 : vector<16xi1>, vector<16xi32>
      %mul3A_1232 = arith.constant 16 : i32
      %mul3A_1233 = arith.muli %scan3A_1208, %mul3A_1232 : i32
      %swap3A = arith.index_cast %mul3A_1233 : i32 to index
      %swap3A_1234 = tpu.vector_load %arg13[%swap3A] {strides = array<i32>} : memref<512xi32, #tpu.memory_space<vmem>>, vector<16xi32>,
      tpu.vector_store %arg13[%swap3A], %select_n3A {strides = array<i32>} : memref<512xi32, #tpu.memory_space<vmem>>, vector<16xi32>,
      %scan3A_1235 = arith.constant 0 : i32
      scf.yield %scan3A_1235 : i32
    }
    %scan3A_997 = arith.constant 32 : i32
    %dma_start3A_998 = arith.constant 0 : i32
    %dma_start3A_999 = arith.constant 0 : i32
    %dma_start3A_1000 = tpu.memref_slice %arg3[%dma_start3A_998, %dma_start3A_999] : memref<62768x64xf32, #tpu.memory_space<hbm>> -> memref<62768x64xf32, #tpu.memory_space<hbm>>
    tpu.enqueue_indirect_dma source(%dma_start3A_1000 : memref<62768x64xf32, #tpu.memory_space<hbm>>) target(%arg15 : memref<512x64xf32, #tpu.memory_space<vmem>>) offsets(%arg13 : memref<512xi32, #tpu.memory_space<vmem>>) semaphore(%arg19 : memref<!tpu.dma_semaphore, #tpu.memory_space<semaphore_mem>>)
    %add3A_1001 = arith.constant 3072 : i32
    %add3A_1002 = arith.addi %mul3A_2, %add3A_1001 : i32
    %dma_start3A_1003 = arith.constant 0 : i32
    %dma_start3A_1004 = tpu.memref_slice %arg4[%add3A_1002, %dma_start3A_1003] : memref<262144x64xf32, #tpu.memory_space<hbm>> -> memref<512x64xf32, #tpu.memory_space<hbm>>
    %dma_start3A_1005 = arith.constant 0 : i32
    %dma_start3A_1006 = tpu.memref_slice %arg4[%add3A_1002, %dma_start3A_1005] : memref<262144x64xf32, #tpu.memory_space<hbm>> -> memref<512x64xf32, #tpu.memory_space<hbm>>
    tpu.enqueue_dma source(%arg14 : memref<512x64xf32, #tpu.memory_space<vmem>>) target(%dma_start3A_1006 : memref<512x64xf32, #tpu.memory_space<hbm>>) target_semaphore(%arg20 : memref<!tpu.dma_semaphore, #tpu.memory_space<semaphore_mem>>)
    %dma_wait3A_1007 = arith.constant 0 : i32
    %dma_wait3A_1008 = arith.constant 0 : i32
    %dma_wait3A_1009 = tpu.memref_slice %arg3[%dma_wait3A_1007, %dma_wait3A_1008] : memref<62768x64xf32, #tpu.memory_space<hbm>> -> memref<62768x64xf32, #tpu.memory_space<hbm>>
    tpu.wait_indirect_dma semaphore(%arg19 : memref<!tpu.dma_semaphore, #tpu.memory_space<semaphore_mem>>) src(%dma_wait3A_1009 : memref<62768x64xf32, #tpu.memory_space<hbm>>) dst(%arg15 : memref<512x64xf32, #tpu.memory_space<vmem>>)
    %dma_wait3A_1010 = arith.constant 0 : i32
    %dma_wait3A_1011 = tpu.memref_slice %arg4[%add3A_1002, %dma_wait3A_1010] : memref<262144x64xf32, #tpu.memory_space<hbm>> -> memref<512x64xf32, #tpu.memory_space<hbm>>
    %dma_wait3A_1012 = arith.constant 0 : i32
    %dma_wait3A_1013 = tpu.memref_slice %arg4[%add3A_1002, %dma_wait3A_1012] : memref<262144x64xf32, #tpu.memory_space<hbm>> -> memref<512x64xf32, #tpu.memory_space<hbm>>
    tpu.wait_dma2 semaphore(%arg20 : memref<!tpu.dma_semaphore, #tpu.memory_space<semaphore_mem>>) src(%arg14 : memref<512x64xf32, #tpu.memory_space<vmem>>) dst(%dma_wait3A_1013 : memref<512x64xf32, #tpu.memory_space<hbm>>)
    %scan3A_1014 = arith.constant 0 : i32
    %scan3A_1015 = arith.constant 0 : i32
    %scan3A_1016 = arith.constant 32 : i32
    %scan3A_1017 = arith.addi %scan3A_1015, %scan3A_1016 : i32
    %scan3A_1018 = arith.constant 1 : i32
    %scan3A_1019 = scf.for %scan3A_1208 = %scan3A_1015 to %scan3A_1017 step %scan3A_1018 iter_args(%scan3A_1209 = %scan3A_1014) -> (i32)  : i32 {
      %mul3A_1210 = arith.constant 16 : i32
      %mul3A_1211 = arith.muli %scan3A_1208, %mul3A_1210 : i32
      %add3A_1212 = arith.constant 4096 : i32
      %add3A_1213 = arith.addi %add3A_1212, %mul3A_1211 : i32
      %get3A = arith.index_cast %add3A_1213 : i32 to index
      %get3A_1214 = tpu.vector_load %arg6[%get3A] {strides = array<i32>} : memref<8192xi32, #tpu.memory_space<vmem>>, vector<16xi32>,
      %and3A = arith.constant 32767 : i32
      %and3A_1215 = vector.broadcast %and3A : i32 to vector<16xi32>
      %and3A_1216 = arith.andi %get3A_1214, %and3A_1215 : vector<16xi32>
      %add3A_1217 = arith.constant 4096 : i32
      %add3A_1218 = arith.addi %mul3A_2, %add3A_1217 : i32
      %mul3A_1219 = arith.constant 16 : i32
      %mul3A_1220 = arith.muli %scan3A_1208, %mul3A_1219 : i32
      %add3A_1221 = arith.addi %add3A_1218, %mul3A_1220 : i32
      %add3A_1222 = vector.broadcast %add3A_1221 : i32 to vector<16xi32>
      %add3A_1223 = arith.addi %add3A_1222, %iota3A : vector<16xi32>
      %and3A_1224 = arith.constant 32767 : i32
      %and3A_1225 = vector.broadcast %and3A_1224 : i32 to vector<16xi32>
      %and3A_1226 = arith.andi %add3A_1223, %and3A_1225 : vector<16xi32>
      %add3A_1227 = arith.constant 30000 : i32
      %add3A_1228 = vector.broadcast %add3A_1227 : i32 to vector<16xi32>
      %add3A_1229 = arith.addi %add3A_1228, %and3A_1226 : vector<16xi32>
      %ge3A = arith.constant 0 : i32
      %ge3A_1230 = vector.broadcast %ge3A : i32 to vector<16xi32>
      %ge3A_1231 = arith.cmpi sge, %get3A_1214, %ge3A_1230 : vector<16xi32>
      %select_n3A = arith.select %ge3A_1231, %and3A_1216, %add3A_1229 : vector<16xi1>, vector<16xi32>
      %mul3A_1232 = arith.constant 16 : i32
      %mul3A_1233 = arith.muli %scan3A_1208, %mul3A_1232 : i32
      %swap3A = arith.index_cast %mul3A_1233 : i32 to index
      %swap3A_1234 = tpu.vector_load %arg12[%swap3A] {strides = array<i32>} : memref<512xi32, #tpu.memory_space<vmem>>, vector<16xi32>,
      tpu.vector_store %arg12[%swap3A], %select_n3A {strides = array<i32>} : memref<512xi32, #tpu.memory_space<vmem>>, vector<16xi32>,
      %scan3A_1235 = arith.constant 0 : i32
      scf.yield %scan3A_1235 : i32
    }
    %scan3A_1020 = arith.constant 32 : i32
    %dma_start3A_1021 = arith.constant 0 : i32
    %dma_start3A_1022 = arith.constant 0 : i32
    %dma_start3A_1023 = tpu.memref_slice %arg3[%dma_start3A_1021, %dma_start3A_1022] : memref<62768x64xf32, #tpu.memory_space<hbm>> -> memref<62768x64xf32, #tpu.memory_space<hbm>>
    tpu.enqueue_indirect_dma source(%dma_start3A_1023 : memref<62768x64xf32, #tpu.memory_space<hbm>>) target(%arg14 : memref<512x64xf32, #tpu.memory_space<vmem>>) offsets(%arg12 : memref<512xi32, #tpu.memory_space<vmem>>) semaphore(%arg18 : memref<!tpu.dma_semaphore, #tpu.memory_space<semaphore_mem>>)
    %add3A_1024 = arith.constant 3584 : i32
    %add3A_1025 = arith.addi %mul3A_2, %add3A_1024 : i32
    %dma_start3A_1026 = arith.constant 0 : i32
    %dma_start3A_1027 = tpu.memref_slice %arg4[%add3A_1025, %dma_start3A_1026] : memref<262144x64xf32, #tpu.memory_space<hbm>> -> memref<512x64xf32, #tpu.memory_space<hbm>>
    %dma_start3A_1028 = arith.constant 0 : i32
    %dma_start3A_1029 = tpu.memref_slice %arg4[%add3A_1025, %dma_start3A_1028] : memref<262144x64xf32, #tpu.memory_space<hbm>> -> memref<512x64xf32, #tpu.memory_space<hbm>>
    tpu.enqueue_dma source(%arg15 : memref<512x64xf32, #tpu.memory_space<vmem>>) target(%dma_start3A_1029 : memref<512x64xf32, #tpu.memory_space<hbm>>) target_semaphore(%arg21 : memref<!tpu.dma_semaphore, #tpu.memory_space<semaphore_mem>>)
    %dma_wait3A_1030 = arith.constant 0 : i32
    %dma_wait3A_1031 = arith.constant 0 : i32
    %dma_wait3A_1032 = tpu.memref_slice %arg3[%dma_wait3A_1030, %dma_wait3A_1031] : memref<62768x64xf32, #tpu.memory_space<hbm>> -> memref<62768x64xf32, #tpu.memory_space<hbm>>
    tpu.wait_indirect_dma semaphore(%arg18 : memref<!tpu.dma_semaphore, #tpu.memory_space<semaphore_mem>>) src(%dma_wait3A_1032 : memref<62768x64xf32, #tpu.memory_space<hbm>>) dst(%arg14 : memref<512x64xf32, #tpu.memory_space<vmem>>)
    %dma_wait3A_1033 = arith.constant 0 : i32
    %dma_wait3A_1034 = tpu.memref_slice %arg4[%add3A_1025, %dma_wait3A_1033] : memref<262144x64xf32, #tpu.memory_space<hbm>> -> memref<512x64xf32, #tpu.memory_space<hbm>>
    %dma_wait3A_1035 = arith.constant 0 : i32
    %dma_wait3A_1036 = tpu.memref_slice %arg4[%add3A_1025, %dma_wait3A_1035] : memref<262144x64xf32, #tpu.memory_space<hbm>> -> memref<512x64xf32, #tpu.memory_space<hbm>>
    tpu.wait_dma2 semaphore(%arg21 : memref<!tpu.dma_semaphore, #tpu.memory_space<semaphore_mem>>) src(%arg15 : memref<512x64xf32, #tpu.memory_space<vmem>>) dst(%dma_wait3A_1036 : memref<512x64xf32, #tpu.memory_space<hbm>>)
    %scan3A_1037 = arith.constant 0 : i32
    %scan3A_1038 = arith.constant 0 : i32
    %scan3A_1039 = arith.constant 32 : i32
    %scan3A_1040 = arith.addi %scan3A_1038, %scan3A_1039 : i32
    %scan3A_1041 = arith.constant 1 : i32
    %scan3A_1042 = scf.for %scan3A_1208 = %scan3A_1038 to %scan3A_1040 step %scan3A_1041 iter_args(%scan3A_1209 = %scan3A_1037) -> (i32)  : i32 {
      %mul3A_1210 = arith.constant 16 : i32
      %mul3A_1211 = arith.muli %scan3A_1208, %mul3A_1210 : i32
      %add3A_1212 = arith.constant 4608 : i32
      %add3A_1213 = arith.addi %add3A_1212, %mul3A_1211 : i32
      %get3A = arith.index_cast %add3A_1213 : i32 to index
      %get3A_1214 = tpu.vector_load %arg6[%get3A] {strides = array<i32>} : memref<8192xi32, #tpu.memory_space<vmem>>, vector<16xi32>,
      %and3A = arith.constant 32767 : i32
      %and3A_1215 = vector.broadcast %and3A : i32 to vector<16xi32>
      %and3A_1216 = arith.andi %get3A_1214, %and3A_1215 : vector<16xi32>
      %add3A_1217 = arith.constant 4608 : i32
      %add3A_1218 = arith.addi %mul3A_2, %add3A_1217 : i32
      %mul3A_1219 = arith.constant 16 : i32
      %mul3A_1220 = arith.muli %scan3A_1208, %mul3A_1219 : i32
      %add3A_1221 = arith.addi %add3A_1218, %mul3A_1220 : i32
      %add3A_1222 = vector.broadcast %add3A_1221 : i32 to vector<16xi32>
      %add3A_1223 = arith.addi %add3A_1222, %iota3A : vector<16xi32>
      %and3A_1224 = arith.constant 32767 : i32
      %and3A_1225 = vector.broadcast %and3A_1224 : i32 to vector<16xi32>
      %and3A_1226 = arith.andi %add3A_1223, %and3A_1225 : vector<16xi32>
      %add3A_1227 = arith.constant 30000 : i32
      %add3A_1228 = vector.broadcast %add3A_1227 : i32 to vector<16xi32>
      %add3A_1229 = arith.addi %add3A_1228, %and3A_1226 : vector<16xi32>
      %ge3A = arith.constant 0 : i32
      %ge3A_1230 = vector.broadcast %ge3A : i32 to vector<16xi32>
      %ge3A_1231 = arith.cmpi sge, %get3A_1214, %ge3A_1230 : vector<16xi32>
      %select_n3A = arith.select %ge3A_1231, %and3A_1216, %add3A_1229 : vector<16xi1>, vector<16xi32>
      %mul3A_1232 = arith.constant 16 : i32
      %mul3A_1233 = arith.muli %scan3A_1208, %mul3A_1232 : i32
      %swap3A = arith.index_cast %mul3A_1233 : i32 to index
      %swap3A_1234 = tpu.vector_load %arg13[%swap3A] {strides = array<i32>} : memref<512xi32, #tpu.memory_space<vmem>>, vector<16xi32>,
      tpu.vector_store %arg13[%swap3A], %select_n3A {strides = array<i32>} : memref<512xi32, #tpu.memory_space<vmem>>, vector<16xi32>,
      %scan3A_1235 = arith.constant 0 : i32
      scf.yield %scan3A_1235 : i32
    }
    %scan3A_1043 = arith.constant 32 : i32
    %dma_start3A_1044 = arith.constant 0 : i32
    %dma_start3A_1045 = arith.constant 0 : i32
    %dma_start3A_1046 = tpu.memref_slice %arg3[%dma_start3A_1044, %dma_start3A_1045] : memref<62768x64xf32, #tpu.memory_space<hbm>> -> memref<62768x64xf32, #tpu.memory_space<hbm>>
    tpu.enqueue_indirect_dma source(%dma_start3A_1046 : memref<62768x64xf32, #tpu.memory_space<hbm>>) target(%arg15 : memref<512x64xf32, #tpu.memory_space<vmem>>) offsets(%arg13 : memref<512xi32, #tpu.memory_space<vmem>>) semaphore(%arg19 : memref<!tpu.dma_semaphore, #tpu.memory_space<semaphore_mem>>)
    %add3A_1047 = arith.constant 4096 : i32
    %add3A_1048 = arith.addi %mul3A_2, %add3A_1047 : i32
    %dma_start3A_1049 = arith.constant 0 : i32
    %dma_start3A_1050 = tpu.memref_slice %arg4[%add3A_1048, %dma_start3A_1049] : memref<262144x64xf32, #tpu.memory_space<hbm>> -> memref<512x64xf32, #tpu.memory_space<hbm>>
    %dma_start3A_1051 = arith.constant 0 : i32
    %dma_start3A_1052 = tpu.memref_slice %arg4[%add3A_1048, %dma_start3A_1051] : memref<262144x64xf32, #tpu.memory_space<hbm>> -> memref<512x64xf32, #tpu.memory_space<hbm>>
    tpu.enqueue_dma source(%arg14 : memref<512x64xf32, #tpu.memory_space<vmem>>) target(%dma_start3A_1052 : memref<512x64xf32, #tpu.memory_space<hbm>>) target_semaphore(%arg20 : memref<!tpu.dma_semaphore, #tpu.memory_space<semaphore_mem>>)
    %dma_wait3A_1053 = arith.constant 0 : i32
    %dma_wait3A_1054 = arith.constant 0 : i32
    %dma_wait3A_1055 = tpu.memref_slice %arg3[%dma_wait3A_1053, %dma_wait3A_1054] : memref<62768x64xf32, #tpu.memory_space<hbm>> -> memref<62768x64xf32, #tpu.memory_space<hbm>>
    tpu.wait_indirect_dma semaphore(%arg19 : memref<!tpu.dma_semaphore, #tpu.memory_space<semaphore_mem>>) src(%dma_wait3A_1055 : memref<62768x64xf32, #tpu.memory_space<hbm>>) dst(%arg15 : memref<512x64xf32, #tpu.memory_space<vmem>>)
    %dma_wait3A_1056 = arith.constant 0 : i32
    %dma_wait3A_1057 = tpu.memref_slice %arg4[%add3A_1048, %dma_wait3A_1056] : memref<262144x64xf32, #tpu.memory_space<hbm>> -> memref<512x64xf32, #tpu.memory_space<hbm>>
    %dma_wait3A_1058 = arith.constant 0 : i32
    %dma_wait3A_1059 = tpu.memref_slice %arg4[%add3A_1048, %dma_wait3A_1058] : memref<262144x64xf32, #tpu.memory_space<hbm>> -> memref<512x64xf32, #tpu.memory_space<hbm>>
    tpu.wait_dma2 semaphore(%arg20 : memref<!tpu.dma_semaphore, #tpu.memory_space<semaphore_mem>>) src(%arg14 : memref<512x64xf32, #tpu.memory_space<vmem>>) dst(%dma_wait3A_1059 : memref<512x64xf32, #tpu.memory_space<hbm>>)
    %scan3A_1060 = arith.constant 0 : i32
    %scan3A_1061 = arith.constant 0 : i32
    %scan3A_1062 = arith.constant 32 : i32
    %scan3A_1063 = arith.addi %scan3A_1061, %scan3A_1062 : i32
    %scan3A_1064 = arith.constant 1 : i32
    %scan3A_1065 = scf.for %scan3A_1208 = %scan3A_1061 to %scan3A_1063 step %scan3A_1064 iter_args(%scan3A_1209 = %scan3A_1060) -> (i32)  : i32 {
      %mul3A_1210 = arith.constant 16 : i32
      %mul3A_1211 = arith.muli %scan3A_1208, %mul3A_1210 : i32
      %add3A_1212 = arith.constant 5120 : i32
      %add3A_1213 = arith.addi %add3A_1212, %mul3A_1211 : i32
      %get3A = arith.index_cast %add3A_1213 : i32 to index
      %get3A_1214 = tpu.vector_load %arg6[%get3A] {strides = array<i32>} : memref<8192xi32, #tpu.memory_space<vmem>>, vector<16xi32>,
      %and3A = arith.constant 32767 : i32
      %and3A_1215 = vector.broadcast %and3A : i32 to vector<16xi32>
      %and3A_1216 = arith.andi %get3A_1214, %and3A_1215 : vector<16xi32>
      %add3A_1217 = arith.constant 5120 : i32
      %add3A_1218 = arith.addi %mul3A_2, %add3A_1217 : i32
      %mul3A_1219 = arith.constant 16 : i32
      %mul3A_1220 = arith.muli %scan3A_1208, %mul3A_1219 : i32
      %add3A_1221 = arith.addi %add3A_1218, %mul3A_1220 : i32
      %add3A_1222 = vector.broadcast %add3A_1221 : i32 to vector<16xi32>
      %add3A_1223 = arith.addi %add3A_1222, %iota3A : vector<16xi32>
      %and3A_1224 = arith.constant 32767 : i32
      %and3A_1225 = vector.broadcast %and3A_1224 : i32 to vector<16xi32>
      %and3A_1226 = arith.andi %add3A_1223, %and3A_1225 : vector<16xi32>
      %add3A_1227 = arith.constant 30000 : i32
      %add3A_1228 = vector.broadcast %add3A_1227 : i32 to vector<16xi32>
      %add3A_1229 = arith.addi %add3A_1228, %and3A_1226 : vector<16xi32>
      %ge3A = arith.constant 0 : i32
      %ge3A_1230 = vector.broadcast %ge3A : i32 to vector<16xi32>
      %ge3A_1231 = arith.cmpi sge, %get3A_1214, %ge3A_1230 : vector<16xi32>
      %select_n3A = arith.select %ge3A_1231, %and3A_1216, %add3A_1229 : vector<16xi1>, vector<16xi32>
      %mul3A_1232 = arith.constant 16 : i32
      %mul3A_1233 = arith.muli %scan3A_1208, %mul3A_1232 : i32
      %swap3A = arith.index_cast %mul3A_1233 : i32 to index
      %swap3A_1234 = tpu.vector_load %arg12[%swap3A] {strides = array<i32>} : memref<512xi32, #tpu.memory_space<vmem>>, vector<16xi32>,
      tpu.vector_store %arg12[%swap3A], %select_n3A {strides = array<i32>} : memref<512xi32, #tpu.memory_space<vmem>>, vector<16xi32>,
      %scan3A_1235 = arith.constant 0 : i32
      scf.yield %scan3A_1235 : i32
    }
    %scan3A_1066 = arith.constant 32 : i32
    %dma_start3A_1067 = arith.constant 0 : i32
    %dma_start3A_1068 = arith.constant 0 : i32
    %dma_start3A_1069 = tpu.memref_slice %arg3[%dma_start3A_1067, %dma_start3A_1068] : memref<62768x64xf32, #tpu.memory_space<hbm>> -> memref<62768x64xf32, #tpu.memory_space<hbm>>
    tpu.enqueue_indirect_dma source(%dma_start3A_1069 : memref<62768x64xf32, #tpu.memory_space<hbm>>) target(%arg14 : memref<512x64xf32, #tpu.memory_space<vmem>>) offsets(%arg12 : memref<512xi32, #tpu.memory_space<vmem>>) semaphore(%arg18 : memref<!tpu.dma_semaphore, #tpu.memory_space<semaphore_mem>>)
    %add3A_1070 = arith.constant 4608 : i32
    %add3A_1071 = arith.addi %mul3A_2, %add3A_1070 : i32
    %dma_start3A_1072 = arith.constant 0 : i32
    %dma_start3A_1073 = tpu.memref_slice %arg4[%add3A_1071, %dma_start3A_1072] : memref<262144x64xf32, #tpu.memory_space<hbm>> -> memref<512x64xf32, #tpu.memory_space<hbm>>
    %dma_start3A_1074 = arith.constant 0 : i32
    %dma_start3A_1075 = tpu.memref_slice %arg4[%add3A_1071, %dma_start3A_1074] : memref<262144x64xf32, #tpu.memory_space<hbm>> -> memref<512x64xf32, #tpu.memory_space<hbm>>
    tpu.enqueue_dma source(%arg15 : memref<512x64xf32, #tpu.memory_space<vmem>>) target(%dma_start3A_1075 : memref<512x64xf32, #tpu.memory_space<hbm>>) target_semaphore(%arg21 : memref<!tpu.dma_semaphore, #tpu.memory_space<semaphore_mem>>)
    %dma_wait3A_1076 = arith.constant 0 : i32
    %dma_wait3A_1077 = arith.constant 0 : i32
    %dma_wait3A_1078 = tpu.memref_slice %arg3[%dma_wait3A_1076, %dma_wait3A_1077] : memref<62768x64xf32, #tpu.memory_space<hbm>> -> memref<62768x64xf32, #tpu.memory_space<hbm>>
    tpu.wait_indirect_dma semaphore(%arg18 : memref<!tpu.dma_semaphore, #tpu.memory_space<semaphore_mem>>) src(%dma_wait3A_1078 : memref<62768x64xf32, #tpu.memory_space<hbm>>) dst(%arg14 : memref<512x64xf32, #tpu.memory_space<vmem>>)
    %dma_wait3A_1079 = arith.constant 0 : i32
    %dma_wait3A_1080 = tpu.memref_slice %arg4[%add3A_1071, %dma_wait3A_1079] : memref<262144x64xf32, #tpu.memory_space<hbm>> -> memref<512x64xf32, #tpu.memory_space<hbm>>
    %dma_wait3A_1081 = arith.constant 0 : i32
    %dma_wait3A_1082 = tpu.memref_slice %arg4[%add3A_1071, %dma_wait3A_1081] : memref<262144x64xf32, #tpu.memory_space<hbm>> -> memref<512x64xf32, #tpu.memory_space<hbm>>
    tpu.wait_dma2 semaphore(%arg21 : memref<!tpu.dma_semaphore, #tpu.memory_space<semaphore_mem>>) src(%arg15 : memref<512x64xf32, #tpu.memory_space<vmem>>) dst(%dma_wait3A_1082 : memref<512x64xf32, #tpu.memory_space<hbm>>)
    %scan3A_1083 = arith.constant 0 : i32
    %scan3A_1084 = arith.constant 0 : i32
    %scan3A_1085 = arith.constant 32 : i32
    %scan3A_1086 = arith.addi %scan3A_1084, %scan3A_1085 : i32
    %scan3A_1087 = arith.constant 1 : i32
    %scan3A_1088 = scf.for %scan3A_1208 = %scan3A_1084 to %scan3A_1086 step %scan3A_1087 iter_args(%scan3A_1209 = %scan3A_1083) -> (i32)  : i32 {
      %mul3A_1210 = arith.constant 16 : i32
      %mul3A_1211 = arith.muli %scan3A_1208, %mul3A_1210 : i32
      %add3A_1212 = arith.constant 5632 : i32
      %add3A_1213 = arith.addi %add3A_1212, %mul3A_1211 : i32
      %get3A = arith.index_cast %add3A_1213 : i32 to index
      %get3A_1214 = tpu.vector_load %arg6[%get3A] {strides = array<i32>} : memref<8192xi32, #tpu.memory_space<vmem>>, vector<16xi32>,
      %and3A = arith.constant 32767 : i32
      %and3A_1215 = vector.broadcast %and3A : i32 to vector<16xi32>
      %and3A_1216 = arith.andi %get3A_1214, %and3A_1215 : vector<16xi32>
      %add3A_1217 = arith.constant 5632 : i32
      %add3A_1218 = arith.addi %mul3A_2, %add3A_1217 : i32
      %mul3A_1219 = arith.constant 16 : i32
      %mul3A_1220 = arith.muli %scan3A_1208, %mul3A_1219 : i32
      %add3A_1221 = arith.addi %add3A_1218, %mul3A_1220 : i32
      %add3A_1222 = vector.broadcast %add3A_1221 : i32 to vector<16xi32>
      %add3A_1223 = arith.addi %add3A_1222, %iota3A : vector<16xi32>
      %and3A_1224 = arith.constant 32767 : i32
      %and3A_1225 = vector.broadcast %and3A_1224 : i32 to vector<16xi32>
      %and3A_1226 = arith.andi %add3A_1223, %and3A_1225 : vector<16xi32>
      %add3A_1227 = arith.constant 30000 : i32
      %add3A_1228 = vector.broadcast %add3A_1227 : i32 to vector<16xi32>
      %add3A_1229 = arith.addi %add3A_1228, %and3A_1226 : vector<16xi32>
      %ge3A = arith.constant 0 : i32
      %ge3A_1230 = vector.broadcast %ge3A : i32 to vector<16xi32>
      %ge3A_1231 = arith.cmpi sge, %get3A_1214, %ge3A_1230 : vector<16xi32>
      %select_n3A = arith.select %ge3A_1231, %and3A_1216, %add3A_1229 : vector<16xi1>, vector<16xi32>
      %mul3A_1232 = arith.constant 16 : i32
      %mul3A_1233 = arith.muli %scan3A_1208, %mul3A_1232 : i32
      %swap3A = arith.index_cast %mul3A_1233 : i32 to index
      %swap3A_1234 = tpu.vector_load %arg13[%swap3A] {strides = array<i32>} : memref<512xi32, #tpu.memory_space<vmem>>, vector<16xi32>,
      tpu.vector_store %arg13[%swap3A], %select_n3A {strides = array<i32>} : memref<512xi32, #tpu.memory_space<vmem>>, vector<16xi32>,
      %scan3A_1235 = arith.constant 0 : i32
      scf.yield %scan3A_1235 : i32
    }
    %scan3A_1089 = arith.constant 32 : i32
    %dma_start3A_1090 = arith.constant 0 : i32
    %dma_start3A_1091 = arith.constant 0 : i32
    %dma_start3A_1092 = tpu.memref_slice %arg3[%dma_start3A_1090, %dma_start3A_1091] : memref<62768x64xf32, #tpu.memory_space<hbm>> -> memref<62768x64xf32, #tpu.memory_space<hbm>>
    tpu.enqueue_indirect_dma source(%dma_start3A_1092 : memref<62768x64xf32, #tpu.memory_space<hbm>>) target(%arg15 : memref<512x64xf32, #tpu.memory_space<vmem>>) offsets(%arg13 : memref<512xi32, #tpu.memory_space<vmem>>) semaphore(%arg19 : memref<!tpu.dma_semaphore, #tpu.memory_space<semaphore_mem>>)
    %add3A_1093 = arith.constant 5120 : i32
    %add3A_1094 = arith.addi %mul3A_2, %add3A_1093 : i32
    %dma_start3A_1095 = arith.constant 0 : i32
    %dma_start3A_1096 = tpu.memref_slice %arg4[%add3A_1094, %dma_start3A_1095] : memref<262144x64xf32, #tpu.memory_space<hbm>> -> memref<512x64xf32, #tpu.memory_space<hbm>>
    %dma_start3A_1097 = arith.constant 0 : i32
    %dma_start3A_1098 = tpu.memref_slice %arg4[%add3A_1094, %dma_start3A_1097] : memref<262144x64xf32, #tpu.memory_space<hbm>> -> memref<512x64xf32, #tpu.memory_space<hbm>>
    tpu.enqueue_dma source(%arg14 : memref<512x64xf32, #tpu.memory_space<vmem>>) target(%dma_start3A_1098 : memref<512x64xf32, #tpu.memory_space<hbm>>) target_semaphore(%arg20 : memref<!tpu.dma_semaphore, #tpu.memory_space<semaphore_mem>>)
    %dma_wait3A_1099 = arith.constant 0 : i32
    %dma_wait3A_1100 = arith.constant 0 : i32
    %dma_wait3A_1101 = tpu.memref_slice %arg3[%dma_wait3A_1099, %dma_wait3A_1100] : memref<62768x64xf32, #tpu.memory_space<hbm>> -> memref<62768x64xf32, #tpu.memory_space<hbm>>
    tpu.wait_indirect_dma semaphore(%arg19 : memref<!tpu.dma_semaphore, #tpu.memory_space<semaphore_mem>>) src(%dma_wait3A_1101 : memref<62768x64xf32, #tpu.memory_space<hbm>>) dst(%arg15 : memref<512x64xf32, #tpu.memory_space<vmem>>)
    %dma_wait3A_1102 = arith.constant 0 : i32
    %dma_wait3A_1103 = tpu.memref_slice %arg4[%add3A_1094, %dma_wait3A_1102] : memref<262144x64xf32, #tpu.memory_space<hbm>> -> memref<512x64xf32, #tpu.memory_space<hbm>>
    %dma_wait3A_1104 = arith.constant 0 : i32
    %dma_wait3A_1105 = tpu.memref_slice %arg4[%add3A_1094, %dma_wait3A_1104] : memref<262144x64xf32, #tpu.memory_space<hbm>> -> memref<512x64xf32, #tpu.memory_space<hbm>>
    tpu.wait_dma2 semaphore(%arg20 : memref<!tpu.dma_semaphore, #tpu.memory_space<semaphore_mem>>) src(%arg14 : memref<512x64xf32, #tpu.memory_space<vmem>>) dst(%dma_wait3A_1105 : memref<512x64xf32, #tpu.memory_space<hbm>>)
    %scan3A_1106 = arith.constant 0 : i32
    %scan3A_1107 = arith.constant 0 : i32
    %scan3A_1108 = arith.constant 32 : i32
    %scan3A_1109 = arith.addi %scan3A_1107, %scan3A_1108 : i32
    %scan3A_1110 = arith.constant 1 : i32
    %scan3A_1111 = scf.for %scan3A_1208 = %scan3A_1107 to %scan3A_1109 step %scan3A_1110 iter_args(%scan3A_1209 = %scan3A_1106) -> (i32)  : i32 {
      %mul3A_1210 = arith.constant 16 : i32
      %mul3A_1211 = arith.muli %scan3A_1208, %mul3A_1210 : i32
      %add3A_1212 = arith.constant 6144 : i32
      %add3A_1213 = arith.addi %add3A_1212, %mul3A_1211 : i32
      %get3A = arith.index_cast %add3A_1213 : i32 to index
      %get3A_1214 = tpu.vector_load %arg6[%get3A] {strides = array<i32>} : memref<8192xi32, #tpu.memory_space<vmem>>, vector<16xi32>,
      %and3A = arith.constant 32767 : i32
      %and3A_1215 = vector.broadcast %and3A : i32 to vector<16xi32>
      %and3A_1216 = arith.andi %get3A_1214, %and3A_1215 : vector<16xi32>
      %add3A_1217 = arith.constant 6144 : i32
      %add3A_1218 = arith.addi %mul3A_2, %add3A_1217 : i32
      %mul3A_1219 = arith.constant 16 : i32
      %mul3A_1220 = arith.muli %scan3A_1208, %mul3A_1219 : i32
      %add3A_1221 = arith.addi %add3A_1218, %mul3A_1220 : i32
      %add3A_1222 = vector.broadcast %add3A_1221 : i32 to vector<16xi32>
      %add3A_1223 = arith.addi %add3A_1222, %iota3A : vector<16xi32>
      %and3A_1224 = arith.constant 32767 : i32
      %and3A_1225 = vector.broadcast %and3A_1224 : i32 to vector<16xi32>
      %and3A_1226 = arith.andi %add3A_1223, %and3A_1225 : vector<16xi32>
      %add3A_1227 = arith.constant 30000 : i32
      %add3A_1228 = vector.broadcast %add3A_1227 : i32 to vector<16xi32>
      %add3A_1229 = arith.addi %add3A_1228, %and3A_1226 : vector<16xi32>
      %ge3A = arith.constant 0 : i32
      %ge3A_1230 = vector.broadcast %ge3A : i32 to vector<16xi32>
      %ge3A_1231 = arith.cmpi sge, %get3A_1214, %ge3A_1230 : vector<16xi32>
      %select_n3A = arith.select %ge3A_1231, %and3A_1216, %add3A_1229 : vector<16xi1>, vector<16xi32>
      %mul3A_1232 = arith.constant 16 : i32
      %mul3A_1233 = arith.muli %scan3A_1208, %mul3A_1232 : i32
      %swap3A = arith.index_cast %mul3A_1233 : i32 to index
      %swap3A_1234 = tpu.vector_load %arg12[%swap3A] {strides = array<i32>} : memref<512xi32, #tpu.memory_space<vmem>>, vector<16xi32>,
      tpu.vector_store %arg12[%swap3A], %select_n3A {strides = array<i32>} : memref<512xi32, #tpu.memory_space<vmem>>, vector<16xi32>,
      %scan3A_1235 = arith.constant 0 : i32
      scf.yield %scan3A_1235 : i32
    }
    %scan3A_1112 = arith.constant 32 : i32
    %dma_start3A_1113 = arith.constant 0 : i32
    %dma_start3A_1114 = arith.constant 0 : i32
    %dma_start3A_1115 = tpu.memref_slice %arg3[%dma_start3A_1113, %dma_start3A_1114] : memref<62768x64xf32, #tpu.memory_space<hbm>> -> memref<62768x64xf32, #tpu.memory_space<hbm>>
    tpu.enqueue_indirect_dma source(%dma_start3A_1115 : memref<62768x64xf32, #tpu.memory_space<hbm>>) target(%arg14 : memref<512x64xf32, #tpu.memory_space<vmem>>) offsets(%arg12 : memref<512xi32, #tpu.memory_space<vmem>>) semaphore(%arg18 : memref<!tpu.dma_semaphore, #tpu.memory_space<semaphore_mem>>)
    %add3A_1116 = arith.constant 5632 : i32
    %add3A_1117 = arith.addi %mul3A_2, %add3A_1116 : i32
    %dma_start3A_1118 = arith.constant 0 : i32
    %dma_start3A_1119 = tpu.memref_slice %arg4[%add3A_1117, %dma_start3A_1118] : memref<262144x64xf32, #tpu.memory_space<hbm>> -> memref<512x64xf32, #tpu.memory_space<hbm>>
    %dma_start3A_1120 = arith.constant 0 : i32
    %dma_start3A_1121 = tpu.memref_slice %arg4[%add3A_1117, %dma_start3A_1120] : memref<262144x64xf32, #tpu.memory_space<hbm>> -> memref<512x64xf32, #tpu.memory_space<hbm>>
    tpu.enqueue_dma source(%arg15 : memref<512x64xf32, #tpu.memory_space<vmem>>) target(%dma_start3A_1121 : memref<512x64xf32, #tpu.memory_space<hbm>>) target_semaphore(%arg21 : memref<!tpu.dma_semaphore, #tpu.memory_space<semaphore_mem>>)
    %dma_wait3A_1122 = arith.constant 0 : i32
    %dma_wait3A_1123 = arith.constant 0 : i32
    %dma_wait3A_1124 = tpu.memref_slice %arg3[%dma_wait3A_1122, %dma_wait3A_1123] : memref<62768x64xf32, #tpu.memory_space<hbm>> -> memref<62768x64xf32, #tpu.memory_space<hbm>>
    tpu.wait_indirect_dma semaphore(%arg18 : memref<!tpu.dma_semaphore, #tpu.memory_space<semaphore_mem>>) src(%dma_wait3A_1124 : memref<62768x64xf32, #tpu.memory_space<hbm>>) dst(%arg14 : memref<512x64xf32, #tpu.memory_space<vmem>>)
    %dma_wait3A_1125 = arith.constant 0 : i32
    %dma_wait3A_1126 = tpu.memref_slice %arg4[%add3A_1117, %dma_wait3A_1125] : memref<262144x64xf32, #tpu.memory_space<hbm>> -> memref<512x64xf32, #tpu.memory_space<hbm>>
    %dma_wait3A_1127 = arith.constant 0 : i32
    %dma_wait3A_1128 = tpu.memref_slice %arg4[%add3A_1117, %dma_wait3A_1127] : memref<262144x64xf32, #tpu.memory_space<hbm>> -> memref<512x64xf32, #tpu.memory_space<hbm>>
    tpu.wait_dma2 semaphore(%arg21 : memref<!tpu.dma_semaphore, #tpu.memory_space<semaphore_mem>>) src(%arg15 : memref<512x64xf32, #tpu.memory_space<vmem>>) dst(%dma_wait3A_1128 : memref<512x64xf32, #tpu.memory_space<hbm>>)
    %scan3A_1129 = arith.constant 0 : i32
    %scan3A_1130 = arith.constant 0 : i32
    %scan3A_1131 = arith.constant 32 : i32
    %scan3A_1132 = arith.addi %scan3A_1130, %scan3A_1131 : i32
    %scan3A_1133 = arith.constant 1 : i32
    %scan3A_1134 = scf.for %scan3A_1208 = %scan3A_1130 to %scan3A_1132 step %scan3A_1133 iter_args(%scan3A_1209 = %scan3A_1129) -> (i32)  : i32 {
      %mul3A_1210 = arith.constant 16 : i32
      %mul3A_1211 = arith.muli %scan3A_1208, %mul3A_1210 : i32
      %add3A_1212 = arith.constant 6656 : i32
      %add3A_1213 = arith.addi %add3A_1212, %mul3A_1211 : i32
      %get3A = arith.index_cast %add3A_1213 : i32 to index
      %get3A_1214 = tpu.vector_load %arg6[%get3A] {strides = array<i32>} : memref<8192xi32, #tpu.memory_space<vmem>>, vector<16xi32>,
      %and3A = arith.constant 32767 : i32
      %and3A_1215 = vector.broadcast %and3A : i32 to vector<16xi32>
      %and3A_1216 = arith.andi %get3A_1214, %and3A_1215 : vector<16xi32>
      %add3A_1217 = arith.constant 6656 : i32
      %add3A_1218 = arith.addi %mul3A_2, %add3A_1217 : i32
      %mul3A_1219 = arith.constant 16 : i32
      %mul3A_1220 = arith.muli %scan3A_1208, %mul3A_1219 : i32
      %add3A_1221 = arith.addi %add3A_1218, %mul3A_1220 : i32
      %add3A_1222 = vector.broadcast %add3A_1221 : i32 to vector<16xi32>
      %add3A_1223 = arith.addi %add3A_1222, %iota3A : vector<16xi32>
      %and3A_1224 = arith.constant 32767 : i32
      %and3A_1225 = vector.broadcast %and3A_1224 : i32 to vector<16xi32>
      %and3A_1226 = arith.andi %add3A_1223, %and3A_1225 : vector<16xi32>
      %add3A_1227 = arith.constant 30000 : i32
      %add3A_1228 = vector.broadcast %add3A_1227 : i32 to vector<16xi32>
      %add3A_1229 = arith.addi %add3A_1228, %and3A_1226 : vector<16xi32>
      %ge3A = arith.constant 0 : i32
      %ge3A_1230 = vector.broadcast %ge3A : i32 to vector<16xi32>
      %ge3A_1231 = arith.cmpi sge, %get3A_1214, %ge3A_1230 : vector<16xi32>
      %select_n3A = arith.select %ge3A_1231, %and3A_1216, %add3A_1229 : vector<16xi1>, vector<16xi32>
      %mul3A_1232 = arith.constant 16 : i32
      %mul3A_1233 = arith.muli %scan3A_1208, %mul3A_1232 : i32
      %swap3A = arith.index_cast %mul3A_1233 : i32 to index
      %swap3A_1234 = tpu.vector_load %arg13[%swap3A] {strides = array<i32>} : memref<512xi32, #tpu.memory_space<vmem>>, vector<16xi32>,
      tpu.vector_store %arg13[%swap3A], %select_n3A {strides = array<i32>} : memref<512xi32, #tpu.memory_space<vmem>>, vector<16xi32>,
      %scan3A_1235 = arith.constant 0 : i32
      scf.yield %scan3A_1235 : i32
    }
    %scan3A_1135 = arith.constant 32 : i32
    %dma_start3A_1136 = arith.constant 0 : i32
    %dma_start3A_1137 = arith.constant 0 : i32
    %dma_start3A_1138 = tpu.memref_slice %arg3[%dma_start3A_1136, %dma_start3A_1137] : memref<62768x64xf32, #tpu.memory_space<hbm>> -> memref<62768x64xf32, #tpu.memory_space<hbm>>
    tpu.enqueue_indirect_dma source(%dma_start3A_1138 : memref<62768x64xf32, #tpu.memory_space<hbm>>) target(%arg15 : memref<512x64xf32, #tpu.memory_space<vmem>>) offsets(%arg13 : memref<512xi32, #tpu.memory_space<vmem>>) semaphore(%arg19 : memref<!tpu.dma_semaphore, #tpu.memory_space<semaphore_mem>>)
    %add3A_1139 = arith.constant 6144 : i32
    %add3A_1140 = arith.addi %mul3A_2, %add3A_1139 : i32
    %dma_start3A_1141 = arith.constant 0 : i32
    %dma_start3A_1142 = tpu.memref_slice %arg4[%add3A_1140, %dma_start3A_1141] : memref<262144x64xf32, #tpu.memory_space<hbm>> -> memref<512x64xf32, #tpu.memory_space<hbm>>
    %dma_start3A_1143 = arith.constant 0 : i32
    %dma_start3A_1144 = tpu.memref_slice %arg4[%add3A_1140, %dma_start3A_1143] : memref<262144x64xf32, #tpu.memory_space<hbm>> -> memref<512x64xf32, #tpu.memory_space<hbm>>
    tpu.enqueue_dma source(%arg14 : memref<512x64xf32, #tpu.memory_space<vmem>>) target(%dma_start3A_1144 : memref<512x64xf32, #tpu.memory_space<hbm>>) target_semaphore(%arg20 : memref<!tpu.dma_semaphore, #tpu.memory_space<semaphore_mem>>)
    %dma_wait3A_1145 = arith.constant 0 : i32
    %dma_wait3A_1146 = arith.constant 0 : i32
    %dma_wait3A_1147 = tpu.memref_slice %arg3[%dma_wait3A_1145, %dma_wait3A_1146] : memref<62768x64xf32, #tpu.memory_space<hbm>> -> memref<62768x64xf32, #tpu.memory_space<hbm>>
    tpu.wait_indirect_dma semaphore(%arg19 : memref<!tpu.dma_semaphore, #tpu.memory_space<semaphore_mem>>) src(%dma_wait3A_1147 : memref<62768x64xf32, #tpu.memory_space<hbm>>) dst(%arg15 : memref<512x64xf32, #tpu.memory_space<vmem>>)
    %dma_wait3A_1148 = arith.constant 0 : i32
    %dma_wait3A_1149 = tpu.memref_slice %arg4[%add3A_1140, %dma_wait3A_1148] : memref<262144x64xf32, #tpu.memory_space<hbm>> -> memref<512x64xf32, #tpu.memory_space<hbm>>
    %dma_wait3A_1150 = arith.constant 0 : i32
    %dma_wait3A_1151 = tpu.memref_slice %arg4[%add3A_1140, %dma_wait3A_1150] : memref<262144x64xf32, #tpu.memory_space<hbm>> -> memref<512x64xf32, #tpu.memory_space<hbm>>
    tpu.wait_dma2 semaphore(%arg20 : memref<!tpu.dma_semaphore, #tpu.memory_space<semaphore_mem>>) src(%arg14 : memref<512x64xf32, #tpu.memory_space<vmem>>) dst(%dma_wait3A_1151 : memref<512x64xf32, #tpu.memory_space<hbm>>)
    %scan3A_1152 = arith.constant 0 : i32
    %scan3A_1153 = arith.constant 0 : i32
    %scan3A_1154 = arith.constant 32 : i32
    %scan3A_1155 = arith.addi %scan3A_1153, %scan3A_1154 : i32
    %scan3A_1156 = arith.constant 1 : i32
    %scan3A_1157 = scf.for %scan3A_1208 = %scan3A_1153 to %scan3A_1155 step %scan3A_1156 iter_args(%scan3A_1209 = %scan3A_1152) -> (i32)  : i32 {
      %mul3A_1210 = arith.constant 16 : i32
      %mul3A_1211 = arith.muli %scan3A_1208, %mul3A_1210 : i32
      %add3A_1212 = arith.constant 7168 : i32
      %add3A_1213 = arith.addi %add3A_1212, %mul3A_1211 : i32
      %get3A = arith.index_cast %add3A_1213 : i32 to index
      %get3A_1214 = tpu.vector_load %arg6[%get3A] {strides = array<i32>} : memref<8192xi32, #tpu.memory_space<vmem>>, vector<16xi32>,
      %and3A = arith.constant 32767 : i32
      %and3A_1215 = vector.broadcast %and3A : i32 to vector<16xi32>
      %and3A_1216 = arith.andi %get3A_1214, %and3A_1215 : vector<16xi32>
      %add3A_1217 = arith.constant 7168 : i32
      %add3A_1218 = arith.addi %mul3A_2, %add3A_1217 : i32
      %mul3A_1219 = arith.constant 16 : i32
      %mul3A_1220 = arith.muli %scan3A_1208, %mul3A_1219 : i32
      %add3A_1221 = arith.addi %add3A_1218, %mul3A_1220 : i32
      %add3A_1222 = vector.broadcast %add3A_1221 : i32 to vector<16xi32>
      %add3A_1223 = arith.addi %add3A_1222, %iota3A : vector<16xi32>
      %and3A_1224 = arith.constant 32767 : i32
      %and3A_1225 = vector.broadcast %and3A_1224 : i32 to vector<16xi32>
      %and3A_1226 = arith.andi %add3A_1223, %and3A_1225 : vector<16xi32>
      %add3A_1227 = arith.constant 30000 : i32
      %add3A_1228 = vector.broadcast %add3A_1227 : i32 to vector<16xi32>
      %add3A_1229 = arith.addi %add3A_1228, %and3A_1226 : vector<16xi32>
      %ge3A = arith.constant 0 : i32
      %ge3A_1230 = vector.broadcast %ge3A : i32 to vector<16xi32>
      %ge3A_1231 = arith.cmpi sge, %get3A_1214, %ge3A_1230 : vector<16xi32>
      %select_n3A = arith.select %ge3A_1231, %and3A_1216, %add3A_1229 : vector<16xi1>, vector<16xi32>
      %mul3A_1232 = arith.constant 16 : i32
      %mul3A_1233 = arith.muli %scan3A_1208, %mul3A_1232 : i32
      %swap3A = arith.index_cast %mul3A_1233 : i32 to index
      %swap3A_1234 = tpu.vector_load %arg12[%swap3A] {strides = array<i32>} : memref<512xi32, #tpu.memory_space<vmem>>, vector<16xi32>,
      tpu.vector_store %arg12[%swap3A], %select_n3A {strides = array<i32>} : memref<512xi32, #tpu.memory_space<vmem>>, vector<16xi32>,
      %scan3A_1235 = arith.constant 0 : i32
      scf.yield %scan3A_1235 : i32
    }
    %scan3A_1158 = arith.constant 32 : i32
    %dma_start3A_1159 = arith.constant 0 : i32
    %dma_start3A_1160 = arith.constant 0 : i32
    %dma_start3A_1161 = tpu.memref_slice %arg3[%dma_start3A_1159, %dma_start3A_1160] : memref<62768x64xf32, #tpu.memory_space<hbm>> -> memref<62768x64xf32, #tpu.memory_space<hbm>>
    tpu.enqueue_indirect_dma source(%dma_start3A_1161 : memref<62768x64xf32, #tpu.memory_space<hbm>>) target(%arg14 : memref<512x64xf32, #tpu.memory_space<vmem>>) offsets(%arg12 : memref<512xi32, #tpu.memory_space<vmem>>) semaphore(%arg18 : memref<!tpu.dma_semaphore, #tpu.memory_space<semaphore_mem>>)
    %add3A_1162 = arith.constant 6656 : i32
    %add3A_1163 = arith.addi %mul3A_2, %add3A_1162 : i32
    %dma_start3A_1164 = arith.constant 0 : i32
    %dma_start3A_1165 = tpu.memref_slice %arg4[%add3A_1163, %dma_start3A_1164] : memref<262144x64xf32, #tpu.memory_space<hbm>> -> memref<512x64xf32, #tpu.memory_space<hbm>>
    %dma_start3A_1166 = arith.constant 0 : i32
    %dma_start3A_1167 = tpu.memref_slice %arg4[%add3A_1163, %dma_start3A_1166] : memref<262144x64xf32, #tpu.memory_space<hbm>> -> memref<512x64xf32, #tpu.memory_space<hbm>>
    tpu.enqueue_dma source(%arg15 : memref<512x64xf32, #tpu.memory_space<vmem>>) target(%dma_start3A_1167 : memref<512x64xf32, #tpu.memory_space<hbm>>) target_semaphore(%arg21 : memref<!tpu.dma_semaphore, #tpu.memory_space<semaphore_mem>>)
    %dma_wait3A_1168 = arith.constant 0 : i32
    %dma_wait3A_1169 = arith.constant 0 : i32
    %dma_wait3A_1170 = tpu.memref_slice %arg3[%dma_wait3A_1168, %dma_wait3A_1169] : memref<62768x64xf32, #tpu.memory_space<hbm>> -> memref<62768x64xf32, #tpu.memory_space<hbm>>
    tpu.wait_indirect_dma semaphore(%arg18 : memref<!tpu.dma_semaphore, #tpu.memory_space<semaphore_mem>>) src(%dma_wait3A_1170 : memref<62768x64xf32, #tpu.memory_space<hbm>>) dst(%arg14 : memref<512x64xf32, #tpu.memory_space<vmem>>)
    %dma_wait3A_1171 = arith.constant 0 : i32
    %dma_wait3A_1172 = tpu.memref_slice %arg4[%add3A_1163, %dma_wait3A_1171] : memref<262144x64xf32, #tpu.memory_space<hbm>> -> memref<512x64xf32, #tpu.memory_space<hbm>>
    %dma_wait3A_1173 = arith.constant 0 : i32
    %dma_wait3A_1174 = tpu.memref_slice %arg4[%add3A_1163, %dma_wait3A_1173] : memref<262144x64xf32, #tpu.memory_space<hbm>> -> memref<512x64xf32, #tpu.memory_space<hbm>>
    tpu.wait_dma2 semaphore(%arg21 : memref<!tpu.dma_semaphore, #tpu.memory_space<semaphore_mem>>) src(%arg15 : memref<512x64xf32, #tpu.memory_space<vmem>>) dst(%dma_wait3A_1174 : memref<512x64xf32, #tpu.memory_space<hbm>>)
    %scan3A_1175 = arith.constant 0 : i32
    %scan3A_1176 = arith.constant 0 : i32
    %scan3A_1177 = arith.constant 32 : i32
    %scan3A_1178 = arith.addi %scan3A_1176, %scan3A_1177 : i32
    %scan3A_1179 = arith.constant 1 : i32
    %scan3A_1180 = scf.for %scan3A_1208 = %scan3A_1176 to %scan3A_1178 step %scan3A_1179 iter_args(%scan3A_1209 = %scan3A_1175) -> (i32)  : i32 {
      %mul3A_1210 = arith.constant 16 : i32
      %mul3A_1211 = arith.muli %scan3A_1208, %mul3A_1210 : i32
      %add3A_1212 = arith.constant 7680 : i32
      %add3A_1213 = arith.addi %add3A_1212, %mul3A_1211 : i32
      %get3A = arith.index_cast %add3A_1213 : i32 to index
      %get3A_1214 = tpu.vector_load %arg6[%get3A] {strides = array<i32>} : memref<8192xi32, #tpu.memory_space<vmem>>, vector<16xi32>,
      %and3A = arith.constant 32767 : i32
      %and3A_1215 = vector.broadcast %and3A : i32 to vector<16xi32>
      %and3A_1216 = arith.andi %get3A_1214, %and3A_1215 : vector<16xi32>
      %add3A_1217 = arith.constant 7680 : i32
      %add3A_1218 = arith.addi %mul3A_2, %add3A_1217 : i32
      %mul3A_1219 = arith.constant 16 : i32
      %mul3A_1220 = arith.muli %scan3A_1208, %mul3A_1219 : i32
      %add3A_1221 = arith.addi %add3A_1218, %mul3A_1220 : i32
      %add3A_1222 = vector.broadcast %add3A_1221 : i32 to vector<16xi32>
      %add3A_1223 = arith.addi %add3A_1222, %iota3A : vector<16xi32>
      %and3A_1224 = arith.constant 32767 : i32
      %and3A_1225 = vector.broadcast %and3A_1224 : i32 to vector<16xi32>
      %and3A_1226 = arith.andi %add3A_1223, %and3A_1225 : vector<16xi32>
      %add3A_1227 = arith.constant 30000 : i32
      %add3A_1228 = vector.broadcast %add3A_1227 : i32 to vector<16xi32>
      %add3A_1229 = arith.addi %add3A_1228, %and3A_1226 : vector<16xi32>
      %ge3A = arith.constant 0 : i32
      %ge3A_1230 = vector.broadcast %ge3A : i32 to vector<16xi32>
      %ge3A_1231 = arith.cmpi sge, %get3A_1214, %ge3A_1230 : vector<16xi32>
      %select_n3A = arith.select %ge3A_1231, %and3A_1216, %add3A_1229 : vector<16xi1>, vector<16xi32>
      %mul3A_1232 = arith.constant 16 : i32
      %mul3A_1233 = arith.muli %scan3A_1208, %mul3A_1232 : i32
      %swap3A = arith.index_cast %mul3A_1233 : i32 to index
      %swap3A_1234 = tpu.vector_load %arg13[%swap3A] {strides = array<i32>} : memref<512xi32, #tpu.memory_space<vmem>>, vector<16xi32>,
      tpu.vector_store %arg13[%swap3A], %select_n3A {strides = array<i32>} : memref<512xi32, #tpu.memory_space<vmem>>, vector<16xi32>,
      %scan3A_1235 = arith.constant 0 : i32
      scf.yield %scan3A_1235 : i32
    }
    %scan3A_1181 = arith.constant 32 : i32
    %dma_start3A_1182 = arith.constant 0 : i32
    %dma_start3A_1183 = arith.constant 0 : i32
    %dma_start3A_1184 = tpu.memref_slice %arg3[%dma_start3A_1182, %dma_start3A_1183] : memref<62768x64xf32, #tpu.memory_space<hbm>> -> memref<62768x64xf32, #tpu.memory_space<hbm>>
    tpu.enqueue_indirect_dma source(%dma_start3A_1184 : memref<62768x64xf32, #tpu.memory_space<hbm>>) target(%arg15 : memref<512x64xf32, #tpu.memory_space<vmem>>) offsets(%arg13 : memref<512xi32, #tpu.memory_space<vmem>>) semaphore(%arg19 : memref<!tpu.dma_semaphore, #tpu.memory_space<semaphore_mem>>)
    %add3A_1185 = arith.constant 7168 : i32
    %add3A_1186 = arith.addi %mul3A_2, %add3A_1185 : i32
    %dma_start3A_1187 = arith.constant 0 : i32
    %dma_start3A_1188 = tpu.memref_slice %arg4[%add3A_1186, %dma_start3A_1187] : memref<262144x64xf32, #tpu.memory_space<hbm>> -> memref<512x64xf32, #tpu.memory_space<hbm>>
    %dma_start3A_1189 = arith.constant 0 : i32
    %dma_start3A_1190 = tpu.memref_slice %arg4[%add3A_1186, %dma_start3A_1189] : memref<262144x64xf32, #tpu.memory_space<hbm>> -> memref<512x64xf32, #tpu.memory_space<hbm>>
    tpu.enqueue_dma source(%arg14 : memref<512x64xf32, #tpu.memory_space<vmem>>) target(%dma_start3A_1190 : memref<512x64xf32, #tpu.memory_space<hbm>>) target_semaphore(%arg20 : memref<!tpu.dma_semaphore, #tpu.memory_space<semaphore_mem>>)
    %dma_wait3A_1191 = arith.constant 0 : i32
    %dma_wait3A_1192 = arith.constant 0 : i32
    %dma_wait3A_1193 = tpu.memref_slice %arg3[%dma_wait3A_1191, %dma_wait3A_1192] : memref<62768x64xf32, #tpu.memory_space<hbm>> -> memref<62768x64xf32, #tpu.memory_space<hbm>>
    tpu.wait_indirect_dma semaphore(%arg19 : memref<!tpu.dma_semaphore, #tpu.memory_space<semaphore_mem>>) src(%dma_wait3A_1193 : memref<62768x64xf32, #tpu.memory_space<hbm>>) dst(%arg15 : memref<512x64xf32, #tpu.memory_space<vmem>>)
    %dma_wait3A_1194 = arith.constant 0 : i32
    %dma_wait3A_1195 = tpu.memref_slice %arg4[%add3A_1186, %dma_wait3A_1194] : memref<262144x64xf32, #tpu.memory_space<hbm>> -> memref<512x64xf32, #tpu.memory_space<hbm>>
    %dma_wait3A_1196 = arith.constant 0 : i32
    %dma_wait3A_1197 = tpu.memref_slice %arg4[%add3A_1186, %dma_wait3A_1196] : memref<262144x64xf32, #tpu.memory_space<hbm>> -> memref<512x64xf32, #tpu.memory_space<hbm>>
    tpu.wait_dma2 semaphore(%arg20 : memref<!tpu.dma_semaphore, #tpu.memory_space<semaphore_mem>>) src(%arg14 : memref<512x64xf32, #tpu.memory_space<vmem>>) dst(%dma_wait3A_1197 : memref<512x64xf32, #tpu.memory_space<hbm>>)
    %add3A_1198 = arith.constant 7680 : i32
    %add3A_1199 = arith.addi %mul3A_2, %add3A_1198 : i32
    %dma_start3A_1200 = arith.constant 0 : i32
    %dma_start3A_1201 = tpu.memref_slice %arg4[%add3A_1199, %dma_start3A_1200] : memref<262144x64xf32, #tpu.memory_space<hbm>> -> memref<512x64xf32, #tpu.memory_space<hbm>>
    %dma_start3A_1202 = arith.constant 0 : i32
    %dma_start3A_1203 = tpu.memref_slice %arg4[%add3A_1199, %dma_start3A_1202] : memref<262144x64xf32, #tpu.memory_space<hbm>> -> memref<512x64xf32, #tpu.memory_space<hbm>>
    tpu.enqueue_dma source(%arg15 : memref<512x64xf32, #tpu.memory_space<vmem>>) target(%dma_start3A_1203 : memref<512x64xf32, #tpu.memory_space<hbm>>) target_semaphore(%arg21 : memref<!tpu.dma_semaphore, #tpu.memory_space<semaphore_mem>>)
    %dma_wait3A_1204 = arith.constant 0 : i32
    %dma_wait3A_1205 = tpu.memref_slice %arg4[%add3A_1199, %dma_wait3A_1204] : memref<262144x64xf32, #tpu.memory_space<hbm>> -> memref<512x64xf32, #tpu.memory_space<hbm>>
    %dma_wait3A_1206 = arith.constant 0 : i32
    %dma_wait3A_1207 = tpu.memref_slice %arg4[%add3A_1199, %dma_wait3A_1206] : memref<262144x64xf32, #tpu.memory_space<hbm>> -> memref<512x64xf32, #tpu.memory_space<hbm>>
    tpu.wait_dma2 semaphore(%arg21 : memref<!tpu.dma_semaphore, #tpu.memory_space<semaphore_mem>>) src(%arg15 : memref<512x64xf32, #tpu.memory_space<vmem>>) dst(%dma_wait3A_1207 : memref<512x64xf32, #tpu.memory_space<hbm>>)
    return
  }
}

</mosaic_0001>

<sc_bundles>
// kernel: kernel.3.cloned.1.call-start
scs
__scs_entry_jumppad:
0x0: {  	(pc) =	sbr.rel $0x88, $3  }
0x1: {  	(tag) =	ssettag $0x0;
	lr =	simm.s32 $0x1  }
0x2: {  	[smem:$0x3F9F] =	sst lr;
	_ =	strace $0xD0000000  }
0x3: {  	_ = 	snop  }
0x4: {  	_ = 	snop  }
0x5: {  	_ = 	snop  }
0x6: {  	_ = 	snop  }
0x7: {  	_ = 	snop  }
__scs_overlays_trampoline_lowered:
0x8: {  	[smem:$0x3FAE] =	sst s0  }
0x9: {  	[smem:$0x3FAF] =	sst s1  }
0xa: {  	[smem:$0x3FB0] =	sst s2  }
0xb: {  	[smem:$0x3FB1] =	sst s3  }
0xc: {  	[smem:$0x3FB2] =	sst s4  }
0xd: {  	[smem:$0x3FB3] =	sst s5  }
0xe: {  	[smem:$0x3FB4] =	sst s6  }
0xf: {  	[smem:$0x3FB5] =	sst s7  }
0x10: {  	[smem:$0x3FB6] =	sst s8  }
0x11: {  	[smem:$0x3FB7] =	sst s9;
	s0 =	simm.s32 @!p0 $0x0  }
0x12: {  	s1 =	sld [smem:$0x3F9D];
	s0 =	simm.s32 @p0 $0x1  }
0x13: {  	[smem:$0x3FB8] =	sst s0;
	s0 =	simm.s32 @!p1 $0x0  }
0x14: {  	s2 =	sld [smem:$0x3F9C];
	s0 =	simm.s32 @p1 $0x1  }
0x15: {  	[smem:$0x3FB9] =	sst s0;
	s0 =	simm.s32 @!p2 $0x0  }
0x16: {  	s3 =	sld [smem:$0x3FDB];
	s0 =	simm.s32 @p2 $0x1  }
0x17: {  	s4 =	simm.s32 $0x1BF5;
	[smem:$0x3FBB] =	sst s0  }
0x18: {  	s0 =	sld [smem:$0x3F9E];
	_ =	swait.ge [sflag:s4], $0x0  }
0x19: {  	s7 =	sld [smem:$0x3F9F]  }
0x1a: {  	s8 =	sadd.s32 $0xFFFFE003, lr  }
0x1b: {  	s9 =	sadd.s32 $0xFFFFFEF7, lr;
	s5 =	simm.s32 $0xFFFFFFFF;
	p2 =	slt.u32 s8, $0xFFFFF086  }
0x1c: {  	p1 =	slt.u32 s9, $0xF7A;
	s5 =	simm.s32 @!p2 $0x0  }
0x1d: {  	s5 =	simm.s32 @p1 $0x1;
	p0 =	seq.s32 s7, s2  }
0x1e: {  	s7 =	smul.u32 @!p0 $0xF7A, s2;
	p2 =	seq.s32 @!p0 s5, $0x0  }
0x1f: {  	s9 =	smul.u32 $0xF7A, s1;
	s8 =	simm.s32 @!p0 $0x1BF5;
	p2 =	por !p2, p0  }
0x20: {  	[sflag:s8] =	ssyncset.s32 @!p0 $0xFFFFF086;
	s6 =	sadd.s32 @!p0 s3, s7;
	s7 =	simm.s32 @!p0 $0x108  }
0x21: {  	s3 =	sadd.s32 s3, s9;
	s6 =	sadd.s32 @!p0 $0x88, s6;
	s7 =	simm.s32 @p2 $0x1082  }
0x22: {  	[simem:s7], [sflag:s8] =	dma.local @!p0 [hbm:s6], $0xF7A  }
0x23: {  	s9 =	sor.u32 $0xD0000000, s2;
	s6 =	simm.s32 $0x108;
	_ =	swait.ge @!p0 [sflag:s8], $0x0  }
0x24: {  	s3 =	sadd.s32 $0x88, s3;
	s6 =	simm.s32 @!p1 $0x1082;
	[sflag:s4] =	ssyncset.s32 $0xFFFFF086  }
0x25: {  	[simem:s6], [sflag:s4] =	dma.local [hbm:s3], $0xF7A  }
0x26: {  	[smem:$0x3F9F] =	sst s1;
	(tag) =	ssettag s2;
	_ =	strace s9  }
0x27: {  	s1 =	sld [smem:$0x3FAF]  }
0x28: {  	s2 =	sld [smem:$0x3FB0]  }
0x29: {  	s4 =	sld [smem:$0x3FB2]  }
0x2a: {  	p0 =	seq.s32 s5, $0x0;
	s5 =	sld [smem:$0x3FB3]  }
0x2b: {  	s6 =	sld [smem:$0x3FB4]  }
0x2c: {  	s7 =	sld [smem:$0x3FB5]  }
0x2d: {  	s3 =	simm.s32 $0x108;
	s8 =	sld [smem:$0x3FB6]  }
0x2e: {  	s3 =	simm.s32 @!p0 $0x1082;
	s9 =	sld [smem:$0x3FB7]  }
0x2f: {  	lr =	sadd.s32 s0, s3;
	s0 =	sld [smem:$0x3FAE]  }
0x30: {  	s3 =	sld [smem:$0x3FB1]  }
0x31: {  	[smem:$0x3FBA] =	sst s10  }
0x32: {  	s10 =	sld [smem:$0x3FB8];
	_ =	sdelay $0x3  }
0x33: {  	p0 =	seq.s32 s10, $0x1;
	s10 =	sld [smem:$0x3FBA];
	_ =	sdelay $0x3  }
0x34: {  	[smem:$0x3FBA] =	sst s10  }
0x35: {  	s10 =	sld [smem:$0x3FB9];
	_ =	sdelay $0x3  }
0x36: {  	p1 =	seq.s32 s10, $0x1;
	s10 =	sld [smem:$0x3FBA];
	_ =	sdelay $0x3  }
0x37: {  	[smem:$0x3FBA] =	sst s10  }
0x38: {  	s10 =	sld [smem:$0x3FBB]  }
0x39: {  	_ = 	snop;
	(pc) =	sbr.ind lr, $3  }
0x3a: {  	_ = 	snop  }
0x3b: {  	_ = 	snop  }
0x3c: {  	p2 =	seq.s32 s10, $0x1;
	s10 =	sld [smem:$0x3FBA]  }
0x3d: {  	_ =	shalt  }
0x3e: {  	_ =	shalt  }
0x3f: {  	_ =	shalt  }
0x40: {  	_ =	shalt  }
0x41: {  	_ =	shalt  }
0x42: {  	_ =	shalt  }
0x43: {  	_ =	shalt  }
0x44: {  	_ =	shalt  }
0x45: {  	_ =	shalt  }
0x46: {  	_ =	shalt  }
0x47: {  	_ =	shalt  }
0x48: {  	_ =	shalt  }
0x49: {  	_ =	shalt  }
0x4a: {  	_ =	shalt  }
0x4b: {  	_ =	shalt  }
0x4c: {  	_ =	shalt  }
0x4d: {  	_ =	shalt  }
0x4e: {  	_ =	shalt  }
0x4f: {  	_ =	shalt  }
0x50: {  	_ =	shalt  }
0x51: {  	_ =	shalt  }
0x52: {  	_ =	shalt  }
0x53: {  	_ =	shalt  }
0x54: {  	_ =	shalt  }
0x55: {  	_ =	shalt  }
0x56: {  	_ =	shalt  }
0x57: {  	_ =	shalt  }
0x58: {  	_ =	shalt  }
0x59: {  	_ =	shalt  }
0x5a: {  	_ =	shalt  }
0x5b: {  	_ =	shalt  }
0x5c: {  	_ =	shalt  }
0x5d: {  	_ =	shalt  }
0x5e: {  	_ =	shalt  }
0x5f: {  	_ =	shalt  }
0x60: {  	_ =	shalt  }
0x61: {  	_ =	shalt  }
0x62: {  	_ =	shalt  }
0x63: {  	_ =	shalt  }
0x64: {  	_ =	shalt  }
0x65: {  	_ =	shalt  }
0x66: {  	_ =	shalt  }
0x67: {  	_ =	shalt  }
0x68: {  	_ =	shalt  }
0x69: {  	_ =	shalt  }
0x6a: {  	_ =	shalt  }
0x6b: {  	_ =	shalt  }
0x6c: {  	_ =	shalt  }
0x6d: {  	_ =	shalt  }
0x6e: {  	_ =	shalt  }
0x6f: {  	_ =	shalt  }
0x70: {  	_ =	shalt  }
0x71: {  	_ =	shalt  }
0x72: {  	_ =	shalt  }
0x73: {  	_ =	shalt  }
0x74: {  	_ =	shalt  }
0x75: {  	_ =	shalt  }
0x76: {  	_ =	shalt  }
0x77: {  	_ =	shalt  }
0x78: {  	_ =	shalt  }
0x79: {  	_ =	shalt  }
0x7a: {  	_ =	shalt  }
0x7b: {  	_ =	shalt  }
0x7c: {  	_ =	shalt  }
0x7d: {  	_ =	shalt  }
0x7e: {  	_ =	shalt  }
0x7f: {  	_ =	shalt  }
0x80: {  	_ =	shalt  }
0x81: {  	_ =	shalt  }
0x82: {  	_ =	shalt  }
0x83: {  	_ =	shalt  }
0x84: {  	_ =	shalt  }
0x85: {  	_ =	shalt  }
0x86: {  	_ =	shalt  }
0x87: {  	_ =	shalt  }
.Lfunc_end0:
.L_simem_size_0:
called_computation.1_lowered:
.L_overlay_start_0:
0x88: {  	s2 =	sld [smem:$0x3FD9]  }
0x89: {  	s3 =	sld [smem:$0x3FFE];
	_ =	sdelay $0x1  }
0x8a: {  	s1 =	srdreg.scid  }
0x8b: {  	s0 =	sand.u32 $0x1, s1  }
0x8c: {  	s17 =	sshll.u32 s0, $0xA;
	s2 =	sadd.s32 s3, s2  }
0x8d: {  	s2 =	sadd.s32 s2, s17  }
0x8e: {  	[smem:$0x3FC6] =	sst s2  }
0x8f: {  	_ = 	snop  }
0x90: {  	s2 =	sld [smem:$0x3FD0];
	(tm) =	ssettm $0x1  }
0x91: {  	s18 =	sld [smem:$0x3FFB];
	_ =	sdelay $0x3  }
0x92: {  	_ =	strace s18  }
0x93: {  	s3 =	sld [smem:$0x3FFC];
	_ =	sdelay $0x3  }
0x94: {  	_ =	strace s3  }
0x95: {  	s3 =	sld [smem:$0x3FFD];
	_ =	sdelay $0x3  }
0x96: {  	_ =	strace s3  }
0x97: {  	_ =	strace $0x8FFFFFFF  }
0x98: {  	s19 =	sld [smem:$0x3FDB];
	_ =	sdelay $0x1  }
0x99: {  	s4 =	simm.s32 $_scs_section_size  }
0x9a: {  	s5 =	simm.s32 $_size__tile_overlayer_lowered;
	s6 =	simm.s32 $_tile_overlayer_lowered  }
0x9b: {  	s22 =	simm.s32 $0x1BFF;
	s21 =	sshll.u32 s6, $0x1;
	s3 =	sadd.s32 s4, s19  }
0x9c: {  	s7 =	simm.s32 $0x0;
	s20 =	sshll.u32 s5, $0x1;
	s5 =	sadd.s32 s21, s3  }
0x9d: {  	[timem:s7], [sflag:s22] =	dma.local [hbm:s5], s20  }
0x9e: {  	_ =	swait.ge [sflag:s22], s20  }
0x9f: {  	s4 =	ssub.s32 $0x0, s20;
	[sflag:s22] =	ssyncset.done $0x0  }
0xa0: {  	[sflag:s22] =	ssyncadd.s32 s4;
	_ =	sdelay $0x1  }
0xa1: {  	s23 =	simm.s32 $0x1B8B  }
0xa2: {  	_ =	swait.ge [sflag:s23], $0x1  }
0xa3: {  	[sflag:s23] =	ssyncset.done $0x0  }
0xa4: {  	s25 =	simm.s32 $0x1B8E;
	s24 =	sld [smem:$0x3FFE];
	[sflag:s23] =	ssyncadd.s32 $0xFFFFFFFF  }
0xa5: {  	s26 =	simm.s32 $execute0_lowered;
	[smem:$0x3FD2] =	sst s25  }
0xa6: {  	s5 =	sshll.u32 s26, $0x1;
	_ =	strace $0x80000046;
	[dreg:$0x1] =	wrdreg $0xFFFFFFFF  }
0xa7: {  	s28 =	simm.s32 $_size_execute0_lowered;
	s3 =	sadd.s32 s3, s5;
	[dreg:$0x0] =	wrdreg $0x0  }
0xa8: {  	s5 =	sshll.u32 s28, $0x1;
	[dreg:$0x2] =	wrdreg s3  }
0xa9: {  	[dreg:$0x3] =	wrdreg s5  }
0xaa: {  	[dreg:$0x4] =	wrdreg $0xC0  }
0xab: {  	_ =	task [dreg:s7], $0x5FFFF  }
0xac: {  	[dreg:$0x1] =	wrdreg $0xFFFFFFFF  }
0xad: {  	[dreg:$0x0] =	wrdreg $0x60  }
0xae: {  	[dreg:$0x2] =	wrdreg s24  }
0xaf: {  	[dreg:$0x3] =	wrdreg s2  }
0xb0: {  	[dreg:$0x4] =	wrdreg $0x9  }
0xb1: {  	_ =	task.clear_ibuf [dreg:s7], $0x5FFFF;
	_ =	strace $0x90000046  }
0xb2: {  	s29 =	simm.s32 $0x9;
	_ =	strace $0x80000048  }
0xb3: {  	_ =	swait.ge [sflag:s29], $0x1  }
0xb4: {  	[sflag:s29] =	ssyncadd.s32 $0xFFFFFFFF  }
0xb5: {  	_ =	strace $0x90000048  }
0xb6: {  	_ =	sfence  }
0xb7: {  	s30 =	sld [smem:$0x0];
	_ =	sdelay $0x2  }
0xb8: {  	s31 =	sshll.u32 s1, $0xD;
	s1 =	sshrl.u32 s1, $0x2  }
0xb9: {  	s3 =	sand.u32 $0x4000, s31;
	s1 =	sadd.s32 s1, s30  }
0xba: {  	s0 =	sor.u32 s3, s0;
	s1 =	sshll.u32 s1, $0x11  }
0xbb: {  	s0 =	sor.u32 s1, s0  }
0xbc: {  	s0 =	sadd.s32 $0x8F2B, s0  }
0xbd: {  	[sflag:s0] =	ssyncadd.remote.s32 $0x1  }
0xbe: {  	_ =	sfence.sel $0xFFFF  }
0xbf: {  	[dreg:$0x0] =	wrdreg $0xFFFFFFFF;
	(pc) =	sbr.abs _section_cstart, $3  }
0xc0: {  	[dreg:$0x1] =	wrdreg $0xFFFFFFFF  }
0xc1: {  	_ =	task.clear_ibuf [dreg:s7], $0x2FFFF;
	_ =	strace $0x9FFFFFFF  }
0xc2: {  	(tm) =	ssettm $0x7FFFFFFF  }
0xc3: {  	_ =	shalt  }
tec
execute0_lowered:
.L_overlay_start_1:
0x0: {  	(tag) =	ssettag $0x1  }
0x1: {  	s4 =	rddreg [dreg:$0x0];
	s12 =	stileid.u32  }
0x2: {  	s6 =	rddreg [dreg:$0x1];
	s2 =	simm.s32 $0x0;
	s3 =	srdreg.scid  }
0x3: {  	s0 =	smul.u32 $0x780, s12;
	[smem:$0x7FF] =	sst s2;
	s7 =	sand.u32 $0x1, s3  }
0x4: {  	s10 =	sshll.u32 s12, $0x1;
	_ =	strace $0x80000047;
	s9 =	ssub.s32 $0x2, s7  }
0x5: {  	s10 =	sor.u32 s7, s10;
	s1 =	smin.u32 s0, $0x6DB0;
	s11 =	sshrl.u32 s9, $0x1  }
0x6: {  	s13 =	sshrl.u32 s0, $0x3;
	s5 =	sshrl.u32 s1, $0x1;
	s9 =	ssub.s32 s9, s11  }
0x7: {  	s11 =	sshll.u32 s10, $0x10;
	[dreg:$0x5] =	wrdreg s13;
	s9 =	smax.u32 s9, $0x1  }
0x8: {  	s5 =	sadd.s32 s5, s4;
	s11 =	sadd.s32 s6, s11;
	[dreg:$0x12] =	wrdreg s9  }
0x9: {  	s5 =	sadd.s32 $0xC00, s5;
	[dreg:$0x4] =	wrdreg s11  }
0xa: {  	s14 =	sadd.s32 $0x1000, s11;
	[dreg:$0x3] =	wrdreg s5  }
0xb: {  	s15 =	sadd.s32 $0x2000, s11;
	[dreg:$0x6] =	wrdreg s14  }
0xc: {  	s16 =	sadd.s32 $0x3000, s11;
	[dreg:$0x7] =	wrdreg s15  }
0xd: {  	s17 =	sadd.s32 $0x4000, s11;
	[dreg:$0x8] =	wrdreg s16  }
0xe: {  	s18 =	sadd.s32 $0x5000, s11;
	[dreg:$0x9] =	wrdreg s17  }
0xf: {  	s19 =	sadd.s32 $0x6000, s11;
	[dreg:$0xa] =	wrdreg s18  }
0x10: {  	s28 =	simm.s32 $0x5E00;
	s20 =	sadd.s32 $0x7000, s11;
	[dreg:$0xb] =	wrdreg s19  }
0x11: {  	s29 =	simm.s32 $0xE000;
	s21 =	sadd.s32 $0x8000, s11;
	[dreg:$0xc] =	wrdreg s20  }
0x12: {  	s30 =	simm.s32 $0x4;
	s22 =	sadd.s32 $0x9000, s11;
	[dreg:$0xd] =	wrdreg s21  }
0x13: {  	s31 =	simm.s32 $0x5;
	s23 =	sadd.s32 $0xA000, s11;
	[dreg:$0xe] =	wrdreg s22  }
0x14: {  	s8 =	smul.u32 $0xF000, s7;
	s24 =	sadd.s32 $0xB000, s11;
	[dreg:$0xf] =	wrdreg s23  }
0x15: {  	s26 =	sshll.u32 s7, $0xD;
	s7 =	sadd.s32 $0xC000, s11;
	[dreg:$0x10] =	wrdreg s24  }
0x16: {  	s25 =	sshll.u32 s12, $0xE;
	s12 =	sadd.s32 $0xD000, s11;
	[dreg:$0x11] =	wrdreg s7  }
0x17: {  	s3 =	sadd.s32 $0x4800, s4;
	s13 =	sadd.s32 $0xE000, s11;
	[dreg:$0x13] =	wrdreg s12  }
0x18: {  	s20 =	sor.u32 s26, s25;
	[dreg:$0x14] =	wrdreg s13;
	s14 =	sadd.s32 $0xF000, s11  }
0x19: {  	v1 =	vmov s0;
	s0 =	simm.s32 $0x0;
	[dreg:$0x15] =	wrdreg s14;
	s15 =	sor.u32 $0x200, s20  }
0x1a: {  	s8 =	sshrl.u32 s8, $0x3;
	s16 =	sor.u32 $0x400, s20;
	[dreg:$0x16] =	wrdreg s15  }
0x1b: {  	v0 =	vmov s1;
	s1 =	simm.s32 $0x6;
	s17 =	sor.u32 $0x600, s20;
	[dreg:$0x17] =	wrdreg s16  }
0x1c: {  	s4 =	sadd.s32 s8, s4;
	s18 =	sor.u32 $0x800, s20;
	[dreg:$0x18] =	wrdreg s17  }
0x1d: {  	s6 =	simm.s32 $0x5C00;
	s19 =	sor.u32 $0xA00, s20;
	[dreg:$0x19] =	wrdreg s18  }
0x1e: {  	s8 =	sadd.s32 $0x80100, s4;
	s21 =	sor.u32 $0xC00, s20;
	[dreg:$0x1a] =	wrdreg s19  }
0x1f: {  	s5 =	sadd.s32 $0x7F200, s4;
	s22 =	sor.u32 $0xE00, s20;
	[dreg:$0x1b] =	wrdreg s21  }
0x20: {  	s7 =	simm.s32 $0x6000;
	s23 =	sor.u32 $0x1000, s20;
	[dreg:$0x1c] =	wrdreg s22  }
0x21: {  	s24 =	sor.u32 $0x1200, s20;
	s25 =	sor.u32 $0x1400, s20;
	[dreg:$0x1d] =	wrdreg s23  }
0x22: {  	s26 =	sor.u32 $0x1600, s20;
	s12 =	sor.u32 $0x1800, s20;
	[dreg:$0x1e] =	wrdreg s24  }
0x23: {  	s13 =	sor.u32 $0x1A00, s20;
	s14 =	sor.u32 $0x1C00, s20;
	[dreg:$0x1f] =	wrdreg s25  }
0x24: {  	[smem:$0x7FD] =	sst s26;
	s15 =	sor.u32 $0x1E00, s20;
	s16 =	simm.s32 $0x2000  }
0x25: {  	s17 =	simm.s32 $0x1;
	s18 =	simm.s32 $0x3E00;
	s19 =	simm.s32 $0x7  }
0x26: {  	v3 =	vimm.s32 $0xFFFFFFFF;
	s21 =	simm.s32 $0x4D00;
	s22 =	simm.s32 $0x2;
	s23 =	simm.s32 $0x4580  }
0x27: {  	v4 =	vlaneseq.u32;
	v5 =	vimm.f32 $0.0e+00;
	v2 =	vmov s10;
	s24 =	simm.s32 $0x5480;
	s25 =	simm.s32 $0x200;
	s26 =	simm.s32 $0x3  }
.LBB2_1:
0x28: {  	s4 =	simm.s32 $0x40;
	s9 =	simm.s32 $0x0  }
.LBB2_2:
0x29: {  	p0 =	sne.s32 s4, $0x7FC0;
	[tilespmem:s9+$0x0] =	vst v3;
	s9 =	smov.u32 s4;
	s4 =	sadd.s32 $0x40, s4  }
.Ltmp0:
0x2a: {  	(pc) =	sbr.rel @p0 .LBB2_2-.Ltmp0, $2  }
0x2b: {  	_ =	sdelay $0x2  }
0x2c: {  	s9 =	sshra.s32 s9, $0x2  }
0x2d: {  	s4 =	simm.s32 $0x0  }
0x2e: {  	v7 =	vor.u32 s4, v4  }
0x2f: {  	v6 =	vshll.u32 v7, $0x2  }
0x30: {  	[tilespmem:s9+$0x0] =	vst v3;
	s10 =	rddreg [dreg:$0x3];
	v8 =	vor.u32 $0x2, v6  }
0x31: {  	[tilespmem:s16], [sflag:$0x1] =	stream.linear.gather [hbm4b:s10+s4], $0x1E00, $0x38;
	v6 =	vor.u32 $0x3, v6;
	[tilespmem:$0x16000] =	vst v63  }
0x32: {  	_ =	swait.ge [sflag:s17], $0x1E00  }
0x33: {  	[sflag:s17] =	ssyncset.done $0x0  }
0x34: {  	[sflag:s17] =	ssyncadd.s32 $0xFFFFE200  }
0x35: {  	v8 =	vld.idx.msk [tilespmem:v8+s16+$0x0], $0xffff  }
0x36: {  	v9 =	vld.idx.msk [tilespmem:v6+s16+$0x0], $0xffff;
	_ =	sdelay $0x1  }
0x37: {  	s11 =	simm.s32 $0x10  }
0x38: {  	v6 =	vor.u32 s11, v4  }
0x39: {  	v7 =	vadd.s32 v0, v7;
	v10 =	vshll.u32 v6, $0x2;
	v8 =	vshll.u32 v8, $0x9  }
0x3a: {  	vm0 =	vlt.u32 v7, v1;
	v11 =	vor.u32 $0x2, v10;
	v8 =	vadd.s32 v9, v8  }
0x3b: {  	v10 =	vor.u32 $0x3, v10;
	v9 =	vshra.s32 v8, $0xD;
	v8 =	vshll.u32 v8, $0xF  }
0x3c: {  	s4 =	simm.s32 $0x3E00;
	v9 =	vsel vm0, $0xFFFFFFFF, v9;
	v8 =	vand.u32 $0xFFF8000, v8  }
0x3d: {  	s9 =	simm.s32 $0x4D00;
	v7 =	vor.u32 v7, v8;
	[tilespmem:s4+$0x0] =	vst v9  }
0x3e: {  	[tilespmem:s9+$0x0] =	vst v7  }
0x3f: {  	v9 =	vld.idx.msk [tilespmem:v11+s16+$0x0], $0xffff  }
0x40: {  	v8 =	vld.idx.msk [tilespmem:v10+s16+$0x0], $0xffff;
	_ =	sdelay $0x1  }
0x41: {  	s10 =	simm.s32 $0x20  }
0x42: {  	v7 =	vor.u32 s10, v4;
	s10 =	simm.s32 $0x30  }
.LBB2_4:
0x43: {  	p0 =	sne.s32 s10, $0x770;
	v10 =	vshll.u32 v7, $0x2;
	v9 =	vshll.u32 v9, $0x9;
	v11 =	vadd.s32 v0, v6;
	v6 =	vmovc v7  }
0x44: {  	v7 =	vor.u32 $0x2, v10;
	v8 =	vadd.s32 v8, v9;
	vm0 =	vlt.u32 v11, v1  }
0x45: {  	v10 =	vor.u32 $0x3, v10;
	v9 =	vshra.s32 v8, $0xD;
	v8 =	vshll.u32 v8, $0xF  }
0x46: {  	s4 =	sadd.s32 $0x10, s4;
	v9 =	vsel vm0, $0xFFFFFFFF, v9;
	v8 =	vand.u32 $0xFFF8000, v8  }
0x47: {  	s9 =	sadd.s32 $0x10, s9;
	v8 =	vor.u32 v11, v8;
	[tilespmem:s4+$0x0] =	vst v9  }
0x48: {  	[tilespmem:s9+$0x0] =	vst v8  }
0x49: {  	v9 =	vld.idx.msk [tilespmem:v7+s16+$0x0], $0xffff  }
.Ltmp1:
0x4a: {  	v8 =	vld.idx.msk [tilespmem:v10+s16+$0x0], $0xffff;
	(pc) =	sbr.rel @p0 .LBB2_4-.Ltmp1, $2  }
0x4b: {  	_ =	sdelay $0x2  }
0x4c: {  	v7 =	vor.u32 s10, v4;
	s10 =	sadd.s32 $0x10, s10  }
0x4d: {  	v10 =	vshll.u32 v7, $0x2;
	v9 =	vshll.u32 v9, $0x9;
	v6 =	vadd.s32 v0, v6  }
0x4e: {  	v11 =	vor.u32 $0x2, v10;
	v8 =	vadd.s32 v8, v9;
	vm0 =	vlt.u32 v6, v1  }
0x4f: {  	v61 =	vor.u32 $0x3, v10;
	v62 =	vshra.s32 v8, $0xD;
	v8 =	vshll.u32 v8, $0xF  }
0x50: {  	s4 =	sadd.s32 $0x10, s4;
	v10 =	vsel vm0, $0xFFFFFFFF, v62;
	v8 =	vand.u32 $0xFFF8000, v8  }
0x51: {  	s9 =	sadd.s32 $0x10, s9;
	v6 =	vor.u32 v6, v8;
	[tilespmem:s4+$0x0] =	vst v10  }
0x52: {  	[tilespmem:s9+$0x0] =	vst v6  }
0x53: {  	v6 =	vld.idx.msk [tilespmem:v11+s16+$0x0], $0xffff  }
0x54: {  	v63 =	vld.idx.msk [tilespmem:v61+s16+$0x0], $0xffff;
	_ =	sdelay $0x3  }
0x55: {  	v6 =	vshll.u32 v6, $0x9  }
0x56: {  	v7 =	vadd.s32 v0, v7;
	v6 =	vadd.s32 v63, v6  }
0x57: {  	vm15 =	vlt.u32 v7, v1;
	v8 =	vshra.s32 v6, $0xD;
	v6 =	vshll.u32 v6, $0xF  }
0x58: {  	s4 =	sadd.s32 $0x10, s4;
	v8 =	vsel vm15, $0xFFFFFFFF, v8;
	v6 =	vand.u32 $0xFFF8000, v6  }
0x59: {  	s10 =	sadd.s32 $0x10, s9;
	v6 =	vor.u32 v7, v6;
	[tilespmem:s4+$0x0] =	vst v8  }
0x5a: {  	[tilespmem:s10+$0x0] =	vst v6;
	s10 =	rddreg [dreg:$0x5]  }
0x5b: {  	s4 =	simm.s32 $0x0;
	s11 =	sadd.s32 s10, s5  }
0x5c: {  	[hbm4b:s11+s4] =	stream.linear.scatter [tilespmem:s18], [sflag:$0x7], $0x780, $0x38;
	[tilespmem:$0x16000] =	vst v63  }
0x5d: {  	_ =	swait.ge [sflag:s19], $0x780  }
0x5e: {  	[sflag:s19] =	ssyncset.done $0x0  }
0x5f: {  	s11 =	sadd.s32 s10, s8;
	[sflag:s19] =	ssyncadd.s32 $0xFFFFF880  }
0x60: {  	[hbm4b:s11+s4] =	stream.linear.scatter [tilespmem:s21], [sflag:$0x7], $0x780, $0x38;
	[tilespmem:$0x16000] =	vst v63  }
0x61: {  	_ =	swait.ge [sflag:s19], $0x780  }
0x62: {  	[sflag:s19] =	ssyncset.done $0x0  }
0x63: {  	[sflag:s19] =	ssyncadd.s32 $0xFFFFF880  }
0x64: {  	[bflag:$0x0] =	sbarrier.arrive $0xFFFF  }
0x65: {  	[tilespmem:s18], [sflag:$0x1] =	stream.linear.gather [hbm4b:s5+s4], $0x780, $0x38;
	[tilespmem:$0x16000] =	vst v63  }
0x66: {  	_ = 	snop  }
0x67: {  	[tilespmem:s21], [sflag:$0x2] =	stream.linear.gather [hbm4b:s8+s4], $0x780, $0x38;
	[tilespmem:$0x16000] =	vst v63  }
0x68: {  	_ =	swait.ge [sflag:s17], $0x780  }
0x69: {  	[sflag:s17] =	ssyncset.done $0x0  }
0x6a: {  	[sflag:s17] =	ssyncadd.s32 $0xFFFFF880  }
0x6b: {  	_ =	swait.ge [sflag:s22], $0x780  }
0x6c: {  	[sflag:s22] =	ssyncset.done $0x0  }
0x6d: {  	s10 =	sadd.s32 $0xF0, s5;
	[sflag:s22] =	ssyncadd.s32 $0xFFFFF880  }
0x6e: {  	[tilespmem:s23], [sflag:$0x1] =	stream.linear.gather [hbm4b:s10+s4], $0x780, $0x38;
	[tilespmem:$0x16000] =	vst v63  }
0x6f: {  	s11 =	sadd.s32 $0xF0, s8  }
0x70: {  	[tilespmem:s24], [sflag:$0x2] =	stream.linear.gather [hbm4b:s11+s4], $0x780, $0x38;
	[tilespmem:$0x16000] =	vst v63  }
.LBB2_6:
0x71: {  	s9 =	sshll.u32 s4, $0x4  }
0x72: {  	v8 =	vld [tilespmem:s9+$0x3E00]  }
0x73: {  	v6 =	vld [tilespmem:s9+$0x4D00];
	_ =	sdelay $0x3  }
0x74: {  	vm0 =	veq.s32 v8, v2  }
0x75: {  	v7 =	vshra.s32 v6, $0xF  }
.LBB2_7:
0x76: {  	v8 =	vld.idx.msk [tilespmem:v7+s2+$0x0], vm0;
	_ =	sdelay $0x4  }
0x77: {  	vm1 =	vgt.s32 v8, v6  }
0x78: {  	v8 =	vsel vm1, v8, v6  }
0x79: {  	[tilespmem:v7+s2+$0x0] =	vst.idx.msk vm0, v8  }
0x7a: {  	v8 =	vld.idx.msk [tilespmem:v7+s2+$0x0], vm0;
	_ =	sdelay $0x4  }
0x7b: {  	vm1 =	vlt.s32 v8, v6  }
0x7c: {  	vm1 =	vmand vm0, vm1  }
0x7d: {  	v8 =	vsel vm1, $0x3F800000, v5  }
0x7e: {  	(xrf0) =	vmax.scan.msk.f32 $0xffff, v8;
	_ =	sdelay $0x5  }
0x7f: {  	v8, _, _ =	vpop (xrf0)  }
0x80: {  	(v2sf) =	vpush v8, $0xF;
	_ =	sdelay $0xe  }
0x81: {  	s9 =	spop (v2sf)  }
0x82: {  	p0 =	sgt.f32 s9, $0.0e+00  }
.Ltmp2:
0x83: {  	_ = 	snop;
	(pc) =	sbr.rel @p0 .LBB2_7-.Ltmp2, $1  }
0x84: {  	_ =	sdelay $0x3  }
0x85: {  	s4 =	sadd.s32 $0x1, s4  }
0x86: {  	p0 =	sne.s32 s4, $0x78  }
.Ltmp3:
0x87: {  	_ = 	snop;
	(pc) =	sbr.rel @p0 .LBB2_6-.Ltmp3, $1  }
0x88: {  	_ =	sdelay $0x3  }
0x89: {  	_ =	swait.ge [sflag:s17], $0x780  }
0x8a: {  	[sflag:s17] =	ssyncset.done $0x0  }
0x8b: {  	[sflag:s17] =	ssyncadd.s32 $0xFFFFF880  }
0x8c: {  	_ =	swait.ge [sflag:s22], $0x780  }
0x8d: {  	[sflag:s22] =	ssyncset.done $0x0  }
0x8e: {  	s9 =	sadd.s32 $0x1E0, s5;
	s4 =	simm.s32 $0x0;
	[sflag:s22] =	ssyncadd.s32 $0xFFFFF880  }
0x8f: {  	[tilespmem:s18], [sflag:$0x1] =	stream.linear.gather [hbm4b:s9+s4], $0x780, $0x38;
	[tilespmem:$0x16000] =	vst v63  }
0x90: {  	s11 =	sadd.s32 $0x1E0, s8  }
0x91: {  	[tilespmem:s21], [sflag:$0x2] =	stream.linear.gather [hbm4b:s11+s4], $0x780, $0x38;
	[tilespmem:$0x16000] =	vst v63  }
.LBB2_10:
0x92: {  	s9 =	sshll.u32 s4, $0x4  }
0x93: {  	v8 =	vld [tilespmem:s9+$0x4580]  }
0x94: {  	v6 =	vld [tilespmem:s9+$0x5480];
	_ =	sdelay $0x3  }
0x95: {  	vm0 =	veq.s32 v8, v2  }
0x96: {  	v7 =	vshra.s32 v6, $0xF  }
.LBB2_11:
0x97: {  	v8 =	vld.idx.msk [tilespmem:v7+s2+$0x0], vm0;
	_ =	sdelay $0x4  }
0x98: {  	vm1 =	vgt.s32 v8, v6  }
0x99: {  	v8 =	vsel vm1, v8, v6  }
0x9a: {  	[tilespmem:v7+s2+$0x0] =	vst.idx.msk vm0, v8  }
0x9b: {  	v8 =	vld.idx.msk [tilespmem:v7+s2+$0x0], vm0;
	_ =	sdelay $0x4  }
0x9c: {  	vm1 =	vlt.s32 v8, v6  }
0x9d: {  	vm1 =	vmand vm0, vm1  }
0x9e: {  	v8 =	vsel vm1, $0x3F800000, v5  }
0x9f: {  	(xrf0) =	vmax.scan.msk.f32 $0xffff, v8;
	_ =	sdelay $0x5  }
0xa0: {  	v8, _, _ =	vpop (xrf0)  }
0xa1: {  	(v2sf) =	vpush v8, $0xF;
	_ =	sdelay $0xe  }
0xa2: {  	s9 =	spop (v2sf)  }
0xa3: {  	p0 =	sgt.f32 s9, $0.0e+00  }
.Ltmp4:
0xa4: {  	_ = 	snop;
	(pc) =	sbr.rel @p0 .LBB2_11-.Ltmp4, $1  }
0xa5: {  	_ =	sdelay $0x3  }
0xa6: {  	s4 =	sadd.s32 $0x1, s4  }
0xa7: {  	p0 =	sne.s32 s4, $0x78  }
.Ltmp5:
0xa8: {  	_ = 	snop;
	(pc) =	sbr.rel @p0 .LBB2_10-.Ltmp5, $1  }
0xa9: {  	_ =	sdelay $0x3  }
0xaa: {  	_ =	swait.ge [sflag:s17], $0x780  }
0xab: {  	[sflag:s17] =	ssyncset.done $0x0  }
0xac: {  	[sflag:s17] =	ssyncadd.s32 $0xFFFFF880  }
0xad: {  	_ =	swait.ge [sflag:s22], $0x780  }
0xae: {  	[sflag:s22] =	ssyncset.done $0x0  }
0xaf: {  	s9 =	sadd.s32 $0x2D0, s5;
	s4 =	simm.s32 $0x0;
	[sflag:s22] =	ssyncadd.s32 $0xFFFFF880  }
0xb0: {  	[tilespmem:s23], [sflag:$0x1] =	stream.linear.gather [hbm4b:s9+s4], $0x780, $0x38;
	[tilespmem:$0x16000] =	vst v63  }
0xb1: {  	s11 =	sadd.s32 $0x2D0, s8  }
0xb2: {  	[tilespmem:s24], [sflag:$0x2] =	stream.linear.gather [hbm4b:s11+s4], $0x780, $0x38;
	[tilespmem:$0x16000] =	vst v63  }
.LBB2_14:
0xb3: {  	s9 =	sshll.u32 s4, $0x4  }
0xb4: {  	v8 =	vld [tilespmem:s9+$0x3E00]  }
0xb5: {  	v6 =	vld [tilespmem:s9+$0x4D00];
	_ =	sdelay $0x3  }
0xb6: {  	vm0 =	veq.s32 v8, v2  }
0xb7: {  	v7 =	vshra.s32 v6, $0xF  }
.LBB2_15:
0xb8: {  	v8 =	vld.idx.msk [tilespmem:v7+s2+$0x0], vm0;
	_ =	sdelay $0x4  }
0xb9: {  	vm1 =	vgt.s32 v8, v6  }
0xba: {  	v8 =	vsel vm1, v8, v6  }
0xbb: {  	[tilespmem:v7+s2+$0x0] =	vst.idx.msk vm0, v8  }
0xbc: {  	v8 =	vld.idx.msk [tilespmem:v7+s2+$0x0], vm0;
	_ =	sdelay $0x4  }
0xbd: {  	vm1 =	vlt.s32 v8, v6  }
0xbe: {  	vm1 =	vmand vm0, vm1  }
0xbf: {  	v8 =	vsel vm1, $0x3F800000, v5  }
0xc0: {  	(xrf0) =	vmax.scan.msk.f32 $0xffff, v8;
	_ =	sdelay $0x5  }
0xc1: {  	v8, _, _ =	vpop (xrf0)  }
0xc2: {  	(v2sf) =	vpush v8, $0xF;
	_ =	sdelay $0xe  }
0xc3: {  	s9 =	spop (v2sf)  }
0xc4: {  	p0 =	sgt.f32 s9, $0.0e+00  }
.Ltmp6:
0xc5: {  	_ = 	snop;
	(pc) =	sbr.rel @p0 .LBB2_15-.Ltmp6, $1  }
0xc6: {  	_ =	sdelay $0x3  }
0xc7: {  	s4 =	sadd.s32 $0x1, s4  }
0xc8: {  	p0 =	sne.s32 s4, $0x78  }
.Ltmp7:
0xc9: {  	_ = 	snop;
	(pc) =	sbr.rel @p0 .LBB2_14-.Ltmp7, $1  }
0xca: {  	_ =	sdelay $0x3  }
0xcb: {  	_ =	swait.ge [sflag:s17], $0x780  }
0xcc: {  	[sflag:s17] =	ssyncset.done $0x0  }
0xcd: {  	[sflag:s17] =	ssyncadd.s32 $0xFFFFF880  }
0xce: {  	_ =	swait.ge [sflag:s22], $0x780  }
0xcf: {  	[sflag:s22] =	ssyncset.done $0x0  }
0xd0: {  	s9 =	sadd.s32 $0x3C0, s5;
	s4 =	simm.s32 $0x0;
	[sflag:s22] =	ssyncadd.s32 $0xFFFFF880  }
0xd1: {  	[tilespmem:s18], [sflag:$0x1] =	stream.linear.gather [hbm4b:s9+s4], $0x780, $0x38;
	[tilespmem:$0x16000] =	vst v63  }
0xd2: {  	s11 =	sadd.s32 $0x3C0, s8  }
0xd3: {  	[tilespmem:s21], [sflag:$0x2] =	stream.linear.gather [hbm4b:s11+s4], $0x780, $0x38;
	[tilespmem:$0x16000] =	vst v63  }
.LBB2_18:
0xd4: {  	s9 =	sshll.u32 s4, $0x4  }
0xd5: {  	v8 =	vld [tilespmem:s9+$0x4580]  }
0xd6: {  	v6 =	vld [tilespmem:s9+$0x5480];
	_ =	sdelay $0x3  }
0xd7: {  	vm0 =	veq.s32 v8, v2  }
0xd8: {  	v7 =	vshra.s32 v6, $0xF  }
.LBB2_19:
0xd9: {  	v8 =	vld.idx.msk [tilespmem:v7+s2+$0x0], vm0;
	_ =	sdelay $0x4  }
0xda: {  	vm1 =	vgt.s32 v8, v6  }
0xdb: {  	v8 =	vsel vm1, v8, v6  }
0xdc: {  	[tilespmem:v7+s2+$0x0] =	vst.idx.msk vm0, v8  }
0xdd: {  	v8 =	vld.idx.msk [tilespmem:v7+s2+$0x0], vm0;
	_ =	sdelay $0x4  }
0xde: {  	vm1 =	vlt.s32 v8, v6  }
0xdf: {  	vm1 =	vmand vm0, vm1  }
0xe0: {  	v8 =	vsel vm1, $0x3F800000, v5  }
0xe1: {  	(xrf0) =	vmax.scan.msk.f32 $0xffff, v8;
	_ =	sdelay $0x5  }
0xe2: {  	v8, _, _ =	vpop (xrf0)  }
0xe3: {  	(v2sf) =	vpush v8, $0xF;
	_ =	sdelay $0xe  }
0xe4: {  	s9 =	spop (v2sf)  }
0xe5: {  	p0 =	sgt.f32 s9, $0.0e+00  }
.Ltmp8:
0xe6: {  	_ = 	snop;
	(pc) =	sbr.rel @p0 .LBB2_19-.Ltmp8, $1  }
0xe7: {  	_ =	sdelay $0x3  }
0xe8: {  	s4 =	sadd.s32 $0x1, s4  }
0xe9: {  	p0 =	sne.s32 s4, $0x78  }
.Ltmp9:
0xea: {  	_ = 	snop;
	(pc) =	sbr.rel @p0 .LBB2_18-.Ltmp9, $1  }
0xeb: {  	_ =	sdelay $0x3  }
0xec: {  	_ =	swait.ge [sflag:s17], $0x780  }
0xed: {  	[sflag:s17] =	ssyncset.done $0x0  }
0xee: {  	[sflag:s17] =	ssyncadd.s32 $0xFFFFF880  }
0xef: {  	_ =	swait.ge [sflag:s22], $0x780  }
0xf0: {  	[sflag:s22] =	ssyncset.done $0x0  }
0xf1: {  	s9 =	sadd.s32 $0x4B0, s5;
	s4 =	simm.s32 $0x0;
	[sflag:s22] =	ssyncadd.s32 $0xFFFFF880  }
0xf2: {  	[tilespmem:s23], [sflag:$0x1] =	stream.linear.gather [hbm4b:s9+s4], $0x780, $0x38;
	[tilespmem:$0x16000] =	vst v63  }
0xf3: {  	s11 =	sadd.s32 $0x4B0, s8  }
0xf4: {  	[tilespmem:s24], [sflag:$0x2] =	stream.linear.gather [hbm4b:s11+s4], $0x780, $0x38;
	[tilespmem:$0x16000] =	vst v63  }
.LBB2_22:
0xf5: {  	s9 =	sshll.u32 s4, $0x4  }
0xf6: {  	v8 =	vld [tilespmem:s9+$0x3E00]  }
0xf7: {  	v6 =	vld [tilespmem:s9+$0x4D00];
	_ =	sdelay $0x3  }
0xf8: {  	vm0 =	veq.s32 v8, v2  }
0xf9: {  	v7 =	vshra.s32 v6, $0xF  }
.LBB2_23:
0xfa: {  	v8 =	vld.idx.msk [tilespmem:v7+s2+$0x0], vm0;
	_ =	sdelay $0x4  }
0xfb: {  	vm1 =	vgt.s32 v8, v6  }
0xfc: {  	v8 =	vsel vm1, v8, v6  }
0xfd: {  	[tilespmem:v7+s2+$0x0] =	vst.idx.msk vm0, v8  }
0xfe: {  	v8 =	vld.idx.msk [tilespmem:v7+s2+$0x0], vm0;
	_ =	sdelay $0x4  }
0xff: {  	vm1 =	vlt.s32 v8, v6  }
0x100: {  	vm1 =	vmand vm0, vm1  }
0x101: {  	v8 =	vsel vm1, $0x3F800000, v5  }
0x102: {  	(xrf0) =	vmax.scan.msk.f32 $0xffff, v8;
	_ =	sdelay $0x5  }
0x103: {  	v8, _, _ =	vpop (xrf0)  }
0x104: {  	(v2sf) =	vpush v8, $0xF;
	_ =	sdelay $0xe  }
0x105: {  	s9 =	spop (v2sf)  }
0x106: {  	p0 =	sgt.f32 s9, $0.0e+00  }
.Ltmp10:
0x107: {  	_ = 	snop;
	(pc) =	sbr.rel @p0 .LBB2_23-.Ltmp10, $1  }
0x108: {  	_ =	sdelay $0x3  }
0x109: {  	s4 =	sadd.s32 $0x1, s4  }
0x10a: {  	p0 =	sne.s32 s4, $0x78  }
.Ltmp11:
0x10b: {  	_ = 	snop;
	(pc) =	sbr.rel @p0 .LBB2_22-.Ltmp11, $1  }
0x10c: {  	_ =	sdelay $0x3  }
0x10d: {  	_ =	swait.ge [sflag:s17], $0x780  }
0x10e: {  	[sflag:s17] =	ssyncset.done $0x0  }
0x10f: {  	[sflag:s17] =	ssyncadd.s32 $0xFFFFF880  }
0x110: {  	_ =	swait.ge [sflag:s22], $0x780  }
0x111: {  	[sflag:s22] =	ssyncset.done $0x0  }
0x112: {  	s9 =	sadd.s32 $0x5A0, s5;
	s4 =	simm.s32 $0x0;
	[sflag:s22] =	ssyncadd.s32 $0xFFFFF880  }
0x113: {  	[tilespmem:s18], [sflag:$0x1] =	stream.linear.gather [hbm4b:s9+s4], $0x780, $0x38;
	[tilespmem:$0x16000] =	vst v63  }
0x114: {  	s11 =	sadd.s32 $0x5A0, s8  }
0x115: {  	[tilespmem:s21], [sflag:$0x2] =	stream.linear.gather [hbm4b:s11+s4], $0x780, $0x38;
	[tilespmem:$0x16000] =	vst v63  }
.LBB2_26:
0x116: {  	s9 =	sshll.u32 s4, $0x4  }
0x117: {  	v8 =	vld [tilespmem:s9+$0x4580]  }
0x118: {  	v6 =	vld [tilespmem:s9+$0x5480];
	_ =	sdelay $0x3  }
0x119: {  	vm0 =	veq.s32 v8, v2  }
0x11a: {  	v7 =	vshra.s32 v6, $0xF  }
.LBB2_27:
0x11b: {  	v8 =	vld.idx.msk [tilespmem:v7+s2+$0x0], vm0;
	_ =	sdelay $0x4  }
0x11c: {  	vm1 =	vgt.s32 v8, v6  }
0x11d: {  	v8 =	vsel vm1, v8, v6  }
0x11e: {  	[tilespmem:v7+s2+$0x0] =	vst.idx.msk vm0, v8  }
0x11f: {  	v8 =	vld.idx.msk [tilespmem:v7+s2+$0x0], vm0;
	_ =	sdelay $0x4  }
0x120: {  	vm1 =	vlt.s32 v8, v6  }
0x121: {  	vm1 =	vmand vm0, vm1  }
0x122: {  	v8 =	vsel vm1, $0x3F800000, v5  }
0x123: {  	(xrf0) =	vmax.scan.msk.f32 $0xffff, v8;
	_ =	sdelay $0x5  }
0x124: {  	v8, _, _ =	vpop (xrf0)  }
0x125: {  	(v2sf) =	vpush v8, $0xF;
	_ =	sdelay $0xe  }
0x126: {  	s9 =	spop (v2sf)  }
0x127: {  	p0 =	sgt.f32 s9, $0.0e+00  }
.Ltmp12:
0x128: {  	_ = 	snop;
	(pc) =	sbr.rel @p0 .LBB2_27-.Ltmp12, $1  }
0x129: {  	_ =	sdelay $0x3  }
0x12a: {  	s4 =	sadd.s32 $0x1, s4  }
0x12b: {  	p0 =	sne.s32 s4, $0x78  }
.Ltmp13:
0x12c: {  	_ = 	snop;
	(pc) =	sbr.rel @p0 .LBB2_26-.Ltmp13, $1  }
0x12d: {  	_ =	sdelay $0x3  }
0x12e: {  	_ =	swait.ge [sflag:s17], $0x780  }
0x12f: {  	[sflag:s17] =	ssyncset.done $0x0  }
0x130: {  	[sflag:s17] =	ssyncadd.s32 $0xFFFFF880  }
0x131: {  	_ =	swait.ge [sflag:s22], $0x780  }
0x132: {  	[sflag:s22] =	ssyncset.done $0x0  }
0x133: {  	s9 =	sadd.s32 $0x690, s5;
	s4 =	simm.s32 $0x0;
	[sflag:s22] =	ssyncadd.s32 $0xFFFFF880  }
0x134: {  	[tilespmem:s23], [sflag:$0x1] =	stream.linear.gather [hbm4b:s9+s4], $0x780, $0x38;
	[tilespmem:$0x16000] =	vst v63  }
0x135: {  	s11 =	sadd.s32 $0x690, s8  }
0x136: {  	[tilespmem:s24], [sflag:$0x2] =	stream.linear.gather [hbm4b:s11+s4], $0x780, $0x38;
	[tilespmem:$0x16000] =	vst v63  }
.LBB2_30:
0x137: {  	s9 =	sshll.u32 s4, $0x4  }
0x138: {  	v8 =	vld [tilespmem:s9+$0x3E00]  }
0x139: {  	v6 =	vld [tilespmem:s9+$0x4D00];
	_ =	sdelay $0x3  }
0x13a: {  	vm0 =	veq.s32 v8, v2  }
0x13b: {  	v7 =	vshra.s32 v6, $0xF  }
.LBB2_31:
0x13c: {  	v8 =	vld.idx.msk [tilespmem:v7+s2+$0x0], vm0;
	_ =	sdelay $0x4  }
0x13d: {  	vm1 =	vgt.s32 v8, v6  }
0x13e: {  	v8 =	vsel vm1, v8, v6  }
0x13f: {  	[tilespmem:v7+s2+$0x0] =	vst.idx.msk vm0, v8  }
0x140: {  	v8 =	vld.idx.msk [tilespmem:v7+s2+$0x0], vm0;
	_ =	sdelay $0x4  }
0x141: {  	vm1 =	vlt.s32 v8, v6  }
0x142: {  	vm1 =	vmand vm0, vm1  }
0x143: {  	v8 =	vsel vm1, $0x3F800000, v5  }
0x144: {  	(xrf0) =	vmax.scan.msk.f32 $0xffff, v8;
	_ =	sdelay $0x5  }
0x145: {  	v8, _, _ =	vpop (xrf0)  }
0x146: {  	(v2sf) =	vpush v8, $0xF;
	_ =	sdelay $0xe  }
0x147: {  	s9 =	spop (v2sf)  }
0x148: {  	p0 =	sgt.f32 s9, $0.0e+00  }
.Ltmp14:
0x149: {  	_ = 	snop;
	(pc) =	sbr.rel @p0 .LBB2_31-.Ltmp14, $1  }
0x14a: {  	_ =	sdelay $0x3  }
0x14b: {  	s4 =	sadd.s32 $0x1, s4  }
0x14c: {  	p0 =	sne.s32 s4, $0x78  }
.Ltmp15:
0x14d: {  	_ = 	snop;
	(pc) =	sbr.rel @p0 .LBB2_30-.Ltmp15, $1  }
0x14e: {  	_ =	sdelay $0x3  }
0x14f: {  	_ =	swait.ge [sflag:s17], $0x780  }
0x150: {  	[sflag:s17] =	ssyncset.done $0x0  }
0x151: {  	[sflag:s17] =	ssyncadd.s32 $0xFFFFF880  }
0x152: {  	_ =	swait.ge [sflag:s22], $0x780  }
0x153: {  	[sflag:s22] =	ssyncset.done $0x0  }
0x154: {  	s9 =	sadd.s32 $0x780, s5;
	s4 =	simm.s32 $0x0;
	[sflag:s22] =	ssyncadd.s32 $0xFFFFF880  }
0x155: {  	[tilespmem:s18], [sflag:$0x1] =	stream.linear.gather [hbm4b:s9+s4], $0x780, $0x38;
	[tilespmem:$0x16000] =	vst v63  }
0x156: {  	s11 =	sadd.s32 $0x780, s8  }
0x157: {  	[tilespmem:s21], [sflag:$0x2] =	stream.linear.gather [hbm4b:s11+s4], $0x780, $0x38;
	[tilespmem:$0x16000] =	vst v63  }
.LBB2_34:
0x158: {  	s9 =	sshll.u32 s4, $0x4  }
0x159: {  	v8 =	vld [tilespmem:s9+$0x4580]  }
0x15a: {  	v6 =	vld [tilespmem:s9+$0x5480];
	_ =	sdelay $0x3  }
0x15b: {  	vm0 =	veq.s32 v8, v2  }
0x15c: {  	v7 =	vshra.s32 v6, $0xF  }
.LBB2_35:
0x15d: {  	v8 =	vld.idx.msk [tilespmem:v7+s2+$0x0], vm0;
	_ =	sdelay $0x4  }
0x15e: {  	vm1 =	vgt.s32 v8, v6  }
0x15f: {  	v8 =	vsel vm1, v8, v6  }
0x160: {  	[tilespmem:v7+s2+$0x0] =	vst.idx.msk vm0, v8  }
0x161: {  	v8 =	vld.idx.msk [tilespmem:v7+s2+$0x0], vm0;
	_ =	sdelay $0x4  }
0x162: {  	vm1 =	vlt.s32 v8, v6  }
0x163: {  	vm1 =	vmand vm0, vm1  }
0x164: {  	v8 =	vsel vm1, $0x3F800000, v5  }
0x165: {  	(xrf0) =	vmax.scan.msk.f32 $0xffff, v8;
	_ =	sdelay $0x5  }
0x166: {  	v8, _, _ =	vpop (xrf0)  }
0x167: {  	(v2sf) =	vpush v8, $0xF;
	_ =	sdelay $0xe  }
0x168: {  	s9 =	spop (v2sf)  }
0x169: {  	p0 =	sgt.f32 s9, $0.0e+00  }
.Ltmp16:
0x16a: {  	_ = 	snop;
	(pc) =	sbr.rel @p0 .LBB2_35-.Ltmp16, $1  }
0x16b: {  	_ =	sdelay $0x3  }
0x16c: {  	s4 =	sadd.s32 $0x1, s4  }
0x16d: {  	p0 =	sne.s32 s4, $0x78  }
.Ltmp17:
0x16e: {  	_ = 	snop;
	(pc) =	sbr.rel @p0 .LBB2_34-.Ltmp17, $1  }
0x16f: {  	_ =	sdelay $0x3  }
0x170: {  	_ =	swait.ge [sflag:s17], $0x780  }
0x171: {  	[sflag:s17] =	ssyncset.done $0x0  }
0x172: {  	[sflag:s17] =	ssyncadd.s32 $0xFFFFF880  }
0x173: {  	_ =	swait.ge [sflag:s22], $0x780  }
0x174: {  	[sflag:s22] =	ssyncset.done $0x0  }
0x175: {  	s9 =	sadd.s32 $0x870, s5;
	s4 =	simm.s32 $0x0;
	[sflag:s22] =	ssyncadd.s32 $0xFFFFF880  }
0x176: {  	[tilespmem:s23], [sflag:$0x1] =	stream.linear.gather [hbm4b:s9+s4], $0x780, $0x38;
	[tilespmem:$0x16000] =	vst v63  }
0x177: {  	s11 =	sadd.s32 $0x870, s8  }
0x178: {  	[tilespmem:s24], [sflag:$0x2] =	stream.linear.gather [hbm4b:s11+s4], $0x780, $0x38;
	[tilespmem:$0x16000] =	vst v63  }
.LBB2_38:
0x179: {  	s9 =	sshll.u32 s4, $0x4  }
0x17a: {  	v8 =	vld [tilespmem:s9+$0x3E00]  }
0x17b: {  	v6 =	vld [tilespmem:s9+$0x4D00];
	_ =	sdelay $0x3  }
0x17c: {  	vm0 =	veq.s32 v8, v2  }
0x17d: {  	v7 =	vshra.s32 v6, $0xF  }
.LBB2_39:
0x17e: {  	v8 =	vld.idx.msk [tilespmem:v7+s2+$0x0], vm0;
	_ =	sdelay $0x4  }
0x17f: {  	vm1 =	vgt.s32 v8, v6  }
0x180: {  	v8 =	vsel vm1, v8, v6  }
0x181: {  	[tilespmem:v7+s2+$0x0] =	vst.idx.msk vm0, v8  }
0x182: {  	v8 =	vld.idx.msk [tilespmem:v7+s2+$0x0], vm0;
	_ =	sdelay $0x4  }
0x183: {  	vm1 =	vlt.s32 v8, v6  }
0x184: {  	vm1 =	vmand vm0, vm1  }
0x185: {  	v8 =	vsel vm1, $0x3F800000, v5  }
0x186: {  	(xrf0) =	vmax.scan.msk.f32 $0xffff, v8;
	_ =	sdelay $0x5  }
0x187: {  	v8, _, _ =	vpop (xrf0)  }
0x188: {  	(v2sf) =	vpush v8, $0xF;
	_ =	sdelay $0xe  }
0x189: {  	s9 =	spop (v2sf)  }
0x18a: {  	p0 =	sgt.f32 s9, $0.0e+00  }
.Ltmp18:
0x18b: {  	_ = 	snop;
	(pc) =	sbr.rel @p0 .LBB2_39-.Ltmp18, $1  }
0x18c: {  	_ =	sdelay $0x3  }
0x18d: {  	s4 =	sadd.s32 $0x1, s4  }
0x18e: {  	p0 =	sne.s32 s4, $0x78  }
.Ltmp19:
0x18f: {  	_ = 	snop;
	(pc) =	sbr.rel @p0 .LBB2_38-.Ltmp19, $1  }
0x190: {  	_ =	sdelay $0x3  }
0x191: {  	_ =	swait.ge [sflag:s17], $0x780  }
0x192: {  	[sflag:s17] =	ssyncset.done $0x0  }
0x193: {  	[sflag:s17] =	ssyncadd.s32 $0xFFFFF880  }
0x194: {  	_ =	swait.ge [sflag:s22], $0x780  }
0x195: {  	[sflag:s22] =	ssyncset.done $0x0  }
0x196: {  	s9 =	sadd.s32 $0x960, s5;
	s4 =	simm.s32 $0x0;
	[sflag:s22] =	ssyncadd.s32 $0xFFFFF880  }
0x197: {  	[tilespmem:s18], [sflag:$0x1] =	stream.linear.gather [hbm4b:s9+s4], $0x780, $0x38;
	[tilespmem:$0x16000] =	vst v63  }
0x198: {  	s11 =	sadd.s32 $0x960, s8  }
0x199: {  	[tilespmem:s21], [sflag:$0x2] =	stream.linear.gather [hbm4b:s11+s4], $0x780, $0x38;
	[tilespmem:$0x16000] =	vst v63  }
.LBB2_42:
0x19a: {  	s9 =	sshll.u32 s4, $0x4  }
0x19b: {  	v8 =	vld [tilespmem:s9+$0x4580]  }
0x19c: {  	v6 =	vld [tilespmem:s9+$0x5480];
	_ =	sdelay $0x3  }
0x19d: {  	vm0 =	veq.s32 v8, v2  }
0x19e: {  	v7 =	vshra.s32 v6, $0xF  }
.LBB2_43:
0x19f: {  	v8 =	vld.idx.msk [tilespmem:v7+s2+$0x0], vm0;
	_ =	sdelay $0x4  }
0x1a0: {  	vm1 =	vgt.s32 v8, v6  }
0x1a1: {  	v8 =	vsel vm1, v8, v6  }
0x1a2: {  	[tilespmem:v7+s2+$0x0] =	vst.idx.msk vm0, v8  }
0x1a3: {  	v8 =	vld.idx.msk [tilespmem:v7+s2+$0x0], vm0;
	_ =	sdelay $0x4  }
0x1a4: {  	vm1 =	vlt.s32 v8, v6  }
0x1a5: {  	vm1 =	vmand vm0, vm1  }
0x1a6: {  	v8 =	vsel vm1, $0x3F800000, v5  }
0x1a7: {  	(xrf0) =	vmax.scan.msk.f32 $0xffff, v8;
	_ =	sdelay $0x5  }
0x1a8: {  	v8, _, _ =	vpop (xrf0)  }
0x1a9: {  	(v2sf) =	vpush v8, $0xF;
	_ =	sdelay $0xe  }
0x1aa: {  	s9 =	spop (v2sf)  }
0x1ab: {  	p0 =	sgt.f32 s9, $0.0e+00  }
.Ltmp20:
0x1ac: {  	_ = 	snop;
	(pc) =	sbr.rel @p0 .LBB2_43-.Ltmp20, $1  }
0x1ad: {  	_ =	sdelay $0x3  }
0x1ae: {  	s4 =	sadd.s32 $0x1, s4  }
0x1af: {  	p0 =	sne.s32 s4, $0x78  }
.Ltmp21:
0x1b0: {  	_ = 	snop;
	(pc) =	sbr.rel @p0 .LBB2_42-.Ltmp21, $1  }
0x1b1: {  	_ =	sdelay $0x3  }
0x1b2: {  	_ =	swait.ge [sflag:s17], $0x780  }
0x1b3: {  	[sflag:s17] =	ssyncset.done $0x0  }
0x1b4: {  	[sflag:s17] =	ssyncadd.s32 $0xFFFFF880  }
0x1b5: {  	_ =	swait.ge [sflag:s22], $0x780  }
0x1b6: {  	[sflag:s22] =	ssyncset.done $0x0  }
0x1b7: {  	s9 =	sadd.s32 $0xA50, s5;
	s4 =	simm.s32 $0x0;
	[sflag:s22] =	ssyncadd.s32 $0xFFFFF880  }
0x1b8: {  	[tilespmem:s23], [sflag:$0x1] =	stream.linear.gather [hbm4b:s9+s4], $0x780, $0x38;
	[tilespmem:$0x16000] =	vst v63  }
0x1b9: {  	s11 =	sadd.s32 $0xA50, s8  }
0x1ba: {  	[tilespmem:s24], [sflag:$0x2] =	stream.linear.gather [hbm4b:s11+s4], $0x780, $0x38;
	[tilespmem:$0x16000] =	vst v63  }
.LBB2_46:
0x1bb: {  	s9 =	sshll.u32 s4, $0x4  }
0x1bc: {  	v8 =	vld [tilespmem:s9+$0x3E00]  }
0x1bd: {  	v6 =	vld [tilespmem:s9+$0x4D00];
	_ =	sdelay $0x3  }
0x1be: {  	vm0 =	veq.s32 v8, v2  }
0x1bf: {  	v7 =	vshra.s32 v6, $0xF  }
.LBB2_47:
0x1c0: {  	v8 =	vld.idx.msk [tilespmem:v7+s2+$0x0], vm0;
	_ =	sdelay $0x4  }
0x1c1: {  	vm1 =	vgt.s32 v8, v6  }
0x1c2: {  	v8 =	vsel vm1, v8, v6  }
0x1c3: {  	[tilespmem:v7+s2+$0x0] =	vst.idx.msk vm0, v8  }
0x1c4: {  	v8 =	vld.idx.msk [tilespmem:v7+s2+$0x0], vm0;
	_ =	sdelay $0x4  }
0x1c5: {  	vm1 =	vlt.s32 v8, v6  }
0x1c6: {  	vm1 =	vmand vm0, vm1  }
0x1c7: {  	v8 =	vsel vm1, $0x3F800000, v5  }
0x1c8: {  	(xrf0) =	vmax.scan.msk.f32 $0xffff, v8;
	_ =	sdelay $0x5  }
0x1c9: {  	v8, _, _ =	vpop (xrf0)  }
0x1ca: {  	(v2sf) =	vpush v8, $0xF;
	_ =	sdelay $0xe  }
0x1cb: {  	s9 =	spop (v2sf)  }
0x1cc: {  	p0 =	sgt.f32 s9, $0.0e+00  }
.Ltmp22:
0x1cd: {  	_ = 	snop;
	(pc) =	sbr.rel @p0 .LBB2_47-.Ltmp22, $1  }
0x1ce: {  	_ =	sdelay $0x3  }
0x1cf: {  	s4 =	sadd.s32 $0x1, s4  }
0x1d0: {  	p0 =	sne.s32 s4, $0x78  }
.Ltmp23:
0x1d1: {  	_ = 	snop;
	(pc) =	sbr.rel @p0 .LBB2_46-.Ltmp23, $1  }
0x1d2: {  	_ =	sdelay $0x3  }
0x1d3: {  	_ =	swait.ge [sflag:s17], $0x780  }
0x1d4: {  	[sflag:s17] =	ssyncset.done $0x0  }
0x1d5: {  	[sflag:s17] =	ssyncadd.s32 $0xFFFFF880  }
0x1d6: {  	_ =	swait.ge [sflag:s22], $0x780  }
0x1d7: {  	[sflag:s22] =	ssyncset.done $0x0  }
0x1d8: {  	s9 =	sadd.s32 $0xB40, s5;
	s4 =	simm.s32 $0x0;
	[sflag:s22] =	ssyncadd.s32 $0xFFFFF880  }
0x1d9: {  	[tilespmem:s18], [sflag:$0x1] =	stream.linear.gather [hbm4b:s9+s4], $0x780, $0x38;
	[tilespmem:$0x16000] =	vst v63  }
0x1da: {  	s11 =	sadd.s32 $0xB40, s8  }
0x1db: {  	[tilespmem:s21], [sflag:$0x2] =	stream.linear.gather [hbm4b:s11+s4], $0x780, $0x38;
	[tilespmem:$0x16000] =	vst v63  }
.LBB2_50:
0x1dc: {  	s9 =	sshll.u32 s4, $0x4  }
0x1dd: {  	v8 =	vld [tilespmem:s9+$0x4580]  }
0x1de: {  	v6 =	vld [tilespmem:s9+$0x5480];
	_ =	sdelay $0x3  }
0x1df: {  	vm0 =	veq.s32 v8, v2  }
0x1e0: {  	v7 =	vshra.s32 v6, $0xF  }
.LBB2_51:
0x1e1: {  	v8 =	vld.idx.msk [tilespmem:v7+s2+$0x0], vm0;
	_ =	sdelay $0x4  }
0x1e2: {  	vm1 =	vgt.s32 v8, v6  }
0x1e3: {  	v8 =	vsel vm1, v8, v6  }
0x1e4: {  	[tilespmem:v7+s2+$0x0] =	vst.idx.msk vm0, v8  }
0x1e5: {  	v8 =	vld.idx.msk [tilespmem:v7+s2+$0x0], vm0;
	_ =	sdelay $0x4  }
0x1e6: {  	vm1 =	vlt.s32 v8, v6  }
0x1e7: {  	vm1 =	vmand vm0, vm1  }
0x1e8: {  	v8 =	vsel vm1, $0x3F800000, v5  }
0x1e9: {  	(xrf0) =	vmax.scan.msk.f32 $0xffff, v8;
	_ =	sdelay $0x5  }
0x1ea: {  	v8, _, _ =	vpop (xrf0)  }
0x1eb: {  	(v2sf) =	vpush v8, $0xF;
	_ =	sdelay $0xe  }
0x1ec: {  	s9 =	spop (v2sf)  }
0x1ed: {  	p0 =	sgt.f32 s9, $0.0e+00  }
.Ltmp24:
0x1ee: {  	_ = 	snop;
	(pc) =	sbr.rel @p0 .LBB2_51-.Ltmp24, $1  }
0x1ef: {  	_ =	sdelay $0x3  }
0x1f0: {  	s4 =	sadd.s32 $0x1, s4  }
0x1f1: {  	p0 =	sne.s32 s4, $0x78  }
.Ltmp25:
0x1f2: {  	_ = 	snop;
	(pc) =	sbr.rel @p0 .LBB2_50-.Ltmp25, $1  }
0x1f3: {  	_ =	sdelay $0x3  }
0x1f4: {  	_ =	swait.ge [sflag:s17], $0x780  }
0x1f5: {  	[sflag:s17] =	ssyncset.done $0x0  }
0x1f6: {  	[sflag:s17] =	ssyncadd.s32 $0xFFFFF880  }
0x1f7: {  	_ =	swait.ge [sflag:s22], $0x780  }
0x1f8: {  	[sflag:s22] =	ssyncset.done $0x0  }
0x1f9: {  	s9 =	sadd.s32 $0xC30, s5;
	s4 =	simm.s32 $0x0;
	[sflag:s22] =	ssyncadd.s32 $0xFFFFF880  }
0x1fa: {  	[tilespmem:s23], [sflag:$0x1] =	stream.linear.gather [hbm4b:s9+s4], $0x780, $0x38;
	[tilespmem:$0x16000] =	vst v63  }
0x1fb: {  	s11 =	sadd.s32 $0xC30, s8  }
0x1fc: {  	[tilespmem:s24], [sflag:$0x2] =	stream.linear.gather [hbm4b:s11+s4], $0x780, $0x38;
	[tilespmem:$0x16000] =	vst v63  }
.LBB2_54:
0x1fd: {  	s9 =	sshll.u32 s4, $0x4  }
0x1fe: {  	v8 =	vld [tilespmem:s9+$0x3E00]  }
0x1ff: {  	v6 =	vld [tilespmem:s9+$0x4D00];
	_ =	sdelay $0x3  }
0x200: {  	vm0 =	veq.s32 v8, v2  }
0x201: {  	v7 =	vshra.s32 v6, $0xF  }
.LBB2_55:
0x202: {  	v8 =	vld.idx.msk [tilespmem:v7+s2+$0x0], vm0;
	_ =	sdelay $0x4  }
0x203: {  	vm1 =	vgt.s32 v8, v6  }
0x204: {  	v8 =	vsel vm1, v8, v6  }
0x205: {  	[tilespmem:v7+s2+$0x0] =	vst.idx.msk vm0, v8  }
0x206: {  	v8 =	vld.idx.msk [tilespmem:v7+s2+$0x0], vm0;
	_ =	sdelay $0x4  }
0x207: {  	vm1 =	vlt.s32 v8, v6  }
0x208: {  	vm1 =	vmand vm0, vm1  }
0x209: {  	v8 =	vsel vm1, $0x3F800000, v5  }
0x20a: {  	(xrf0) =	vmax.scan.msk.f32 $0xffff, v8;
	_ =	sdelay $0x5  }
0x20b: {  	v8, _, _ =	vpop (xrf0)  }
0x20c: {  	(v2sf) =	vpush v8, $0xF;
	_ =	sdelay $0xe  }
0x20d: {  	s9 =	spop (v2sf)  }
0x20e: {  	p0 =	sgt.f32 s9, $0.0e+00  }
.Ltmp26:
0x20f: {  	_ = 	snop;
	(pc) =	sbr.rel @p0 .LBB2_55-.Ltmp26, $1  }
0x210: {  	_ =	sdelay $0x3  }
0x211: {  	s4 =	sadd.s32 $0x1, s4  }
0x212: {  	p0 =	sne.s32 s4, $0x78  }
.Ltmp27:
0x213: {  	_ = 	snop;
	(pc) =	sbr.rel @p0 .LBB2_54-.Ltmp27, $1  }
0x214: {  	_ =	sdelay $0x3  }
0x215: {  	_ =	swait.ge [sflag:s17], $0x780  }
0x216: {  	[sflag:s17] =	ssyncset.done $0x0  }
0x217: {  	[sflag:s17] =	ssyncadd.s32 $0xFFFFF880  }
0x218: {  	_ =	swait.ge [sflag:s22], $0x780  }
0x219: {  	[sflag:s22] =	ssyncset.done $0x0  }
0x21a: {  	s9 =	sadd.s32 $0xD20, s5;
	s4 =	simm.s32 $0x0;
	[sflag:s22] =	ssyncadd.s32 $0xFFFFF880  }
0x21b: {  	[tilespmem:s18], [sflag:$0x1] =	stream.linear.gather [hbm4b:s9+s4], $0x780, $0x38;
	[tilespmem:$0x16000] =	vst v63  }
0x21c: {  	s11 =	sadd.s32 $0xD20, s8  }
0x21d: {  	[tilespmem:s21], [sflag:$0x2] =	stream.linear.gather [hbm4b:s11+s4], $0x780, $0x38;
	[tilespmem:$0x16000] =	vst v63  }
.LBB2_58:
0x21e: {  	s9 =	sshll.u32 s4, $0x4  }
0x21f: {  	v8 =	vld [tilespmem:s9+$0x4580]  }
0x220: {  	v6 =	vld [tilespmem:s9+$0x5480];
	_ =	sdelay $0x3  }
0x221: {  	vm0 =	veq.s32 v8, v2  }
0x222: {  	v7 =	vshra.s32 v6, $0xF  }
.LBB2_59:
0x223: {  	v8 =	vld.idx.msk [tilespmem:v7+s2+$0x0], vm0;
	_ =	sdelay $0x4  }
0x224: {  	vm1 =	vgt.s32 v8, v6  }
0x225: {  	v8 =	vsel vm1, v8, v6  }
0x226: {  	[tilespmem:v7+s2+$0x0] =	vst.idx.msk vm0, v8  }
0x227: {  	v8 =	vld.idx.msk [tilespmem:v7+s2+$0x0], vm0;
	_ =	sdelay $0x4  }
0x228: {  	vm1 =	vlt.s32 v8, v6  }
0x229: {  	vm1 =	vmand vm0, vm1  }
0x22a: {  	v8 =	vsel vm1, $0x3F800000, v5  }
0x22b: {  	(xrf0) =	vmax.scan.msk.f32 $0xffff, v8;
	_ =	sdelay $0x5  }
0x22c: {  	v8, _, _ =	vpop (xrf0)  }
0x22d: {  	(v2sf) =	vpush v8, $0xF;
	_ =	sdelay $0xe  }
0x22e: {  	s9 =	spop (v2sf)  }
0x22f: {  	p0 =	sgt.f32 s9, $0.0e+00  }
.Ltmp28:
0x230: {  	_ = 	snop;
	(pc) =	sbr.rel @p0 .LBB2_59-.Ltmp28, $1  }
0x231: {  	_ =	sdelay $0x3  }
0x232: {  	s4 =	sadd.s32 $0x1, s4  }
0x233: {  	p0 =	sne.s32 s4, $0x78  }
.Ltmp29:
0x234: {  	_ = 	snop;
	(pc) =	sbr.rel @p0 .LBB2_58-.Ltmp29, $1  }
0x235: {  	_ =	sdelay $0x3  }
0x236: {  	_ =	swait.ge [sflag:s17], $0x780  }
0x237: {  	[sflag:s17] =	ssyncset.done $0x0  }
0x238: {  	[sflag:s17] =	ssyncadd.s32 $0xFFFFF880  }
0x239: {  	_ =	swait.ge [sflag:s22], $0x780  }
0x23a: {  	[sflag:s22] =	ssyncset.done $0x0  }
0x23b: {  	s9 =	sadd.s32 $0xE10, s5;
	s4 =	simm.s32 $0x0;
	[sflag:s22] =	ssyncadd.s32 $0xFFFFF880  }
0x23c: {  	[tilespmem:s23], [sflag:$0x1] =	stream.linear.gather [hbm4b:s9+s4], $0x780, $0x38;
	[tilespmem:$0x16000] =	vst v63  }
0x23d: {  	s11 =	sadd.s32 $0xE10, s8  }
0x23e: {  	[tilespmem:s24], [sflag:$0x2] =	stream.linear.gather [hbm4b:s11+s4], $0x780, $0x38;
	[tilespmem:$0x16000] =	vst v63  }
.LBB2_62:
0x23f: {  	s9 =	sshll.u32 s4, $0x4  }
0x240: {  	v8 =	vld [tilespmem:s9+$0x3E00]  }
0x241: {  	v6 =	vld [tilespmem:s9+$0x4D00];
	_ =	sdelay $0x3  }
0x242: {  	vm0 =	veq.s32 v8, v2  }
0x243: {  	v7 =	vshra.s32 v6, $0xF  }
.LBB2_63:
0x244: {  	v8 =	vld.idx.msk [tilespmem:v7+s2+$0x0], vm0;
	_ =	sdelay $0x4  }
0x245: {  	vm1 =	vgt.s32 v8, v6  }
0x246: {  	v8 =	vsel vm1, v8, v6  }
0x247: {  	[tilespmem:v7+s2+$0x0] =	vst.idx.msk vm0, v8  }
0x248: {  	v8 =	vld.idx.msk [tilespmem:v7+s2+$0x0], vm0;
	_ =	sdelay $0x4  }
0x249: {  	vm1 =	vlt.s32 v8, v6  }
0x24a: {  	vm1 =	vmand vm0, vm1  }
0x24b: {  	v8 =	vsel vm1, $0x3F800000, v5  }
0x24c: {  	(xrf0) =	vmax.scan.msk.f32 $0xffff, v8;
	_ =	sdelay $0x5  }
0x24d: {  	v8, _, _ =	vpop (xrf0)  }
0x24e: {  	(v2sf) =	vpush v8, $0xF;
	_ =	sdelay $0xe  }
0x24f: {  	s9 =	spop (v2sf)  }
0x250: {  	p0 =	sgt.f32 s9, $0.0e+00  }
.Ltmp30:
0x251: {  	_ = 	snop;
	(pc) =	sbr.rel @p0 .LBB2_63-.Ltmp30, $1  }
0x252: {  	_ =	sdelay $0x3  }
0x253: {  	s4 =	sadd.s32 $0x1, s4  }
0x254: {  	p0 =	sne.s32 s4, $0x78  }
.Ltmp31:
0x255: {  	_ = 	snop;
	(pc) =	sbr.rel @p0 .LBB2_62-.Ltmp31, $1  }
0x256: {  	_ =	sdelay $0x3  }
0x257: {  	_ =	swait.ge [sflag:s17], $0x780  }
0x258: {  	[sflag:s17] =	ssyncset.done $0x0  }
0x259: {  	[sflag:s17] =	ssyncadd.s32 $0xFFFFF880  }
0x25a: {  	_ =	swait.ge [sflag:s22], $0x780  }
0x25b: {  	[sflag:s22] =	ssyncset.done $0x0  }
0x25c: {  	s4 =	simm.s32 $0x0;
	[sflag:s22] =	ssyncadd.s32 $0xFFFFF880  }
.LBB2_66:
0x25d: {  	s9 =	sshll.u32 s4, $0x4  }
0x25e: {  	v8 =	vld [tilespmem:s9+$0x4580]  }
0x25f: {  	v6 =	vld [tilespmem:s9+$0x5480];
	_ =	sdelay $0x3  }
0x260: {  	vm0 =	veq.s32 v8, v2  }
0x261: {  	v7 =	vshra.s32 v6, $0xF  }
.LBB2_67:
0x262: {  	v8 =	vld.idx.msk [tilespmem:v7+s2+$0x0], vm0;
	_ =	sdelay $0x4  }
0x263: {  	vm1 =	vgt.s32 v8, v6  }
0x264: {  	v8 =	vsel vm1, v8, v6  }
0x265: {  	[tilespmem:v7+s2+$0x0] =	vst.idx.msk vm0, v8  }
0x266: {  	v8 =	vld.idx.msk [tilespmem:v7+s2+$0x0], vm0;
	_ =	sdelay $0x4  }
0x267: {  	vm1 =	vlt.s32 v8, v6  }
0x268: {  	vm1 =	vmand vm0, vm1  }
0x269: {  	v8 =	vsel vm1, $0x3F800000, v5  }
0x26a: {  	(xrf0) =	vmax.scan.msk.f32 $0xffff, v8;
	_ =	sdelay $0x5  }
0x26b: {  	v8, _, _ =	vpop (xrf0)  }
0x26c: {  	(v2sf) =	vpush v8, $0xF;
	_ =	sdelay $0xe  }
0x26d: {  	s9 =	spop (v2sf)  }
0x26e: {  	p0 =	sgt.f32 s9, $0.0e+00  }
.Ltmp32:
0x26f: {  	_ = 	snop;
	(pc) =	sbr.rel @p0 .LBB2_67-.Ltmp32, $1  }
0x270: {  	_ =	sdelay $0x3  }
0x271: {  	s4 =	sadd.s32 $0x1, s4  }
0x272: {  	p0 =	sne.s32 s4, $0x78  }
.Ltmp33:
0x273: {  	_ = 	snop;
	(pc) =	sbr.rel @p0 .LBB2_66-.Ltmp33, $1  }
0x274: {  	_ =	sdelay $0x3  }
0x275: {  	s4 =	simm.s32 $0x0  }
0x276: {  	v6 =	vld [tilespmem:s4+$0x0];
	_ =	sdelay $0x2  }
0x277: {  	v7 =	vor.u32 s20, v4  }
0x278: {  	s9 =	simm.s32 $0x40;
	s10 =	smov.u32 s20;
	v7 =	vand.u32 $0x61FF, v7  }
.LBB2_70:
0x279: {  	s11 =	sshra.s32 s9, $0x2;
	p0 =	sne.s32 s9, $0x7C0;
	s9 =	sadd.s32 $0x40, s9;
	v8 =	vand.u32 $0x7FFF, v6;
	v7 =	vadd.s32 $0x7530, v7;
	vm0 =	vlt.s32 v6, $0x0  }
.Ltmp34:
0x27a: {  	v6 =	vld [tilespmem:s11+$0x0];
	v7 =	vsel vm0, v7, v8;
	(pc) =	sbr.rel @p0 .LBB2_70-.Ltmp34, $4  }
0x27b: {  	[tilespmem:s4+$0x5C00] =	vst v7;
	s4 =	smov.u32 s11  }
0x27c: {  	s10 =	sadd.s32 $0x10, s10  }
0x27d: {  	v7 =	vor.u32 s10, v4  }
0x27e: {  	v7 =	vand.u32 $0x61FF, v7  }
0x27f: {  	v8 =	vand.u32 $0x7FFF, v6;
	v7 =	vadd.s32 $0x7530, v7;
	vm0 =	vlt.s32 v6, $0x0  }
0x280: {  	v6 =	vsel vm0, v7, v8  }
0x281: {  	[tilespmem:s4+$0x5C00] =	vst v6  }
0x282: {  	[tilespmem:s7], [sflag:$0x3] =	stream.indirect.gather [hbm4b:s3+s25], $0x40, s6, s25, $0xb8;
	[tilespmem:$0x16000] =	vst v63  }
0x283: {  	_ =	swait.ge [sflag:s26], $0x8000  }
0x284: {  	[sflag:s26] =	ssyncset.done $0x0  }
0x285: {  	s4 =	simm.s32 $0x0;
	[sflag:s26] =	ssyncadd.s32 $0xFFFF8000  }
0x286: {  	v6 =	vld [tilespmem:s4+$0x200];
	_ =	sdelay $0x1  }
0x287: {  	s10 =	rddreg [dreg:$0x16]  }
0x288: {  	v7 =	vor.u32 s10, v4  }
0x289: {  	s9 =	simm.s32 $0x40;
	v7 =	vand.u32 $0x7FFF, v7  }
.LBB2_72:
0x28a: {  	s11 =	sshra.s32 s9, $0x2;
	p0 =	sne.s32 s9, $0x7C0;
	s9 =	sadd.s32 $0x40, s9;
	v8 =	vand.u32 $0x7FFF, v6;
	v7 =	vadd.s32 $0x7530, v7;
	vm0 =	vlt.s32 v6, $0x0  }
.Ltmp35:
0x28b: {  	v6 =	vld [tilespmem:s11+$0x200];
	v7 =	vsel vm0, v7, v8;
	(pc) =	sbr.rel @p0 .LBB2_72-.Ltmp35, $4  }
0x28c: {  	[tilespmem:s4+$0x5E00] =	vst v7;
	s4 =	smov.u32 s11  }
0x28d: {  	s10 =	sadd.s32 $0x10, s10  }
0x28e: {  	v7 =	vor.u32 s10, v4  }
0x28f: {  	v7 =	vand.u32 $0x7FFF, v7  }
0x290: {  	v8 =	vand.u32 $0x7FFF, v6;
	v7 =	vadd.s32 $0x7530, v7;
	vm0 =	vlt.s32 v6, $0x0  }
0x291: {  	v6 =	vsel vm0, v7, v8  }
0x292: {  	[tilespmem:s4+$0x5E00] =	vst v6  }
0x293: {  	[tilespmem:s29], [sflag:$0x4] =	stream.indirect.gather [hbm4b:s3+s25], $0x40, s28, s25, $0xb8;
	[tilespmem:$0x16000] =	vst v63  }
0x294: {  	s11 =	simm.s32 $0x0;
	s9 =	rddreg [dreg:$0x4]  }
0x295: {  	[hbm4b:s9+s11] =	stream.linear.scatter [tilespmem:s7], [sflag:$0x5], $0x8000, $0x38;
	[tilespmem:$0x16000] =	vst v63  }
0x296: {  	_ =	swait.ge [sflag:s30], $0x8000  }
0x297: {  	[sflag:s30] =	ssyncset.done $0x0  }
0x298: {  	[sflag:s30] =	ssyncadd.s32 $0xFFFF8000  }
0x299: {  	_ =	swait.ge [sflag:s31], $0x8000  }
0x29a: {  	[sflag:s31] =	ssyncset.done $0x0  }
0x29b: {  	s4 =	simm.s32 $0x0;
	[sflag:s31] =	ssyncadd.s32 $0xFFFF8000  }
0x29c: {  	v6 =	vld [tilespmem:s4+$0x400];
	_ =	sdelay $0x1  }
0x29d: {  	s10 =	rddreg [dreg:$0x17]  }
0x29e: {  	v7 =	vor.u32 s10, v4  }
0x29f: {  	s9 =	simm.s32 $0x40;
	v7 =	vand.u32 $0x7FFF, v7  }
.LBB2_74:
0x2a0: {  	s11 =	sshra.s32 s9, $0x2;
	p0 =	sne.s32 s9, $0x7C0;
	s9 =	sadd.s32 $0x40, s9;
	v8 =	vand.u32 $0x7FFF, v6;
	v7 =	vadd.s32 $0x7530, v7;
	vm0 =	vlt.s32 v6, $0x0  }
.Ltmp36:
0x2a1: {  	v6 =	vld [tilespmem:s11+$0x400];
	v7 =	vsel vm0, v7, v8;
	(pc) =	sbr.rel @p0 .LBB2_74-.Ltmp36, $4  }
0x2a2: {  	[tilespmem:s4+$0x5C00] =	vst v7;
	s4 =	smov.u32 s11  }
0x2a3: {  	s10 =	sadd.s32 $0x10, s10  }
0x2a4: {  	v7 =	vor.u32 s10, v4  }
0x2a5: {  	v7 =	vand.u32 $0x7FFF, v7  }
0x2a6: {  	v8 =	vand.u32 $0x7FFF, v6;
	v7 =	vadd.s32 $0x7530, v7;
	vm0 =	vlt.s32 v6, $0x0  }
0x2a7: {  	v6 =	vsel vm0, v7, v8  }
0x2a8: {  	[tilespmem:s4+$0x5C00] =	vst v6  }
0x2a9: {  	[tilespmem:s7], [sflag:$0x3] =	stream.indirect.gather [hbm4b:s3+s25], $0x40, s6, s25, $0xb8;
	[tilespmem:$0x16000] =	vst v63  }
0x2aa: {  	s11 =	simm.s32 $0x0;
	s9 =	rddreg [dreg:$0x6]  }
0x2ab: {  	[hbm4b:s9+s11] =	stream.linear.scatter [tilespmem:s29], [sflag:$0x6], $0x8000, $0x38;
	[tilespmem:$0x16000] =	vst v63  }
0x2ac: {  	_ =	swait.ge [sflag:s26], $0x8000  }
0x2ad: {  	[sflag:s26] =	ssyncset.done $0x0  }
0x2ae: {  	[sflag:s26] =	ssyncadd.s32 $0xFFFF8000  }
0x2af: {  	_ =	swait.ge [sflag:s1], $0x8000  }
0x2b0: {  	[sflag:s1] =	ssyncset.done $0x0  }
0x2b1: {  	s4 =	simm.s32 $0x0;
	[sflag:s1] =	ssyncadd.s32 $0xFFFF8000  }
0x2b2: {  	v6 =	vld [tilespmem:s4+$0x600];
	_ =	sdelay $0x1  }
0x2b3: {  	s10 =	rddreg [dreg:$0x18]  }
0x2b4: {  	v7 =	vor.u32 s10, v4  }
0x2b5: {  	s9 =	simm.s32 $0x40;
	v7 =	vand.u32 $0x7FFF, v7  }
.LBB2_76:
0x2b6: {  	s11 =	sshra.s32 s9, $0x2;
	p0 =	sne.s32 s9, $0x7C0;
	s9 =	sadd.s32 $0x40, s9;
	v8 =	vand.u32 $0x7FFF, v6;
	v7 =	vadd.s32 $0x7530, v7;
	vm0 =	vlt.s32 v6, $0x0  }
.Ltmp37:
0x2b7: {  	v6 =	vld [tilespmem:s11+$0x600];
	v7 =	vsel vm0, v7, v8;
	(pc) =	sbr.rel @p0 .LBB2_76-.Ltmp37, $4  }
0x2b8: {  	[tilespmem:s4+$0x5E00] =	vst v7;
	s4 =	smov.u32 s11  }
0x2b9: {  	s10 =	sadd.s32 $0x10, s10  }
0x2ba: {  	v7 =	vor.u32 s10, v4  }
0x2bb: {  	v7 =	vand.u32 $0x7FFF, v7  }
0x2bc: {  	v8 =	vand.u32 $0x7FFF, v6;
	v7 =	vadd.s32 $0x7530, v7;
	vm0 =	vlt.s32 v6, $0x0  }
0x2bd: {  	v6 =	vsel vm0, v7, v8  }
0x2be: {  	[tilespmem:s4+$0x5E00] =	vst v6  }
0x2bf: {  	[tilespmem:s29], [sflag:$0x4] =	stream.indirect.gather [hbm4b:s3+s25], $0x40, s28, s25, $0xb8;
	[tilespmem:$0x16000] =	vst v63  }
0x2c0: {  	s11 =	simm.s32 $0x0;
	s9 =	rddreg [dreg:$0x7]  }
0x2c1: {  	[hbm4b:s9+s11] =	stream.linear.scatter [tilespmem:s7], [sflag:$0x5], $0x8000, $0x38;
	[tilespmem:$0x16000] =	vst v63  }
0x2c2: {  	_ =	swait.ge [sflag:s30], $0x8000  }
0x2c3: {  	[sflag:s30] =	ssyncset.done $0x0  }
0x2c4: {  	[sflag:s30] =	ssyncadd.s32 $0xFFFF8000  }
0x2c5: {  	_ =	swait.ge [sflag:s31], $0x8000  }
0x2c6: {  	[sflag:s31] =	ssyncset.done $0x0  }
0x2c7: {  	s4 =	simm.s32 $0x0;
	[sflag:s31] =	ssyncadd.s32 $0xFFFF8000  }
0x2c8: {  	v6 =	vld [tilespmem:s4+$0x800];
	_ =	sdelay $0x1  }
0x2c9: {  	s10 =	rddreg [dreg:$0x19]  }
0x2ca: {  	v7 =	vor.u32 s10, v4  }
0x2cb: {  	s9 =	simm.s32 $0x40;
	v7 =	vand.u32 $0x7FFF, v7  }
.LBB2_78:
0x2cc: {  	s11 =	sshra.s32 s9, $0x2;
	p0 =	sne.s32 s9, $0x7C0;
	s9 =	sadd.s32 $0x40, s9;
	v8 =	vand.u32 $0x7FFF, v6;
	v7 =	vadd.s32 $0x7530, v7;
	vm0 =	vlt.s32 v6, $0x0  }
.Ltmp38:
0x2cd: {  	v6 =	vld [tilespmem:s11+$0x800];
	v7 =	vsel vm0, v7, v8;
	(pc) =	sbr.rel @p0 .LBB2_78-.Ltmp38, $4  }
0x2ce: {  	[tilespmem:s4+$0x5C00] =	vst v7;
	s4 =	smov.u32 s11  }
0x2cf: {  	s10 =	sadd.s32 $0x10, s10  }
0x2d0: {  	v7 =	vor.u32 s10, v4  }
0x2d1: {  	v7 =	vand.u32 $0x7FFF, v7  }
0x2d2: {  	v8 =	vand.u32 $0x7FFF, v6;
	v7 =	vadd.s32 $0x7530, v7;
	vm0 =	vlt.s32 v6, $0x0  }
0x2d3: {  	v6 =	vsel vm0, v7, v8  }
0x2d4: {  	[tilespmem:s4+$0x5C00] =	vst v6  }
0x2d5: {  	[tilespmem:s7], [sflag:$0x3] =	stream.indirect.gather [hbm4b:s3+s25], $0x40, s6, s25, $0xb8;
	[tilespmem:$0x16000] =	vst v63  }
0x2d6: {  	s11 =	simm.s32 $0x0;
	s9 =	rddreg [dreg:$0x8]  }
0x2d7: {  	[hbm4b:s9+s11] =	stream.linear.scatter [tilespmem:s29], [sflag:$0x6], $0x8000, $0x38;
	[tilespmem:$0x16000] =	vst v63  }
0x2d8: {  	_ =	swait.ge [sflag:s26], $0x8000  }
0x2d9: {  	[sflag:s26] =	ssyncset.done $0x0  }
0x2da: {  	[sflag:s26] =	ssyncadd.s32 $0xFFFF8000  }
0x2db: {  	_ =	swait.ge [sflag:s1], $0x8000  }
0x2dc: {  	[sflag:s1] =	ssyncset.done $0x0  }
0x2dd: {  	s4 =	simm.s32 $0x0;
	[sflag:s1] =	ssyncadd.s32 $0xFFFF8000  }
0x2de: {  	v6 =	vld [tilespmem:s4+$0xA00];
	_ =	sdelay $0x1  }
0x2df: {  	s10 =	rddreg [dreg:$0x1a]  }
0x2e0: {  	v7 =	vor.u32 s10, v4  }
0x2e1: {  	s9 =	simm.s32 $0x40;
	v7 =	vand.u32 $0x7FFF, v7  }
.LBB2_80:
0x2e2: {  	s11 =	sshra.s32 s9, $0x2;
	p0 =	sne.s32 s9, $0x7C0;
	s9 =	sadd.s32 $0x40, s9;
	v8 =	vand.u32 $0x7FFF, v6;
	v7 =	vadd.s32 $0x7530, v7;
	vm0 =	vlt.s32 v6, $0x0  }
.Ltmp39:
0x2e3: {  	v6 =	vld [tilespmem:s11+$0xA00];
	v7 =	vsel vm0, v7, v8;
	(pc) =	sbr.rel @p0 .LBB2_80-.Ltmp39, $4  }
0x2e4: {  	[tilespmem:s4+$0x5E00] =	vst v7;
	s4 =	smov.u32 s11  }
0x2e5: {  	s10 =	sadd.s32 $0x10, s10  }
0x2e6: {  	v7 =	vor.u32 s10, v4  }
0x2e7: {  	v7 =	vand.u32 $0x7FFF, v7  }
0x2e8: {  	v8 =	vand.u32 $0x7FFF, v6;
	v7 =	vadd.s32 $0x7530, v7;
	vm0 =	vlt.s32 v6, $0x0  }
0x2e9: {  	v6 =	vsel vm0, v7, v8  }
0x2ea: {  	[tilespmem:s4+$0x5E00] =	vst v6  }
0x2eb: {  	[tilespmem:s29], [sflag:$0x4] =	stream.indirect.gather [hbm4b:s3+s25], $0x40, s28, s25, $0xb8;
	[tilespmem:$0x16000] =	vst v63  }
0x2ec: {  	s11 =	simm.s32 $0x0;
	s9 =	rddreg [dreg:$0x9]  }
0x2ed: {  	[hbm4b:s9+s11] =	stream.linear.scatter [tilespmem:s7], [sflag:$0x5], $0x8000, $0x38;
	[tilespmem:$0x16000] =	vst v63  }
0x2ee: {  	_ =	swait.ge [sflag:s30], $0x8000  }
0x2ef: {  	[sflag:s30] =	ssyncset.done $0x0  }
0x2f0: {  	[sflag:s30] =	ssyncadd.s32 $0xFFFF8000  }
0x2f1: {  	_ =	swait.ge [sflag:s31], $0x8000  }
0x2f2: {  	[sflag:s31] =	ssyncset.done $0x0  }
0x2f3: {  	s4 =	simm.s32 $0x0;
	[sflag:s31] =	ssyncadd.s32 $0xFFFF8000  }
0x2f4: {  	v6 =	vld [tilespmem:s4+$0xC00];
	_ =	sdelay $0x1  }
0x2f5: {  	s10 =	rddreg [dreg:$0x1b]  }
0x2f6: {  	v7 =	vor.u32 s10, v4  }
0x2f7: {  	s9 =	simm.s32 $0x40;
	v7 =	vand.u32 $0x7FFF, v7  }
.LBB2_82:
0x2f8: {  	s11 =	sshra.s32 s9, $0x2;
	p0 =	sne.s32 s9, $0x7C0;
	s9 =	sadd.s32 $0x40, s9;
	v8 =	vand.u32 $0x7FFF, v6;
	v7 =	vadd.s32 $0x7530, v7;
	vm0 =	vlt.s32 v6, $0x0  }
.Ltmp40:
0x2f9: {  	v6 =	vld [tilespmem:s11+$0xC00];
	v7 =	vsel vm0, v7, v8;
	(pc) =	sbr.rel @p0 .LBB2_82-.Ltmp40, $4  }
0x2fa: {  	[tilespmem:s4+$0x5C00] =	vst v7;
	s4 =	smov.u32 s11  }
0x2fb: {  	s10 =	sadd.s32 $0x10, s10  }
0x2fc: {  	v7 =	vor.u32 s10, v4  }
0x2fd: {  	v7 =	vand.u32 $0x7FFF, v7  }
0x2fe: {  	v8 =	vand.u32 $0x7FFF, v6;
	v7 =	vadd.s32 $0x7530, v7;
	vm0 =	vlt.s32 v6, $0x0  }
0x2ff: {  	v6 =	vsel vm0, v7, v8  }
0x300: {  	[tilespmem:s4+$0x5C00] =	vst v6  }
0x301: {  	[tilespmem:s7], [sflag:$0x3] =	stream.indirect.gather [hbm4b:s3+s25], $0x40, s6, s25, $0xb8;
	[tilespmem:$0x16000] =	vst v63  }
0x302: {  	s11 =	simm.s32 $0x0;
	s9 =	rddreg [dreg:$0xa]  }
0x303: {  	[hbm4b:s9+s11] =	stream.linear.scatter [tilespmem:s29], [sflag:$0x6], $0x8000, $0x38;
	[tilespmem:$0x16000] =	vst v63  }
0x304: {  	_ =	swait.ge [sflag:s26], $0x8000  }
0x305: {  	[sflag:s26] =	ssyncset.done $0x0  }
0x306: {  	[sflag:s26] =	ssyncadd.s32 $0xFFFF8000  }
0x307: {  	_ =	swait.ge [sflag:s1], $0x8000  }
0x308: {  	[sflag:s1] =	ssyncset.done $0x0  }
0x309: {  	s4 =	simm.s32 $0x0;
	[sflag:s1] =	ssyncadd.s32 $0xFFFF8000  }
0x30a: {  	v6 =	vld [tilespmem:s4+$0xE00];
	_ =	sdelay $0x1  }
0x30b: {  	s10 =	rddreg [dreg:$0x1c]  }
0x30c: {  	v7 =	vor.u32 s10, v4  }
0x30d: {  	s9 =	simm.s32 $0x40;
	v7 =	vand.u32 $0x7FFF, v7  }
.LBB2_84:
0x30e: {  	s11 =	sshra.s32 s9, $0x2;
	p0 =	sne.s32 s9, $0x7C0;
	s9 =	sadd.s32 $0x40, s9;
	v8 =	vand.u32 $0x7FFF, v6;
	v7 =	vadd.s32 $0x7530, v7;
	vm0 =	vlt.s32 v6, $0x0  }
.Ltmp41:
0x30f: {  	v6 =	vld [tilespmem:s11+$0xE00];
	v7 =	vsel vm0, v7, v8;
	(pc) =	sbr.rel @p0 .LBB2_84-.Ltmp41, $4  }
0x310: {  	[tilespmem:s4+$0x5E00] =	vst v7;
	s4 =	smov.u32 s11  }
0x311: {  	s10 =	sadd.s32 $0x10, s10  }
0x312: {  	v7 =	vor.u32 s10, v4  }
0x313: {  	v7 =	vand.u32 $0x7FFF, v7  }
0x314: {  	v8 =	vand.u32 $0x7FFF, v6;
	v7 =	vadd.s32 $0x7530, v7;
	vm0 =	vlt.s32 v6, $0x0  }
0x315: {  	v6 =	vsel vm0, v7, v8  }
0x316: {  	[tilespmem:s4+$0x5E00] =	vst v6  }
0x317: {  	[tilespmem:s29], [sflag:$0x4] =	stream.indirect.gather [hbm4b:s3+s25], $0x40, s28, s25, $0xb8;
	[tilespmem:$0x16000] =	vst v63  }
0x318: {  	s11 =	simm.s32 $0x0;
	s9 =	rddreg [dreg:$0xb]  }
0x319: {  	[hbm4b:s9+s11] =	stream.linear.scatter [tilespmem:s7], [sflag:$0x5], $0x8000, $0x38;
	[tilespmem:$0x16000] =	vst v63  }
0x31a: {  	_ =	swait.ge [sflag:s30], $0x8000  }
0x31b: {  	[sflag:s30] =	ssyncset.done $0x0  }
0x31c: {  	[sflag:s30] =	ssyncadd.s32 $0xFFFF8000  }
0x31d: {  	_ =	swait.ge [sflag:s31], $0x8000  }
0x31e: {  	[sflag:s31] =	ssyncset.done $0x0  }
0x31f: {  	s4 =	simm.s32 $0x0;
	[sflag:s31] =	ssyncadd.s32 $0xFFFF8000  }
0x320: {  	v6 =	vld [tilespmem:s4+$0x1000];
	_ =	sdelay $0x1  }
0x321: {  	s10 =	rddreg [dreg:$0x1d]  }
0x322: {  	v7 =	vor.u32 s10, v4  }
0x323: {  	s9 =	simm.s32 $0x40;
	v7 =	vand.u32 $0x7FFF, v7  }
.LBB2_86:
0x324: {  	s11 =	sshra.s32 s9, $0x2;
	p0 =	sne.s32 s9, $0x7C0;
	s9 =	sadd.s32 $0x40, s9;
	v8 =	vand.u32 $0x7FFF, v6;
	v7 =	vadd.s32 $0x7530, v7;
	vm0 =	vlt.s32 v6, $0x0  }
.Ltmp42:
0x325: {  	v6 =	vld [tilespmem:s11+$0x1000];
	v7 =	vsel vm0, v7, v8;
	(pc) =	sbr.rel @p0 .LBB2_86-.Ltmp42, $4  }
0x326: {  	[tilespmem:s4+$0x5C00] =	vst v7;
	s4 =	smov.u32 s11  }
0x327: {  	s10 =	sadd.s32 $0x10, s10  }
0x328: {  	v7 =	vor.u32 s10, v4  }
0x329: {  	v7 =	vand.u32 $0x7FFF, v7  }
0x32a: {  	v8 =	vand.u32 $0x7FFF, v6;
	v7 =	vadd.s32 $0x7530, v7;
	vm0 =	vlt.s32 v6, $0x0  }
0x32b: {  	v6 =	vsel vm0, v7, v8  }
0x32c: {  	[tilespmem:s4+$0x5C00] =	vst v6  }
0x32d: {  	[tilespmem:s7], [sflag:$0x3] =	stream.indirect.gather [hbm4b:s3+s25], $0x40, s6, s25, $0xb8;
	[tilespmem:$0x16000] =	vst v63  }
0x32e: {  	s11 =	simm.s32 $0x0;
	s9 =	rddreg [dreg:$0xc]  }
0x32f: {  	[hbm4b:s9+s11] =	stream.linear.scatter [tilespmem:s29], [sflag:$0x6], $0x8000, $0x38;
	[tilespmem:$0x16000] =	vst v63  }
0x330: {  	_ =	swait.ge [sflag:s26], $0x8000  }
0x331: {  	[sflag:s26] =	ssyncset.done $0x0  }
0x332: {  	[sflag:s26] =	ssyncadd.s32 $0xFFFF8000  }
0x333: {  	_ =	swait.ge [sflag:s1], $0x8000  }
0x334: {  	[sflag:s1] =	ssyncset.done $0x0  }
0x335: {  	s4 =	simm.s32 $0x0;
	[sflag:s1] =	ssyncadd.s32 $0xFFFF8000  }
0x336: {  	v6 =	vld [tilespmem:s4+$0x1200];
	_ =	sdelay $0x1  }
0x337: {  	s10 =	rddreg [dreg:$0x1e]  }
0x338: {  	v7 =	vor.u32 s10, v4  }
0x339: {  	s9 =	simm.s32 $0x40;
	v7 =	vand.u32 $0x7FFF, v7  }
.LBB2_88:
0x33a: {  	s11 =	sshra.s32 s9, $0x2;
	p0 =	sne.s32 s9, $0x7C0;
	s9 =	sadd.s32 $0x40, s9;
	v8 =	vand.u32 $0x7FFF, v6;
	v7 =	vadd.s32 $0x7530, v7;
	vm0 =	vlt.s32 v6, $0x0  }
.Ltmp43:
0x33b: {  	v6 =	vld [tilespmem:s11+$0x1200];
	v7 =	vsel vm0, v7, v8;
	(pc) =	sbr.rel @p0 .LBB2_88-.Ltmp43, $4  }
0x33c: {  	[tilespmem:s4+$0x5E00] =	vst v7;
	s4 =	smov.u32 s11  }
0x33d: {  	s10 =	sadd.s32 $0x10, s10  }
0x33e: {  	v7 =	vor.u32 s10, v4  }
0x33f: {  	v7 =	vand.u32 $0x7FFF, v7  }
0x340: {  	v8 =	vand.u32 $0x7FFF, v6;
	v7 =	vadd.s32 $0x7530, v7;
	vm0 =	vlt.s32 v6, $0x0  }
0x341: {  	v6 =	vsel vm0, v7, v8  }
0x342: {  	[tilespmem:s4+$0x5E00] =	vst v6  }
0x343: {  	[tilespmem:s29], [sflag:$0x4] =	stream.indirect.gather [hbm4b:s3+s25], $0x40, s28, s25, $0xb8;
	[tilespmem:$0x16000] =	vst v63  }
0x344: {  	s11 =	simm.s32 $0x0;
	s9 =	rddreg [dreg:$0xd]  }
0x345: {  	[hbm4b:s9+s11] =	stream.linear.scatter [tilespmem:s7], [sflag:$0x5], $0x8000, $0x38;
	[tilespmem:$0x16000] =	vst v63  }
0x346: {  	_ =	swait.ge [sflag:s30], $0x8000  }
0x347: {  	[sflag:s30] =	ssyncset.done $0x0  }
0x348: {  	[sflag:s30] =	ssyncadd.s32 $0xFFFF8000  }
0x349: {  	_ =	swait.ge [sflag:s31], $0x8000  }
0x34a: {  	[sflag:s31] =	ssyncset.done $0x0  }
0x34b: {  	s4 =	simm.s32 $0x0;
	[sflag:s31] =	ssyncadd.s32 $0xFFFF8000  }
0x34c: {  	v6 =	vld [tilespmem:s4+$0x1400];
	_ =	sdelay $0x1  }
0x34d: {  	s10 =	rddreg [dreg:$0x1f]  }
0x34e: {  	v7 =	vor.u32 s10, v4  }
0x34f: {  	s9 =	simm.s32 $0x40;
	v7 =	vand.u32 $0x7FFF, v7  }
.LBB2_90:
0x350: {  	s11 =	sshra.s32 s9, $0x2;
	p0 =	sne.s32 s9, $0x7C0;
	s9 =	sadd.s32 $0x40, s9;
	v8 =	vand.u32 $0x7FFF, v6;
	v7 =	vadd.s32 $0x7530, v7;
	vm0 =	vlt.s32 v6, $0x0  }
.Ltmp44:
0x351: {  	v6 =	vld [tilespmem:s11+$0x1400];
	v7 =	vsel vm0, v7, v8;
	(pc) =	sbr.rel @p0 .LBB2_90-.Ltmp44, $4  }
0x352: {  	[tilespmem:s4+$0x5C00] =	vst v7;
	s4 =	smov.u32 s11  }
0x353: {  	s10 =	sadd.s32 $0x10, s10  }
0x354: {  	v7 =	vor.u32 s10, v4  }
0x355: {  	v7 =	vand.u32 $0x7FFF, v7  }
0x356: {  	v8 =	vand.u32 $0x7FFF, v6;
	v7 =	vadd.s32 $0x7530, v7;
	vm0 =	vlt.s32 v6, $0x0  }
0x357: {  	v6 =	vsel vm0, v7, v8  }
0x358: {  	[tilespmem:s4+$0x5C00] =	vst v6  }
0x359: {  	[tilespmem:s7], [sflag:$0x3] =	stream.indirect.gather [hbm4b:s3+s25], $0x40, s6, s25, $0xb8;
	[tilespmem:$0x16000] =	vst v63  }
0x35a: {  	s11 =	simm.s32 $0x0;
	s9 =	rddreg [dreg:$0xe]  }
0x35b: {  	[hbm4b:s9+s11] =	stream.linear.scatter [tilespmem:s29], [sflag:$0x6], $0x8000, $0x38;
	[tilespmem:$0x16000] =	vst v63  }
0x35c: {  	_ =	swait.ge [sflag:s26], $0x8000  }
0x35d: {  	[sflag:s26] =	ssyncset.done $0x0  }
0x35e: {  	[sflag:s26] =	ssyncadd.s32 $0xFFFF8000  }
0x35f: {  	_ =	swait.ge [sflag:s1], $0x8000  }
0x360: {  	[sflag:s1] =	ssyncset.done $0x0  }
0x361: {  	s4 =	simm.s32 $0x0;
	[sflag:s1] =	ssyncadd.s32 $0xFFFF8000  }
0x362: {  	s10 =	sld [smem:$0x7FD];
	v6 =	vld [tilespmem:s4+$0x1600];
	_ =	sdelay $0x2  }
0x363: {  	v7 =	vor.u32 s10, v4  }
0x364: {  	s9 =	simm.s32 $0x40;
	v7 =	vand.u32 $0x7FFF, v7  }
.LBB2_92:
0x365: {  	s11 =	sshra.s32 s9, $0x2;
	p0 =	sne.s32 s9, $0x7C0;
	s9 =	sadd.s32 $0x40, s9;
	v8 =	vand.u32 $0x7FFF, v6;
	v7 =	vadd.s32 $0x7530, v7;
	vm0 =	vlt.s32 v6, $0x0  }
.Ltmp45:
0x366: {  	v6 =	vld [tilespmem:s11+$0x1600];
	v7 =	vsel vm0, v7, v8;
	(pc) =	sbr.rel @p0 .LBB2_92-.Ltmp45, $4  }
0x367: {  	[tilespmem:s4+$0x5E00] =	vst v7;
	s4 =	smov.u32 s11  }
0x368: {  	s10 =	sadd.s32 $0x10, s10  }
0x369: {  	v7 =	vor.u32 s10, v4  }
0x36a: {  	v7 =	vand.u32 $0x7FFF, v7  }
0x36b: {  	v8 =	vand.u32 $0x7FFF, v6;
	v7 =	vadd.s32 $0x7530, v7;
	vm0 =	vlt.s32 v6, $0x0  }
0x36c: {  	v6 =	vsel vm0, v7, v8  }
0x36d: {  	[tilespmem:s4+$0x5E00] =	vst v6  }
0x36e: {  	[tilespmem:s29], [sflag:$0x4] =	stream.indirect.gather [hbm4b:s3+s25], $0x40, s28, s25, $0xb8;
	[tilespmem:$0x16000] =	vst v63  }
0x36f: {  	s11 =	simm.s32 $0x0;
	s9 =	rddreg [dreg:$0xf]  }
0x370: {  	[hbm4b:s9+s11] =	stream.linear.scatter [tilespmem:s7], [sflag:$0x5], $0x8000, $0x38;
	[tilespmem:$0x16000] =	vst v63  }
0x371: {  	_ =	swait.ge [sflag:s30], $0x8000  }
0x372: {  	[sflag:s30] =	ssyncset.done $0x0  }
0x373: {  	[sflag:s30] =	ssyncadd.s32 $0xFFFF8000  }
0x374: {  	_ =	swait.ge [sflag:s31], $0x8000  }
0x375: {  	[sflag:s31] =	ssyncset.done $0x0  }
0x376: {  	s4 =	simm.s32 $0x0;
	[sflag:s31] =	ssyncadd.s32 $0xFFFF8000  }
0x377: {  	v6 =	vld [tilespmem:s4+$0x1800];
	_ =	sdelay $0x2  }
0x378: {  	v7 =	vor.u32 s12, v4  }
0x379: {  	s10 =	smov.u32 s12;
	v7 =	vand.u32 $0x7FFF, v7;
	s9 =	simm.s32 $0x40  }
.LBB2_94:
0x37a: {  	s11 =	sshra.s32 s9, $0x2;
	p0 =	sne.s32 s9, $0x7C0;
	s9 =	sadd.s32 $0x40, s9;
	v8 =	vand.u32 $0x7FFF, v6;
	v7 =	vadd.s32 $0x7530, v7;
	vm0 =	vlt.s32 v6, $0x0  }
.Ltmp46:
0x37b: {  	v6 =	vld [tilespmem:s11+$0x1800];
	v7 =	vsel vm0, v7, v8;
	(pc) =	sbr.rel @p0 .LBB2_94-.Ltmp46, $4  }
0x37c: {  	[tilespmem:s4+$0x5C00] =	vst v7;
	s4 =	smov.u32 s11  }
0x37d: {  	s10 =	sadd.s32 $0x10, s10  }
0x37e: {  	v7 =	vor.u32 s10, v4  }
0x37f: {  	v7 =	vand.u32 $0x7FFF, v7  }
0x380: {  	v8 =	vand.u32 $0x7FFF, v6;
	v7 =	vadd.s32 $0x7530, v7;
	vm0 =	vlt.s32 v6, $0x0  }
0x381: {  	v6 =	vsel vm0, v7, v8  }
0x382: {  	[tilespmem:s4+$0x5C00] =	vst v6  }
0x383: {  	[tilespmem:s7], [sflag:$0x3] =	stream.indirect.gather [hbm4b:s3+s25], $0x40, s6, s25, $0xb8;
	[tilespmem:$0x16000] =	vst v63  }
0x384: {  	s11 =	simm.s32 $0x0;
	s9 =	rddreg [dreg:$0x10]  }
0x385: {  	[hbm4b:s9+s11] =	stream.linear.scatter [tilespmem:s29], [sflag:$0x6], $0x8000, $0x38;
	[tilespmem:$0x16000] =	vst v63  }
0x386: {  	_ =	swait.ge [sflag:s26], $0x8000  }
0x387: {  	[sflag:s26] =	ssyncset.done $0x0  }
0x388: {  	[sflag:s26] =	ssyncadd.s32 $0xFFFF8000  }
0x389: {  	_ =	swait.ge [sflag:s1], $0x8000  }
0x38a: {  	[sflag:s1] =	ssyncset.done $0x0  }
0x38b: {  	s4 =	simm.s32 $0x0;
	[sflag:s1] =	ssyncadd.s32 $0xFFFF8000  }
0x38c: {  	v6 =	vld [tilespmem:s4+$0x1A00];
	_ =	sdelay $0x2  }
0x38d: {  	v7 =	vor.u32 s13, v4  }
0x38e: {  	s10 =	smov.u32 s13;
	v7 =	vand.u32 $0x7FFF, v7;
	s9 =	simm.s32 $0x40  }
.LBB2_96:
0x38f: {  	s11 =	sshra.s32 s9, $0x2;
	p0 =	sne.s32 s9, $0x7C0;
	s9 =	sadd.s32 $0x40, s9;
	v8 =	vand.u32 $0x7FFF, v6;
	v7 =	vadd.s32 $0x7530, v7;
	vm0 =	vlt.s32 v6, $0x0  }
.Ltmp47:
0x390: {  	v6 =	vld [tilespmem:s11+$0x1A00];
	v7 =	vsel vm0, v7, v8;
	(pc) =	sbr.rel @p0 .LBB2_96-.Ltmp47, $4  }
0x391: {  	[tilespmem:s4+$0x5E00] =	vst v7;
	s4 =	smov.u32 s11  }
0x392: {  	s10 =	sadd.s32 $0x10, s10  }
0x393: {  	v7 =	vor.u32 s10, v4  }
0x394: {  	v7 =	vand.u32 $0x7FFF, v7  }
0x395: {  	v8 =	vand.u32 $0x7FFF, v6;
	v7 =	vadd.s32 $0x7530, v7;
	vm0 =	vlt.s32 v6, $0x0  }
0x396: {  	v6 =	vsel vm0, v7, v8  }
0x397: {  	[tilespmem:s4+$0x5E00] =	vst v6  }
0x398: {  	[tilespmem:s29], [sflag:$0x4] =	stream.indirect.gather [hbm4b:s3+s25], $0x40, s28, s25, $0xb8;
	[tilespmem:$0x16000] =	vst v63  }
0x399: {  	s11 =	simm.s32 $0x0;
	s9 =	rddreg [dreg:$0x11]  }
0x39a: {  	[hbm4b:s9+s11] =	stream.linear.scatter [tilespmem:s7], [sflag:$0x5], $0x8000, $0x38;
	[tilespmem:$0x16000] =	vst v63  }
0x39b: {  	_ =	swait.ge [sflag:s30], $0x8000  }
0x39c: {  	[sflag:s30] =	ssyncset.done $0x0  }
0x39d: {  	[sflag:s30] =	ssyncadd.s32 $0xFFFF8000  }
0x39e: {  	_ =	swait.ge [sflag:s31], $0x8000  }
0x39f: {  	[sflag:s31] =	ssyncset.done $0x0  }
0x3a0: {  	s4 =	simm.s32 $0x0;
	[sflag:s31] =	ssyncadd.s32 $0xFFFF8000  }
0x3a1: {  	v6 =	vld [tilespmem:s4+$0x1C00];
	_ =	sdelay $0x2  }
0x3a2: {  	v7 =	vor.u32 s14, v4  }
0x3a3: {  	s10 =	smov.u32 s14;
	v7 =	vand.u32 $0x7FFF, v7;
	s9 =	simm.s32 $0x40  }
.LBB2_98:
0x3a4: {  	s11 =	sshra.s32 s9, $0x2;
	p0 =	sne.s32 s9, $0x7C0;
	s9 =	sadd.s32 $0x40, s9;
	v8 =	vand.u32 $0x7FFF, v6;
	v7 =	vadd.s32 $0x7530, v7;
	vm0 =	vlt.s32 v6, $0x0  }
.Ltmp48:
0x3a5: {  	v6 =	vld [tilespmem:s11+$0x1C00];
	v7 =	vsel vm0, v7, v8;
	(pc) =	sbr.rel @p0 .LBB2_98-.Ltmp48, $4  }
0x3a6: {  	[tilespmem:s4+$0x5C00] =	vst v7;
	s4 =	smov.u32 s11  }
0x3a7: {  	s10 =	sadd.s32 $0x10, s10  }
0x3a8: {  	v7 =	vor.u32 s10, v4  }
0x3a9: {  	v7 =	vand.u32 $0x7FFF, v7  }
0x3aa: {  	v8 =	vand.u32 $0x7FFF, v6;
	v7 =	vadd.s32 $0x7530, v7;
	vm0 =	vlt.s32 v6, $0x0  }
0x3ab: {  	v6 =	vsel vm0, v7, v8  }
0x3ac: {  	[tilespmem:s4+$0x5C00] =	vst v6  }
0x3ad: {  	[tilespmem:s7], [sflag:$0x3] =	stream.indirect.gather [hbm4b:s3+s25], $0x40, s6, s25, $0xb8;
	[tilespmem:$0x16000] =	vst v63  }
0x3ae: {  	s11 =	simm.s32 $0x0;
	s9 =	rddreg [dreg:$0x13]  }
0x3af: {  	[hbm4b:s9+s11] =	stream.linear.scatter [tilespmem:s29], [sflag:$0x6], $0x8000, $0x38;
	[tilespmem:$0x16000] =	vst v63  }
0x3b0: {  	_ =	swait.ge [sflag:s26], $0x8000  }
0x3b1: {  	[sflag:s26] =	ssyncset.done $0x0  }
0x3b2: {  	[sflag:s26] =	ssyncadd.s32 $0xFFFF8000  }
0x3b3: {  	_ =	swait.ge [sflag:s1], $0x8000  }
0x3b4: {  	[sflag:s1] =	ssyncset.done $0x0  }
0x3b5: {  	s4 =	simm.s32 $0x0;
	[sflag:s1] =	ssyncadd.s32 $0xFFFF8000  }
0x3b6: {  	v6 =	vld [tilespmem:s4+$0x1E00];
	_ =	sdelay $0x2  }
0x3b7: {  	v7 =	vor.u32 s15, v4  }
0x3b8: {  	s10 =	smov.u32 s15;
	v7 =	vand.u32 $0x7FFF, v7;
	s9 =	simm.s32 $0x40  }
.LBB2_100:
0x3b9: {  	s11 =	sshra.s32 s9, $0x2;
	p0 =	sne.s32 s9, $0x7C0;
	s9 =	sadd.s32 $0x40, s9;
	v8 =	vand.u32 $0x7FFF, v6;
	v7 =	vadd.s32 $0x7530, v7;
	vm0 =	vlt.s32 v6, $0x0  }
.Ltmp49:
0x3ba: {  	v6 =	vld [tilespmem:s11+$0x1E00];
	v7 =	vsel vm0, v7, v8;
	(pc) =	sbr.rel @p0 .LBB2_100-.Ltmp49, $4  }
0x3bb: {  	[tilespmem:s4+$0x5E00] =	vst v7;
	s4 =	smov.u32 s11  }
0x3bc: {  	s10 =	sadd.s32 $0x10, s10  }
0x3bd: {  	v7 =	vor.u32 s10, v4  }
0x3be: {  	v7 =	vand.u32 $0x7FFF, v7  }
0x3bf: {  	v8 =	vand.u32 $0x7FFF, v6;
	v7 =	vadd.s32 $0x7530, v7;
	vm0 =	vlt.s32 v6, $0x0  }
0x3c0: {  	v6 =	vsel vm0, v7, v8  }
0x3c1: {  	[tilespmem:s4+$0x5E00] =	vst v6  }
0x3c2: {  	[tilespmem:s29], [sflag:$0x4] =	stream.indirect.gather [hbm4b:s3+s25], $0x40, s28, s25, $0xb8;
	[tilespmem:$0x16000] =	vst v63  }
0x3c3: {  	s9 =	rddreg [dreg:$0x14]  }
0x3c4: {  	[hbm4b:s9+s2] =	stream.linear.scatter [tilespmem:s7], [sflag:$0x5], $0x8000, $0x38;
	[tilespmem:$0x16000] =	vst v63  }
0x3c5: {  	_ =	swait.ge [sflag:s30], $0x8000  }
0x3c6: {  	[sflag:s30] =	ssyncset.done $0x0  }
0x3c7: {  	[sflag:s30] =	ssyncadd.s32 $0xFFFF8000  }
0x3c8: {  	_ =	swait.ge [sflag:s31], $0x8000  }
0x3c9: {  	[sflag:s31] =	ssyncset.done $0x0  }
0x3ca: {  	s10 =	rddreg [dreg:$0x15];
	[sflag:s31] =	ssyncadd.s32 $0xFFFF8000  }
0x3cb: {  	[hbm4b:s10+s2] =	stream.linear.scatter [tilespmem:s29], [sflag:$0x6], $0x8000, $0x38;
	[tilespmem:$0x16000] =	vst v63  }
0x3cc: {  	_ =	swait.ge [sflag:s1], $0x8000  }
0x3cd: {  	s0 =	sadd.s32 $0x1, s0;
	s11 =	rddreg [dreg:$0x12]  }
0x3ce: {  	p0 =	sne.s32 s0, s11  }
.Ltmp50:
0x3cf: {  	_ = 	snop;
	(pc) =	sbr.rel @p0 .LBB2_1-.Ltmp50, $3  }
0x3d0: {  	_ =	sdelay $0x1  }
0x3d1: {  	[sflag:s1] =	ssyncset.done $0x0  }
0x3d2: {  	[sflag:s1] =	ssyncadd.s32 $0xFFFF8000  }
0x3d3: {  	_ =	sfence.sel $0x180000  }
0x3d4: {  	[bflag:$0x0] =	sbarrier.arrive $0xFFFF  }
0x3d5: {  	_ =	strace $0x90000047  }
0x3d6: {  	s0 =	stileid.u32;
	[bflag:$0x2] =	sbarrier.arrive $0xFFFF  }
0x3d7: {  	p0 =	sne.s32 s0, $0x0;
	s0 =	rddreg [dreg:$0x2]  }
0x3d8: {  	s0 =	sadd.s32 @!p0 $0x100000, s0  }
0x3d9: {  	[sflag:s0] =	ssyncadd.tile.s32 @!p0 $0x1;
	_ =	shalt  }
.Lfunc_end2:
_tile_overlayer_lowered:
.L_overlay_start_2:
0x3da: {  	(tag) =	ssettag $0x2  }
0x3db: {  	s0 =	rddreg [dreg:$0x0];
	s2 =	stileid.u32  }
0x3dc: {  	s1 =	rddreg [dreg:$0x1];
	p0 =	sne.s32 s2, $0x0  }
0x3dd: {  	s3 =	rddreg [dreg:$0x2];
	[bflag:$0x3] =	sbarrier.arrive $0xFFFF;
	s2 =	simm.s32 @!p0 $0x1C07  }
0x3de: {  	[timem:s3], [sflag:s2] =	dma.local @!p0 [hbm:s0], s1  }
0x3df: {  	s0 =	simm.s32 @!p0 $0x7  }
0x3e0: {  	_ =	swait.ge @!p0 [sflag:s0], s1  }
0x3e1: {  	s1 =	ssub.s32 @!p0 $0x0, s1;
	[sflag:s0] =	ssyncset.done @!p0 $0x0  }
0x3e2: {  	[sflag:s0] =	ssyncadd.s32 @!p0 s1  }
0x3e3: {  	[bflag:$0x3] =	sbarrier.arrive $0xFFFF  }
0x3e4: {  	_ =	shalt  }

// kernel: sparse-core-data-format-call.cloned.1.call-start
scs
called_computation_lowered:
.L_overlay_start_0:
0x0: {  	s2 =	sld [smem:$0x3FD9]  }
0x1: {  	s3 =	sld [smem:$0x3FFE];
	_ =	sdelay $0x1  }
0x2: {  	s1 =	srdreg.scid  }
0x3: {  	s0 =	sand.u32 $0x1, s1  }
0x4: {  	s18 =	sshll.u32 s0, $0xA;
	s2 =	sadd.s32 s3, s2  }
0x5: {  	s2 =	sadd.s32 s2, s18  }
0x6: {  	[smem:$0x3FC6] =	sst s2  }
0x7: {  	_ = 	snop  }
0x8: {  	s2 =	sld [smem:$0x3FD0];
	(tm) =	ssettm $0x1  }
0x9: {  	s19 =	sld [smem:$0x3FFB];
	_ =	sdelay $0x3  }
0xa: {  	_ =	strace s19  }
0xb: {  	s3 =	sld [smem:$0x3FFC];
	_ =	sdelay $0x3  }
0xc: {  	_ =	strace s3  }
0xd: {  	s3 =	sld [smem:$0x3FFD];
	_ =	sdelay $0x3  }
0xe: {  	_ =	strace s3  }
0xf: {  	_ =	strace $0x8FFFFFFF  }
0x10: {  	s20 =	sld [smem:$0x3FDB];
	_ =	sdelay $0x1  }
0x11: {  	s4 =	simm.s32 $_scs_section_size  }
0x12: {  	s5 =	simm.s32 $_size__tile_overlayer_lowered;
	s6 =	simm.s32 $_tile_overlayer_lowered  }
0x13: {  	s23 =	simm.s32 $0x1BFF;
	s22 =	sshll.u32 s6, $0x1;
	s3 =	sadd.s32 s4, s20  }
0x14: {  	s7 =	simm.s32 $0x0;
	s21 =	sshll.u32 s5, $0x1;
	s5 =	sadd.s32 s22, s3  }
0x15: {  	[timem:s7], [sflag:s23] =	dma.local [hbm:s5], s21  }
0x16: {  	_ =	swait.ge [sflag:s23], s21  }
0x17: {  	s4 =	ssub.s32 $0x0, s21;
	[sflag:s23] =	ssyncset.done $0x0  }
0x18: {  	[sflag:s23] =	ssyncadd.s32 s4;
	_ =	sdelay $0x1  }
0x19: {  	s24 =	simm.s32 $0x1B8B  }
0x1a: {  	_ =	swait.ge [sflag:s24], $0x1  }
0x1b: {  	[sflag:s24] =	ssyncset.done $0x0  }
0x1c: {  	s26 =	simm.s32 $0x1B8E;
	s25 =	sld [smem:$0x3FFE];
	[sflag:s24] =	ssyncadd.s32 $0xFFFFFFFF  }
0x1d: {  	s27 =	simm.s32 $execute0_lowered;
	[smem:$0x3FD2] =	sst s26  }
0x1e: {  	s5 =	sshll.u32 s27, $0x1;
	_ =	strace $0x80000049;
	[dreg:$0x1] =	wrdreg $0xFFFFFFFF  }
0x1f: {  	s28 =	simm.s32 $_size_execute0_lowered;
	s3 =	sadd.s32 s3, s5;
	[dreg:$0x0] =	wrdreg $0x0  }
0x20: {  	s5 =	sshll.u32 s28, $0x1;
	[dreg:$0x2] =	wrdreg s3  }
0x21: {  	[dreg:$0x3] =	wrdreg s5  }
0x22: {  	[dreg:$0x4] =	wrdreg $0xC0  }
0x23: {  	_ =	task [dreg:s7], $0x5FFFF  }
0x24: {  	[dreg:$0x1] =	wrdreg $0xFFFFFFFF  }
0x25: {  	[dreg:$0x0] =	wrdreg $0x60  }
0x26: {  	[dreg:$0x2] =	wrdreg s25  }
0x27: {  	[dreg:$0x3] =	wrdreg s2  }
0x28: {  	[dreg:$0x4] =	wrdreg $0x9  }
0x29: {  	_ =	task.clear_ibuf [dreg:s7], $0x5FFFF;
	_ =	strace $0x90000049  }
0x2a: {  	s29 =	simm.s32 $0x9;
	_ =	strace $0x8000004B  }
0x2b: {  	_ =	swait.ge [sflag:s29], $0x1  }
0x2c: {  	[sflag:s29] =	ssyncadd.s32 $0xFFFFFFFF  }
0x2d: {  	_ =	strace $0x9000004B  }
0x2e: {  	_ =	sfence  }
0x2f: {  	s30 =	sld [smem:$0x0];
	_ =	sdelay $0x2  }
0x30: {  	s31 =	sshll.u32 s1, $0xD;
	s1 =	sshrl.u32 s1, $0x2  }
0x31: {  	s3 =	sand.u32 $0x4000, s31;
	s1 =	sadd.s32 s1, s30  }
0x32: {  	s0 =	sor.u32 s3, s0;
	s1 =	sshll.u32 s1, $0x11  }
0x33: {  	s0 =	sor.u32 s1, s0  }
0x34: {  	s0 =	sadd.s32 $0x8F2B, s0  }
0x35: {  	[sflag:s0] =	ssyncadd.remote.s32 $0x1  }
0x36: {  	_ =	sfence.sel $0xFFFF  }
0x37: {  	[dreg:$0x0] =	wrdreg $0xFFFFFFFF;
	(pc) =	sbr.abs _section_cstart, $3  }
0x38: {  	[dreg:$0x1] =	wrdreg $0xFFFFFFFF  }
0x39: {  	_ =	task.clear_ibuf [dreg:s7], $0x2FFFF;
	_ =	strace $0x9FFFFFFF  }
0x3a: {  	(tm) =	ssettm $0x7FFFFFFF  }
0x3b: {  	_ =	shalt  }
tec
execute0_lowered:
.L_overlay_start_1:
0x0: {  	(tag) =	ssettag $0x1  }
0x1: {  	s0 =	srdreg.scid  }
0x2: {  	s7 =	rddreg [dreg:$0x0];
	s1 =	sshll.u32 s0, $0x4  }
0x3: {  	s3 =	rddreg [dreg:$0x1];
	s0 =	stileid.u32;
	s1 =	sand.u32 $0x10, s1  }
0x4: {  	s6 =	simm.s32 $0x1;
	s31 =	simm.s32 $0x2;
	s1 =	sor.u32 s0, s1  }
0x5: {  	s13 =	simm.s32 $0x0;
	s9 =	simm.s32 $0x40000;
	s2 =	sshll.u32 s1, $0x1  }
0x6: {  	s14 =	simm.s32 $0x0;
	s10 =	simm.s32 $0x0;
	s4 =	ssub.s32 $0x200, s2  }
0x7: {  	s12 =	simm.s32 $0x0;
	s1 =	rddreg [dreg:$0x2];
	s5 =	sand.u32 $0x3E, s4  }
.Ltmp0:
0x8: {  	_ =	strace $0x8000004A;
	p0 =	sne.s32 s5, $0x0;
	(pc) =	sbr.rel .LBB1_1-.Ltmp0, $4  }
0x9: {  	s11 =	smov.u32 s2;
	s8 =	sshrl.u32 s4, $0x6;
	s6 =	simm.s32 @!p0 $0x0  }
0xa: {  	s4 =	sadd.s32 $0xC00, s7;
	s5 =	simm.s32 $0x1;
	s6 =	sadd.s32 s6, s8  }
0xb: {  	s7 =	sadd.s32 $0x2C00, s7;
	[sflag:s5] =	ssyncpa.u1 $0x0;
	s6 =	sshll.u32 s6, $0x2  }
0xc: {  	p0 =	por $0x0, $0x0;
	[sflag:s31] =	ssyncpa.u1 $0x0;
	s8 =	sor.u32 $0x1, s6  }
.LBB1_7:
0xd: {  	s15 =	sadd.s32 $0x80, s10  }
0xe: {  	s13 =	sadd.s32 $0x40, s11;
	s17 =	smov.u32 s11;
	p2 =	sgt.s32 s15, $0x1FF  }
0xf: {  	s17 =	smov.u32 @p2 s13  }
0x10: {  	s15 =	simm.s32 @p2 $0x0;
	p2 =	sgt.s32 s17, $0x1FF  }
0x11: {  	s17 =	smov.u32 @p2 s2;
	p2 =	sne.s32 s12, s8  }
.Ltmp1:
0x12: {  	p1 =	slt.u32 s12, $0x2;
	(pc) =	sbr.rel @!p2 .LBB1_8-.Ltmp1, $4  }
0x13: {  	s16 =	simm.s32 @!p1 $0x2  }
0x14: {  	s14 =	smov.u32 s11;
	p0 =	por !p0, !p0;
	_ =	swait.ge @!p1 [sflag:s16], $0x4000  }
0x15: {  	s13 =	smov.u32 s10;
	[sflag:s16] =	ssyncset.done @!p1 $0x0;
	s10 =	smov.u32 s15  }
0x16: {  	s12 =	sadd.s32 $0x1, s12;
	[sflag:s16] =	ssyncadd.s32 @!p1 $0xFFFFC000;
	s11 =	smov.u32 s17  }
.LBB1_1:
0x17: {  	p1 =	sge.u32 s12, s6  }
0x18: {  	s15 =	sxor.u32 @!p1 $0xFFFFFFFF, s12;
	s16 =	sshll.u32 @!p1 s11, $0xD  }
0x19: {  	s17 =	sshll.u32 @!p1 s10, $0x4;
	s19 =	simm.s32 @!p1 $0x40;
	s20 =	simm.s32 @!p1 $0x80  }
0x1a: {  	s15 =	sshll.u32 @!p1 s15, $0xE;
	s17 =	sand.u32 @!p1 $0x1FF0, s17;
	s18 =	sadd.s32 @!p1 s4, s16  }
0x1b: {  	s16 =	sadd.s32 @!p1 s16, s7;
	s15 =	sand.u32 @!p1 $0x4000, s15;
	s18 =	sadd.s32 @!p1 s17, s18  }
0x1c: {  	[tilespmem:s15], [sflag:$0x1] =	stream.strided.gather @!p1 [hbm4b:s18+s19], $0x2000, s20, s19, $0x38;
	[tilespmem:$0x10100] =	vst v63  }
0x1d: {  	s31 =	sadd.s32 $0xFFFFFFFF, s12;
	s16 =	sadd.s32 @!p1 s17, s16;
	s15 =	sor.u32 @!p1 $0x2000, s15  }
0x1e: {  	[tilespmem:s15], [sflag:$0x1] =	stream.strided.gather @!p1 [hbm4b:s16+s19], $0x2000, s20, s19, $0x38;
	[tilespmem:$0x10100] =	vst v63  }
0x1f: {  	p1 =	sge.u32 s31, s6  }
.Ltmp2:
0x20: {  	_ = 	snop;
	(pc) =	sbr.rel @p1 .LBB1_7-.Ltmp2, $1  }
0x21: {  	_ =	sdelay $0x3  }
0x22: {  	s15 =	simm.s32 $0x1;
	s17 =	sand.u32 $0x1, s12  }
0x23: {  	_ =	swait.ge [sflag:s5], $0x4000;
	s15 =	simm.s32 @!p0 $0x0;
	s17 =	smul.u32 $0x10200, s17  }
0x24: {  	p2 =	por $0x1, $0x1;
	[sflag:s5] =	ssyncset.done $0x0;
	s16 =	smul.u32 $0x10200, s15  }
0x25: {  	s18 =	sshll.u32 s15, $0x10;
	[sflag:s5] =	ssyncadd.s32 $0xFFFFC000;
	s30 =	sshrl.u32 s17, $0x2  }
0x26: {  	s31 =	sshrl.u32 s18, $0x2;
	s18 =	simm.s32 $0x0;
	s16 =	sshrl.u32 s16, $0x2  }
0x27: {  	s15 =	sor.u32 $0x8000, s30;
	s17 =	sadd.s32 $0x20, s31;
	s16 =	sor.u32 $0x8000, s16  }
.LBB1_3:
0x28: {  	s19 =	sshll.u32 s18, $0xD  }
0x29: {  	s19 =	sand.u32 $0x3FFFE000, s19  }
0x2a: {  	s21 =	sadd.s32 s19, s17  }
0x2b: {  	s31 =	smul.u32 $0x204, s18;
	v3 =	vld [tilespmem:s21+$0x10]  }
0x2c: {  	v1 =	vld [tilespmem:s21+$0xFFFFFFF0]  }
0x2d: {  	s18 =	sshra.s32 s31, $0x2;
	v0 =	vld [tilespmem:s21+$0x0]  }
0x2e: {  	s18 =	sadd.s32 s18, s16;
	v2 =	vld [tilespmem:s21+$0xFFFFFFE0]  }
0x2f: {  	s19 =	sadd.s32 $0x0, s18  }
0x30: {  	p1 =	por p2, p2;
	s20 =	simm.s32 $0x4;
	s21 =	sadd.s32 $0x40, s21;
	[tilespmem:s19+$0x3060 ss:$0x102] =	vst.msk $0xffff, v3  }
.LBB1_4:
0x31: {  	v3 =	vld [tilespmem:s21+$0x10];
	p2 =	sne.s32 s20, $0x1FC;
	[tilespmem:s19+$0x1020 ss:$0x102] =	vst.msk $0xffff, v1;
	s22 =	smov.u32 s20;
	s20 =	sadd.s32 $0x4, s20  }
.Ltmp3:
0x32: {  	v1 =	vld [tilespmem:s21+$0xFFFFFFF0];
	[tilespmem:s19+$0x2040 ss:$0x102] =	vst.msk $0xffff, v0;
	(pc) =	sbr.rel @p2 .LBB1_4-.Ltmp3, $4  }
0x33: {  	v0 =	vld [tilespmem:s21+$0x0];
	[tilespmem:s19+$0x0 ss:$0x102] =	vst.msk $0xffff, v2  }
0x34: {  	s19 =	sshra.s32 s22, $0x2;
	v2 =	vld [tilespmem:s21+$0xFFFFFFE0]  }
0x35: {  	s19 =	sadd.s32 s19, s18  }
0x36: {  	s21 =	sadd.s32 $0x40, s21;
	[tilespmem:s19+$0x3060 ss:$0x102] =	vst.msk $0xffff, v3  }
.Ltmp4:
0x37: {  	(pc) =	sbr.rel @p1 .LBB1_3-.Ltmp4, $4  }
0x38: {  	_ = 	snop  }
0x39: {  	[tilespmem:s19+$0x1020 ss:$0x102] =	vst.msk $0xffff, v1  }
0x3a: {  	[tilespmem:s19+$0x2040 ss:$0x102] =	vst.msk $0xffff, v0  }
0x3b: {  	s18 =	simm.s32 $0x1;
	p2 =	por $0x0, $0x0;
	[tilespmem:s19+$0x0 ss:$0x102] =	vst.msk $0xffff, v2  }
0x3c: {  	s16 =	sshll.u32 s14, $0x9  }
0x3d: {  	s17 =	sshll.u32 s13, $0x3;
	s30 =	sshll.u32 s14, $0x7;
	s16 =	sand.u32 $0x3F000, s16  }
0x3e: {  	s18 =	sand.u32 $0x78, s13;
	s14 =	sand.u32 $0x380, s30;
	s16 =	sadd.s32 s16, s17  }
.Ltmp5:
0x3f: {  	s14 =	sor.u32 s18, s14;
	s16 =	sand.u32 $0x3FC00, s16;
	(pc) =	sbr.rel .LBB1_7-.Ltmp5, $4  }
0x40: {  	s31 =	sand.u32 $0x7, s13;
	s14 =	sor.u32 s16, s14  }
0x41: {  	s13 =	sshll.u32 s31, $0x12;
	s14 =	sshrl.u32 s14, $0x3  }
0x42: {  	s13 =	sor.u32 $0x100, s13;
	s14 =	sadd.s32 s3, s14  }
0x43: {  	[hbm4b:s14+s13] =	stream.strided.scatter [tilespmem:s15], [sflag:$0x2], $0x4000, s9, s13, $0x20;
	[tilespmem:$0x10100] =	vst v63  }
.LBB1_8:
0x44: {  	_ =	sfence.sel $0x180000  }
0x45: {  	s2 =	simm.s32 $0x1;
	[bflag:$0x0] =	sbarrier.arrive $0xFFFF  }
0x46: {  	s31 =	simm.s32 $0x2;
	[sflag:s2] =	ssyncpa.u1 $0x1  }
0x47: {  	[sflag:s31] =	ssyncpa.u1 $0x1  }
0x48: {  	p0 =	sne.s32 s0, $0x0;
	_ =	strace $0x9000004A  }
0x49: {  	s0 =	sadd.s32 @!p0 $0x100000, s1;
	[bflag:$0x2] =	sbarrier.arrive $0xFFFF  }
0x4a: {  	[sflag:s0] =	ssyncadd.tile.s32 @!p0 $0x1;
	_ =	shalt  }
.Lfunc_end1:
_tile_overlayer_lowered:
.L_overlay_start_2:
0x4b: {  	(tag) =	ssettag $0x2  }
0x4c: {  	s0 =	rddreg [dreg:$0x0];
	s2 =	stileid.u32  }
0x4d: {  	s1 =	rddreg [dreg:$0x1];
	p0 =	sne.s32 s2, $0x0  }
0x4e: {  	s3 =	rddreg [dreg:$0x2];
	[bflag:$0x3] =	sbarrier.arrive $0xFFFF;
	s2 =	simm.s32 @!p0 $0x1C01  }
0x4f: {  	[timem:s3], [sflag:s2] =	dma.local @!p0 [hbm:s0], s1  }
0x50: {  	s0 =	simm.s32 @!p0 $0x1  }
0x51: {  	_ =	swait.ge @!p0 [sflag:s0], s1  }
0x52: {  	s1 =	ssub.s32 @!p0 $0x0, s1;
	[sflag:s0] =	ssyncset.done @!p0 $0x0  }
0x53: {  	[sflag:s0] =	ssyncadd.s32 @!p0 s1  }
0x54: {  	[bflag:$0x3] =	sbarrier.arrive $0xFFFF  }
0x55: {  	_ =	shalt  }

</sc_bundles>
